<compile_context>
chip_gen: v7x
topology: tpu7x:2x2x1
jax: 0.10.2.dev20260603
libtpu: 0.0.44.dev20260713+nightly
codegen_flags: <defaults>
</compile_context>

<pallas_src>
import functools

import jax
import jax.numpy as jnp
from jax import lax
from jax.experimental import pallas as pl
from jax.experimental.pallas import tpu as pltpu
from jax.experimental.pallas import tpu_sc as plsc

B, N = 1024, 512
ENT_DIM, KEY_DIM, UT_DIM, FUNC_DIM, IN_DIM = 256, 32, 259, 256, 1024
BB = 32
NH = N // 2
NW = 32
RPW = B // NW


def _tc_body(emb_ref, autm_ref, mask_ref, ee0_ref, ee1_ref,
             wk_ref, bk_ref, wf_ref, bf_ref, w1_ref, b1_ref, w2_ref, b2_ref,
             logits_ref):
    f32 = jnp.float32
    x = jnp.maximum(jnp.dot(emb_ref[...], w1_ref[...],
                            preferred_element_type=f32) + b1_ref[...], 0.0)
    fe = jnp.maximum(jnp.dot(autm_ref[...], wf_ref[...],
                             preferred_element_type=f32) + bf_ref[...], 0.0)
    q = jnp.maximum(jnp.dot(x + fe, w2_ref[...],
                            preferred_element_type=f32) + b2_ref[...], 0.0)

    wkT = jnp.transpose(wk_ref[...])
    bkT = jnp.transpose(bk_ref[...])
    qT = jnp.transpose(q)

    def half(ee_ref):
        ee2 = ee_ref[...].reshape(BB * NH, ENT_DIM)
        keyT = jax.lax.dot_general(wkT, ee2, (((1,), (1,)), ((), ())),
                                   preferred_element_type=f32)
        key3 = (keyT + bkT).reshape(KEY_DIM, BB, NH)
        return jnp.mean(key3 * qT[:, :, None], axis=0)

    lg = jnp.concatenate([half(ee0_ref), half(ee1_ref)], axis=1)
    logits_ref[...] = lg - (1.0 - mask_ref[...]) * 1000000000.0


def _sc_body(lg_hbm, idx_hbm, buf, ibuf, rbuf, ribuf):
    f32 = jnp.float32
    w = lax.axis_index("s") * 2 + lax.axis_index("c")
    lanes = lax.iota(jnp.int32, 16)

    def xreduce(vec, sbuf, op):
        for step in (8, 4, 2, 1):
            sbuf[pl.ds(0, 16)] = vec
            vec = op(vec, sbuf[pl.ds(step, 16)])
        return vec[0]

    pltpu.sync_copy(lg_hbm.at[pl.ds(w * RPW, RPW), :], buf)
    for half in range(RPW // 16):
        idxvec = jnp.zeros((16,), jnp.int32)
        for tt in range(16):
            t = half * 16 + tt
            mx = buf[t, pl.ds(0, 16)]
            mi = lanes

            def scan_vec(j, carry):
                mx, mi = carry
                vec = buf[t, pl.ds(j * 16, 16)]
                upd = vec > mx
                mx = jnp.where(upd, vec, mx)
                mi = jnp.where(upd, lanes + j * 16, mi)
                return mx, mi

            mx, mi = lax.fori_loop(1, N // 16, scan_vec, (mx, mi))
            m = xreduce(mx, rbuf, jnp.maximum)
            cand = jnp.where(mx == m, mi, N)
            ridx = xreduce(cand, ribuf, jnp.minimum)
            idxvec = jnp.where(lanes == tt, ridx, idxvec)
        ibuf[pl.ds(half * 16, 16)] = idxvec
    pltpu.sync_copy(ibuf, idx_hbm.at[w])


def kernel(embedding, available_unit_type_mask, available_units_mask,
           entity_embedding, W_key, b_key, W_func, b_func,
           W_fc1, b_fc1, W_fc2, b_fc2):
    f32 = jnp.float32
    bk = b_key.reshape(1, KEY_DIM)
    bf = b_func.reshape(1, FUNC_DIM)
    b1 = b_fc1.reshape(1, FUNC_DIM)
    b2 = b_fc2.reshape(1, KEY_DIM)

    rep = lambda shape: pl.BlockSpec(shape, lambda i: (0,) * len(shape))
    logits = pl.pallas_call(
        _tc_body,
        grid=(B // BB,),
        in_specs=[
            pl.BlockSpec((BB, IN_DIM), lambda i: (i, 0)),
            pl.BlockSpec((BB, UT_DIM), lambda i: (i, 0)),
            pl.BlockSpec((BB, N), lambda i: (i, 0)),
            pl.BlockSpec((BB, NH, ENT_DIM), lambda i: (i, 0, 0)),
            pl.BlockSpec((BB, NH, ENT_DIM), lambda i: (i, 1, 0)),
            rep((ENT_DIM, KEY_DIM)),
            rep((1, KEY_DIM)),
            rep((UT_DIM, FUNC_DIM)),
            rep((1, FUNC_DIM)),
            rep((IN_DIM, FUNC_DIM)),
            rep((1, FUNC_DIM)),
            rep((FUNC_DIM, KEY_DIM)),
            rep((1, KEY_DIM)),
        ],
        out_specs=pl.BlockSpec((BB, N), lambda i: (i, 0)),
        out_shape=jax.ShapeDtypeStruct((B, N), f32),
        compiler_params=pltpu.CompilerParams(
            dimension_semantics=("arbitrary",),
            vmem_limit_bytes=100 * 1024 * 1024,
        ),
    )(embedding, available_unit_type_mask, available_units_mask,
      entity_embedding, entity_embedding, W_key, bk, W_func, bf,
      W_fc1, b1, W_fc2, b2)

    mesh = plsc.VectorSubcoreMesh(core_axis_name="c", subcore_axis_name="s")
    idx = functools.partial(
        pl.kernel,
        out_type=jax.ShapeDtypeStruct((NW, RPW), jnp.int32),
        mesh=mesh,
        scratch_types=[
            pltpu.VMEM((RPW, N), f32),
            pltpu.VMEM((RPW,), jnp.int32),
            pltpu.VMEM((32,), f32),
            pltpu.VMEM((32,), jnp.int32),
        ],
    )(_sc_body)(logits)
    return (logits, idx.reshape(B, 1))

# --- scband reference (transcript-rebuilt; emitter-appended) ---
"""Pipeline reference for scband-target-unit-head-36713380446758 (READ-ONLY COPY).

The authoritative reference and input builder live on the scoring server;
editing this copy changes nothing except your own understanding.
"""

import jax, jax.numpy as jnp
import numpy as np

B, N = 1024, 512
ENT_DIM, KEY_DIM, UT_DIM, FUNC_DIM, IN_DIM = 256, 32, 259, 256, 1024

def setup_inputs(seed: int = 0) -> dict:
    key = jax.random.key(seed)
    ks = jax.random.split(key, 12)
    inp = {
        "embedding": jax.random.normal(ks[0], (B, IN_DIM), dtype=jnp.float32),
        "available_unit_type_mask": jax.random.uniform(ks[1], (B, UT_DIM), dtype=jnp.float32),
        "available_units_mask": jnp.ones((B, N), dtype=jnp.float32),
        "entity_embedding": jax.random.normal(ks[2], (B, N, ENT_DIM), dtype=jnp.float32),
        "W_key": jax.random.normal(ks[3], (ENT_DIM, KEY_DIM), dtype=jnp.float32) * 0.02,
        "b_key": jnp.zeros((KEY_DIM,), dtype=jnp.float32),
        "W_func": jax.random.normal(ks[4], (UT_DIM, FUNC_DIM), dtype=jnp.float32) * 0.02,
        "b_func": jnp.zeros((FUNC_DIM,), dtype=jnp.float32),
        "W_fc1": jax.random.normal(ks[5], (IN_DIM, FUNC_DIM), dtype=jnp.float32) * 0.02,
        "b_fc1": jnp.zeros((FUNC_DIM,), dtype=jnp.float32),
        "W_fc2": jax.random.normal(ks[6], (FUNC_DIM, KEY_DIM), dtype=jnp.float32) * 0.02,
        "b_fc2": jnp.zeros((KEY_DIM,), dtype=jnp.float32),
    }
    return inp

def reference(embedding, available_unit_type_mask, available_units_mask, entity_embedding,
              W_key, b_key, W_func, b_func, W_fc1, b_fc1, W_fc2, b_fc2):
    temperature = 1.0
    # key_fc: linear, no activation
    key = entity_embedding @ W_key + b_key                      # [B, N, key_dim]
    # func_fc: linear + relu
    func_embed = jax.nn.relu(available_unit_type_mask @ W_func + b_func)  # [B, func_dim]
    # fc1: linear + relu on autoregressive embedding
    x = jax.nn.relu(embedding @ W_fc1 + b_fc1)                  # [B, func_dim]
    # fc2: linear + relu on (x + func_embed)
    query = jax.nn.relu((x + func_embed) @ W_fc2 + b_fc2)       # [B, key_dim]
    logits = (query[:, None, :] * key).mean(axis=2)             # [B, N]
    # use_mask=True: subtract large value on unavailable units
    logits = logits - (1.0 - available_units_mask) * 1000000000.0
    p = jax.nn.softmax(logits / temperature, axis=1)
    # eval mode: mode of categorical = argmax
    sample_num = jnp.argmax(p, axis=1).astype(jnp.int32)        # [B]
    units = jnp.zeros((logits.shape[0], logits.shape[1]), dtype=jnp.int32)
    units = units.at[jnp.arange(logits.shape[0]), sample_num].set(1)
    # units_index: nonzero of each one-hot row -> exactly one index per row
    units_index = sample_num[:, None]                           # [B, 1]
    return (logits, units_index)

if __name__ == "__main__":
    import jax
    _d = setup_inputs()
    print(jax.jit(kernel)(*tuple(_d.values())))

</pallas_src>

<mosaic_0001>
#map = affine_map<(d0, d1) -> (0, 0)>
module attributes {stable_mosaic.version = 14 : i64} {
  func.func @_sc_body(%arg0: i32, %arg1: i32, %arg2: memref<1024x512xf32, #tpu.memory_space<hbm>>, %arg3: memref<32x32xi32, #tpu.memory_space<hbm>>, %arg4: memref<32x512xf32, #tpu.memory_space<vmem>>, %arg5: memref<32xi32, #tpu.memory_space<vmem>>, %arg6: memref<32xf32, #tpu.memory_space<vmem>>, %arg7: memref<32xi32, #tpu.memory_space<vmem>>) attributes {dimension_semantics = [#tpu.dimension_semantics<core_parallel>, #tpu.dimension_semantics<subcore_parallel>], iteration_bounds = array<i64: 2, 16>, scalar_prefetch = 0 : i64, scratch_operands = 4 : i64, tpu.core_type = #tpu.core_type<sc_vector_subcore>, window_params = [{transform_indices = #map}, {transform_indices = #map}]} {
    %mul3A = arith.constant 2 : i32
    %mul3A_0 = arith.muli %arg1, %mul3A : i32
    %add3A = arith.addi %mul3A_0, %arg0 : i32
    %iota3A = tpu.iota {dimensions = array<i32: 0>} : vector<16xi32>
    %mul3A_1 = arith.constant 32 : i32
    %mul3A_2 = arith.muli %add3A, %mul3A_1 : i32
    "tpu.region"() ({
      %run_scoped3A = tpu.sem_alloc : memref<!tpu.dma_semaphore, #tpu.memory_space<semaphore_mem>>
      %dma_start3A = arith.constant 0 : i32
      %dma_start3A_2852 = tpu.memref_slice %arg2[%mul3A_2, %dma_start3A] : memref<1024x512xf32, #tpu.memory_space<hbm>> -> memref<32x512xf32, #tpu.memory_space<hbm>>
      %dma_start3A_2853 = arith.constant 0 : i32
      %dma_start3A_2854 = tpu.memref_slice %arg2[%mul3A_2, %dma_start3A_2853] : memref<1024x512xf32, #tpu.memory_space<hbm>> -> memref<32x512xf32, #tpu.memory_space<hbm>>
      tpu.enqueue_dma source(%dma_start3A_2854 : memref<32x512xf32, #tpu.memory_space<hbm>>) target(%arg4 : memref<32x512xf32, #tpu.memory_space<vmem>>) target_semaphore(%run_scoped3A : memref<!tpu.dma_semaphore, #tpu.memory_space<semaphore_mem>>)
      %dma_wait3A = arith.constant 0 : i32
      %dma_wait3A_2855 = tpu.memref_slice %arg2[%mul3A_2, %dma_wait3A] : memref<1024x512xf32, #tpu.memory_space<hbm>> -> memref<32x512xf32, #tpu.memory_space<hbm>>
      %dma_wait3A_2856 = arith.constant 0 : i32
      %dma_wait3A_2857 = tpu.memref_slice %arg2[%mul3A_2, %dma_wait3A_2856] : memref<1024x512xf32, #tpu.memory_space<hbm>> -> memref<32x512xf32, #tpu.memory_space<hbm>>
      tpu.wait_dma2 semaphore(%run_scoped3A : memref<!tpu.dma_semaphore, #tpu.memory_space<semaphore_mem>>) src(%dma_wait3A_2857 : memref<32x512xf32, #tpu.memory_space<hbm>>) dst(%arg4 : memref<32x512xf32, #tpu.memory_space<vmem>>)
      tpu.yield
    }) : () -> ()
    %broadcast_in_dim3A = arith.constant 0 : i32
    %broadcast_in_dim3A_3 = vector.broadcast %broadcast_in_dim3A : i32 to vector<16xi32>
    %get3A = arith.constant 0 : i32
    %get3A_4 = arith.index_cast %get3A : i32 to index
    %get3A_5 = arith.constant 0 : index
    %get3A_6 = tpu.vector_load %arg4[%get3A_4, %get3A_5] {strides = array<i32>} : memref<32x512xf32, #tpu.memory_space<vmem>>, vector<1x16xf32>,
    %get3A_7 = vector.shape_cast %get3A_6 : vector<1x16xf32> to vector<16xf32>
    %scan3A = arith.constant 1 : i32
    %scan3A_8 = arith.constant 31 : i32
    %scan3A_9 = arith.addi %scan3A, %scan3A_8 : i32
    %scan3A_10 = arith.constant 1 : i32
    %scan3A_11:2 = scf.for %scan3A_2852 = %scan3A to %scan3A_9 step %scan3A_10 iter_args(%scan3A_2853 = %get3A_7, %scan3A_2854 = %iota3A) -> (vector<16xf32>, vector<16xi32>)  : i32 {
      %mul3A_2855 = arith.constant 16 : i32
      %mul3A_2856 = arith.muli %scan3A_2852, %mul3A_2855 : i32
      %get3A_2857 = arith.constant 0 : i32
      %get3A_2858 = arith.index_cast %get3A_2857 : i32 to index
      %get3A_2859 = arith.index_cast %mul3A_2856 : i32 to index
      %get3A_2860 = tpu.vector_load %arg4[%get3A_2858, %get3A_2859] {strides = array<i32>} : memref<32x512xf32, #tpu.memory_space<vmem>>, vector<1x16xf32>,
      %get3A_2861 = vector.shape_cast %get3A_2860 : vector<1x16xf32> to vector<16xf32>
      %gt3A = arith.cmpf ogt, %get3A_2861, %scan3A_2853 : vector<16xf32>
      %select_n3A_2862 = arith.select %gt3A, %get3A_2861, %scan3A_2853 : vector<16xi1>, vector<16xf32>
      %mul3A_2863 = arith.constant 16 : i32
      %mul3A_2864 = arith.muli %scan3A_2852, %mul3A_2863 : i32
      %add3A_2865 = vector.broadcast %mul3A_2864 : i32 to vector<16xi32>
      %add3A_2866 = arith.addi %iota3A, %add3A_2865 : vector<16xi32>
      %select_n3A_2867 = arith.select %gt3A, %add3A_2866, %scan3A_2854 : vector<16xi1>, vector<16xi32>
      scf.yield %select_n3A_2862, %select_n3A_2867 : vector<16xf32>, vector<16xi32>
    }
    %scan3A_12 = arith.constant 31 : i32
    %swap3A = arith.constant 0 : index
    %swap3A_13 = tpu.vector_load %arg6[%swap3A] {strides = array<i32>} : memref<32xf32, #tpu.memory_space<vmem>>, vector<16xf32>,
    %swap3A_14 = vector.shape_cast %swap3A_13 : vector<16xf32> to vector<16xf32>
    %swap3A_15 = vector.shape_cast %scan3A_11#0 : vector<16xf32> to vector<16xf32>
    tpu.vector_store %arg6[%swap3A], %swap3A_15 {strides = array<i32>} : memref<32xf32, #tpu.memory_space<vmem>>, vector<16xf32>,
    %get3A_16 = arith.constant 8 : index
    %get3A_17 = tpu.vector_load %arg6[%get3A_16] {strides = array<i32>} : memref<32xf32, #tpu.memory_space<vmem>>, vector<16xf32>,
    %get3A_18 = vector.shape_cast %get3A_17 : vector<16xf32> to vector<16xf32>
    %max3A = arith.maximumf %scan3A_11#0, %get3A_18 : vector<16xf32>
    %swap3A_19 = arith.constant 0 : index
    %swap3A_20 = tpu.vector_load %arg6[%swap3A_19] {strides = array<i32>} : memref<32xf32, #tpu.memory_space<vmem>>, vector<16xf32>,
    %swap3A_21 = vector.shape_cast %swap3A_20 : vector<16xf32> to vector<16xf32>
    %swap3A_22 = vector.shape_cast %max3A : vector<16xf32> to vector<16xf32>
    tpu.vector_store %arg6[%swap3A_19], %swap3A_22 {strides = array<i32>} : memref<32xf32, #tpu.memory_space<vmem>>, vector<16xf32>,
    %get3A_23 = arith.constant 4 : index
    %get3A_24 = tpu.vector_load %arg6[%get3A_23] {strides = array<i32>} : memref<32xf32, #tpu.memory_space<vmem>>, vector<16xf32>,
    %get3A_25 = vector.shape_cast %get3A_24 : vector<16xf32> to vector<16xf32>
    %max3A_26 = arith.maximumf %max3A, %get3A_25 : vector<16xf32>
    %swap3A_27 = arith.constant 0 : index
    %swap3A_28 = tpu.vector_load %arg6[%swap3A_27] {strides = array<i32>} : memref<32xf32, #tpu.memory_space<vmem>>, vector<16xf32>,
    %swap3A_29 = vector.shape_cast %swap3A_28 : vector<16xf32> to vector<16xf32>
    %swap3A_30 = vector.shape_cast %max3A_26 : vector<16xf32> to vector<16xf32>
    tpu.vector_store %arg6[%swap3A_27], %swap3A_30 {strides = array<i32>} : memref<32xf32, #tpu.memory_space<vmem>>, vector<16xf32>,
    %get3A_31 = arith.constant 2 : index
    %get3A_32 = tpu.vector_load %arg6[%get3A_31] {strides = array<i32>} : memref<32xf32, #tpu.memory_space<vmem>>, vector<16xf32>,
    %get3A_33 = vector.shape_cast %get3A_32 : vector<16xf32> to vector<16xf32>
    %max3A_34 = arith.maximumf %max3A_26, %get3A_33 : vector<16xf32>
    %swap3A_35 = arith.constant 0 : index
    %swap3A_36 = tpu.vector_load %arg6[%swap3A_35] {strides = array<i32>} : memref<32xf32, #tpu.memory_space<vmem>>, vector<16xf32>,
    %swap3A_37 = vector.shape_cast %swap3A_36 : vector<16xf32> to vector<16xf32>
    %swap3A_38 = vector.shape_cast %max3A_34 : vector<16xf32> to vector<16xf32>
    tpu.vector_store %arg6[%swap3A_35], %swap3A_38 {strides = array<i32>} : memref<32xf32, #tpu.memory_space<vmem>>, vector<16xf32>,
    %get3A_39 = arith.constant 1 : index
    %get3A_40 = tpu.vector_load %arg6[%get3A_39] {strides = array<i32>} : memref<32xf32, #tpu.memory_space<vmem>>, vector<16xf32>,
    %get3A_41 = vector.shape_cast %get3A_40 : vector<16xf32> to vector<16xf32>
    %max3A_42 = arith.maximumf %max3A_34, %get3A_41 : vector<16xf32>
    %slice3A = vector.extract_strided_slice %max3A_42 {offsets = [0], sizes = [1], strides = [1]} : vector<16xf32> to vector<1xf32>
    %squeeze3A = vector.extract %slice3A[0] : f32 from vector<1xf32>
    %eq3A = vector.broadcast %squeeze3A : f32 to vector<16xf32>
    %eq3A_43 = arith.cmpf oeq, %scan3A_11#0, %eq3A : vector<16xf32>
    %jit3A = arith.constant 512 : i32
    %broadcast_in_dim3A_44 = vector.broadcast %jit3A : i32 to vector<16xi32>
    %select_n3A = arith.select %eq3A_43, %scan3A_11#1, %broadcast_in_dim3A_44 : vector<16xi1>, vector<16xi32>
    %swap3A_45 = arith.constant 0 : index
    %swap3A_46 = tpu.vector_load %arg7[%swap3A_45] {strides = array<i32>} : memref<32xi32, #tpu.memory_space<vmem>>, vector<16xi32>,
    %swap3A_47 = vector.shape_cast %swap3A_46 : vector<16xi32> to vector<16xi32>
    %swap3A_48 = vector.shape_cast %select_n3A : vector<16xi32> to vector<16xi32>
    tpu.vector_store %arg7[%swap3A_45], %swap3A_48 {strides = array<i32>} : memref<32xi32, #tpu.memory_space<vmem>>, vector<16xi32>,
    %get3A_49 = arith.constant 8 : index
    %get3A_50 = tpu.vector_load %arg7[%get3A_49] {strides = array<i32>} : memref<32xi32, #tpu.memory_space<vmem>>, vector<16xi32>,
    %get3A_51 = vector.shape_cast %get3A_50 : vector<16xi32> to vector<16xi32>
    %min3A = arith.minsi %select_n3A, %get3A_51 : vector<16xi32>
    %swap3A_52 = arith.constant 0 : index
    %swap3A_53 = tpu.vector_load %arg7[%swap3A_52] {strides = array<i32>} : memref<32xi32, #tpu.memory_space<vmem>>, vector<16xi32>,
    %swap3A_54 = vector.shape_cast %swap3A_53 : vector<16xi32> to vector<16xi32>
    %swap3A_55 = vector.shape_cast %min3A : vector<16xi32> to vector<16xi32>
    tpu.vector_store %arg7[%swap3A_52], %swap3A_55 {strides = array<i32>} : memref<32xi32, #tpu.memory_space<vmem>>, vector<16xi32>,
    %get3A_56 = arith.constant 4 : index
    %get3A_57 = tpu.vector_load %arg7[%get3A_56] {strides = array<i32>} : memref<32xi32, #tpu.memory_space<vmem>>, vector<16xi32>,
    %get3A_58 = vector.shape_cast %get3A_57 : vector<16xi32> to vector<16xi32>
    %min3A_59 = arith.minsi %min3A, %get3A_58 : vector<16xi32>
    %swap3A_60 = arith.constant 0 : index
    %swap3A_61 = tpu.vector_load %arg7[%swap3A_60] {strides = array<i32>} : memref<32xi32, #tpu.memory_space<vmem>>, vector<16xi32>,
    %swap3A_62 = vector.shape_cast %swap3A_61 : vector<16xi32> to vector<16xi32>
    %swap3A_63 = vector.shape_cast %min3A_59 : vector<16xi32> to vector<16xi32>
    tpu.vector_store %arg7[%swap3A_60], %swap3A_63 {strides = array<i32>} : memref<32xi32, #tpu.memory_space<vmem>>, vector<16xi32>,
    %get3A_64 = arith.constant 2 : index
    %get3A_65 = tpu.vector_load %arg7[%get3A_64] {strides = array<i32>} : memref<32xi32, #tpu.memory_space<vmem>>, vector<16xi32>,
    %get3A_66 = vector.shape_cast %get3A_65 : vector<16xi32> to vector<16xi32>
    %min3A_67 = arith.minsi %min3A_59, %get3A_66 : vector<16xi32>
    %swap3A_68 = arith.constant 0 : index
    %swap3A_69 = tpu.vector_load %arg7[%swap3A_68] {strides = array<i32>} : memref<32xi32, #tpu.memory_space<vmem>>, vector<16xi32>,
    %swap3A_70 = vector.shape_cast %swap3A_69 : vector<16xi32> to vector<16xi32>
    %swap3A_71 = vector.shape_cast %min3A_67 : vector<16xi32> to vector<16xi32>
    tpu.vector_store %arg7[%swap3A_68], %swap3A_71 {strides = array<i32>} : memref<32xi32, #tpu.memory_space<vmem>>, vector<16xi32>,
    %get3A_72 = arith.constant 1 : index
    %get3A_73 = tpu.vector_load %arg7[%get3A_72] {strides = array<i32>} : memref<32xi32, #tpu.memory_space<vmem>>, vector<16xi32>,
    %get3A_74 = vector.shape_cast %get3A_73 : vector<16xi32> to vector<16xi32>
    %min3A_75 = arith.minsi %min3A_67, %get3A_74 : vector<16xi32>
    %slice3A_76 = vector.extract_strided_slice %min3A_75 {offsets = [0], sizes = [1], strides = [1]} : vector<16xi32> to vector<1xi32>
    %squeeze3A_77 = vector.extract %slice3A_76[0] : i32 from vector<1xi32>
    %eq3A_78 = arith.constant 0 : i32
    %eq3A_79 = vector.broadcast %eq3A_78 : i32 to vector<16xi32>
    %eq3A_80 = arith.cmpi eq, %iota3A, %eq3A_79 : vector<16xi32>
    %broadcast_in_dim3A_81 = vector.broadcast %squeeze3A_77 : i32 to vector<16xi32>
    %select_n3A_82 = arith.select %eq3A_80, %broadcast_in_dim3A_81, %broadcast_in_dim3A_3 : vector<16xi1>, vector<16xi32>
    %get3A_83 = arith.constant 1 : i32
    %get3A_84 = arith.index_cast %get3A_83 : i32 to index
    %get3A_85 = arith.constant 0 : index
    %get3A_86 = tpu.vector_load %arg4[%get3A_84, %get3A_85] {strides = array<i32>} : memref<32x512xf32, #tpu.memory_space<vmem>>, vector<1x16xf32>,
    %get3A_87 = vector.shape_cast %get3A_86 : vector<1x16xf32> to vector<16xf32>
    %scan3A_88 = arith.constant 1 : i32
    %scan3A_89 = arith.constant 31 : i32
    %scan3A_90 = arith.addi %scan3A_88, %scan3A_89 : i32
    %scan3A_91 = arith.constant 1 : i32
    %scan3A_92:2 = scf.for %scan3A_2852 = %scan3A_88 to %scan3A_90 step %scan3A_91 iter_args(%scan3A_2853 = %get3A_87, %scan3A_2854 = %iota3A) -> (vector<16xf32>, vector<16xi32>)  : i32 {
      %mul3A_2855 = arith.constant 16 : i32
      %mul3A_2856 = arith.muli %scan3A_2852, %mul3A_2855 : i32
      %get3A_2857 = arith.constant 1 : i32
      %get3A_2858 = arith.index_cast %get3A_2857 : i32 to index
      %get3A_2859 = arith.index_cast %mul3A_2856 : i32 to index
      %get3A_2860 = tpu.vector_load %arg4[%get3A_2858, %get3A_2859] {strides = array<i32>} : memref<32x512xf32, #tpu.memory_space<vmem>>, vector<1x16xf32>,
      %get3A_2861 = vector.shape_cast %get3A_2860 : vector<1x16xf32> to vector<16xf32>
      %gt3A = arith.cmpf ogt, %get3A_2861, %scan3A_2853 : vector<16xf32>
      %select_n3A_2862 = arith.select %gt3A, %get3A_2861, %scan3A_2853 : vector<16xi1>, vector<16xf32>
      %mul3A_2863 = arith.constant 16 : i32
      %mul3A_2864 = arith.muli %scan3A_2852, %mul3A_2863 : i32
      %add3A_2865 = vector.broadcast %mul3A_2864 : i32 to vector<16xi32>
      %add3A_2866 = arith.addi %iota3A, %add3A_2865 : vector<16xi32>
      %select_n3A_2867 = arith.select %gt3A, %add3A_2866, %scan3A_2854 : vector<16xi1>, vector<16xi32>
      scf.yield %select_n3A_2862, %select_n3A_2867 : vector<16xf32>, vector<16xi32>
    }
    %scan3A_93 = arith.constant 31 : i32
    %swap3A_94 = arith.constant 0 : index
    %swap3A_95 = tpu.vector_load %arg6[%swap3A_94] {strides = array<i32>} : memref<32xf32, #tpu.memory_space<vmem>>, vector<16xf32>,
    %swap3A_96 = vector.shape_cast %swap3A_95 : vector<16xf32> to vector<16xf32>
    %swap3A_97 = vector.shape_cast %scan3A_92#0 : vector<16xf32> to vector<16xf32>
    tpu.vector_store %arg6[%swap3A_94], %swap3A_97 {strides = array<i32>} : memref<32xf32, #tpu.memory_space<vmem>>, vector<16xf32>,
    %get3A_98 = arith.constant 8 : index
    %get3A_99 = tpu.vector_load %arg6[%get3A_98] {strides = array<i32>} : memref<32xf32, #tpu.memory_space<vmem>>, vector<16xf32>,
    %get3A_100 = vector.shape_cast %get3A_99 : vector<16xf32> to vector<16xf32>
    %max3A_101 = arith.maximumf %scan3A_92#0, %get3A_100 : vector<16xf32>
    %swap3A_102 = arith.constant 0 : index
    %swap3A_103 = tpu.vector_load %arg6[%swap3A_102] {strides = array<i32>} : memref<32xf32, #tpu.memory_space<vmem>>, vector<16xf32>,
    %swap3A_104 = vector.shape_cast %swap3A_103 : vector<16xf32> to vector<16xf32>
    %swap3A_105 = vector.shape_cast %max3A_101 : vector<16xf32> to vector<16xf32>
    tpu.vector_store %arg6[%swap3A_102], %swap3A_105 {strides = array<i32>} : memref<32xf32, #tpu.memory_space<vmem>>, vector<16xf32>,
    %get3A_106 = arith.constant 4 : index
    %get3A_107 = tpu.vector_load %arg6[%get3A_106] {strides = array<i32>} : memref<32xf32, #tpu.memory_space<vmem>>, vector<16xf32>,
    %get3A_108 = vector.shape_cast %get3A_107 : vector<16xf32> to vector<16xf32>
    %max3A_109 = arith.maximumf %max3A_101, %get3A_108 : vector<16xf32>
    %swap3A_110 = arith.constant 0 : index
    %swap3A_111 = tpu.vector_load %arg6[%swap3A_110] {strides = array<i32>} : memref<32xf32, #tpu.memory_space<vmem>>, vector<16xf32>,
    %swap3A_112 = vector.shape_cast %swap3A_111 : vector<16xf32> to vector<16xf32>
    %swap3A_113 = vector.shape_cast %max3A_109 : vector<16xf32> to vector<16xf32>
    tpu.vector_store %arg6[%swap3A_110], %swap3A_113 {strides = array<i32>} : memref<32xf32, #tpu.memory_space<vmem>>, vector<16xf32>,
    %get3A_114 = arith.constant 2 : index
    %get3A_115 = tpu.vector_load %arg6[%get3A_114] {strides = array<i32>} : memref<32xf32, #tpu.memory_space<vmem>>, vector<16xf32>,
    %get3A_116 = vector.shape_cast %get3A_115 : vector<16xf32> to vector<16xf32>
    %max3A_117 = arith.maximumf %max3A_109, %get3A_116 : vector<16xf32>
    %swap3A_118 = arith.constant 0 : index
    %swap3A_119 = tpu.vector_load %arg6[%swap3A_118] {strides = array<i32>} : memref<32xf32, #tpu.memory_space<vmem>>, vector<16xf32>,
    %swap3A_120 = vector.shape_cast %swap3A_119 : vector<16xf32> to vector<16xf32>
    %swap3A_121 = vector.shape_cast %max3A_117 : vector<16xf32> to vector<16xf32>
    tpu.vector_store %arg6[%swap3A_118], %swap3A_121 {strides = array<i32>} : memref<32xf32, #tpu.memory_space<vmem>>, vector<16xf32>,
    %get3A_122 = arith.constant 1 : index
    %get3A_123 = tpu.vector_load %arg6[%get3A_122] {strides = array<i32>} : memref<32xf32, #tpu.memory_space<vmem>>, vector<16xf32>,
    %get3A_124 = vector.shape_cast %get3A_123 : vector<16xf32> to vector<16xf32>
    %max3A_125 = arith.maximumf %max3A_117, %get3A_124 : vector<16xf32>
    %slice3A_126 = vector.extract_strided_slice %max3A_125 {offsets = [0], sizes = [1], strides = [1]} : vector<16xf32> to vector<1xf32>
    %squeeze3A_127 = vector.extract %slice3A_126[0] : f32 from vector<1xf32>
    %eq3A_128 = vector.broadcast %squeeze3A_127 : f32 to vector<16xf32>
    %eq3A_129 = arith.cmpf oeq, %scan3A_92#0, %eq3A_128 : vector<16xf32>
    %jit3A_130 = arith.constant 512 : i32
    %broadcast_in_dim3A_131 = vector.broadcast %jit3A_130 : i32 to vector<16xi32>
    %select_n3A_132 = arith.select %eq3A_129, %scan3A_92#1, %broadcast_in_dim3A_131 : vector<16xi1>, vector<16xi32>
    %swap3A_133 = arith.constant 0 : index
    %swap3A_134 = tpu.vector_load %arg7[%swap3A_133] {strides = array<i32>} : memref<32xi32, #tpu.memory_space<vmem>>, vector<16xi32>,
    %swap3A_135 = vector.shape_cast %swap3A_134 : vector<16xi32> to vector<16xi32>
    %swap3A_136 = vector.shape_cast %select_n3A_132 : vector<16xi32> to vector<16xi32>
    tpu.vector_store %arg7[%swap3A_133], %swap3A_136 {strides = array<i32>} : memref<32xi32, #tpu.memory_space<vmem>>, vector<16xi32>,
    %get3A_137 = arith.constant 8 : index
    %get3A_138 = tpu.vector_load %arg7[%get3A_137] {strides = array<i32>} : memref<32xi32, #tpu.memory_space<vmem>>, vector<16xi32>,
    %get3A_139 = vector.shape_cast %get3A_138 : vector<16xi32> to vector<16xi32>
    %min3A_140 = arith.minsi %select_n3A_132, %get3A_139 : vector<16xi32>
    %swap3A_141 = arith.constant 0 : index
    %swap3A_142 = tpu.vector_load %arg7[%swap3A_141] {strides = array<i32>} : memref<32xi32, #tpu.memory_space<vmem>>, vector<16xi32>,
    %swap3A_143 = vector.shape_cast %swap3A_142 : vector<16xi32> to vector<16xi32>
    %swap3A_144 = vector.shape_cast %min3A_140 : vector<16xi32> to vector<16xi32>
    tpu.vector_store %arg7[%swap3A_141], %swap3A_144 {strides = array<i32>} : memref<32xi32, #tpu.memory_space<vmem>>, vector<16xi32>,
    %get3A_145 = arith.constant 4 : index
    %get3A_146 = tpu.vector_load %arg7[%get3A_145] {strides = array<i32>} : memref<32xi32, #tpu.memory_space<vmem>>, vector<16xi32>,
    %get3A_147 = vector.shape_cast %get3A_146 : vector<16xi32> to vector<16xi32>
    %min3A_148 = arith.minsi %min3A_140, %get3A_147 : vector<16xi32>
    %swap3A_149 = arith.constant 0 : index
    %swap3A_150 = tpu.vector_load %arg7[%swap3A_149] {strides = array<i32>} : memref<32xi32, #tpu.memory_space<vmem>>, vector<16xi32>,
    %swap3A_151 = vector.shape_cast %swap3A_150 : vector<16xi32> to vector<16xi32>
    %swap3A_152 = vector.shape_cast %min3A_148 : vector<16xi32> to vector<16xi32>
    tpu.vector_store %arg7[%swap3A_149], %swap3A_152 {strides = array<i32>} : memref<32xi32, #tpu.memory_space<vmem>>, vector<16xi32>,
    %get3A_153 = arith.constant 2 : index
    %get3A_154 = tpu.vector_load %arg7[%get3A_153] {strides = array<i32>} : memref<32xi32, #tpu.memory_space<vmem>>, vector<16xi32>,
    %get3A_155 = vector.shape_cast %get3A_154 : vector<16xi32> to vector<16xi32>
    %min3A_156 = arith.minsi %min3A_148, %get3A_155 : vector<16xi32>
    %swap3A_157 = arith.constant 0 : index
    %swap3A_158 = tpu.vector_load %arg7[%swap3A_157] {strides = array<i32>} : memref<32xi32, #tpu.memory_space<vmem>>, vector<16xi32>,
    %swap3A_159 = vector.shape_cast %swap3A_158 : vector<16xi32> to vector<16xi32>
    %swap3A_160 = vector.shape_cast %min3A_156 : vector<16xi32> to vector<16xi32>
    tpu.vector_store %arg7[%swap3A_157], %swap3A_160 {strides = array<i32>} : memref<32xi32, #tpu.memory_space<vmem>>, vector<16xi32>,
    %get3A_161 = arith.constant 1 : index
    %get3A_162 = tpu.vector_load %arg7[%get3A_161] {strides = array<i32>} : memref<32xi32, #tpu.memory_space<vmem>>, vector<16xi32>,
    %get3A_163 = vector.shape_cast %get3A_162 : vector<16xi32> to vector<16xi32>
    %min3A_164 = arith.minsi %min3A_156, %get3A_163 : vector<16xi32>
    %slice3A_165 = vector.extract_strided_slice %min3A_164 {offsets = [0], sizes = [1], strides = [1]} : vector<16xi32> to vector<1xi32>
    %squeeze3A_166 = vector.extract %slice3A_165[0] : i32 from vector<1xi32>
    %eq3A_167 = arith.constant 1 : i32
    %eq3A_168 = vector.broadcast %eq3A_167 : i32 to vector<16xi32>
    %eq3A_169 = arith.cmpi eq, %iota3A, %eq3A_168 : vector<16xi32>
    %broadcast_in_dim3A_170 = vector.broadcast %squeeze3A_166 : i32 to vector<16xi32>
    %select_n3A_171 = arith.select %eq3A_169, %broadcast_in_dim3A_170, %select_n3A_82 : vector<16xi1>, vector<16xi32>
    %get3A_172 = arith.constant 2 : i32
    %get3A_173 = arith.index_cast %get3A_172 : i32 to index
    %get3A_174 = arith.constant 0 : index
    %get3A_175 = tpu.vector_load %arg4[%get3A_173, %get3A_174] {strides = array<i32>} : memref<32x512xf32, #tpu.memory_space<vmem>>, vector<1x16xf32>,
    %get3A_176 = vector.shape_cast %get3A_175 : vector<1x16xf32> to vector<16xf32>
    %scan3A_177 = arith.constant 1 : i32
    %scan3A_178 = arith.constant 31 : i32
    %scan3A_179 = arith.addi %scan3A_177, %scan3A_178 : i32
    %scan3A_180 = arith.constant 1 : i32
    %scan3A_181:2 = scf.for %scan3A_2852 = %scan3A_177 to %scan3A_179 step %scan3A_180 iter_args(%scan3A_2853 = %get3A_176, %scan3A_2854 = %iota3A) -> (vector<16xf32>, vector<16xi32>)  : i32 {
      %mul3A_2855 = arith.constant 16 : i32
      %mul3A_2856 = arith.muli %scan3A_2852, %mul3A_2855 : i32
      %get3A_2857 = arith.constant 2 : i32
      %get3A_2858 = arith.index_cast %get3A_2857 : i32 to index
      %get3A_2859 = arith.index_cast %mul3A_2856 : i32 to index
      %get3A_2860 = tpu.vector_load %arg4[%get3A_2858, %get3A_2859] {strides = array<i32>} : memref<32x512xf32, #tpu.memory_space<vmem>>, vector<1x16xf32>,
      %get3A_2861 = vector.shape_cast %get3A_2860 : vector<1x16xf32> to vector<16xf32>
      %gt3A = arith.cmpf ogt, %get3A_2861, %scan3A_2853 : vector<16xf32>
      %select_n3A_2862 = arith.select %gt3A, %get3A_2861, %scan3A_2853 : vector<16xi1>, vector<16xf32>
      %mul3A_2863 = arith.constant 16 : i32
      %mul3A_2864 = arith.muli %scan3A_2852, %mul3A_2863 : i32
      %add3A_2865 = vector.broadcast %mul3A_2864 : i32 to vector<16xi32>
      %add3A_2866 = arith.addi %iota3A, %add3A_2865 : vector<16xi32>
      %select_n3A_2867 = arith.select %gt3A, %add3A_2866, %scan3A_2854 : vector<16xi1>, vector<16xi32>
      scf.yield %select_n3A_2862, %select_n3A_2867 : vector<16xf32>, vector<16xi32>
    }
    %scan3A_182 = arith.constant 31 : i32
    %swap3A_183 = arith.constant 0 : index
    %swap3A_184 = tpu.vector_load %arg6[%swap3A_183] {strides = array<i32>} : memref<32xf32, #tpu.memory_space<vmem>>, vector<16xf32>,
    %swap3A_185 = vector.shape_cast %swap3A_184 : vector<16xf32> to vector<16xf32>
    %swap3A_186 = vector.shape_cast %scan3A_181#0 : vector<16xf32> to vector<16xf32>
    tpu.vector_store %arg6[%swap3A_183], %swap3A_186 {strides = array<i32>} : memref<32xf32, #tpu.memory_space<vmem>>, vector<16xf32>,
    %get3A_187 = arith.constant 8 : index
    %get3A_188 = tpu.vector_load %arg6[%get3A_187] {strides = array<i32>} : memref<32xf32, #tpu.memory_space<vmem>>, vector<16xf32>,
    %get3A_189 = vector.shape_cast %get3A_188 : vector<16xf32> to vector<16xf32>
    %max3A_190 = arith.maximumf %scan3A_181#0, %get3A_189 : vector<16xf32>
    %swap3A_191 = arith.constant 0 : index
    %swap3A_192 = tpu.vector_load %arg6[%swap3A_191] {strides = array<i32>} : memref<32xf32, #tpu.memory_space<vmem>>, vector<16xf32>,
    %swap3A_193 = vector.shape_cast %swap3A_192 : vector<16xf32> to vector<16xf32>
    %swap3A_194 = vector.shape_cast %max3A_190 : vector<16xf32> to vector<16xf32>
    tpu.vector_store %arg6[%swap3A_191], %swap3A_194 {strides = array<i32>} : memref<32xf32, #tpu.memory_space<vmem>>, vector<16xf32>,
    %get3A_195 = arith.constant 4 : index
    %get3A_196 = tpu.vector_load %arg6[%get3A_195] {strides = array<i32>} : memref<32xf32, #tpu.memory_space<vmem>>, vector<16xf32>,
    %get3A_197 = vector.shape_cast %get3A_196 : vector<16xf32> to vector<16xf32>
    %max3A_198 = arith.maximumf %max3A_190, %get3A_197 : vector<16xf32>
    %swap3A_199 = arith.constant 0 : index
    %swap3A_200 = tpu.vector_load %arg6[%swap3A_199] {strides = array<i32>} : memref<32xf32, #tpu.memory_space<vmem>>, vector<16xf32>,
    %swap3A_201 = vector.shape_cast %swap3A_200 : vector<16xf32> to vector<16xf32>
    %swap3A_202 = vector.shape_cast %max3A_198 : vector<16xf32> to vector<16xf32>
    tpu.vector_store %arg6[%swap3A_199], %swap3A_202 {strides = array<i32>} : memref<32xf32, #tpu.memory_space<vmem>>, vector<16xf32>,
    %get3A_203 = arith.constant 2 : index
    %get3A_204 = tpu.vector_load %arg6[%get3A_203] {strides = array<i32>} : memref<32xf32, #tpu.memory_space<vmem>>, vector<16xf32>,
    %get3A_205 = vector.shape_cast %get3A_204 : vector<16xf32> to vector<16xf32>
    %max3A_206 = arith.maximumf %max3A_198, %get3A_205 : vector<16xf32>
    %swap3A_207 = arith.constant 0 : index
    %swap3A_208 = tpu.vector_load %arg6[%swap3A_207] {strides = array<i32>} : memref<32xf32, #tpu.memory_space<vmem>>, vector<16xf32>,
    %swap3A_209 = vector.shape_cast %swap3A_208 : vector<16xf32> to vector<16xf32>
    %swap3A_210 = vector.shape_cast %max3A_206 : vector<16xf32> to vector<16xf32>
    tpu.vector_store %arg6[%swap3A_207], %swap3A_210 {strides = array<i32>} : memref<32xf32, #tpu.memory_space<vmem>>, vector<16xf32>,
    %get3A_211 = arith.constant 1 : index
    %get3A_212 = tpu.vector_load %arg6[%get3A_211] {strides = array<i32>} : memref<32xf32, #tpu.memory_space<vmem>>, vector<16xf32>,
    %get3A_213 = vector.shape_cast %get3A_212 : vector<16xf32> to vector<16xf32>
    %max3A_214 = arith.maximumf %max3A_206, %get3A_213 : vector<16xf32>
    %slice3A_215 = vector.extract_strided_slice %max3A_214 {offsets = [0], sizes = [1], strides = [1]} : vector<16xf32> to vector<1xf32>
    %squeeze3A_216 = vector.extract %slice3A_215[0] : f32 from vector<1xf32>
    %eq3A_217 = vector.broadcast %squeeze3A_216 : f32 to vector<16xf32>
    %eq3A_218 = arith.cmpf oeq, %scan3A_181#0, %eq3A_217 : vector<16xf32>
    %jit3A_219 = arith.constant 512 : i32
    %broadcast_in_dim3A_220 = vector.broadcast %jit3A_219 : i32 to vector<16xi32>
    %select_n3A_221 = arith.select %eq3A_218, %scan3A_181#1, %broadcast_in_dim3A_220 : vector<16xi1>, vector<16xi32>
    %swap3A_222 = arith.constant 0 : index
    %swap3A_223 = tpu.vector_load %arg7[%swap3A_222] {strides = array<i32>} : memref<32xi32, #tpu.memory_space<vmem>>, vector<16xi32>,
    %swap3A_224 = vector.shape_cast %swap3A_223 : vector<16xi32> to vector<16xi32>
    %swap3A_225 = vector.shape_cast %select_n3A_221 : vector<16xi32> to vector<16xi32>
    tpu.vector_store %arg7[%swap3A_222], %swap3A_225 {strides = array<i32>} : memref<32xi32, #tpu.memory_space<vmem>>, vector<16xi32>,
    %get3A_226 = arith.constant 8 : index
    %get3A_227 = tpu.vector_load %arg7[%get3A_226] {strides = array<i32>} : memref<32xi32, #tpu.memory_space<vmem>>, vector<16xi32>,
    %get3A_228 = vector.shape_cast %get3A_227 : vector<16xi32> to vector<16xi32>
    %min3A_229 = arith.minsi %select_n3A_221, %get3A_228 : vector<16xi32>
    %swap3A_230 = arith.constant 0 : index
    %swap3A_231 = tpu.vector_load %arg7[%swap3A_230] {strides = array<i32>} : memref<32xi32, #tpu.memory_space<vmem>>, vector<16xi32>,
    %swap3A_232 = vector.shape_cast %swap3A_231 : vector<16xi32> to vector<16xi32>
    %swap3A_233 = vector.shape_cast %min3A_229 : vector<16xi32> to vector<16xi32>
    tpu.vector_store %arg7[%swap3A_230], %swap3A_233 {strides = array<i32>} : memref<32xi32, #tpu.memory_space<vmem>>, vector<16xi32>,
    %get3A_234 = arith.constant 4 : index
    %get3A_235 = tpu.vector_load %arg7[%get3A_234] {strides = array<i32>} : memref<32xi32, #tpu.memory_space<vmem>>, vector<16xi32>,
    %get3A_236 = vector.shape_cast %get3A_235 : vector<16xi32> to vector<16xi32>
    %min3A_237 = arith.minsi %min3A_229, %get3A_236 : vector<16xi32>
    %swap3A_238 = arith.constant 0 : index
    %swap3A_239 = tpu.vector_load %arg7[%swap3A_238] {strides = array<i32>} : memref<32xi32, #tpu.memory_space<vmem>>, vector<16xi32>,
    %swap3A_240 = vector.shape_cast %swap3A_239 : vector<16xi32> to vector<16xi32>
    %swap3A_241 = vector.shape_cast %min3A_237 : vector<16xi32> to vector<16xi32>
    tpu.vector_store %arg7[%swap3A_238], %swap3A_241 {strides = array<i32>} : memref<32xi32, #tpu.memory_space<vmem>>, vector<16xi32>,
    %get3A_242 = arith.constant 2 : index
    %get3A_243 = tpu.vector_load %arg7[%get3A_242] {strides = array<i32>} : memref<32xi32, #tpu.memory_space<vmem>>, vector<16xi32>,
    %get3A_244 = vector.shape_cast %get3A_243 : vector<16xi32> to vector<16xi32>
    %min3A_245 = arith.minsi %min3A_237, %get3A_244 : vector<16xi32>
    %swap3A_246 = arith.constant 0 : index
    %swap3A_247 = tpu.vector_load %arg7[%swap3A_246] {strides = array<i32>} : memref<32xi32, #tpu.memory_space<vmem>>, vector<16xi32>,
    %swap3A_248 = vector.shape_cast %swap3A_247 : vector<16xi32> to vector<16xi32>
    %swap3A_249 = vector.shape_cast %min3A_245 : vector<16xi32> to vector<16xi32>
    tpu.vector_store %arg7[%swap3A_246], %swap3A_249 {strides = array<i32>} : memref<32xi32, #tpu.memory_space<vmem>>, vector<16xi32>,
    %get3A_250 = arith.constant 1 : index
    %get3A_251 = tpu.vector_load %arg7[%get3A_250] {strides = array<i32>} : memref<32xi32, #tpu.memory_space<vmem>>, vector<16xi32>,
    %get3A_252 = vector.shape_cast %get3A_251 : vector<16xi32> to vector<16xi32>
    %min3A_253 = arith.minsi %min3A_245, %get3A_252 : vector<16xi32>
    %slice3A_254 = vector.extract_strided_slice %min3A_253 {offsets = [0], sizes = [1], strides = [1]} : vector<16xi32> to vector<1xi32>
    %squeeze3A_255 = vector.extract %slice3A_254[0] : i32 from vector<1xi32>
    %eq3A_256 = arith.constant 2 : i32
    %eq3A_257 = vector.broadcast %eq3A_256 : i32 to vector<16xi32>
    %eq3A_258 = arith.cmpi eq, %iota3A, %eq3A_257 : vector<16xi32>
    %broadcast_in_dim3A_259 = vector.broadcast %squeeze3A_255 : i32 to vector<16xi32>
    %select_n3A_260 = arith.select %eq3A_258, %broadcast_in_dim3A_259, %select_n3A_171 : vector<16xi1>, vector<16xi32>
    %get3A_261 = arith.constant 3 : i32
    %get3A_262 = arith.index_cast %get3A_261 : i32 to index
    %get3A_263 = arith.constant 0 : index
    %get3A_264 = tpu.vector_load %arg4[%get3A_262, %get3A_263] {strides = array<i32>} : memref<32x512xf32, #tpu.memory_space<vmem>>, vector<1x16xf32>,
    %get3A_265 = vector.shape_cast %get3A_264 : vector<1x16xf32> to vector<16xf32>
    %scan3A_266 = arith.constant 1 : i32
    %scan3A_267 = arith.constant 31 : i32
    %scan3A_268 = arith.addi %scan3A_266, %scan3A_267 : i32
    %scan3A_269 = arith.constant 1 : i32
    %scan3A_270:2 = scf.for %scan3A_2852 = %scan3A_266 to %scan3A_268 step %scan3A_269 iter_args(%scan3A_2853 = %get3A_265, %scan3A_2854 = %iota3A) -> (vector<16xf32>, vector<16xi32>)  : i32 {
      %mul3A_2855 = arith.constant 16 : i32
      %mul3A_2856 = arith.muli %scan3A_2852, %mul3A_2855 : i32
      %get3A_2857 = arith.constant 3 : i32
      %get3A_2858 = arith.index_cast %get3A_2857 : i32 to index
      %get3A_2859 = arith.index_cast %mul3A_2856 : i32 to index
      %get3A_2860 = tpu.vector_load %arg4[%get3A_2858, %get3A_2859] {strides = array<i32>} : memref<32x512xf32, #tpu.memory_space<vmem>>, vector<1x16xf32>,
      %get3A_2861 = vector.shape_cast %get3A_2860 : vector<1x16xf32> to vector<16xf32>
      %gt3A = arith.cmpf ogt, %get3A_2861, %scan3A_2853 : vector<16xf32>
      %select_n3A_2862 = arith.select %gt3A, %get3A_2861, %scan3A_2853 : vector<16xi1>, vector<16xf32>
      %mul3A_2863 = arith.constant 16 : i32
      %mul3A_2864 = arith.muli %scan3A_2852, %mul3A_2863 : i32
      %add3A_2865 = vector.broadcast %mul3A_2864 : i32 to vector<16xi32>
      %add3A_2866 = arith.addi %iota3A, %add3A_2865 : vector<16xi32>
      %select_n3A_2867 = arith.select %gt3A, %add3A_2866, %scan3A_2854 : vector<16xi1>, vector<16xi32>
      scf.yield %select_n3A_2862, %select_n3A_2867 : vector<16xf32>, vector<16xi32>
    }
    %scan3A_271 = arith.constant 31 : i32
    %swap3A_272 = arith.constant 0 : index
    %swap3A_273 = tpu.vector_load %arg6[%swap3A_272] {strides = array<i32>} : memref<32xf32, #tpu.memory_space<vmem>>, vector<16xf32>,
    %swap3A_274 = vector.shape_cast %swap3A_273 : vector<16xf32> to vector<16xf32>
    %swap3A_275 = vector.shape_cast %scan3A_270#0 : vector<16xf32> to vector<16xf32>
    tpu.vector_store %arg6[%swap3A_272], %swap3A_275 {strides = array<i32>} : memref<32xf32, #tpu.memory_space<vmem>>, vector<16xf32>,
    %get3A_276 = arith.constant 8 : index
    %get3A_277 = tpu.vector_load %arg6[%get3A_276] {strides = array<i32>} : memref<32xf32, #tpu.memory_space<vmem>>, vector<16xf32>,
    %get3A_278 = vector.shape_cast %get3A_277 : vector<16xf32> to vector<16xf32>
    %max3A_279 = arith.maximumf %scan3A_270#0, %get3A_278 : vector<16xf32>
    %swap3A_280 = arith.constant 0 : index
    %swap3A_281 = tpu.vector_load %arg6[%swap3A_280] {strides = array<i32>} : memref<32xf32, #tpu.memory_space<vmem>>, vector<16xf32>,
    %swap3A_282 = vector.shape_cast %swap3A_281 : vector<16xf32> to vector<16xf32>
    %swap3A_283 = vector.shape_cast %max3A_279 : vector<16xf32> to vector<16xf32>
    tpu.vector_store %arg6[%swap3A_280], %swap3A_283 {strides = array<i32>} : memref<32xf32, #tpu.memory_space<vmem>>, vector<16xf32>,
    %get3A_284 = arith.constant 4 : index
    %get3A_285 = tpu.vector_load %arg6[%get3A_284] {strides = array<i32>} : memref<32xf32, #tpu.memory_space<vmem>>, vector<16xf32>,
    %get3A_286 = vector.shape_cast %get3A_285 : vector<16xf32> to vector<16xf32>
    %max3A_287 = arith.maximumf %max3A_279, %get3A_286 : vector<16xf32>
    %swap3A_288 = arith.constant 0 : index
    %swap3A_289 = tpu.vector_load %arg6[%swap3A_288] {strides = array<i32>} : memref<32xf32, #tpu.memory_space<vmem>>, vector<16xf32>,
    %swap3A_290 = vector.shape_cast %swap3A_289 : vector<16xf32> to vector<16xf32>
    %swap3A_291 = vector.shape_cast %max3A_287 : vector<16xf32> to vector<16xf32>
    tpu.vector_store %arg6[%swap3A_288], %swap3A_291 {strides = array<i32>} : memref<32xf32, #tpu.memory_space<vmem>>, vector<16xf32>,
    %get3A_292 = arith.constant 2 : index
    %get3A_293 = tpu.vector_load %arg6[%get3A_292] {strides = array<i32>} : memref<32xf32, #tpu.memory_space<vmem>>, vector<16xf32>,
    %get3A_294 = vector.shape_cast %get3A_293 : vector<16xf32> to vector<16xf32>
    %max3A_295 = arith.maximumf %max3A_287, %get3A_294 : vector<16xf32>
    %swap3A_296 = arith.constant 0 : index
    %swap3A_297 = tpu.vector_load %arg6[%swap3A_296] {strides = array<i32>} : memref<32xf32, #tpu.memory_space<vmem>>, vector<16xf32>,
    %swap3A_298 = vector.shape_cast %swap3A_297 : vector<16xf32> to vector<16xf32>
    %swap3A_299 = vector.shape_cast %max3A_295 : vector<16xf32> to vector<16xf32>
    tpu.vector_store %arg6[%swap3A_296], %swap3A_299 {strides = array<i32>} : memref<32xf32, #tpu.memory_space<vmem>>, vector<16xf32>,
    %get3A_300 = arith.constant 1 : index
    %get3A_301 = tpu.vector_load %arg6[%get3A_300] {strides = array<i32>} : memref<32xf32, #tpu.memory_space<vmem>>, vector<16xf32>,
    %get3A_302 = vector.shape_cast %get3A_301 : vector<16xf32> to vector<16xf32>
    %max3A_303 = arith.maximumf %max3A_295, %get3A_302 : vector<16xf32>
    %slice3A_304 = vector.extract_strided_slice %max3A_303 {offsets = [0], sizes = [1], strides = [1]} : vector<16xf32> to vector<1xf32>
    %squeeze3A_305 = vector.extract %slice3A_304[0] : f32 from vector<1xf32>
    %eq3A_306 = vector.broadcast %squeeze3A_305 : f32 to vector<16xf32>
    %eq3A_307 = arith.cmpf oeq, %scan3A_270#0, %eq3A_306 : vector<16xf32>
    %jit3A_308 = arith.constant 512 : i32
    %broadcast_in_dim3A_309 = vector.broadcast %jit3A_308 : i32 to vector<16xi32>
    %select_n3A_310 = arith.select %eq3A_307, %scan3A_270#1, %broadcast_in_dim3A_309 : vector<16xi1>, vector<16xi32>
    %swap3A_311 = arith.constant 0 : index
    %swap3A_312 = tpu.vector_load %arg7[%swap3A_311] {strides = array<i32>} : memref<32xi32, #tpu.memory_space<vmem>>, vector<16xi32>,
    %swap3A_313 = vector.shape_cast %swap3A_312 : vector<16xi32> to vector<16xi32>
    %swap3A_314 = vector.shape_cast %select_n3A_310 : vector<16xi32> to vector<16xi32>
    tpu.vector_store %arg7[%swap3A_311], %swap3A_314 {strides = array<i32>} : memref<32xi32, #tpu.memory_space<vmem>>, vector<16xi32>,
    %get3A_315 = arith.constant 8 : index
    %get3A_316 = tpu.vector_load %arg7[%get3A_315] {strides = array<i32>} : memref<32xi32, #tpu.memory_space<vmem>>, vector<16xi32>,
    %get3A_317 = vector.shape_cast %get3A_316 : vector<16xi32> to vector<16xi32>
    %min3A_318 = arith.minsi %select_n3A_310, %get3A_317 : vector<16xi32>
    %swap3A_319 = arith.constant 0 : index
    %swap3A_320 = tpu.vector_load %arg7[%swap3A_319] {strides = array<i32>} : memref<32xi32, #tpu.memory_space<vmem>>, vector<16xi32>,
    %swap3A_321 = vector.shape_cast %swap3A_320 : vector<16xi32> to vector<16xi32>
    %swap3A_322 = vector.shape_cast %min3A_318 : vector<16xi32> to vector<16xi32>
    tpu.vector_store %arg7[%swap3A_319], %swap3A_322 {strides = array<i32>} : memref<32xi32, #tpu.memory_space<vmem>>, vector<16xi32>,
    %get3A_323 = arith.constant 4 : index
    %get3A_324 = tpu.vector_load %arg7[%get3A_323] {strides = array<i32>} : memref<32xi32, #tpu.memory_space<vmem>>, vector<16xi32>,
    %get3A_325 = vector.shape_cast %get3A_324 : vector<16xi32> to vector<16xi32>
    %min3A_326 = arith.minsi %min3A_318, %get3A_325 : vector<16xi32>
    %swap3A_327 = arith.constant 0 : index
    %swap3A_328 = tpu.vector_load %arg7[%swap3A_327] {strides = array<i32>} : memref<32xi32, #tpu.memory_space<vmem>>, vector<16xi32>,
    %swap3A_329 = vector.shape_cast %swap3A_328 : vector<16xi32> to vector<16xi32>
    %swap3A_330 = vector.shape_cast %min3A_326 : vector<16xi32> to vector<16xi32>
    tpu.vector_store %arg7[%swap3A_327], %swap3A_330 {strides = array<i32>} : memref<32xi32, #tpu.memory_space<vmem>>, vector<16xi32>,
    %get3A_331 = arith.constant 2 : index
    %get3A_332 = tpu.vector_load %arg7[%get3A_331] {strides = array<i32>} : memref<32xi32, #tpu.memory_space<vmem>>, vector<16xi32>,
    %get3A_333 = vector.shape_cast %get3A_332 : vector<16xi32> to vector<16xi32>
    %min3A_334 = arith.minsi %min3A_326, %get3A_333 : vector<16xi32>
    %swap3A_335 = arith.constant 0 : index
    %swap3A_336 = tpu.vector_load %arg7[%swap3A_335] {strides = array<i32>} : memref<32xi32, #tpu.memory_space<vmem>>, vector<16xi32>,
    %swap3A_337 = vector.shape_cast %swap3A_336 : vector<16xi32> to vector<16xi32>
    %swap3A_338 = vector.shape_cast %min3A_334 : vector<16xi32> to vector<16xi32>
    tpu.vector_store %arg7[%swap3A_335], %swap3A_338 {strides = array<i32>} : memref<32xi32, #tpu.memory_space<vmem>>, vector<16xi32>,
    %get3A_339 = arith.constant 1 : index
    %get3A_340 = tpu.vector_load %arg7[%get3A_339] {strides = array<i32>} : memref<32xi32, #tpu.memory_space<vmem>>, vector<16xi32>,
    %get3A_341 = vector.shape_cast %get3A_340 : vector<16xi32> to vector<16xi32>
    %min3A_342 = arith.minsi %min3A_334, %get3A_341 : vector<16xi32>
    %slice3A_343 = vector.extract_strided_slice %min3A_342 {offsets = [0], sizes = [1], strides = [1]} : vector<16xi32> to vector<1xi32>
    %squeeze3A_344 = vector.extract %slice3A_343[0] : i32 from vector<1xi32>
    %eq3A_345 = arith.constant 3 : i32
    %eq3A_346 = vector.broadcast %eq3A_345 : i32 to vector<16xi32>
    %eq3A_347 = arith.cmpi eq, %iota3A, %eq3A_346 : vector<16xi32>
    %broadcast_in_dim3A_348 = vector.broadcast %squeeze3A_344 : i32 to vector<16xi32>
    %select_n3A_349 = arith.select %eq3A_347, %broadcast_in_dim3A_348, %select_n3A_260 : vector<16xi1>, vector<16xi32>
    %get3A_350 = arith.constant 4 : i32
    %get3A_351 = arith.index_cast %get3A_350 : i32 to index
    %get3A_352 = arith.constant 0 : index
    %get3A_353 = tpu.vector_load %arg4[%get3A_351, %get3A_352] {strides = array<i32>} : memref<32x512xf32, #tpu.memory_space<vmem>>, vector<1x16xf32>,
    %get3A_354 = vector.shape_cast %get3A_353 : vector<1x16xf32> to vector<16xf32>
    %scan3A_355 = arith.constant 1 : i32
    %scan3A_356 = arith.constant 31 : i32
    %scan3A_357 = arith.addi %scan3A_355, %scan3A_356 : i32
    %scan3A_358 = arith.constant 1 : i32
    %scan3A_359:2 = scf.for %scan3A_2852 = %scan3A_355 to %scan3A_357 step %scan3A_358 iter_args(%scan3A_2853 = %get3A_354, %scan3A_2854 = %iota3A) -> (vector<16xf32>, vector<16xi32>)  : i32 {
      %mul3A_2855 = arith.constant 16 : i32
      %mul3A_2856 = arith.muli %scan3A_2852, %mul3A_2855 : i32
      %get3A_2857 = arith.constant 4 : i32
      %get3A_2858 = arith.index_cast %get3A_2857 : i32 to index
      %get3A_2859 = arith.index_cast %mul3A_2856 : i32 to index
      %get3A_2860 = tpu.vector_load %arg4[%get3A_2858, %get3A_2859] {strides = array<i32>} : memref<32x512xf32, #tpu.memory_space<vmem>>, vector<1x16xf32>,
      %get3A_2861 = vector.shape_cast %get3A_2860 : vector<1x16xf32> to vector<16xf32>
      %gt3A = arith.cmpf ogt, %get3A_2861, %scan3A_2853 : vector<16xf32>
      %select_n3A_2862 = arith.select %gt3A, %get3A_2861, %scan3A_2853 : vector<16xi1>, vector<16xf32>
      %mul3A_2863 = arith.constant 16 : i32
      %mul3A_2864 = arith.muli %scan3A_2852, %mul3A_2863 : i32
      %add3A_2865 = vector.broadcast %mul3A_2864 : i32 to vector<16xi32>
      %add3A_2866 = arith.addi %iota3A, %add3A_2865 : vector<16xi32>
      %select_n3A_2867 = arith.select %gt3A, %add3A_2866, %scan3A_2854 : vector<16xi1>, vector<16xi32>
      scf.yield %select_n3A_2862, %select_n3A_2867 : vector<16xf32>, vector<16xi32>
    }
    %scan3A_360 = arith.constant 31 : i32
    %swap3A_361 = arith.constant 0 : index
    %swap3A_362 = tpu.vector_load %arg6[%swap3A_361] {strides = array<i32>} : memref<32xf32, #tpu.memory_space<vmem>>, vector<16xf32>,
    %swap3A_363 = vector.shape_cast %swap3A_362 : vector<16xf32> to vector<16xf32>
    %swap3A_364 = vector.shape_cast %scan3A_359#0 : vector<16xf32> to vector<16xf32>
    tpu.vector_store %arg6[%swap3A_361], %swap3A_364 {strides = array<i32>} : memref<32xf32, #tpu.memory_space<vmem>>, vector<16xf32>,
    %get3A_365 = arith.constant 8 : index
    %get3A_366 = tpu.vector_load %arg6[%get3A_365] {strides = array<i32>} : memref<32xf32, #tpu.memory_space<vmem>>, vector<16xf32>,
    %get3A_367 = vector.shape_cast %get3A_366 : vector<16xf32> to vector<16xf32>
    %max3A_368 = arith.maximumf %scan3A_359#0, %get3A_367 : vector<16xf32>
    %swap3A_369 = arith.constant 0 : index
    %swap3A_370 = tpu.vector_load %arg6[%swap3A_369] {strides = array<i32>} : memref<32xf32, #tpu.memory_space<vmem>>, vector<16xf32>,
    %swap3A_371 = vector.shape_cast %swap3A_370 : vector<16xf32> to vector<16xf32>
    %swap3A_372 = vector.shape_cast %max3A_368 : vector<16xf32> to vector<16xf32>
    tpu.vector_store %arg6[%swap3A_369], %swap3A_372 {strides = array<i32>} : memref<32xf32, #tpu.memory_space<vmem>>, vector<16xf32>,
    %get3A_373 = arith.constant 4 : index
    %get3A_374 = tpu.vector_load %arg6[%get3A_373] {strides = array<i32>} : memref<32xf32, #tpu.memory_space<vmem>>, vector<16xf32>,
    %get3A_375 = vector.shape_cast %get3A_374 : vector<16xf32> to vector<16xf32>
    %max3A_376 = arith.maximumf %max3A_368, %get3A_375 : vector<16xf32>
    %swap3A_377 = arith.constant 0 : index
    %swap3A_378 = tpu.vector_load %arg6[%swap3A_377] {strides = array<i32>} : memref<32xf32, #tpu.memory_space<vmem>>, vector<16xf32>,
    %swap3A_379 = vector.shape_cast %swap3A_378 : vector<16xf32> to vector<16xf32>
    %swap3A_380 = vector.shape_cast %max3A_376 : vector<16xf32> to vector<16xf32>
    tpu.vector_store %arg6[%swap3A_377], %swap3A_380 {strides = array<i32>} : memref<32xf32, #tpu.memory_space<vmem>>, vector<16xf32>,
    %get3A_381 = arith.constant 2 : index
    %get3A_382 = tpu.vector_load %arg6[%get3A_381] {strides = array<i32>} : memref<32xf32, #tpu.memory_space<vmem>>, vector<16xf32>,
    %get3A_383 = vector.shape_cast %get3A_382 : vector<16xf32> to vector<16xf32>
    %max3A_384 = arith.maximumf %max3A_376, %get3A_383 : vector<16xf32>
    %swap3A_385 = arith.constant 0 : index
    %swap3A_386 = tpu.vector_load %arg6[%swap3A_385] {strides = array<i32>} : memref<32xf32, #tpu.memory_space<vmem>>, vector<16xf32>,
    %swap3A_387 = vector.shape_cast %swap3A_386 : vector<16xf32> to vector<16xf32>
    %swap3A_388 = vector.shape_cast %max3A_384 : vector<16xf32> to vector<16xf32>
    tpu.vector_store %arg6[%swap3A_385], %swap3A_388 {strides = array<i32>} : memref<32xf32, #tpu.memory_space<vmem>>, vector<16xf32>,
    %get3A_389 = arith.constant 1 : index
    %get3A_390 = tpu.vector_load %arg6[%get3A_389] {strides = array<i32>} : memref<32xf32, #tpu.memory_space<vmem>>, vector<16xf32>,
    %get3A_391 = vector.shape_cast %get3A_390 : vector<16xf32> to vector<16xf32>
    %max3A_392 = arith.maximumf %max3A_384, %get3A_391 : vector<16xf32>
    %slice3A_393 = vector.extract_strided_slice %max3A_392 {offsets = [0], sizes = [1], strides = [1]} : vector<16xf32> to vector<1xf32>
    %squeeze3A_394 = vector.extract %slice3A_393[0] : f32 from vector<1xf32>
    %eq3A_395 = vector.broadcast %squeeze3A_394 : f32 to vector<16xf32>
    %eq3A_396 = arith.cmpf oeq, %scan3A_359#0, %eq3A_395 : vector<16xf32>
    %jit3A_397 = arith.constant 512 : i32
    %broadcast_in_dim3A_398 = vector.broadcast %jit3A_397 : i32 to vector<16xi32>
    %select_n3A_399 = arith.select %eq3A_396, %scan3A_359#1, %broadcast_in_dim3A_398 : vector<16xi1>, vector<16xi32>
    %swap3A_400 = arith.constant 0 : index
    %swap3A_401 = tpu.vector_load %arg7[%swap3A_400] {strides = array<i32>} : memref<32xi32, #tpu.memory_space<vmem>>, vector<16xi32>,
    %swap3A_402 = vector.shape_cast %swap3A_401 : vector<16xi32> to vector<16xi32>
    %swap3A_403 = vector.shape_cast %select_n3A_399 : vector<16xi32> to vector<16xi32>
    tpu.vector_store %arg7[%swap3A_400], %swap3A_403 {strides = array<i32>} : memref<32xi32, #tpu.memory_space<vmem>>, vector<16xi32>,
    %get3A_404 = arith.constant 8 : index
    %get3A_405 = tpu.vector_load %arg7[%get3A_404] {strides = array<i32>} : memref<32xi32, #tpu.memory_space<vmem>>, vector<16xi32>,
    %get3A_406 = vector.shape_cast %get3A_405 : vector<16xi32> to vector<16xi32>
    %min3A_407 = arith.minsi %select_n3A_399, %get3A_406 : vector<16xi32>
    %swap3A_408 = arith.constant 0 : index
    %swap3A_409 = tpu.vector_load %arg7[%swap3A_408] {strides = array<i32>} : memref<32xi32, #tpu.memory_space<vmem>>, vector<16xi32>,
    %swap3A_410 = vector.shape_cast %swap3A_409 : vector<16xi32> to vector<16xi32>
    %swap3A_411 = vector.shape_cast %min3A_407 : vector<16xi32> to vector<16xi32>
    tpu.vector_store %arg7[%swap3A_408], %swap3A_411 {strides = array<i32>} : memref<32xi32, #tpu.memory_space<vmem>>, vector<16xi32>,
    %get3A_412 = arith.constant 4 : index
    %get3A_413 = tpu.vector_load %arg7[%get3A_412] {strides = array<i32>} : memref<32xi32, #tpu.memory_space<vmem>>, vector<16xi32>,
    %get3A_414 = vector.shape_cast %get3A_413 : vector<16xi32> to vector<16xi32>
    %min3A_415 = arith.minsi %min3A_407, %get3A_414 : vector<16xi32>
    %swap3A_416 = arith.constant 0 : index
    %swap3A_417 = tpu.vector_load %arg7[%swap3A_416] {strides = array<i32>} : memref<32xi32, #tpu.memory_space<vmem>>, vector<16xi32>,
    %swap3A_418 = vector.shape_cast %swap3A_417 : vector<16xi32> to vector<16xi32>
    %swap3A_419 = vector.shape_cast %min3A_415 : vector<16xi32> to vector<16xi32>
    tpu.vector_store %arg7[%swap3A_416], %swap3A_419 {strides = array<i32>} : memref<32xi32, #tpu.memory_space<vmem>>, vector<16xi32>,
    %get3A_420 = arith.constant 2 : index
    %get3A_421 = tpu.vector_load %arg7[%get3A_420] {strides = array<i32>} : memref<32xi32, #tpu.memory_space<vmem>>, vector<16xi32>,
    %get3A_422 = vector.shape_cast %get3A_421 : vector<16xi32> to vector<16xi32>
    %min3A_423 = arith.minsi %min3A_415, %get3A_422 : vector<16xi32>
    %swap3A_424 = arith.constant 0 : index
    %swap3A_425 = tpu.vector_load %arg7[%swap3A_424] {strides = array<i32>} : memref<32xi32, #tpu.memory_space<vmem>>, vector<16xi32>,
    %swap3A_426 = vector.shape_cast %swap3A_425 : vector<16xi32> to vector<16xi32>
    %swap3A_427 = vector.shape_cast %min3A_423 : vector<16xi32> to vector<16xi32>
    tpu.vector_store %arg7[%swap3A_424], %swap3A_427 {strides = array<i32>} : memref<32xi32, #tpu.memory_space<vmem>>, vector<16xi32>,
    %get3A_428 = arith.constant 1 : index
    %get3A_429 = tpu.vector_load %arg7[%get3A_428] {strides = array<i32>} : memref<32xi32, #tpu.memory_space<vmem>>, vector<16xi32>,
    %get3A_430 = vector.shape_cast %get3A_429 : vector<16xi32> to vector<16xi32>
    %min3A_431 = arith.minsi %min3A_423, %get3A_430 : vector<16xi32>
    %slice3A_432 = vector.extract_strided_slice %min3A_431 {offsets = [0], sizes = [1], strides = [1]} : vector<16xi32> to vector<1xi32>
    %squeeze3A_433 = vector.extract %slice3A_432[0] : i32 from vector<1xi32>
    %eq3A_434 = arith.constant 4 : i32
    %eq3A_435 = vector.broadcast %eq3A_434 : i32 to vector<16xi32>
    %eq3A_436 = arith.cmpi eq, %iota3A, %eq3A_435 : vector<16xi32>
    %broadcast_in_dim3A_437 = vector.broadcast %squeeze3A_433 : i32 to vector<16xi32>
    %select_n3A_438 = arith.select %eq3A_436, %broadcast_in_dim3A_437, %select_n3A_349 : vector<16xi1>, vector<16xi32>
    %get3A_439 = arith.constant 5 : i32
    %get3A_440 = arith.index_cast %get3A_439 : i32 to index
    %get3A_441 = arith.constant 0 : index
    %get3A_442 = tpu.vector_load %arg4[%get3A_440, %get3A_441] {strides = array<i32>} : memref<32x512xf32, #tpu.memory_space<vmem>>, vector<1x16xf32>,
    %get3A_443 = vector.shape_cast %get3A_442 : vector<1x16xf32> to vector<16xf32>
    %scan3A_444 = arith.constant 1 : i32
    %scan3A_445 = arith.constant 31 : i32
    %scan3A_446 = arith.addi %scan3A_444, %scan3A_445 : i32
    %scan3A_447 = arith.constant 1 : i32
    %scan3A_448:2 = scf.for %scan3A_2852 = %scan3A_444 to %scan3A_446 step %scan3A_447 iter_args(%scan3A_2853 = %get3A_443, %scan3A_2854 = %iota3A) -> (vector<16xf32>, vector<16xi32>)  : i32 {
      %mul3A_2855 = arith.constant 16 : i32
      %mul3A_2856 = arith.muli %scan3A_2852, %mul3A_2855 : i32
      %get3A_2857 = arith.constant 5 : i32
      %get3A_2858 = arith.index_cast %get3A_2857 : i32 to index
      %get3A_2859 = arith.index_cast %mul3A_2856 : i32 to index
      %get3A_2860 = tpu.vector_load %arg4[%get3A_2858, %get3A_2859] {strides = array<i32>} : memref<32x512xf32, #tpu.memory_space<vmem>>, vector<1x16xf32>,
      %get3A_2861 = vector.shape_cast %get3A_2860 : vector<1x16xf32> to vector<16xf32>
      %gt3A = arith.cmpf ogt, %get3A_2861, %scan3A_2853 : vector<16xf32>
      %select_n3A_2862 = arith.select %gt3A, %get3A_2861, %scan3A_2853 : vector<16xi1>, vector<16xf32>
      %mul3A_2863 = arith.constant 16 : i32
      %mul3A_2864 = arith.muli %scan3A_2852, %mul3A_2863 : i32
      %add3A_2865 = vector.broadcast %mul3A_2864 : i32 to vector<16xi32>
      %add3A_2866 = arith.addi %iota3A, %add3A_2865 : vector<16xi32>
      %select_n3A_2867 = arith.select %gt3A, %add3A_2866, %scan3A_2854 : vector<16xi1>, vector<16xi32>
      scf.yield %select_n3A_2862, %select_n3A_2867 : vector<16xf32>, vector<16xi32>
    }
    %scan3A_449 = arith.constant 31 : i32
    %swap3A_450 = arith.constant 0 : index
    %swap3A_451 = tpu.vector_load %arg6[%swap3A_450] {strides = array<i32>} : memref<32xf32, #tpu.memory_space<vmem>>, vector<16xf32>,
    %swap3A_452 = vector.shape_cast %swap3A_451 : vector<16xf32> to vector<16xf32>
    %swap3A_453 = vector.shape_cast %scan3A_448#0 : vector<16xf32> to vector<16xf32>
    tpu.vector_store %arg6[%swap3A_450], %swap3A_453 {strides = array<i32>} : memref<32xf32, #tpu.memory_space<vmem>>, vector<16xf32>,
    %get3A_454 = arith.constant 8 : index
    %get3A_455 = tpu.vector_load %arg6[%get3A_454] {strides = array<i32>} : memref<32xf32, #tpu.memory_space<vmem>>, vector<16xf32>,
    %get3A_456 = vector.shape_cast %get3A_455 : vector<16xf32> to vector<16xf32>
    %max3A_457 = arith.maximumf %scan3A_448#0, %get3A_456 : vector<16xf32>
    %swap3A_458 = arith.constant 0 : index
    %swap3A_459 = tpu.vector_load %arg6[%swap3A_458] {strides = array<i32>} : memref<32xf32, #tpu.memory_space<vmem>>, vector<16xf32>,
    %swap3A_460 = vector.shape_cast %swap3A_459 : vector<16xf32> to vector<16xf32>
    %swap3A_461 = vector.shape_cast %max3A_457 : vector<16xf32> to vector<16xf32>
    tpu.vector_store %arg6[%swap3A_458], %swap3A_461 {strides = array<i32>} : memref<32xf32, #tpu.memory_space<vmem>>, vector<16xf32>,
    %get3A_462 = arith.constant 4 : index
    %get3A_463 = tpu.vector_load %arg6[%get3A_462] {strides = array<i32>} : memref<32xf32, #tpu.memory_space<vmem>>, vector<16xf32>,
    %get3A_464 = vector.shape_cast %get3A_463 : vector<16xf32> to vector<16xf32>
    %max3A_465 = arith.maximumf %max3A_457, %get3A_464 : vector<16xf32>
    %swap3A_466 = arith.constant 0 : index
    %swap3A_467 = tpu.vector_load %arg6[%swap3A_466] {strides = array<i32>} : memref<32xf32, #tpu.memory_space<vmem>>, vector<16xf32>,
    %swap3A_468 = vector.shape_cast %swap3A_467 : vector<16xf32> to vector<16xf32>
    %swap3A_469 = vector.shape_cast %max3A_465 : vector<16xf32> to vector<16xf32>
    tpu.vector_store %arg6[%swap3A_466], %swap3A_469 {strides = array<i32>} : memref<32xf32, #tpu.memory_space<vmem>>, vector<16xf32>,
    %get3A_470 = arith.constant 2 : index
    %get3A_471 = tpu.vector_load %arg6[%get3A_470] {strides = array<i32>} : memref<32xf32, #tpu.memory_space<vmem>>, vector<16xf32>,
    %get3A_472 = vector.shape_cast %get3A_471 : vector<16xf32> to vector<16xf32>
    %max3A_473 = arith.maximumf %max3A_465, %get3A_472 : vector<16xf32>
    %swap3A_474 = arith.constant 0 : index
    %swap3A_475 = tpu.vector_load %arg6[%swap3A_474] {strides = array<i32>} : memref<32xf32, #tpu.memory_space<vmem>>, vector<16xf32>,
    %swap3A_476 = vector.shape_cast %swap3A_475 : vector<16xf32> to vector<16xf32>
    %swap3A_477 = vector.shape_cast %max3A_473 : vector<16xf32> to vector<16xf32>
    tpu.vector_store %arg6[%swap3A_474], %swap3A_477 {strides = array<i32>} : memref<32xf32, #tpu.memory_space<vmem>>, vector<16xf32>,
    %get3A_478 = arith.constant 1 : index
    %get3A_479 = tpu.vector_load %arg6[%get3A_478] {strides = array<i32>} : memref<32xf32, #tpu.memory_space<vmem>>, vector<16xf32>,
    %get3A_480 = vector.shape_cast %get3A_479 : vector<16xf32> to vector<16xf32>
    %max3A_481 = arith.maximumf %max3A_473, %get3A_480 : vector<16xf32>
    %slice3A_482 = vector.extract_strided_slice %max3A_481 {offsets = [0], sizes = [1], strides = [1]} : vector<16xf32> to vector<1xf32>
    %squeeze3A_483 = vector.extract %slice3A_482[0] : f32 from vector<1xf32>
    %eq3A_484 = vector.broadcast %squeeze3A_483 : f32 to vector<16xf32>
    %eq3A_485 = arith.cmpf oeq, %scan3A_448#0, %eq3A_484 : vector<16xf32>
    %jit3A_486 = arith.constant 512 : i32
    %broadcast_in_dim3A_487 = vector.broadcast %jit3A_486 : i32 to vector<16xi32>
    %select_n3A_488 = arith.select %eq3A_485, %scan3A_448#1, %broadcast_in_dim3A_487 : vector<16xi1>, vector<16xi32>
    %swap3A_489 = arith.constant 0 : index
    %swap3A_490 = tpu.vector_load %arg7[%swap3A_489] {strides = array<i32>} : memref<32xi32, #tpu.memory_space<vmem>>, vector<16xi32>,
    %swap3A_491 = vector.shape_cast %swap3A_490 : vector<16xi32> to vector<16xi32>
    %swap3A_492 = vector.shape_cast %select_n3A_488 : vector<16xi32> to vector<16xi32>
    tpu.vector_store %arg7[%swap3A_489], %swap3A_492 {strides = array<i32>} : memref<32xi32, #tpu.memory_space<vmem>>, vector<16xi32>,
    %get3A_493 = arith.constant 8 : index
    %get3A_494 = tpu.vector_load %arg7[%get3A_493] {strides = array<i32>} : memref<32xi32, #tpu.memory_space<vmem>>, vector<16xi32>,
    %get3A_495 = vector.shape_cast %get3A_494 : vector<16xi32> to vector<16xi32>
    %min3A_496 = arith.minsi %select_n3A_488, %get3A_495 : vector<16xi32>
    %swap3A_497 = arith.constant 0 : index
    %swap3A_498 = tpu.vector_load %arg7[%swap3A_497] {strides = array<i32>} : memref<32xi32, #tpu.memory_space<vmem>>, vector<16xi32>,
    %swap3A_499 = vector.shape_cast %swap3A_498 : vector<16xi32> to vector<16xi32>
    %swap3A_500 = vector.shape_cast %min3A_496 : vector<16xi32> to vector<16xi32>
    tpu.vector_store %arg7[%swap3A_497], %swap3A_500 {strides = array<i32>} : memref<32xi32, #tpu.memory_space<vmem>>, vector<16xi32>,
    %get3A_501 = arith.constant 4 : index
    %get3A_502 = tpu.vector_load %arg7[%get3A_501] {strides = array<i32>} : memref<32xi32, #tpu.memory_space<vmem>>, vector<16xi32>,
    %get3A_503 = vector.shape_cast %get3A_502 : vector<16xi32> to vector<16xi32>
    %min3A_504 = arith.minsi %min3A_496, %get3A_503 : vector<16xi32>
    %swap3A_505 = arith.constant 0 : index
    %swap3A_506 = tpu.vector_load %arg7[%swap3A_505] {strides = array<i32>} : memref<32xi32, #tpu.memory_space<vmem>>, vector<16xi32>,
    %swap3A_507 = vector.shape_cast %swap3A_506 : vector<16xi32> to vector<16xi32>
    %swap3A_508 = vector.shape_cast %min3A_504 : vector<16xi32> to vector<16xi32>
    tpu.vector_store %arg7[%swap3A_505], %swap3A_508 {strides = array<i32>} : memref<32xi32, #tpu.memory_space<vmem>>, vector<16xi32>,
    %get3A_509 = arith.constant 2 : index
    %get3A_510 = tpu.vector_load %arg7[%get3A_509] {strides = array<i32>} : memref<32xi32, #tpu.memory_space<vmem>>, vector<16xi32>,
    %get3A_511 = vector.shape_cast %get3A_510 : vector<16xi32> to vector<16xi32>
    %min3A_512 = arith.minsi %min3A_504, %get3A_511 : vector<16xi32>
    %swap3A_513 = arith.constant 0 : index
    %swap3A_514 = tpu.vector_load %arg7[%swap3A_513] {strides = array<i32>} : memref<32xi32, #tpu.memory_space<vmem>>, vector<16xi32>,
    %swap3A_515 = vector.shape_cast %swap3A_514 : vector<16xi32> to vector<16xi32>
    %swap3A_516 = vector.shape_cast %min3A_512 : vector<16xi32> to vector<16xi32>
    tpu.vector_store %arg7[%swap3A_513], %swap3A_516 {strides = array<i32>} : memref<32xi32, #tpu.memory_space<vmem>>, vector<16xi32>,
    %get3A_517 = arith.constant 1 : index
    %get3A_518 = tpu.vector_load %arg7[%get3A_517] {strides = array<i32>} : memref<32xi32, #tpu.memory_space<vmem>>, vector<16xi32>,
    %get3A_519 = vector.shape_cast %get3A_518 : vector<16xi32> to vector<16xi32>
    %min3A_520 = arith.minsi %min3A_512, %get3A_519 : vector<16xi32>
    %slice3A_521 = vector.extract_strided_slice %min3A_520 {offsets = [0], sizes = [1], strides = [1]} : vector<16xi32> to vector<1xi32>
    %squeeze3A_522 = vector.extract %slice3A_521[0] : i32 from vector<1xi32>
    %eq3A_523 = arith.constant 5 : i32
    %eq3A_524 = vector.broadcast %eq3A_523 : i32 to vector<16xi32>
    %eq3A_525 = arith.cmpi eq, %iota3A, %eq3A_524 : vector<16xi32>
    %broadcast_in_dim3A_526 = vector.broadcast %squeeze3A_522 : i32 to vector<16xi32>
    %select_n3A_527 = arith.select %eq3A_525, %broadcast_in_dim3A_526, %select_n3A_438 : vector<16xi1>, vector<16xi32>
    %get3A_528 = arith.constant 6 : i32
    %get3A_529 = arith.index_cast %get3A_528 : i32 to index
    %get3A_530 = arith.constant 0 : index
    %get3A_531 = tpu.vector_load %arg4[%get3A_529, %get3A_530] {strides = array<i32>} : memref<32x512xf32, #tpu.memory_space<vmem>>, vector<1x16xf32>,
    %get3A_532 = vector.shape_cast %get3A_531 : vector<1x16xf32> to vector<16xf32>
    %scan3A_533 = arith.constant 1 : i32
    %scan3A_534 = arith.constant 31 : i32
    %scan3A_535 = arith.addi %scan3A_533, %scan3A_534 : i32
    %scan3A_536 = arith.constant 1 : i32
    %scan3A_537:2 = scf.for %scan3A_2852 = %scan3A_533 to %scan3A_535 step %scan3A_536 iter_args(%scan3A_2853 = %get3A_532, %scan3A_2854 = %iota3A) -> (vector<16xf32>, vector<16xi32>)  : i32 {
      %mul3A_2855 = arith.constant 16 : i32
      %mul3A_2856 = arith.muli %scan3A_2852, %mul3A_2855 : i32
      %get3A_2857 = arith.constant 6 : i32
      %get3A_2858 = arith.index_cast %get3A_2857 : i32 to index
      %get3A_2859 = arith.index_cast %mul3A_2856 : i32 to index
      %get3A_2860 = tpu.vector_load %arg4[%get3A_2858, %get3A_2859] {strides = array<i32>} : memref<32x512xf32, #tpu.memory_space<vmem>>, vector<1x16xf32>,
      %get3A_2861 = vector.shape_cast %get3A_2860 : vector<1x16xf32> to vector<16xf32>
      %gt3A = arith.cmpf ogt, %get3A_2861, %scan3A_2853 : vector<16xf32>
      %select_n3A_2862 = arith.select %gt3A, %get3A_2861, %scan3A_2853 : vector<16xi1>, vector<16xf32>
      %mul3A_2863 = arith.constant 16 : i32
      %mul3A_2864 = arith.muli %scan3A_2852, %mul3A_2863 : i32
      %add3A_2865 = vector.broadcast %mul3A_2864 : i32 to vector<16xi32>
      %add3A_2866 = arith.addi %iota3A, %add3A_2865 : vector<16xi32>
      %select_n3A_2867 = arith.select %gt3A, %add3A_2866, %scan3A_2854 : vector<16xi1>, vector<16xi32>
      scf.yield %select_n3A_2862, %select_n3A_2867 : vector<16xf32>, vector<16xi32>
    }
    %scan3A_538 = arith.constant 31 : i32
    %swap3A_539 = arith.constant 0 : index
    %swap3A_540 = tpu.vector_load %arg6[%swap3A_539] {strides = array<i32>} : memref<32xf32, #tpu.memory_space<vmem>>, vector<16xf32>,
    %swap3A_541 = vector.shape_cast %swap3A_540 : vector<16xf32> to vector<16xf32>
    %swap3A_542 = vector.shape_cast %scan3A_537#0 : vector<16xf32> to vector<16xf32>
    tpu.vector_store %arg6[%swap3A_539], %swap3A_542 {strides = array<i32>} : memref<32xf32, #tpu.memory_space<vmem>>, vector<16xf32>,
    %get3A_543 = arith.constant 8 : index
    %get3A_544 = tpu.vector_load %arg6[%get3A_543] {strides = array<i32>} : memref<32xf32, #tpu.memory_space<vmem>>, vector<16xf32>,
    %get3A_545 = vector.shape_cast %get3A_544 : vector<16xf32> to vector<16xf32>
    %max3A_546 = arith.maximumf %scan3A_537#0, %get3A_545 : vector<16xf32>
    %swap3A_547 = arith.constant 0 : index
    %swap3A_548 = tpu.vector_load %arg6[%swap3A_547] {strides = array<i32>} : memref<32xf32, #tpu.memory_space<vmem>>, vector<16xf32>,
    %swap3A_549 = vector.shape_cast %swap3A_548 : vector<16xf32> to vector<16xf32>
    %swap3A_550 = vector.shape_cast %max3A_546 : vector<16xf32> to vector<16xf32>
    tpu.vector_store %arg6[%swap3A_547], %swap3A_550 {strides = array<i32>} : memref<32xf32, #tpu.memory_space<vmem>>, vector<16xf32>,
    %get3A_551 = arith.constant 4 : index
    %get3A_552 = tpu.vector_load %arg6[%get3A_551] {strides = array<i32>} : memref<32xf32, #tpu.memory_space<vmem>>, vector<16xf32>,
    %get3A_553 = vector.shape_cast %get3A_552 : vector<16xf32> to vector<16xf32>
    %max3A_554 = arith.maximumf %max3A_546, %get3A_553 : vector<16xf32>
    %swap3A_555 = arith.constant 0 : index
    %swap3A_556 = tpu.vector_load %arg6[%swap3A_555] {strides = array<i32>} : memref<32xf32, #tpu.memory_space<vmem>>, vector<16xf32>,
    %swap3A_557 = vector.shape_cast %swap3A_556 : vector<16xf32> to vector<16xf32>
    %swap3A_558 = vector.shape_cast %max3A_554 : vector<16xf32> to vector<16xf32>
    tpu.vector_store %arg6[%swap3A_555], %swap3A_558 {strides = array<i32>} : memref<32xf32, #tpu.memory_space<vmem>>, vector<16xf32>,
    %get3A_559 = arith.constant 2 : index
    %get3A_560 = tpu.vector_load %arg6[%get3A_559] {strides = array<i32>} : memref<32xf32, #tpu.memory_space<vmem>>, vector<16xf32>,
    %get3A_561 = vector.shape_cast %get3A_560 : vector<16xf32> to vector<16xf32>
    %max3A_562 = arith.maximumf %max3A_554, %get3A_561 : vector<16xf32>
    %swap3A_563 = arith.constant 0 : index
    %swap3A_564 = tpu.vector_load %arg6[%swap3A_563] {strides = array<i32>} : memref<32xf32, #tpu.memory_space<vmem>>, vector<16xf32>,
    %swap3A_565 = vector.shape_cast %swap3A_564 : vector<16xf32> to vector<16xf32>
    %swap3A_566 = vector.shape_cast %max3A_562 : vector<16xf32> to vector<16xf32>
    tpu.vector_store %arg6[%swap3A_563], %swap3A_566 {strides = array<i32>} : memref<32xf32, #tpu.memory_space<vmem>>, vector<16xf32>,
    %get3A_567 = arith.constant 1 : index
    %get3A_568 = tpu.vector_load %arg6[%get3A_567] {strides = array<i32>} : memref<32xf32, #tpu.memory_space<vmem>>, vector<16xf32>,
    %get3A_569 = vector.shape_cast %get3A_568 : vector<16xf32> to vector<16xf32>
    %max3A_570 = arith.maximumf %max3A_562, %get3A_569 : vector<16xf32>
    %slice3A_571 = vector.extract_strided_slice %max3A_570 {offsets = [0], sizes = [1], strides = [1]} : vector<16xf32> to vector<1xf32>
    %squeeze3A_572 = vector.extract %slice3A_571[0] : f32 from vector<1xf32>
    %eq3A_573 = vector.broadcast %squeeze3A_572 : f32 to vector<16xf32>
    %eq3A_574 = arith.cmpf oeq, %scan3A_537#0, %eq3A_573 : vector<16xf32>
    %jit3A_575 = arith.constant 512 : i32
    %broadcast_in_dim3A_576 = vector.broadcast %jit3A_575 : i32 to vector<16xi32>
    %select_n3A_577 = arith.select %eq3A_574, %scan3A_537#1, %broadcast_in_dim3A_576 : vector<16xi1>, vector<16xi32>
    %swap3A_578 = arith.constant 0 : index
    %swap3A_579 = tpu.vector_load %arg7[%swap3A_578] {strides = array<i32>} : memref<32xi32, #tpu.memory_space<vmem>>, vector<16xi32>,
    %swap3A_580 = vector.shape_cast %swap3A_579 : vector<16xi32> to vector<16xi32>
    %swap3A_581 = vector.shape_cast %select_n3A_577 : vector<16xi32> to vector<16xi32>
    tpu.vector_store %arg7[%swap3A_578], %swap3A_581 {strides = array<i32>} : memref<32xi32, #tpu.memory_space<vmem>>, vector<16xi32>,
    %get3A_582 = arith.constant 8 : index
    %get3A_583 = tpu.vector_load %arg7[%get3A_582] {strides = array<i32>} : memref<32xi32, #tpu.memory_space<vmem>>, vector<16xi32>,
    %get3A_584 = vector.shape_cast %get3A_583 : vector<16xi32> to vector<16xi32>
    %min3A_585 = arith.minsi %select_n3A_577, %get3A_584 : vector<16xi32>
    %swap3A_586 = arith.constant 0 : index
    %swap3A_587 = tpu.vector_load %arg7[%swap3A_586] {strides = array<i32>} : memref<32xi32, #tpu.memory_space<vmem>>, vector<16xi32>,
    %swap3A_588 = vector.shape_cast %swap3A_587 : vector<16xi32> to vector<16xi32>
    %swap3A_589 = vector.shape_cast %min3A_585 : vector<16xi32> to vector<16xi32>
    tpu.vector_store %arg7[%swap3A_586], %swap3A_589 {strides = array<i32>} : memref<32xi32, #tpu.memory_space<vmem>>, vector<16xi32>,
    %get3A_590 = arith.constant 4 : index
    %get3A_591 = tpu.vector_load %arg7[%get3A_590] {strides = array<i32>} : memref<32xi32, #tpu.memory_space<vmem>>, vector<16xi32>,
    %get3A_592 = vector.shape_cast %get3A_591 : vector<16xi32> to vector<16xi32>
    %min3A_593 = arith.minsi %min3A_585, %get3A_592 : vector<16xi32>
    %swap3A_594 = arith.constant 0 : index
    %swap3A_595 = tpu.vector_load %arg7[%swap3A_594] {strides = array<i32>} : memref<32xi32, #tpu.memory_space<vmem>>, vector<16xi32>,
    %swap3A_596 = vector.shape_cast %swap3A_595 : vector<16xi32> to vector<16xi32>
    %swap3A_597 = vector.shape_cast %min3A_593 : vector<16xi32> to vector<16xi32>
    tpu.vector_store %arg7[%swap3A_594], %swap3A_597 {strides = array<i32>} : memref<32xi32, #tpu.memory_space<vmem>>, vector<16xi32>,
    %get3A_598 = arith.constant 2 : index
    %get3A_599 = tpu.vector_load %arg7[%get3A_598] {strides = array<i32>} : memref<32xi32, #tpu.memory_space<vmem>>, vector<16xi32>,
    %get3A_600 = vector.shape_cast %get3A_599 : vector<16xi32> to vector<16xi32>
    %min3A_601 = arith.minsi %min3A_593, %get3A_600 : vector<16xi32>
    %swap3A_602 = arith.constant 0 : index
    %swap3A_603 = tpu.vector_load %arg7[%swap3A_602] {strides = array<i32>} : memref<32xi32, #tpu.memory_space<vmem>>, vector<16xi32>,
    %swap3A_604 = vector.shape_cast %swap3A_603 : vector<16xi32> to vector<16xi32>
    %swap3A_605 = vector.shape_cast %min3A_601 : vector<16xi32> to vector<16xi32>
    tpu.vector_store %arg7[%swap3A_602], %swap3A_605 {strides = array<i32>} : memref<32xi32, #tpu.memory_space<vmem>>, vector<16xi32>,
    %get3A_606 = arith.constant 1 : index
    %get3A_607 = tpu.vector_load %arg7[%get3A_606] {strides = array<i32>} : memref<32xi32, #tpu.memory_space<vmem>>, vector<16xi32>,
    %get3A_608 = vector.shape_cast %get3A_607 : vector<16xi32> to vector<16xi32>
    %min3A_609 = arith.minsi %min3A_601, %get3A_608 : vector<16xi32>
    %slice3A_610 = vector.extract_strided_slice %min3A_609 {offsets = [0], sizes = [1], strides = [1]} : vector<16xi32> to vector<1xi32>
    %squeeze3A_611 = vector.extract %slice3A_610[0] : i32 from vector<1xi32>
    %eq3A_612 = arith.constant 6 : i32
    %eq3A_613 = vector.broadcast %eq3A_612 : i32 to vector<16xi32>
    %eq3A_614 = arith.cmpi eq, %iota3A, %eq3A_613 : vector<16xi32>
    %broadcast_in_dim3A_615 = vector.broadcast %squeeze3A_611 : i32 to vector<16xi32>
    %select_n3A_616 = arith.select %eq3A_614, %broadcast_in_dim3A_615, %select_n3A_527 : vector<16xi1>, vector<16xi32>
    %get3A_617 = arith.constant 7 : i32
    %get3A_618 = arith.index_cast %get3A_617 : i32 to index
    %get3A_619 = arith.constant 0 : index
    %get3A_620 = tpu.vector_load %arg4[%get3A_618, %get3A_619] {strides = array<i32>} : memref<32x512xf32, #tpu.memory_space<vmem>>, vector<1x16xf32>,
    %get3A_621 = vector.shape_cast %get3A_620 : vector<1x16xf32> to vector<16xf32>
    %scan3A_622 = arith.constant 1 : i32
    %scan3A_623 = arith.constant 31 : i32
    %scan3A_624 = arith.addi %scan3A_622, %scan3A_623 : i32
    %scan3A_625 = arith.constant 1 : i32
    %scan3A_626:2 = scf.for %scan3A_2852 = %scan3A_622 to %scan3A_624 step %scan3A_625 iter_args(%scan3A_2853 = %get3A_621, %scan3A_2854 = %iota3A) -> (vector<16xf32>, vector<16xi32>)  : i32 {
      %mul3A_2855 = arith.constant 16 : i32
      %mul3A_2856 = arith.muli %scan3A_2852, %mul3A_2855 : i32
      %get3A_2857 = arith.constant 7 : i32
      %get3A_2858 = arith.index_cast %get3A_2857 : i32 to index
      %get3A_2859 = arith.index_cast %mul3A_2856 : i32 to index
      %get3A_2860 = tpu.vector_load %arg4[%get3A_2858, %get3A_2859] {strides = array<i32>} : memref<32x512xf32, #tpu.memory_space<vmem>>, vector<1x16xf32>,
      %get3A_2861 = vector.shape_cast %get3A_2860 : vector<1x16xf32> to vector<16xf32>
      %gt3A = arith.cmpf ogt, %get3A_2861, %scan3A_2853 : vector<16xf32>
      %select_n3A_2862 = arith.select %gt3A, %get3A_2861, %scan3A_2853 : vector<16xi1>, vector<16xf32>
      %mul3A_2863 = arith.constant 16 : i32
      %mul3A_2864 = arith.muli %scan3A_2852, %mul3A_2863 : i32
      %add3A_2865 = vector.broadcast %mul3A_2864 : i32 to vector<16xi32>
      %add3A_2866 = arith.addi %iota3A, %add3A_2865 : vector<16xi32>
      %select_n3A_2867 = arith.select %gt3A, %add3A_2866, %scan3A_2854 : vector<16xi1>, vector<16xi32>
      scf.yield %select_n3A_2862, %select_n3A_2867 : vector<16xf32>, vector<16xi32>
    }
    %scan3A_627 = arith.constant 31 : i32
    %swap3A_628 = arith.constant 0 : index
    %swap3A_629 = tpu.vector_load %arg6[%swap3A_628] {strides = array<i32>} : memref<32xf32, #tpu.memory_space<vmem>>, vector<16xf32>,
    %swap3A_630 = vector.shape_cast %swap3A_629 : vector<16xf32> to vector<16xf32>
    %swap3A_631 = vector.shape_cast %scan3A_626#0 : vector<16xf32> to vector<16xf32>
    tpu.vector_store %arg6[%swap3A_628], %swap3A_631 {strides = array<i32>} : memref<32xf32, #tpu.memory_space<vmem>>, vector<16xf32>,
    %get3A_632 = arith.constant 8 : index
    %get3A_633 = tpu.vector_load %arg6[%get3A_632] {strides = array<i32>} : memref<32xf32, #tpu.memory_space<vmem>>, vector<16xf32>,
    %get3A_634 = vector.shape_cast %get3A_633 : vector<16xf32> to vector<16xf32>
    %max3A_635 = arith.maximumf %scan3A_626#0, %get3A_634 : vector<16xf32>
    %swap3A_636 = arith.constant 0 : index
    %swap3A_637 = tpu.vector_load %arg6[%swap3A_636] {strides = array<i32>} : memref<32xf32, #tpu.memory_space<vmem>>, vector<16xf32>,
    %swap3A_638 = vector.shape_cast %swap3A_637 : vector<16xf32> to vector<16xf32>
    %swap3A_639 = vector.shape_cast %max3A_635 : vector<16xf32> to vector<16xf32>
    tpu.vector_store %arg6[%swap3A_636], %swap3A_639 {strides = array<i32>} : memref<32xf32, #tpu.memory_space<vmem>>, vector<16xf32>,
    %get3A_640 = arith.constant 4 : index
    %get3A_641 = tpu.vector_load %arg6[%get3A_640] {strides = array<i32>} : memref<32xf32, #tpu.memory_space<vmem>>, vector<16xf32>,
    %get3A_642 = vector.shape_cast %get3A_641 : vector<16xf32> to vector<16xf32>
    %max3A_643 = arith.maximumf %max3A_635, %get3A_642 : vector<16xf32>
    %swap3A_644 = arith.constant 0 : index
    %swap3A_645 = tpu.vector_load %arg6[%swap3A_644] {strides = array<i32>} : memref<32xf32, #tpu.memory_space<vmem>>, vector<16xf32>,
    %swap3A_646 = vector.shape_cast %swap3A_645 : vector<16xf32> to vector<16xf32>
    %swap3A_647 = vector.shape_cast %max3A_643 : vector<16xf32> to vector<16xf32>
    tpu.vector_store %arg6[%swap3A_644], %swap3A_647 {strides = array<i32>} : memref<32xf32, #tpu.memory_space<vmem>>, vector<16xf32>,
    %get3A_648 = arith.constant 2 : index
    %get3A_649 = tpu.vector_load %arg6[%get3A_648] {strides = array<i32>} : memref<32xf32, #tpu.memory_space<vmem>>, vector<16xf32>,
    %get3A_650 = vector.shape_cast %get3A_649 : vector<16xf32> to vector<16xf32>
    %max3A_651 = arith.maximumf %max3A_643, %get3A_650 : vector<16xf32>
    %swap3A_652 = arith.constant 0 : index
    %swap3A_653 = tpu.vector_load %arg6[%swap3A_652] {strides = array<i32>} : memref<32xf32, #tpu.memory_space<vmem>>, vector<16xf32>,
    %swap3A_654 = vector.shape_cast %swap3A_653 : vector<16xf32> to vector<16xf32>
    %swap3A_655 = vector.shape_cast %max3A_651 : vector<16xf32> to vector<16xf32>
    tpu.vector_store %arg6[%swap3A_652], %swap3A_655 {strides = array<i32>} : memref<32xf32, #tpu.memory_space<vmem>>, vector<16xf32>,
    %get3A_656 = arith.constant 1 : index
    %get3A_657 = tpu.vector_load %arg6[%get3A_656] {strides = array<i32>} : memref<32xf32, #tpu.memory_space<vmem>>, vector<16xf32>,
    %get3A_658 = vector.shape_cast %get3A_657 : vector<16xf32> to vector<16xf32>
    %max3A_659 = arith.maximumf %max3A_651, %get3A_658 : vector<16xf32>
    %slice3A_660 = vector.extract_strided_slice %max3A_659 {offsets = [0], sizes = [1], strides = [1]} : vector<16xf32> to vector<1xf32>
    %squeeze3A_661 = vector.extract %slice3A_660[0] : f32 from vector<1xf32>
    %eq3A_662 = vector.broadcast %squeeze3A_661 : f32 to vector<16xf32>
    %eq3A_663 = arith.cmpf oeq, %scan3A_626#0, %eq3A_662 : vector<16xf32>
    %jit3A_664 = arith.constant 512 : i32
    %broadcast_in_dim3A_665 = vector.broadcast %jit3A_664 : i32 to vector<16xi32>
    %select_n3A_666 = arith.select %eq3A_663, %scan3A_626#1, %broadcast_in_dim3A_665 : vector<16xi1>, vector<16xi32>
    %swap3A_667 = arith.constant 0 : index
    %swap3A_668 = tpu.vector_load %arg7[%swap3A_667] {strides = array<i32>} : memref<32xi32, #tpu.memory_space<vmem>>, vector<16xi32>,
    %swap3A_669 = vector.shape_cast %swap3A_668 : vector<16xi32> to vector<16xi32>
    %swap3A_670 = vector.shape_cast %select_n3A_666 : vector<16xi32> to vector<16xi32>
    tpu.vector_store %arg7[%swap3A_667], %swap3A_670 {strides = array<i32>} : memref<32xi32, #tpu.memory_space<vmem>>, vector<16xi32>,
    %get3A_671 = arith.constant 8 : index
    %get3A_672 = tpu.vector_load %arg7[%get3A_671] {strides = array<i32>} : memref<32xi32, #tpu.memory_space<vmem>>, vector<16xi32>,
    %get3A_673 = vector.shape_cast %get3A_672 : vector<16xi32> to vector<16xi32>
    %min3A_674 = arith.minsi %select_n3A_666, %get3A_673 : vector<16xi32>
    %swap3A_675 = arith.constant 0 : index
    %swap3A_676 = tpu.vector_load %arg7[%swap3A_675] {strides = array<i32>} : memref<32xi32, #tpu.memory_space<vmem>>, vector<16xi32>,
    %swap3A_677 = vector.shape_cast %swap3A_676 : vector<16xi32> to vector<16xi32>
    %swap3A_678 = vector.shape_cast %min3A_674 : vector<16xi32> to vector<16xi32>
    tpu.vector_store %arg7[%swap3A_675], %swap3A_678 {strides = array<i32>} : memref<32xi32, #tpu.memory_space<vmem>>, vector<16xi32>,
    %get3A_679 = arith.constant 4 : index
    %get3A_680 = tpu.vector_load %arg7[%get3A_679] {strides = array<i32>} : memref<32xi32, #tpu.memory_space<vmem>>, vector<16xi32>,
    %get3A_681 = vector.shape_cast %get3A_680 : vector<16xi32> to vector<16xi32>
    %min3A_682 = arith.minsi %min3A_674, %get3A_681 : vector<16xi32>
    %swap3A_683 = arith.constant 0 : index
    %swap3A_684 = tpu.vector_load %arg7[%swap3A_683] {strides = array<i32>} : memref<32xi32, #tpu.memory_space<vmem>>, vector<16xi32>,
    %swap3A_685 = vector.shape_cast %swap3A_684 : vector<16xi32> to vector<16xi32>
    %swap3A_686 = vector.shape_cast %min3A_682 : vector<16xi32> to vector<16xi32>
    tpu.vector_store %arg7[%swap3A_683], %swap3A_686 {strides = array<i32>} : memref<32xi32, #tpu.memory_space<vmem>>, vector<16xi32>,
    %get3A_687 = arith.constant 2 : index
    %get3A_688 = tpu.vector_load %arg7[%get3A_687] {strides = array<i32>} : memref<32xi32, #tpu.memory_space<vmem>>, vector<16xi32>,
    %get3A_689 = vector.shape_cast %get3A_688 : vector<16xi32> to vector<16xi32>
    %min3A_690 = arith.minsi %min3A_682, %get3A_689 : vector<16xi32>
    %swap3A_691 = arith.constant 0 : index
    %swap3A_692 = tpu.vector_load %arg7[%swap3A_691] {strides = array<i32>} : memref<32xi32, #tpu.memory_space<vmem>>, vector<16xi32>,
    %swap3A_693 = vector.shape_cast %swap3A_692 : vector<16xi32> to vector<16xi32>
    %swap3A_694 = vector.shape_cast %min3A_690 : vector<16xi32> to vector<16xi32>
    tpu.vector_store %arg7[%swap3A_691], %swap3A_694 {strides = array<i32>} : memref<32xi32, #tpu.memory_space<vmem>>, vector<16xi32>,
    %get3A_695 = arith.constant 1 : index
    %get3A_696 = tpu.vector_load %arg7[%get3A_695] {strides = array<i32>} : memref<32xi32, #tpu.memory_space<vmem>>, vector<16xi32>,
    %get3A_697 = vector.shape_cast %get3A_696 : vector<16xi32> to vector<16xi32>
    %min3A_698 = arith.minsi %min3A_690, %get3A_697 : vector<16xi32>
    %slice3A_699 = vector.extract_strided_slice %min3A_698 {offsets = [0], sizes = [1], strides = [1]} : vector<16xi32> to vector<1xi32>
    %squeeze3A_700 = vector.extract %slice3A_699[0] : i32 from vector<1xi32>
    %eq3A_701 = arith.constant 7 : i32
    %eq3A_702 = vector.broadcast %eq3A_701 : i32 to vector<16xi32>
    %eq3A_703 = arith.cmpi eq, %iota3A, %eq3A_702 : vector<16xi32>
    %broadcast_in_dim3A_704 = vector.broadcast %squeeze3A_700 : i32 to vector<16xi32>
    %select_n3A_705 = arith.select %eq3A_703, %broadcast_in_dim3A_704, %select_n3A_616 : vector<16xi1>, vector<16xi32>
    %get3A_706 = arith.constant 8 : i32
    %get3A_707 = arith.index_cast %get3A_706 : i32 to index
    %get3A_708 = arith.constant 0 : index
    %get3A_709 = tpu.vector_load %arg4[%get3A_707, %get3A_708] {strides = array<i32>} : memref<32x512xf32, #tpu.memory_space<vmem>>, vector<1x16xf32>,
    %get3A_710 = vector.shape_cast %get3A_709 : vector<1x16xf32> to vector<16xf32>
    %scan3A_711 = arith.constant 1 : i32
    %scan3A_712 = arith.constant 31 : i32
    %scan3A_713 = arith.addi %scan3A_711, %scan3A_712 : i32
    %scan3A_714 = arith.constant 1 : i32
    %scan3A_715:2 = scf.for %scan3A_2852 = %scan3A_711 to %scan3A_713 step %scan3A_714 iter_args(%scan3A_2853 = %get3A_710, %scan3A_2854 = %iota3A) -> (vector<16xf32>, vector<16xi32>)  : i32 {
      %mul3A_2855 = arith.constant 16 : i32
      %mul3A_2856 = arith.muli %scan3A_2852, %mul3A_2855 : i32
      %get3A_2857 = arith.constant 8 : i32
      %get3A_2858 = arith.index_cast %get3A_2857 : i32 to index
      %get3A_2859 = arith.index_cast %mul3A_2856 : i32 to index
      %get3A_2860 = tpu.vector_load %arg4[%get3A_2858, %get3A_2859] {strides = array<i32>} : memref<32x512xf32, #tpu.memory_space<vmem>>, vector<1x16xf32>,
      %get3A_2861 = vector.shape_cast %get3A_2860 : vector<1x16xf32> to vector<16xf32>
      %gt3A = arith.cmpf ogt, %get3A_2861, %scan3A_2853 : vector<16xf32>
      %select_n3A_2862 = arith.select %gt3A, %get3A_2861, %scan3A_2853 : vector<16xi1>, vector<16xf32>
      %mul3A_2863 = arith.constant 16 : i32
      %mul3A_2864 = arith.muli %scan3A_2852, %mul3A_2863 : i32
      %add3A_2865 = vector.broadcast %mul3A_2864 : i32 to vector<16xi32>
      %add3A_2866 = arith.addi %iota3A, %add3A_2865 : vector<16xi32>
      %select_n3A_2867 = arith.select %gt3A, %add3A_2866, %scan3A_2854 : vector<16xi1>, vector<16xi32>
      scf.yield %select_n3A_2862, %select_n3A_2867 : vector<16xf32>, vector<16xi32>
    }
    %scan3A_716 = arith.constant 31 : i32
    %swap3A_717 = arith.constant 0 : index
    %swap3A_718 = tpu.vector_load %arg6[%swap3A_717] {strides = array<i32>} : memref<32xf32, #tpu.memory_space<vmem>>, vector<16xf32>,
    %swap3A_719 = vector.shape_cast %swap3A_718 : vector<16xf32> to vector<16xf32>
    %swap3A_720 = vector.shape_cast %scan3A_715#0 : vector<16xf32> to vector<16xf32>
    tpu.vector_store %arg6[%swap3A_717], %swap3A_720 {strides = array<i32>} : memref<32xf32, #tpu.memory_space<vmem>>, vector<16xf32>,
    %get3A_721 = arith.constant 8 : index
    %get3A_722 = tpu.vector_load %arg6[%get3A_721] {strides = array<i32>} : memref<32xf32, #tpu.memory_space<vmem>>, vector<16xf32>,
    %get3A_723 = vector.shape_cast %get3A_722 : vector<16xf32> to vector<16xf32>
    %max3A_724 = arith.maximumf %scan3A_715#0, %get3A_723 : vector<16xf32>
    %swap3A_725 = arith.constant 0 : index
    %swap3A_726 = tpu.vector_load %arg6[%swap3A_725] {strides = array<i32>} : memref<32xf32, #tpu.memory_space<vmem>>, vector<16xf32>,
    %swap3A_727 = vector.shape_cast %swap3A_726 : vector<16xf32> to vector<16xf32>
    %swap3A_728 = vector.shape_cast %max3A_724 : vector<16xf32> to vector<16xf32>
    tpu.vector_store %arg6[%swap3A_725], %swap3A_728 {strides = array<i32>} : memref<32xf32, #tpu.memory_space<vmem>>, vector<16xf32>,
    %get3A_729 = arith.constant 4 : index
    %get3A_730 = tpu.vector_load %arg6[%get3A_729] {strides = array<i32>} : memref<32xf32, #tpu.memory_space<vmem>>, vector<16xf32>,
    %get3A_731 = vector.shape_cast %get3A_730 : vector<16xf32> to vector<16xf32>
    %max3A_732 = arith.maximumf %max3A_724, %get3A_731 : vector<16xf32>
    %swap3A_733 = arith.constant 0 : index
    %swap3A_734 = tpu.vector_load %arg6[%swap3A_733] {strides = array<i32>} : memref<32xf32, #tpu.memory_space<vmem>>, vector<16xf32>,
    %swap3A_735 = vector.shape_cast %swap3A_734 : vector<16xf32> to vector<16xf32>
    %swap3A_736 = vector.shape_cast %max3A_732 : vector<16xf32> to vector<16xf32>
    tpu.vector_store %arg6[%swap3A_733], %swap3A_736 {strides = array<i32>} : memref<32xf32, #tpu.memory_space<vmem>>, vector<16xf32>,
    %get3A_737 = arith.constant 2 : index
    %get3A_738 = tpu.vector_load %arg6[%get3A_737] {strides = array<i32>} : memref<32xf32, #tpu.memory_space<vmem>>, vector<16xf32>,
    %get3A_739 = vector.shape_cast %get3A_738 : vector<16xf32> to vector<16xf32>
    %max3A_740 = arith.maximumf %max3A_732, %get3A_739 : vector<16xf32>
    %swap3A_741 = arith.constant 0 : index
    %swap3A_742 = tpu.vector_load %arg6[%swap3A_741] {strides = array<i32>} : memref<32xf32, #tpu.memory_space<vmem>>, vector<16xf32>,
    %swap3A_743 = vector.shape_cast %swap3A_742 : vector<16xf32> to vector<16xf32>
    %swap3A_744 = vector.shape_cast %max3A_740 : vector<16xf32> to vector<16xf32>
    tpu.vector_store %arg6[%swap3A_741], %swap3A_744 {strides = array<i32>} : memref<32xf32, #tpu.memory_space<vmem>>, vector<16xf32>,
    %get3A_745 = arith.constant 1 : index
    %get3A_746 = tpu.vector_load %arg6[%get3A_745] {strides = array<i32>} : memref<32xf32, #tpu.memory_space<vmem>>, vector<16xf32>,
    %get3A_747 = vector.shape_cast %get3A_746 : vector<16xf32> to vector<16xf32>
    %max3A_748 = arith.maximumf %max3A_740, %get3A_747 : vector<16xf32>
    %slice3A_749 = vector.extract_strided_slice %max3A_748 {offsets = [0], sizes = [1], strides = [1]} : vector<16xf32> to vector<1xf32>
    %squeeze3A_750 = vector.extract %slice3A_749[0] : f32 from vector<1xf32>
    %eq3A_751 = vector.broadcast %squeeze3A_750 : f32 to vector<16xf32>
    %eq3A_752 = arith.cmpf oeq, %scan3A_715#0, %eq3A_751 : vector<16xf32>
    %jit3A_753 = arith.constant 512 : i32
    %broadcast_in_dim3A_754 = vector.broadcast %jit3A_753 : i32 to vector<16xi32>
    %select_n3A_755 = arith.select %eq3A_752, %scan3A_715#1, %broadcast_in_dim3A_754 : vector<16xi1>, vector<16xi32>
    %swap3A_756 = arith.constant 0 : index
    %swap3A_757 = tpu.vector_load %arg7[%swap3A_756] {strides = array<i32>} : memref<32xi32, #tpu.memory_space<vmem>>, vector<16xi32>,
    %swap3A_758 = vector.shape_cast %swap3A_757 : vector<16xi32> to vector<16xi32>
    %swap3A_759 = vector.shape_cast %select_n3A_755 : vector<16xi32> to vector<16xi32>
    tpu.vector_store %arg7[%swap3A_756], %swap3A_759 {strides = array<i32>} : memref<32xi32, #tpu.memory_space<vmem>>, vector<16xi32>,
    %get3A_760 = arith.constant 8 : index
    %get3A_761 = tpu.vector_load %arg7[%get3A_760] {strides = array<i32>} : memref<32xi32, #tpu.memory_space<vmem>>, vector<16xi32>,
    %get3A_762 = vector.shape_cast %get3A_761 : vector<16xi32> to vector<16xi32>
    %min3A_763 = arith.minsi %select_n3A_755, %get3A_762 : vector<16xi32>
    %swap3A_764 = arith.constant 0 : index
    %swap3A_765 = tpu.vector_load %arg7[%swap3A_764] {strides = array<i32>} : memref<32xi32, #tpu.memory_space<vmem>>, vector<16xi32>,
    %swap3A_766 = vector.shape_cast %swap3A_765 : vector<16xi32> to vector<16xi32>
    %swap3A_767 = vector.shape_cast %min3A_763 : vector<16xi32> to vector<16xi32>
    tpu.vector_store %arg7[%swap3A_764], %swap3A_767 {strides = array<i32>} : memref<32xi32, #tpu.memory_space<vmem>>, vector<16xi32>,
    %get3A_768 = arith.constant 4 : index
    %get3A_769 = tpu.vector_load %arg7[%get3A_768] {strides = array<i32>} : memref<32xi32, #tpu.memory_space<vmem>>, vector<16xi32>,
    %get3A_770 = vector.shape_cast %get3A_769 : vector<16xi32> to vector<16xi32>
    %min3A_771 = arith.minsi %min3A_763, %get3A_770 : vector<16xi32>
    %swap3A_772 = arith.constant 0 : index
    %swap3A_773 = tpu.vector_load %arg7[%swap3A_772] {strides = array<i32>} : memref<32xi32, #tpu.memory_space<vmem>>, vector<16xi32>,
    %swap3A_774 = vector.shape_cast %swap3A_773 : vector<16xi32> to vector<16xi32>
    %swap3A_775 = vector.shape_cast %min3A_771 : vector<16xi32> to vector<16xi32>
    tpu.vector_store %arg7[%swap3A_772], %swap3A_775 {strides = array<i32>} : memref<32xi32, #tpu.memory_space<vmem>>, vector<16xi32>,
    %get3A_776 = arith.constant 2 : index
    %get3A_777 = tpu.vector_load %arg7[%get3A_776] {strides = array<i32>} : memref<32xi32, #tpu.memory_space<vmem>>, vector<16xi32>,
    %get3A_778 = vector.shape_cast %get3A_777 : vector<16xi32> to vector<16xi32>
    %min3A_779 = arith.minsi %min3A_771, %get3A_778 : vector<16xi32>
    %swap3A_780 = arith.constant 0 : index
    %swap3A_781 = tpu.vector_load %arg7[%swap3A_780] {strides = array<i32>} : memref<32xi32, #tpu.memory_space<vmem>>, vector<16xi32>,
    %swap3A_782 = vector.shape_cast %swap3A_781 : vector<16xi32> to vector<16xi32>
    %swap3A_783 = vector.shape_cast %min3A_779 : vector<16xi32> to vector<16xi32>
    tpu.vector_store %arg7[%swap3A_780], %swap3A_783 {strides = array<i32>} : memref<32xi32, #tpu.memory_space<vmem>>, vector<16xi32>,
    %get3A_784 = arith.constant 1 : index
    %get3A_785 = tpu.vector_load %arg7[%get3A_784] {strides = array<i32>} : memref<32xi32, #tpu.memory_space<vmem>>, vector<16xi32>,
    %get3A_786 = vector.shape_cast %get3A_785 : vector<16xi32> to vector<16xi32>
    %min3A_787 = arith.minsi %min3A_779, %get3A_786 : vector<16xi32>
    %slice3A_788 = vector.extract_strided_slice %min3A_787 {offsets = [0], sizes = [1], strides = [1]} : vector<16xi32> to vector<1xi32>
    %squeeze3A_789 = vector.extract %slice3A_788[0] : i32 from vector<1xi32>
    %eq3A_790 = arith.constant 8 : i32
    %eq3A_791 = vector.broadcast %eq3A_790 : i32 to vector<16xi32>
    %eq3A_792 = arith.cmpi eq, %iota3A, %eq3A_791 : vector<16xi32>
    %broadcast_in_dim3A_793 = vector.broadcast %squeeze3A_789 : i32 to vector<16xi32>
    %select_n3A_794 = arith.select %eq3A_792, %broadcast_in_dim3A_793, %select_n3A_705 : vector<16xi1>, vector<16xi32>
    %get3A_795 = arith.constant 9 : i32
    %get3A_796 = arith.index_cast %get3A_795 : i32 to index
    %get3A_797 = arith.constant 0 : index
    %get3A_798 = tpu.vector_load %arg4[%get3A_796, %get3A_797] {strides = array<i32>} : memref<32x512xf32, #tpu.memory_space<vmem>>, vector<1x16xf32>,
    %get3A_799 = vector.shape_cast %get3A_798 : vector<1x16xf32> to vector<16xf32>
    %scan3A_800 = arith.constant 1 : i32
    %scan3A_801 = arith.constant 31 : i32
    %scan3A_802 = arith.addi %scan3A_800, %scan3A_801 : i32
    %scan3A_803 = arith.constant 1 : i32
    %scan3A_804:2 = scf.for %scan3A_2852 = %scan3A_800 to %scan3A_802 step %scan3A_803 iter_args(%scan3A_2853 = %get3A_799, %scan3A_2854 = %iota3A) -> (vector<16xf32>, vector<16xi32>)  : i32 {
      %mul3A_2855 = arith.constant 16 : i32
      %mul3A_2856 = arith.muli %scan3A_2852, %mul3A_2855 : i32
      %get3A_2857 = arith.constant 9 : i32
      %get3A_2858 = arith.index_cast %get3A_2857 : i32 to index
      %get3A_2859 = arith.index_cast %mul3A_2856 : i32 to index
      %get3A_2860 = tpu.vector_load %arg4[%get3A_2858, %get3A_2859] {strides = array<i32>} : memref<32x512xf32, #tpu.memory_space<vmem>>, vector<1x16xf32>,
      %get3A_2861 = vector.shape_cast %get3A_2860 : vector<1x16xf32> to vector<16xf32>
      %gt3A = arith.cmpf ogt, %get3A_2861, %scan3A_2853 : vector<16xf32>
      %select_n3A_2862 = arith.select %gt3A, %get3A_2861, %scan3A_2853 : vector<16xi1>, vector<16xf32>
      %mul3A_2863 = arith.constant 16 : i32
      %mul3A_2864 = arith.muli %scan3A_2852, %mul3A_2863 : i32
      %add3A_2865 = vector.broadcast %mul3A_2864 : i32 to vector<16xi32>
      %add3A_2866 = arith.addi %iota3A, %add3A_2865 : vector<16xi32>
      %select_n3A_2867 = arith.select %gt3A, %add3A_2866, %scan3A_2854 : vector<16xi1>, vector<16xi32>
      scf.yield %select_n3A_2862, %select_n3A_2867 : vector<16xf32>, vector<16xi32>
    }
    %scan3A_805 = arith.constant 31 : i32
    %swap3A_806 = arith.constant 0 : index
    %swap3A_807 = tpu.vector_load %arg6[%swap3A_806] {strides = array<i32>} : memref<32xf32, #tpu.memory_space<vmem>>, vector<16xf32>,
    %swap3A_808 = vector.shape_cast %swap3A_807 : vector<16xf32> to vector<16xf32>
    %swap3A_809 = vector.shape_cast %scan3A_804#0 : vector<16xf32> to vector<16xf32>
    tpu.vector_store %arg6[%swap3A_806], %swap3A_809 {strides = array<i32>} : memref<32xf32, #tpu.memory_space<vmem>>, vector<16xf32>,
    %get3A_810 = arith.constant 8 : index
    %get3A_811 = tpu.vector_load %arg6[%get3A_810] {strides = array<i32>} : memref<32xf32, #tpu.memory_space<vmem>>, vector<16xf32>,
    %get3A_812 = vector.shape_cast %get3A_811 : vector<16xf32> to vector<16xf32>
    %max3A_813 = arith.maximumf %scan3A_804#0, %get3A_812 : vector<16xf32>
    %swap3A_814 = arith.constant 0 : index
    %swap3A_815 = tpu.vector_load %arg6[%swap3A_814] {strides = array<i32>} : memref<32xf32, #tpu.memory_space<vmem>>, vector<16xf32>,
    %swap3A_816 = vector.shape_cast %swap3A_815 : vector<16xf32> to vector<16xf32>
    %swap3A_817 = vector.shape_cast %max3A_813 : vector<16xf32> to vector<16xf32>
    tpu.vector_store %arg6[%swap3A_814], %swap3A_817 {strides = array<i32>} : memref<32xf32, #tpu.memory_space<vmem>>, vector<16xf32>,
    %get3A_818 = arith.constant 4 : index
    %get3A_819 = tpu.vector_load %arg6[%get3A_818] {strides = array<i32>} : memref<32xf32, #tpu.memory_space<vmem>>, vector<16xf32>,
    %get3A_820 = vector.shape_cast %get3A_819 : vector<16xf32> to vector<16xf32>
    %max3A_821 = arith.maximumf %max3A_813, %get3A_820 : vector<16xf32>
    %swap3A_822 = arith.constant 0 : index
    %swap3A_823 = tpu.vector_load %arg6[%swap3A_822] {strides = array<i32>} : memref<32xf32, #tpu.memory_space<vmem>>, vector<16xf32>,
    %swap3A_824 = vector.shape_cast %swap3A_823 : vector<16xf32> to vector<16xf32>
    %swap3A_825 = vector.shape_cast %max3A_821 : vector<16xf32> to vector<16xf32>
    tpu.vector_store %arg6[%swap3A_822], %swap3A_825 {strides = array<i32>} : memref<32xf32, #tpu.memory_space<vmem>>, vector<16xf32>,
    %get3A_826 = arith.constant 2 : index
    %get3A_827 = tpu.vector_load %arg6[%get3A_826] {strides = array<i32>} : memref<32xf32, #tpu.memory_space<vmem>>, vector<16xf32>,
    %get3A_828 = vector.shape_cast %get3A_827 : vector<16xf32> to vector<16xf32>
    %max3A_829 = arith.maximumf %max3A_821, %get3A_828 : vector<16xf32>
    %swap3A_830 = arith.constant 0 : index
    %swap3A_831 = tpu.vector_load %arg6[%swap3A_830] {strides = array<i32>} : memref<32xf32, #tpu.memory_space<vmem>>, vector<16xf32>,
    %swap3A_832 = vector.shape_cast %swap3A_831 : vector<16xf32> to vector<16xf32>
    %swap3A_833 = vector.shape_cast %max3A_829 : vector<16xf32> to vector<16xf32>
    tpu.vector_store %arg6[%swap3A_830], %swap3A_833 {strides = array<i32>} : memref<32xf32, #tpu.memory_space<vmem>>, vector<16xf32>,
    %get3A_834 = arith.constant 1 : index
    %get3A_835 = tpu.vector_load %arg6[%get3A_834] {strides = array<i32>} : memref<32xf32, #tpu.memory_space<vmem>>, vector<16xf32>,
    %get3A_836 = vector.shape_cast %get3A_835 : vector<16xf32> to vector<16xf32>
    %max3A_837 = arith.maximumf %max3A_829, %get3A_836 : vector<16xf32>
    %slice3A_838 = vector.extract_strided_slice %max3A_837 {offsets = [0], sizes = [1], strides = [1]} : vector<16xf32> to vector<1xf32>
    %squeeze3A_839 = vector.extract %slice3A_838[0] : f32 from vector<1xf32>
    %eq3A_840 = vector.broadcast %squeeze3A_839 : f32 to vector<16xf32>
    %eq3A_841 = arith.cmpf oeq, %scan3A_804#0, %eq3A_840 : vector<16xf32>
    %jit3A_842 = arith.constant 512 : i32
    %broadcast_in_dim3A_843 = vector.broadcast %jit3A_842 : i32 to vector<16xi32>
    %select_n3A_844 = arith.select %eq3A_841, %scan3A_804#1, %broadcast_in_dim3A_843 : vector<16xi1>, vector<16xi32>
    %swap3A_845 = arith.constant 0 : index
    %swap3A_846 = tpu.vector_load %arg7[%swap3A_845] {strides = array<i32>} : memref<32xi32, #tpu.memory_space<vmem>>, vector<16xi32>,
    %swap3A_847 = vector.shape_cast %swap3A_846 : vector<16xi32> to vector<16xi32>
    %swap3A_848 = vector.shape_cast %select_n3A_844 : vector<16xi32> to vector<16xi32>
    tpu.vector_store %arg7[%swap3A_845], %swap3A_848 {strides = array<i32>} : memref<32xi32, #tpu.memory_space<vmem>>, vector<16xi32>,
    %get3A_849 = arith.constant 8 : index
    %get3A_850 = tpu.vector_load %arg7[%get3A_849] {strides = array<i32>} : memref<32xi32, #tpu.memory_space<vmem>>, vector<16xi32>,
    %get3A_851 = vector.shape_cast %get3A_850 : vector<16xi32> to vector<16xi32>
    %min3A_852 = arith.minsi %select_n3A_844, %get3A_851 : vector<16xi32>
    %swap3A_853 = arith.constant 0 : index
    %swap3A_854 = tpu.vector_load %arg7[%swap3A_853] {strides = array<i32>} : memref<32xi32, #tpu.memory_space<vmem>>, vector<16xi32>,
    %swap3A_855 = vector.shape_cast %swap3A_854 : vector<16xi32> to vector<16xi32>
    %swap3A_856 = vector.shape_cast %min3A_852 : vector<16xi32> to vector<16xi32>
    tpu.vector_store %arg7[%swap3A_853], %swap3A_856 {strides = array<i32>} : memref<32xi32, #tpu.memory_space<vmem>>, vector<16xi32>,
    %get3A_857 = arith.constant 4 : index
    %get3A_858 = tpu.vector_load %arg7[%get3A_857] {strides = array<i32>} : memref<32xi32, #tpu.memory_space<vmem>>, vector<16xi32>,
    %get3A_859 = vector.shape_cast %get3A_858 : vector<16xi32> to vector<16xi32>
    %min3A_860 = arith.minsi %min3A_852, %get3A_859 : vector<16xi32>
    %swap3A_861 = arith.constant 0 : index
    %swap3A_862 = tpu.vector_load %arg7[%swap3A_861] {strides = array<i32>} : memref<32xi32, #tpu.memory_space<vmem>>, vector<16xi32>,
    %swap3A_863 = vector.shape_cast %swap3A_862 : vector<16xi32> to vector<16xi32>
    %swap3A_864 = vector.shape_cast %min3A_860 : vector<16xi32> to vector<16xi32>
    tpu.vector_store %arg7[%swap3A_861], %swap3A_864 {strides = array<i32>} : memref<32xi32, #tpu.memory_space<vmem>>, vector<16xi32>,
    %get3A_865 = arith.constant 2 : index
    %get3A_866 = tpu.vector_load %arg7[%get3A_865] {strides = array<i32>} : memref<32xi32, #tpu.memory_space<vmem>>, vector<16xi32>,
    %get3A_867 = vector.shape_cast %get3A_866 : vector<16xi32> to vector<16xi32>
    %min3A_868 = arith.minsi %min3A_860, %get3A_867 : vector<16xi32>
    %swap3A_869 = arith.constant 0 : index
    %swap3A_870 = tpu.vector_load %arg7[%swap3A_869] {strides = array<i32>} : memref<32xi32, #tpu.memory_space<vmem>>, vector<16xi32>,
    %swap3A_871 = vector.shape_cast %swap3A_870 : vector<16xi32> to vector<16xi32>
    %swap3A_872 = vector.shape_cast %min3A_868 : vector<16xi32> to vector<16xi32>
    tpu.vector_store %arg7[%swap3A_869], %swap3A_872 {strides = array<i32>} : memref<32xi32, #tpu.memory_space<vmem>>, vector<16xi32>,
    %get3A_873 = arith.constant 1 : index
    %get3A_874 = tpu.vector_load %arg7[%get3A_873] {strides = array<i32>} : memref<32xi32, #tpu.memory_space<vmem>>, vector<16xi32>,
    %get3A_875 = vector.shape_cast %get3A_874 : vector<16xi32> to vector<16xi32>
    %min3A_876 = arith.minsi %min3A_868, %get3A_875 : vector<16xi32>
    %slice3A_877 = vector.extract_strided_slice %min3A_876 {offsets = [0], sizes = [1], strides = [1]} : vector<16xi32> to vector<1xi32>
    %squeeze3A_878 = vector.extract %slice3A_877[0] : i32 from vector<1xi32>
    %eq3A_879 = arith.constant 9 : i32
    %eq3A_880 = vector.broadcast %eq3A_879 : i32 to vector<16xi32>
    %eq3A_881 = arith.cmpi eq, %iota3A, %eq3A_880 : vector<16xi32>
    %broadcast_in_dim3A_882 = vector.broadcast %squeeze3A_878 : i32 to vector<16xi32>
    %select_n3A_883 = arith.select %eq3A_881, %broadcast_in_dim3A_882, %select_n3A_794 : vector<16xi1>, vector<16xi32>
    %get3A_884 = arith.constant 10 : i32
    %get3A_885 = arith.index_cast %get3A_884 : i32 to index
    %get3A_886 = arith.constant 0 : index
    %get3A_887 = tpu.vector_load %arg4[%get3A_885, %get3A_886] {strides = array<i32>} : memref<32x512xf32, #tpu.memory_space<vmem>>, vector<1x16xf32>,
    %get3A_888 = vector.shape_cast %get3A_887 : vector<1x16xf32> to vector<16xf32>
    %scan3A_889 = arith.constant 1 : i32
    %scan3A_890 = arith.constant 31 : i32
    %scan3A_891 = arith.addi %scan3A_889, %scan3A_890 : i32
    %scan3A_892 = arith.constant 1 : i32
    %scan3A_893:2 = scf.for %scan3A_2852 = %scan3A_889 to %scan3A_891 step %scan3A_892 iter_args(%scan3A_2853 = %get3A_888, %scan3A_2854 = %iota3A) -> (vector<16xf32>, vector<16xi32>)  : i32 {
      %mul3A_2855 = arith.constant 16 : i32
      %mul3A_2856 = arith.muli %scan3A_2852, %mul3A_2855 : i32
      %get3A_2857 = arith.constant 10 : i32
      %get3A_2858 = arith.index_cast %get3A_2857 : i32 to index
      %get3A_2859 = arith.index_cast %mul3A_2856 : i32 to index
      %get3A_2860 = tpu.vector_load %arg4[%get3A_2858, %get3A_2859] {strides = array<i32>} : memref<32x512xf32, #tpu.memory_space<vmem>>, vector<1x16xf32>,
      %get3A_2861 = vector.shape_cast %get3A_2860 : vector<1x16xf32> to vector<16xf32>
      %gt3A = arith.cmpf ogt, %get3A_2861, %scan3A_2853 : vector<16xf32>
      %select_n3A_2862 = arith.select %gt3A, %get3A_2861, %scan3A_2853 : vector<16xi1>, vector<16xf32>
      %mul3A_2863 = arith.constant 16 : i32
      %mul3A_2864 = arith.muli %scan3A_2852, %mul3A_2863 : i32
      %add3A_2865 = vector.broadcast %mul3A_2864 : i32 to vector<16xi32>
      %add3A_2866 = arith.addi %iota3A, %add3A_2865 : vector<16xi32>
      %select_n3A_2867 = arith.select %gt3A, %add3A_2866, %scan3A_2854 : vector<16xi1>, vector<16xi32>
      scf.yield %select_n3A_2862, %select_n3A_2867 : vector<16xf32>, vector<16xi32>
    }
    %scan3A_894 = arith.constant 31 : i32
    %swap3A_895 = arith.constant 0 : index
    %swap3A_896 = tpu.vector_load %arg6[%swap3A_895] {strides = array<i32>} : memref<32xf32, #tpu.memory_space<vmem>>, vector<16xf32>,
    %swap3A_897 = vector.shape_cast %swap3A_896 : vector<16xf32> to vector<16xf32>
    %swap3A_898 = vector.shape_cast %scan3A_893#0 : vector<16xf32> to vector<16xf32>
    tpu.vector_store %arg6[%swap3A_895], %swap3A_898 {strides = array<i32>} : memref<32xf32, #tpu.memory_space<vmem>>, vector<16xf32>,
    %get3A_899 = arith.constant 8 : index
    %get3A_900 = tpu.vector_load %arg6[%get3A_899] {strides = array<i32>} : memref<32xf32, #tpu.memory_space<vmem>>, vector<16xf32>,
    %get3A_901 = vector.shape_cast %get3A_900 : vector<16xf32> to vector<16xf32>
    %max3A_902 = arith.maximumf %scan3A_893#0, %get3A_901 : vector<16xf32>
    %swap3A_903 = arith.constant 0 : index
    %swap3A_904 = tpu.vector_load %arg6[%swap3A_903] {strides = array<i32>} : memref<32xf32, #tpu.memory_space<vmem>>, vector<16xf32>,
    %swap3A_905 = vector.shape_cast %swap3A_904 : vector<16xf32> to vector<16xf32>
    %swap3A_906 = vector.shape_cast %max3A_902 : vector<16xf32> to vector<16xf32>
    tpu.vector_store %arg6[%swap3A_903], %swap3A_906 {strides = array<i32>} : memref<32xf32, #tpu.memory_space<vmem>>, vector<16xf32>,
    %get3A_907 = arith.constant 4 : index
    %get3A_908 = tpu.vector_load %arg6[%get3A_907] {strides = array<i32>} : memref<32xf32, #tpu.memory_space<vmem>>, vector<16xf32>,
    %get3A_909 = vector.shape_cast %get3A_908 : vector<16xf32> to vector<16xf32>
    %max3A_910 = arith.maximumf %max3A_902, %get3A_909 : vector<16xf32>
    %swap3A_911 = arith.constant 0 : index
    %swap3A_912 = tpu.vector_load %arg6[%swap3A_911] {strides = array<i32>} : memref<32xf32, #tpu.memory_space<vmem>>, vector<16xf32>,
    %swap3A_913 = vector.shape_cast %swap3A_912 : vector<16xf32> to vector<16xf32>
    %swap3A_914 = vector.shape_cast %max3A_910 : vector<16xf32> to vector<16xf32>
    tpu.vector_store %arg6[%swap3A_911], %swap3A_914 {strides = array<i32>} : memref<32xf32, #tpu.memory_space<vmem>>, vector<16xf32>,
    %get3A_915 = arith.constant 2 : index
    %get3A_916 = tpu.vector_load %arg6[%get3A_915] {strides = array<i32>} : memref<32xf32, #tpu.memory_space<vmem>>, vector<16xf32>,
    %get3A_917 = vector.shape_cast %get3A_916 : vector<16xf32> to vector<16xf32>
    %max3A_918 = arith.maximumf %max3A_910, %get3A_917 : vector<16xf32>
    %swap3A_919 = arith.constant 0 : index
    %swap3A_920 = tpu.vector_load %arg6[%swap3A_919] {strides = array<i32>} : memref<32xf32, #tpu.memory_space<vmem>>, vector<16xf32>,
    %swap3A_921 = vector.shape_cast %swap3A_920 : vector<16xf32> to vector<16xf32>
    %swap3A_922 = vector.shape_cast %max3A_918 : vector<16xf32> to vector<16xf32>
    tpu.vector_store %arg6[%swap3A_919], %swap3A_922 {strides = array<i32>} : memref<32xf32, #tpu.memory_space<vmem>>, vector<16xf32>,
    %get3A_923 = arith.constant 1 : index
    %get3A_924 = tpu.vector_load %arg6[%get3A_923] {strides = array<i32>} : memref<32xf32, #tpu.memory_space<vmem>>, vector<16xf32>,
    %get3A_925 = vector.shape_cast %get3A_924 : vector<16xf32> to vector<16xf32>
    %max3A_926 = arith.maximumf %max3A_918, %get3A_925 : vector<16xf32>
    %slice3A_927 = vector.extract_strided_slice %max3A_926 {offsets = [0], sizes = [1], strides = [1]} : vector<16xf32> to vector<1xf32>
    %squeeze3A_928 = vector.extract %slice3A_927[0] : f32 from vector<1xf32>
    %eq3A_929 = vector.broadcast %squeeze3A_928 : f32 to vector<16xf32>
    %eq3A_930 = arith.cmpf oeq, %scan3A_893#0, %eq3A_929 : vector<16xf32>
    %jit3A_931 = arith.constant 512 : i32
    %broadcast_in_dim3A_932 = vector.broadcast %jit3A_931 : i32 to vector<16xi32>
    %select_n3A_933 = arith.select %eq3A_930, %scan3A_893#1, %broadcast_in_dim3A_932 : vector<16xi1>, vector<16xi32>
    %swap3A_934 = arith.constant 0 : index
    %swap3A_935 = tpu.vector_load %arg7[%swap3A_934] {strides = array<i32>} : memref<32xi32, #tpu.memory_space<vmem>>, vector<16xi32>,
    %swap3A_936 = vector.shape_cast %swap3A_935 : vector<16xi32> to vector<16xi32>
    %swap3A_937 = vector.shape_cast %select_n3A_933 : vector<16xi32> to vector<16xi32>
    tpu.vector_store %arg7[%swap3A_934], %swap3A_937 {strides = array<i32>} : memref<32xi32, #tpu.memory_space<vmem>>, vector<16xi32>,
    %get3A_938 = arith.constant 8 : index
    %get3A_939 = tpu.vector_load %arg7[%get3A_938] {strides = array<i32>} : memref<32xi32, #tpu.memory_space<vmem>>, vector<16xi32>,
    %get3A_940 = vector.shape_cast %get3A_939 : vector<16xi32> to vector<16xi32>
    %min3A_941 = arith.minsi %select_n3A_933, %get3A_940 : vector<16xi32>
    %swap3A_942 = arith.constant 0 : index
    %swap3A_943 = tpu.vector_load %arg7[%swap3A_942] {strides = array<i32>} : memref<32xi32, #tpu.memory_space<vmem>>, vector<16xi32>,
    %swap3A_944 = vector.shape_cast %swap3A_943 : vector<16xi32> to vector<16xi32>
    %swap3A_945 = vector.shape_cast %min3A_941 : vector<16xi32> to vector<16xi32>
    tpu.vector_store %arg7[%swap3A_942], %swap3A_945 {strides = array<i32>} : memref<32xi32, #tpu.memory_space<vmem>>, vector<16xi32>,
    %get3A_946 = arith.constant 4 : index
    %get3A_947 = tpu.vector_load %arg7[%get3A_946] {strides = array<i32>} : memref<32xi32, #tpu.memory_space<vmem>>, vector<16xi32>,
    %get3A_948 = vector.shape_cast %get3A_947 : vector<16xi32> to vector<16xi32>
    %min3A_949 = arith.minsi %min3A_941, %get3A_948 : vector<16xi32>
    %swap3A_950 = arith.constant 0 : index
    %swap3A_951 = tpu.vector_load %arg7[%swap3A_950] {strides = array<i32>} : memref<32xi32, #tpu.memory_space<vmem>>, vector<16xi32>,
    %swap3A_952 = vector.shape_cast %swap3A_951 : vector<16xi32> to vector<16xi32>
    %swap3A_953 = vector.shape_cast %min3A_949 : vector<16xi32> to vector<16xi32>
    tpu.vector_store %arg7[%swap3A_950], %swap3A_953 {strides = array<i32>} : memref<32xi32, #tpu.memory_space<vmem>>, vector<16xi32>,
    %get3A_954 = arith.constant 2 : index
    %get3A_955 = tpu.vector_load %arg7[%get3A_954] {strides = array<i32>} : memref<32xi32, #tpu.memory_space<vmem>>, vector<16xi32>,
    %get3A_956 = vector.shape_cast %get3A_955 : vector<16xi32> to vector<16xi32>
    %min3A_957 = arith.minsi %min3A_949, %get3A_956 : vector<16xi32>
    %swap3A_958 = arith.constant 0 : index
    %swap3A_959 = tpu.vector_load %arg7[%swap3A_958] {strides = array<i32>} : memref<32xi32, #tpu.memory_space<vmem>>, vector<16xi32>,
    %swap3A_960 = vector.shape_cast %swap3A_959 : vector<16xi32> to vector<16xi32>
    %swap3A_961 = vector.shape_cast %min3A_957 : vector<16xi32> to vector<16xi32>
    tpu.vector_store %arg7[%swap3A_958], %swap3A_961 {strides = array<i32>} : memref<32xi32, #tpu.memory_space<vmem>>, vector<16xi32>,
    %get3A_962 = arith.constant 1 : index
    %get3A_963 = tpu.vector_load %arg7[%get3A_962] {strides = array<i32>} : memref<32xi32, #tpu.memory_space<vmem>>, vector<16xi32>,
    %get3A_964 = vector.shape_cast %get3A_963 : vector<16xi32> to vector<16xi32>
    %min3A_965 = arith.minsi %min3A_957, %get3A_964 : vector<16xi32>
    %slice3A_966 = vector.extract_strided_slice %min3A_965 {offsets = [0], sizes = [1], strides = [1]} : vector<16xi32> to vector<1xi32>
    %squeeze3A_967 = vector.extract %slice3A_966[0] : i32 from vector<1xi32>
    %eq3A_968 = arith.constant 10 : i32
    %eq3A_969 = vector.broadcast %eq3A_968 : i32 to vector<16xi32>
    %eq3A_970 = arith.cmpi eq, %iota3A, %eq3A_969 : vector<16xi32>
    %broadcast_in_dim3A_971 = vector.broadcast %squeeze3A_967 : i32 to vector<16xi32>
    %select_n3A_972 = arith.select %eq3A_970, %broadcast_in_dim3A_971, %select_n3A_883 : vector<16xi1>, vector<16xi32>
    %get3A_973 = arith.constant 11 : i32
    %get3A_974 = arith.index_cast %get3A_973 : i32 to index
    %get3A_975 = arith.constant 0 : index
    %get3A_976 = tpu.vector_load %arg4[%get3A_974, %get3A_975] {strides = array<i32>} : memref<32x512xf32, #tpu.memory_space<vmem>>, vector<1x16xf32>,
    %get3A_977 = vector.shape_cast %get3A_976 : vector<1x16xf32> to vector<16xf32>
    %scan3A_978 = arith.constant 1 : i32
    %scan3A_979 = arith.constant 31 : i32
    %scan3A_980 = arith.addi %scan3A_978, %scan3A_979 : i32
    %scan3A_981 = arith.constant 1 : i32
    %scan3A_982:2 = scf.for %scan3A_2852 = %scan3A_978 to %scan3A_980 step %scan3A_981 iter_args(%scan3A_2853 = %get3A_977, %scan3A_2854 = %iota3A) -> (vector<16xf32>, vector<16xi32>)  : i32 {
      %mul3A_2855 = arith.constant 16 : i32
      %mul3A_2856 = arith.muli %scan3A_2852, %mul3A_2855 : i32
      %get3A_2857 = arith.constant 11 : i32
      %get3A_2858 = arith.index_cast %get3A_2857 : i32 to index
      %get3A_2859 = arith.index_cast %mul3A_2856 : i32 to index
      %get3A_2860 = tpu.vector_load %arg4[%get3A_2858, %get3A_2859] {strides = array<i32>} : memref<32x512xf32, #tpu.memory_space<vmem>>, vector<1x16xf32>,
      %get3A_2861 = vector.shape_cast %get3A_2860 : vector<1x16xf32> to vector<16xf32>
      %gt3A = arith.cmpf ogt, %get3A_2861, %scan3A_2853 : vector<16xf32>
      %select_n3A_2862 = arith.select %gt3A, %get3A_2861, %scan3A_2853 : vector<16xi1>, vector<16xf32>
      %mul3A_2863 = arith.constant 16 : i32
      %mul3A_2864 = arith.muli %scan3A_2852, %mul3A_2863 : i32
      %add3A_2865 = vector.broadcast %mul3A_2864 : i32 to vector<16xi32>
      %add3A_2866 = arith.addi %iota3A, %add3A_2865 : vector<16xi32>
      %select_n3A_2867 = arith.select %gt3A, %add3A_2866, %scan3A_2854 : vector<16xi1>, vector<16xi32>
      scf.yield %select_n3A_2862, %select_n3A_2867 : vector<16xf32>, vector<16xi32>
    }
    %scan3A_983 = arith.constant 31 : i32
    %swap3A_984 = arith.constant 0 : index
    %swap3A_985 = tpu.vector_load %arg6[%swap3A_984] {strides = array<i32>} : memref<32xf32, #tpu.memory_space<vmem>>, vector<16xf32>,
    %swap3A_986 = vector.shape_cast %swap3A_985 : vector<16xf32> to vector<16xf32>
    %swap3A_987 = vector.shape_cast %scan3A_982#0 : vector<16xf32> to vector<16xf32>
    tpu.vector_store %arg6[%swap3A_984], %swap3A_987 {strides = array<i32>} : memref<32xf32, #tpu.memory_space<vmem>>, vector<16xf32>,
    %get3A_988 = arith.constant 8 : index
    %get3A_989 = tpu.vector_load %arg6[%get3A_988] {strides = array<i32>} : memref<32xf32, #tpu.memory_space<vmem>>, vector<16xf32>,
    %get3A_990 = vector.shape_cast %get3A_989 : vector<16xf32> to vector<16xf32>
    %max3A_991 = arith.maximumf %scan3A_982#0, %get3A_990 : vector<16xf32>
    %swap3A_992 = arith.constant 0 : index
    %swap3A_993 = tpu.vector_load %arg6[%swap3A_992] {strides = array<i32>} : memref<32xf32, #tpu.memory_space<vmem>>, vector<16xf32>,
    %swap3A_994 = vector.shape_cast %swap3A_993 : vector<16xf32> to vector<16xf32>
    %swap3A_995 = vector.shape_cast %max3A_991 : vector<16xf32> to vector<16xf32>
    tpu.vector_store %arg6[%swap3A_992], %swap3A_995 {strides = array<i32>} : memref<32xf32, #tpu.memory_space<vmem>>, vector<16xf32>,
    %get3A_996 = arith.constant 4 : index
    %get3A_997 = tpu.vector_load %arg6[%get3A_996] {strides = array<i32>} : memref<32xf32, #tpu.memory_space<vmem>>, vector<16xf32>,
    %get3A_998 = vector.shape_cast %get3A_997 : vector<16xf32> to vector<16xf32>
    %max3A_999 = arith.maximumf %max3A_991, %get3A_998 : vector<16xf32>
    %swap3A_1000 = arith.constant 0 : index
    %swap3A_1001 = tpu.vector_load %arg6[%swap3A_1000] {strides = array<i32>} : memref<32xf32, #tpu.memory_space<vmem>>, vector<16xf32>,
    %swap3A_1002 = vector.shape_cast %swap3A_1001 : vector<16xf32> to vector<16xf32>
    %swap3A_1003 = vector.shape_cast %max3A_999 : vector<16xf32> to vector<16xf32>
    tpu.vector_store %arg6[%swap3A_1000], %swap3A_1003 {strides = array<i32>} : memref<32xf32, #tpu.memory_space<vmem>>, vector<16xf32>,
    %get3A_1004 = arith.constant 2 : index
    %get3A_1005 = tpu.vector_load %arg6[%get3A_1004] {strides = array<i32>} : memref<32xf32, #tpu.memory_space<vmem>>, vector<16xf32>,
    %get3A_1006 = vector.shape_cast %get3A_1005 : vector<16xf32> to vector<16xf32>
    %max3A_1007 = arith.maximumf %max3A_999, %get3A_1006 : vector<16xf32>
    %swap3A_1008 = arith.constant 0 : index
    %swap3A_1009 = tpu.vector_load %arg6[%swap3A_1008] {strides = array<i32>} : memref<32xf32, #tpu.memory_space<vmem>>, vector<16xf32>,
    %swap3A_1010 = vector.shape_cast %swap3A_1009 : vector<16xf32> to vector<16xf32>
    %swap3A_1011 = vector.shape_cast %max3A_1007 : vector<16xf32> to vector<16xf32>
    tpu.vector_store %arg6[%swap3A_1008], %swap3A_1011 {strides = array<i32>} : memref<32xf32, #tpu.memory_space<vmem>>, vector<16xf32>,
    %get3A_1012 = arith.constant 1 : index
    %get3A_1013 = tpu.vector_load %arg6[%get3A_1012] {strides = array<i32>} : memref<32xf32, #tpu.memory_space<vmem>>, vector<16xf32>,
    %get3A_1014 = vector.shape_cast %get3A_1013 : vector<16xf32> to vector<16xf32>
    %max3A_1015 = arith.maximumf %max3A_1007, %get3A_1014 : vector<16xf32>
    %slice3A_1016 = vector.extract_strided_slice %max3A_1015 {offsets = [0], sizes = [1], strides = [1]} : vector<16xf32> to vector<1xf32>
    %squeeze3A_1017 = vector.extract %slice3A_1016[0] : f32 from vector<1xf32>
    %eq3A_1018 = vector.broadcast %squeeze3A_1017 : f32 to vector<16xf32>
    %eq3A_1019 = arith.cmpf oeq, %scan3A_982#0, %eq3A_1018 : vector<16xf32>
    %jit3A_1020 = arith.constant 512 : i32
    %broadcast_in_dim3A_1021 = vector.broadcast %jit3A_1020 : i32 to vector<16xi32>
    %select_n3A_1022 = arith.select %eq3A_1019, %scan3A_982#1, %broadcast_in_dim3A_1021 : vector<16xi1>, vector<16xi32>
    %swap3A_1023 = arith.constant 0 : index
    %swap3A_1024 = tpu.vector_load %arg7[%swap3A_1023] {strides = array<i32>} : memref<32xi32, #tpu.memory_space<vmem>>, vector<16xi32>,
    %swap3A_1025 = vector.shape_cast %swap3A_1024 : vector<16xi32> to vector<16xi32>
    %swap3A_1026 = vector.shape_cast %select_n3A_1022 : vector<16xi32> to vector<16xi32>
    tpu.vector_store %arg7[%swap3A_1023], %swap3A_1026 {strides = array<i32>} : memref<32xi32, #tpu.memory_space<vmem>>, vector<16xi32>,
    %get3A_1027 = arith.constant 8 : index
    %get3A_1028 = tpu.vector_load %arg7[%get3A_1027] {strides = array<i32>} : memref<32xi32, #tpu.memory_space<vmem>>, vector<16xi32>,
    %get3A_1029 = vector.shape_cast %get3A_1028 : vector<16xi32> to vector<16xi32>
    %min3A_1030 = arith.minsi %select_n3A_1022, %get3A_1029 : vector<16xi32>
    %swap3A_1031 = arith.constant 0 : index
    %swap3A_1032 = tpu.vector_load %arg7[%swap3A_1031] {strides = array<i32>} : memref<32xi32, #tpu.memory_space<vmem>>, vector<16xi32>,
    %swap3A_1033 = vector.shape_cast %swap3A_1032 : vector<16xi32> to vector<16xi32>
    %swap3A_1034 = vector.shape_cast %min3A_1030 : vector<16xi32> to vector<16xi32>
    tpu.vector_store %arg7[%swap3A_1031], %swap3A_1034 {strides = array<i32>} : memref<32xi32, #tpu.memory_space<vmem>>, vector<16xi32>,
    %get3A_1035 = arith.constant 4 : index
    %get3A_1036 = tpu.vector_load %arg7[%get3A_1035] {strides = array<i32>} : memref<32xi32, #tpu.memory_space<vmem>>, vector<16xi32>,
    %get3A_1037 = vector.shape_cast %get3A_1036 : vector<16xi32> to vector<16xi32>
    %min3A_1038 = arith.minsi %min3A_1030, %get3A_1037 : vector<16xi32>
    %swap3A_1039 = arith.constant 0 : index
    %swap3A_1040 = tpu.vector_load %arg7[%swap3A_1039] {strides = array<i32>} : memref<32xi32, #tpu.memory_space<vmem>>, vector<16xi32>,
    %swap3A_1041 = vector.shape_cast %swap3A_1040 : vector<16xi32> to vector<16xi32>
    %swap3A_1042 = vector.shape_cast %min3A_1038 : vector<16xi32> to vector<16xi32>
    tpu.vector_store %arg7[%swap3A_1039], %swap3A_1042 {strides = array<i32>} : memref<32xi32, #tpu.memory_space<vmem>>, vector<16xi32>,
    %get3A_1043 = arith.constant 2 : index
    %get3A_1044 = tpu.vector_load %arg7[%get3A_1043] {strides = array<i32>} : memref<32xi32, #tpu.memory_space<vmem>>, vector<16xi32>,
    %get3A_1045 = vector.shape_cast %get3A_1044 : vector<16xi32> to vector<16xi32>
    %min3A_1046 = arith.minsi %min3A_1038, %get3A_1045 : vector<16xi32>
    %swap3A_1047 = arith.constant 0 : index
    %swap3A_1048 = tpu.vector_load %arg7[%swap3A_1047] {strides = array<i32>} : memref<32xi32, #tpu.memory_space<vmem>>, vector<16xi32>,
    %swap3A_1049 = vector.shape_cast %swap3A_1048 : vector<16xi32> to vector<16xi32>
    %swap3A_1050 = vector.shape_cast %min3A_1046 : vector<16xi32> to vector<16xi32>
    tpu.vector_store %arg7[%swap3A_1047], %swap3A_1050 {strides = array<i32>} : memref<32xi32, #tpu.memory_space<vmem>>, vector<16xi32>,
    %get3A_1051 = arith.constant 1 : index
    %get3A_1052 = tpu.vector_load %arg7[%get3A_1051] {strides = array<i32>} : memref<32xi32, #tpu.memory_space<vmem>>, vector<16xi32>,
    %get3A_1053 = vector.shape_cast %get3A_1052 : vector<16xi32> to vector<16xi32>
    %min3A_1054 = arith.minsi %min3A_1046, %get3A_1053 : vector<16xi32>
    %slice3A_1055 = vector.extract_strided_slice %min3A_1054 {offsets = [0], sizes = [1], strides = [1]} : vector<16xi32> to vector<1xi32>
    %squeeze3A_1056 = vector.extract %slice3A_1055[0] : i32 from vector<1xi32>
    %eq3A_1057 = arith.constant 11 : i32
    %eq3A_1058 = vector.broadcast %eq3A_1057 : i32 to vector<16xi32>
    %eq3A_1059 = arith.cmpi eq, %iota3A, %eq3A_1058 : vector<16xi32>
    %broadcast_in_dim3A_1060 = vector.broadcast %squeeze3A_1056 : i32 to vector<16xi32>
    %select_n3A_1061 = arith.select %eq3A_1059, %broadcast_in_dim3A_1060, %select_n3A_972 : vector<16xi1>, vector<16xi32>
    %get3A_1062 = arith.constant 12 : i32
    %get3A_1063 = arith.index_cast %get3A_1062 : i32 to index
    %get3A_1064 = arith.constant 0 : index
    %get3A_1065 = tpu.vector_load %arg4[%get3A_1063, %get3A_1064] {strides = array<i32>} : memref<32x512xf32, #tpu.memory_space<vmem>>, vector<1x16xf32>,
    %get3A_1066 = vector.shape_cast %get3A_1065 : vector<1x16xf32> to vector<16xf32>
    %scan3A_1067 = arith.constant 1 : i32
    %scan3A_1068 = arith.constant 31 : i32
    %scan3A_1069 = arith.addi %scan3A_1067, %scan3A_1068 : i32
    %scan3A_1070 = arith.constant 1 : i32
    %scan3A_1071:2 = scf.for %scan3A_2852 = %scan3A_1067 to %scan3A_1069 step %scan3A_1070 iter_args(%scan3A_2853 = %get3A_1066, %scan3A_2854 = %iota3A) -> (vector<16xf32>, vector<16xi32>)  : i32 {
      %mul3A_2855 = arith.constant 16 : i32
      %mul3A_2856 = arith.muli %scan3A_2852, %mul3A_2855 : i32
      %get3A_2857 = arith.constant 12 : i32
      %get3A_2858 = arith.index_cast %get3A_2857 : i32 to index
      %get3A_2859 = arith.index_cast %mul3A_2856 : i32 to index
      %get3A_2860 = tpu.vector_load %arg4[%get3A_2858, %get3A_2859] {strides = array<i32>} : memref<32x512xf32, #tpu.memory_space<vmem>>, vector<1x16xf32>,
      %get3A_2861 = vector.shape_cast %get3A_2860 : vector<1x16xf32> to vector<16xf32>
      %gt3A = arith.cmpf ogt, %get3A_2861, %scan3A_2853 : vector<16xf32>
      %select_n3A_2862 = arith.select %gt3A, %get3A_2861, %scan3A_2853 : vector<16xi1>, vector<16xf32>
      %mul3A_2863 = arith.constant 16 : i32
      %mul3A_2864 = arith.muli %scan3A_2852, %mul3A_2863 : i32
      %add3A_2865 = vector.broadcast %mul3A_2864 : i32 to vector<16xi32>
      %add3A_2866 = arith.addi %iota3A, %add3A_2865 : vector<16xi32>
      %select_n3A_2867 = arith.select %gt3A, %add3A_2866, %scan3A_2854 : vector<16xi1>, vector<16xi32>
      scf.yield %select_n3A_2862, %select_n3A_2867 : vector<16xf32>, vector<16xi32>
    }
    %scan3A_1072 = arith.constant 31 : i32
    %swap3A_1073 = arith.constant 0 : index
    %swap3A_1074 = tpu.vector_load %arg6[%swap3A_1073] {strides = array<i32>} : memref<32xf32, #tpu.memory_space<vmem>>, vector<16xf32>,
    %swap3A_1075 = vector.shape_cast %swap3A_1074 : vector<16xf32> to vector<16xf32>
    %swap3A_1076 = vector.shape_cast %scan3A_1071#0 : vector<16xf32> to vector<16xf32>
    tpu.vector_store %arg6[%swap3A_1073], %swap3A_1076 {strides = array<i32>} : memref<32xf32, #tpu.memory_space<vmem>>, vector<16xf32>,
    %get3A_1077 = arith.constant 8 : index
    %get3A_1078 = tpu.vector_load %arg6[%get3A_1077] {strides = array<i32>} : memref<32xf32, #tpu.memory_space<vmem>>, vector<16xf32>,
    %get3A_1079 = vector.shape_cast %get3A_1078 : vector<16xf32> to vector<16xf32>
    %max3A_1080 = arith.maximumf %scan3A_1071#0, %get3A_1079 : vector<16xf32>
    %swap3A_1081 = arith.constant 0 : index
    %swap3A_1082 = tpu.vector_load %arg6[%swap3A_1081] {strides = array<i32>} : memref<32xf32, #tpu.memory_space<vmem>>, vector<16xf32>,
    %swap3A_1083 = vector.shape_cast %swap3A_1082 : vector<16xf32> to vector<16xf32>
    %swap3A_1084 = vector.shape_cast %max3A_1080 : vector<16xf32> to vector<16xf32>
    tpu.vector_store %arg6[%swap3A_1081], %swap3A_1084 {strides = array<i32>} : memref<32xf32, #tpu.memory_space<vmem>>, vector<16xf32>,
    %get3A_1085 = arith.constant 4 : index
    %get3A_1086 = tpu.vector_load %arg6[%get3A_1085] {strides = array<i32>} : memref<32xf32, #tpu.memory_space<vmem>>, vector<16xf32>,
    %get3A_1087 = vector.shape_cast %get3A_1086 : vector<16xf32> to vector<16xf32>
    %max3A_1088 = arith.maximumf %max3A_1080, %get3A_1087 : vector<16xf32>
    %swap3A_1089 = arith.constant 0 : index
    %swap3A_1090 = tpu.vector_load %arg6[%swap3A_1089] {strides = array<i32>} : memref<32xf32, #tpu.memory_space<vmem>>, vector<16xf32>,
    %swap3A_1091 = vector.shape_cast %swap3A_1090 : vector<16xf32> to vector<16xf32>
    %swap3A_1092 = vector.shape_cast %max3A_1088 : vector<16xf32> to vector<16xf32>
    tpu.vector_store %arg6[%swap3A_1089], %swap3A_1092 {strides = array<i32>} : memref<32xf32, #tpu.memory_space<vmem>>, vector<16xf32>,
    %get3A_1093 = arith.constant 2 : index
    %get3A_1094 = tpu.vector_load %arg6[%get3A_1093] {strides = array<i32>} : memref<32xf32, #tpu.memory_space<vmem>>, vector<16xf32>,
    %get3A_1095 = vector.shape_cast %get3A_1094 : vector<16xf32> to vector<16xf32>
    %max3A_1096 = arith.maximumf %max3A_1088, %get3A_1095 : vector<16xf32>
    %swap3A_1097 = arith.constant 0 : index
    %swap3A_1098 = tpu.vector_load %arg6[%swap3A_1097] {strides = array<i32>} : memref<32xf32, #tpu.memory_space<vmem>>, vector<16xf32>,
    %swap3A_1099 = vector.shape_cast %swap3A_1098 : vector<16xf32> to vector<16xf32>
    %swap3A_1100 = vector.shape_cast %max3A_1096 : vector<16xf32> to vector<16xf32>
    tpu.vector_store %arg6[%swap3A_1097], %swap3A_1100 {strides = array<i32>} : memref<32xf32, #tpu.memory_space<vmem>>, vector<16xf32>,
    %get3A_1101 = arith.constant 1 : index
    %get3A_1102 = tpu.vector_load %arg6[%get3A_1101] {strides = array<i32>} : memref<32xf32, #tpu.memory_space<vmem>>, vector<16xf32>,
    %get3A_1103 = vector.shape_cast %get3A_1102 : vector<16xf32> to vector<16xf32>
    %max3A_1104 = arith.maximumf %max3A_1096, %get3A_1103 : vector<16xf32>
    %slice3A_1105 = vector.extract_strided_slice %max3A_1104 {offsets = [0], sizes = [1], strides = [1]} : vector<16xf32> to vector<1xf32>
    %squeeze3A_1106 = vector.extract %slice3A_1105[0] : f32 from vector<1xf32>
    %eq3A_1107 = vector.broadcast %squeeze3A_1106 : f32 to vector<16xf32>
    %eq3A_1108 = arith.cmpf oeq, %scan3A_1071#0, %eq3A_1107 : vector<16xf32>
    %jit3A_1109 = arith.constant 512 : i32
    %broadcast_in_dim3A_1110 = vector.broadcast %jit3A_1109 : i32 to vector<16xi32>
    %select_n3A_1111 = arith.select %eq3A_1108, %scan3A_1071#1, %broadcast_in_dim3A_1110 : vector<16xi1>, vector<16xi32>
    %swap3A_1112 = arith.constant 0 : index
    %swap3A_1113 = tpu.vector_load %arg7[%swap3A_1112] {strides = array<i32>} : memref<32xi32, #tpu.memory_space<vmem>>, vector<16xi32>,
    %swap3A_1114 = vector.shape_cast %swap3A_1113 : vector<16xi32> to vector<16xi32>
    %swap3A_1115 = vector.shape_cast %select_n3A_1111 : vector<16xi32> to vector<16xi32>
    tpu.vector_store %arg7[%swap3A_1112], %swap3A_1115 {strides = array<i32>} : memref<32xi32, #tpu.memory_space<vmem>>, vector<16xi32>,
    %get3A_1116 = arith.constant 8 : index
    %get3A_1117 = tpu.vector_load %arg7[%get3A_1116] {strides = array<i32>} : memref<32xi32, #tpu.memory_space<vmem>>, vector<16xi32>,
    %get3A_1118 = vector.shape_cast %get3A_1117 : vector<16xi32> to vector<16xi32>
    %min3A_1119 = arith.minsi %select_n3A_1111, %get3A_1118 : vector<16xi32>
    %swap3A_1120 = arith.constant 0 : index
    %swap3A_1121 = tpu.vector_load %arg7[%swap3A_1120] {strides = array<i32>} : memref<32xi32, #tpu.memory_space<vmem>>, vector<16xi32>,
    %swap3A_1122 = vector.shape_cast %swap3A_1121 : vector<16xi32> to vector<16xi32>
    %swap3A_1123 = vector.shape_cast %min3A_1119 : vector<16xi32> to vector<16xi32>
    tpu.vector_store %arg7[%swap3A_1120], %swap3A_1123 {strides = array<i32>} : memref<32xi32, #tpu.memory_space<vmem>>, vector<16xi32>,
    %get3A_1124 = arith.constant 4 : index
    %get3A_1125 = tpu.vector_load %arg7[%get3A_1124] {strides = array<i32>} : memref<32xi32, #tpu.memory_space<vmem>>, vector<16xi32>,
    %get3A_1126 = vector.shape_cast %get3A_1125 : vector<16xi32> to vector<16xi32>
    %min3A_1127 = arith.minsi %min3A_1119, %get3A_1126 : vector<16xi32>
    %swap3A_1128 = arith.constant 0 : index
    %swap3A_1129 = tpu.vector_load %arg7[%swap3A_1128] {strides = array<i32>} : memref<32xi32, #tpu.memory_space<vmem>>, vector<16xi32>,
    %swap3A_1130 = vector.shape_cast %swap3A_1129 : vector<16xi32> to vector<16xi32>
    %swap3A_1131 = vector.shape_cast %min3A_1127 : vector<16xi32> to vector<16xi32>
    tpu.vector_store %arg7[%swap3A_1128], %swap3A_1131 {strides = array<i32>} : memref<32xi32, #tpu.memory_space<vmem>>, vector<16xi32>,
    %get3A_1132 = arith.constant 2 : index
    %get3A_1133 = tpu.vector_load %arg7[%get3A_1132] {strides = array<i32>} : memref<32xi32, #tpu.memory_space<vmem>>, vector<16xi32>,
    %get3A_1134 = vector.shape_cast %get3A_1133 : vector<16xi32> to vector<16xi32>
    %min3A_1135 = arith.minsi %min3A_1127, %get3A_1134 : vector<16xi32>
    %swap3A_1136 = arith.constant 0 : index
    %swap3A_1137 = tpu.vector_load %arg7[%swap3A_1136] {strides = array<i32>} : memref<32xi32, #tpu.memory_space<vmem>>, vector<16xi32>,
    %swap3A_1138 = vector.shape_cast %swap3A_1137 : vector<16xi32> to vector<16xi32>
    %swap3A_1139 = vector.shape_cast %min3A_1135 : vector<16xi32> to vector<16xi32>
    tpu.vector_store %arg7[%swap3A_1136], %swap3A_1139 {strides = array<i32>} : memref<32xi32, #tpu.memory_space<vmem>>, vector<16xi32>,
    %get3A_1140 = arith.constant 1 : index
    %get3A_1141 = tpu.vector_load %arg7[%get3A_1140] {strides = array<i32>} : memref<32xi32, #tpu.memory_space<vmem>>, vector<16xi32>,
    %get3A_1142 = vector.shape_cast %get3A_1141 : vector<16xi32> to vector<16xi32>
    %min3A_1143 = arith.minsi %min3A_1135, %get3A_1142 : vector<16xi32>
    %slice3A_1144 = vector.extract_strided_slice %min3A_1143 {offsets = [0], sizes = [1], strides = [1]} : vector<16xi32> to vector<1xi32>
    %squeeze3A_1145 = vector.extract %slice3A_1144[0] : i32 from vector<1xi32>
    %eq3A_1146 = arith.constant 12 : i32
    %eq3A_1147 = vector.broadcast %eq3A_1146 : i32 to vector<16xi32>
    %eq3A_1148 = arith.cmpi eq, %iota3A, %eq3A_1147 : vector<16xi32>
    %broadcast_in_dim3A_1149 = vector.broadcast %squeeze3A_1145 : i32 to vector<16xi32>
    %select_n3A_1150 = arith.select %eq3A_1148, %broadcast_in_dim3A_1149, %select_n3A_1061 : vector<16xi1>, vector<16xi32>
    %get3A_1151 = arith.constant 13 : i32
    %get3A_1152 = arith.index_cast %get3A_1151 : i32 to index
    %get3A_1153 = arith.constant 0 : index
    %get3A_1154 = tpu.vector_load %arg4[%get3A_1152, %get3A_1153] {strides = array<i32>} : memref<32x512xf32, #tpu.memory_space<vmem>>, vector<1x16xf32>,
    %get3A_1155 = vector.shape_cast %get3A_1154 : vector<1x16xf32> to vector<16xf32>
    %scan3A_1156 = arith.constant 1 : i32
    %scan3A_1157 = arith.constant 31 : i32
    %scan3A_1158 = arith.addi %scan3A_1156, %scan3A_1157 : i32
    %scan3A_1159 = arith.constant 1 : i32
    %scan3A_1160:2 = scf.for %scan3A_2852 = %scan3A_1156 to %scan3A_1158 step %scan3A_1159 iter_args(%scan3A_2853 = %get3A_1155, %scan3A_2854 = %iota3A) -> (vector<16xf32>, vector<16xi32>)  : i32 {
      %mul3A_2855 = arith.constant 16 : i32
      %mul3A_2856 = arith.muli %scan3A_2852, %mul3A_2855 : i32
      %get3A_2857 = arith.constant 13 : i32
      %get3A_2858 = arith.index_cast %get3A_2857 : i32 to index
      %get3A_2859 = arith.index_cast %mul3A_2856 : i32 to index
      %get3A_2860 = tpu.vector_load %arg4[%get3A_2858, %get3A_2859] {strides = array<i32>} : memref<32x512xf32, #tpu.memory_space<vmem>>, vector<1x16xf32>,
      %get3A_2861 = vector.shape_cast %get3A_2860 : vector<1x16xf32> to vector<16xf32>
      %gt3A = arith.cmpf ogt, %get3A_2861, %scan3A_2853 : vector<16xf32>
      %select_n3A_2862 = arith.select %gt3A, %get3A_2861, %scan3A_2853 : vector<16xi1>, vector<16xf32>
      %mul3A_2863 = arith.constant 16 : i32
      %mul3A_2864 = arith.muli %scan3A_2852, %mul3A_2863 : i32
      %add3A_2865 = vector.broadcast %mul3A_2864 : i32 to vector<16xi32>
      %add3A_2866 = arith.addi %iota3A, %add3A_2865 : vector<16xi32>
      %select_n3A_2867 = arith.select %gt3A, %add3A_2866, %scan3A_2854 : vector<16xi1>, vector<16xi32>
      scf.yield %select_n3A_2862, %select_n3A_2867 : vector<16xf32>, vector<16xi32>
    }
    %scan3A_1161 = arith.constant 31 : i32
    %swap3A_1162 = arith.constant 0 : index
    %swap3A_1163 = tpu.vector_load %arg6[%swap3A_1162] {strides = array<i32>} : memref<32xf32, #tpu.memory_space<vmem>>, vector<16xf32>,
    %swap3A_1164 = vector.shape_cast %swap3A_1163 : vector<16xf32> to vector<16xf32>
    %swap3A_1165 = vector.shape_cast %scan3A_1160#0 : vector<16xf32> to vector<16xf32>
    tpu.vector_store %arg6[%swap3A_1162], %swap3A_1165 {strides = array<i32>} : memref<32xf32, #tpu.memory_space<vmem>>, vector<16xf32>,
    %get3A_1166 = arith.constant 8 : index
    %get3A_1167 = tpu.vector_load %arg6[%get3A_1166] {strides = array<i32>} : memref<32xf32, #tpu.memory_space<vmem>>, vector<16xf32>,
    %get3A_1168 = vector.shape_cast %get3A_1167 : vector<16xf32> to vector<16xf32>
    %max3A_1169 = arith.maximumf %scan3A_1160#0, %get3A_1168 : vector<16xf32>
    %swap3A_1170 = arith.constant 0 : index
    %swap3A_1171 = tpu.vector_load %arg6[%swap3A_1170] {strides = array<i32>} : memref<32xf32, #tpu.memory_space<vmem>>, vector<16xf32>,
    %swap3A_1172 = vector.shape_cast %swap3A_1171 : vector<16xf32> to vector<16xf32>
    %swap3A_1173 = vector.shape_cast %max3A_1169 : vector<16xf32> to vector<16xf32>
    tpu.vector_store %arg6[%swap3A_1170], %swap3A_1173 {strides = array<i32>} : memref<32xf32, #tpu.memory_space<vmem>>, vector<16xf32>,
    %get3A_1174 = arith.constant 4 : index
    %get3A_1175 = tpu.vector_load %arg6[%get3A_1174] {strides = array<i32>} : memref<32xf32, #tpu.memory_space<vmem>>, vector<16xf32>,
    %get3A_1176 = vector.shape_cast %get3A_1175 : vector<16xf32> to vector<16xf32>
    %max3A_1177 = arith.maximumf %max3A_1169, %get3A_1176 : vector<16xf32>
    %swap3A_1178 = arith.constant 0 : index
    %swap3A_1179 = tpu.vector_load %arg6[%swap3A_1178] {strides = array<i32>} : memref<32xf32, #tpu.memory_space<vmem>>, vector<16xf32>,
    %swap3A_1180 = vector.shape_cast %swap3A_1179 : vector<16xf32> to vector<16xf32>
    %swap3A_1181 = vector.shape_cast %max3A_1177 : vector<16xf32> to vector<16xf32>
    tpu.vector_store %arg6[%swap3A_1178], %swap3A_1181 {strides = array<i32>} : memref<32xf32, #tpu.memory_space<vmem>>, vector<16xf32>,
    %get3A_1182 = arith.constant 2 : index
    %get3A_1183 = tpu.vector_load %arg6[%get3A_1182] {strides = array<i32>} : memref<32xf32, #tpu.memory_space<vmem>>, vector<16xf32>,
    %get3A_1184 = vector.shape_cast %get3A_1183 : vector<16xf32> to vector<16xf32>
    %max3A_1185 = arith.maximumf %max3A_1177, %get3A_1184 : vector<16xf32>
    %swap3A_1186 = arith.constant 0 : index
    %swap3A_1187 = tpu.vector_load %arg6[%swap3A_1186] {strides = array<i32>} : memref<32xf32, #tpu.memory_space<vmem>>, vector<16xf32>,
    %swap3A_1188 = vector.shape_cast %swap3A_1187 : vector<16xf32> to vector<16xf32>
    %swap3A_1189 = vector.shape_cast %max3A_1185 : vector<16xf32> to vector<16xf32>
    tpu.vector_store %arg6[%swap3A_1186], %swap3A_1189 {strides = array<i32>} : memref<32xf32, #tpu.memory_space<vmem>>, vector<16xf32>,
    %get3A_1190 = arith.constant 1 : index
    %get3A_1191 = tpu.vector_load %arg6[%get3A_1190] {strides = array<i32>} : memref<32xf32, #tpu.memory_space<vmem>>, vector<16xf32>,
    %get3A_1192 = vector.shape_cast %get3A_1191 : vector<16xf32> to vector<16xf32>
    %max3A_1193 = arith.maximumf %max3A_1185, %get3A_1192 : vector<16xf32>
    %slice3A_1194 = vector.extract_strided_slice %max3A_1193 {offsets = [0], sizes = [1], strides = [1]} : vector<16xf32> to vector<1xf32>
    %squeeze3A_1195 = vector.extract %slice3A_1194[0] : f32 from vector<1xf32>
    %eq3A_1196 = vector.broadcast %squeeze3A_1195 : f32 to vector<16xf32>
    %eq3A_1197 = arith.cmpf oeq, %scan3A_1160#0, %eq3A_1196 : vector<16xf32>
    %jit3A_1198 = arith.constant 512 : i32
    %broadcast_in_dim3A_1199 = vector.broadcast %jit3A_1198 : i32 to vector<16xi32>
    %select_n3A_1200 = arith.select %eq3A_1197, %scan3A_1160#1, %broadcast_in_dim3A_1199 : vector<16xi1>, vector<16xi32>
    %swap3A_1201 = arith.constant 0 : index
    %swap3A_1202 = tpu.vector_load %arg7[%swap3A_1201] {strides = array<i32>} : memref<32xi32, #tpu.memory_space<vmem>>, vector<16xi32>,
    %swap3A_1203 = vector.shape_cast %swap3A_1202 : vector<16xi32> to vector<16xi32>
    %swap3A_1204 = vector.shape_cast %select_n3A_1200 : vector<16xi32> to vector<16xi32>
    tpu.vector_store %arg7[%swap3A_1201], %swap3A_1204 {strides = array<i32>} : memref<32xi32, #tpu.memory_space<vmem>>, vector<16xi32>,
    %get3A_1205 = arith.constant 8 : index
    %get3A_1206 = tpu.vector_load %arg7[%get3A_1205] {strides = array<i32>} : memref<32xi32, #tpu.memory_space<vmem>>, vector<16xi32>,
    %get3A_1207 = vector.shape_cast %get3A_1206 : vector<16xi32> to vector<16xi32>
    %min3A_1208 = arith.minsi %select_n3A_1200, %get3A_1207 : vector<16xi32>
    %swap3A_1209 = arith.constant 0 : index
    %swap3A_1210 = tpu.vector_load %arg7[%swap3A_1209] {strides = array<i32>} : memref<32xi32, #tpu.memory_space<vmem>>, vector<16xi32>,
    %swap3A_1211 = vector.shape_cast %swap3A_1210 : vector<16xi32> to vector<16xi32>
    %swap3A_1212 = vector.shape_cast %min3A_1208 : vector<16xi32> to vector<16xi32>
    tpu.vector_store %arg7[%swap3A_1209], %swap3A_1212 {strides = array<i32>} : memref<32xi32, #tpu.memory_space<vmem>>, vector<16xi32>,
    %get3A_1213 = arith.constant 4 : index
    %get3A_1214 = tpu.vector_load %arg7[%get3A_1213] {strides = array<i32>} : memref<32xi32, #tpu.memory_space<vmem>>, vector<16xi32>,
    %get3A_1215 = vector.shape_cast %get3A_1214 : vector<16xi32> to vector<16xi32>
    %min3A_1216 = arith.minsi %min3A_1208, %get3A_1215 : vector<16xi32>
    %swap3A_1217 = arith.constant 0 : index
    %swap3A_1218 = tpu.vector_load %arg7[%swap3A_1217] {strides = array<i32>} : memref<32xi32, #tpu.memory_space<vmem>>, vector<16xi32>,
    %swap3A_1219 = vector.shape_cast %swap3A_1218 : vector<16xi32> to vector<16xi32>
    %swap3A_1220 = vector.shape_cast %min3A_1216 : vector<16xi32> to vector<16xi32>
    tpu.vector_store %arg7[%swap3A_1217], %swap3A_1220 {strides = array<i32>} : memref<32xi32, #tpu.memory_space<vmem>>, vector<16xi32>,
    %get3A_1221 = arith.constant 2 : index
    %get3A_1222 = tpu.vector_load %arg7[%get3A_1221] {strides = array<i32>} : memref<32xi32, #tpu.memory_space<vmem>>, vector<16xi32>,
    %get3A_1223 = vector.shape_cast %get3A_1222 : vector<16xi32> to vector<16xi32>
    %min3A_1224 = arith.minsi %min3A_1216, %get3A_1223 : vector<16xi32>
    %swap3A_1225 = arith.constant 0 : index
    %swap3A_1226 = tpu.vector_load %arg7[%swap3A_1225] {strides = array<i32>} : memref<32xi32, #tpu.memory_space<vmem>>, vector<16xi32>,
    %swap3A_1227 = vector.shape_cast %swap3A_1226 : vector<16xi32> to vector<16xi32>
    %swap3A_1228 = vector.shape_cast %min3A_1224 : vector<16xi32> to vector<16xi32>
    tpu.vector_store %arg7[%swap3A_1225], %swap3A_1228 {strides = array<i32>} : memref<32xi32, #tpu.memory_space<vmem>>, vector<16xi32>,
    %get3A_1229 = arith.constant 1 : index
    %get3A_1230 = tpu.vector_load %arg7[%get3A_1229] {strides = array<i32>} : memref<32xi32, #tpu.memory_space<vmem>>, vector<16xi32>,
    %get3A_1231 = vector.shape_cast %get3A_1230 : vector<16xi32> to vector<16xi32>
    %min3A_1232 = arith.minsi %min3A_1224, %get3A_1231 : vector<16xi32>
    %slice3A_1233 = vector.extract_strided_slice %min3A_1232 {offsets = [0], sizes = [1], strides = [1]} : vector<16xi32> to vector<1xi32>
    %squeeze3A_1234 = vector.extract %slice3A_1233[0] : i32 from vector<1xi32>
    %eq3A_1235 = arith.constant 13 : i32
    %eq3A_1236 = vector.broadcast %eq3A_1235 : i32 to vector<16xi32>
    %eq3A_1237 = arith.cmpi eq, %iota3A, %eq3A_1236 : vector<16xi32>
    %broadcast_in_dim3A_1238 = vector.broadcast %squeeze3A_1234 : i32 to vector<16xi32>
    %select_n3A_1239 = arith.select %eq3A_1237, %broadcast_in_dim3A_1238, %select_n3A_1150 : vector<16xi1>, vector<16xi32>
    %get3A_1240 = arith.constant 14 : i32
    %get3A_1241 = arith.index_cast %get3A_1240 : i32 to index
    %get3A_1242 = arith.constant 0 : index
    %get3A_1243 = tpu.vector_load %arg4[%get3A_1241, %get3A_1242] {strides = array<i32>} : memref<32x512xf32, #tpu.memory_space<vmem>>, vector<1x16xf32>,
    %get3A_1244 = vector.shape_cast %get3A_1243 : vector<1x16xf32> to vector<16xf32>
    %scan3A_1245 = arith.constant 1 : i32
    %scan3A_1246 = arith.constant 31 : i32
    %scan3A_1247 = arith.addi %scan3A_1245, %scan3A_1246 : i32
    %scan3A_1248 = arith.constant 1 : i32
    %scan3A_1249:2 = scf.for %scan3A_2852 = %scan3A_1245 to %scan3A_1247 step %scan3A_1248 iter_args(%scan3A_2853 = %get3A_1244, %scan3A_2854 = %iota3A) -> (vector<16xf32>, vector<16xi32>)  : i32 {
      %mul3A_2855 = arith.constant 16 : i32
      %mul3A_2856 = arith.muli %scan3A_2852, %mul3A_2855 : i32
      %get3A_2857 = arith.constant 14 : i32
      %get3A_2858 = arith.index_cast %get3A_2857 : i32 to index
      %get3A_2859 = arith.index_cast %mul3A_2856 : i32 to index
      %get3A_2860 = tpu.vector_load %arg4[%get3A_2858, %get3A_2859] {strides = array<i32>} : memref<32x512xf32, #tpu.memory_space<vmem>>, vector<1x16xf32>,
      %get3A_2861 = vector.shape_cast %get3A_2860 : vector<1x16xf32> to vector<16xf32>
      %gt3A = arith.cmpf ogt, %get3A_2861, %scan3A_2853 : vector<16xf32>
      %select_n3A_2862 = arith.select %gt3A, %get3A_2861, %scan3A_2853 : vector<16xi1>, vector<16xf32>
      %mul3A_2863 = arith.constant 16 : i32
      %mul3A_2864 = arith.muli %scan3A_2852, %mul3A_2863 : i32
      %add3A_2865 = vector.broadcast %mul3A_2864 : i32 to vector<16xi32>
      %add3A_2866 = arith.addi %iota3A, %add3A_2865 : vector<16xi32>
      %select_n3A_2867 = arith.select %gt3A, %add3A_2866, %scan3A_2854 : vector<16xi1>, vector<16xi32>
      scf.yield %select_n3A_2862, %select_n3A_2867 : vector<16xf32>, vector<16xi32>
    }
    %scan3A_1250 = arith.constant 31 : i32
    %swap3A_1251 = arith.constant 0 : index
    %swap3A_1252 = tpu.vector_load %arg6[%swap3A_1251] {strides = array<i32>} : memref<32xf32, #tpu.memory_space<vmem>>, vector<16xf32>,
    %swap3A_1253 = vector.shape_cast %swap3A_1252 : vector<16xf32> to vector<16xf32>
    %swap3A_1254 = vector.shape_cast %scan3A_1249#0 : vector<16xf32> to vector<16xf32>
    tpu.vector_store %arg6[%swap3A_1251], %swap3A_1254 {strides = array<i32>} : memref<32xf32, #tpu.memory_space<vmem>>, vector<16xf32>,
    %get3A_1255 = arith.constant 8 : index
    %get3A_1256 = tpu.vector_load %arg6[%get3A_1255] {strides = array<i32>} : memref<32xf32, #tpu.memory_space<vmem>>, vector<16xf32>,
    %get3A_1257 = vector.shape_cast %get3A_1256 : vector<16xf32> to vector<16xf32>
    %max3A_1258 = arith.maximumf %scan3A_1249#0, %get3A_1257 : vector<16xf32>
    %swap3A_1259 = arith.constant 0 : index
    %swap3A_1260 = tpu.vector_load %arg6[%swap3A_1259] {strides = array<i32>} : memref<32xf32, #tpu.memory_space<vmem>>, vector<16xf32>,
    %swap3A_1261 = vector.shape_cast %swap3A_1260 : vector<16xf32> to vector<16xf32>
    %swap3A_1262 = vector.shape_cast %max3A_1258 : vector<16xf32> to vector<16xf32>
    tpu.vector_store %arg6[%swap3A_1259], %swap3A_1262 {strides = array<i32>} : memref<32xf32, #tpu.memory_space<vmem>>, vector<16xf32>,
    %get3A_1263 = arith.constant 4 : index
    %get3A_1264 = tpu.vector_load %arg6[%get3A_1263] {strides = array<i32>} : memref<32xf32, #tpu.memory_space<vmem>>, vector<16xf32>,
    %get3A_1265 = vector.shape_cast %get3A_1264 : vector<16xf32> to vector<16xf32>
    %max3A_1266 = arith.maximumf %max3A_1258, %get3A_1265 : vector<16xf32>
    %swap3A_1267 = arith.constant 0 : index
    %swap3A_1268 = tpu.vector_load %arg6[%swap3A_1267] {strides = array<i32>} : memref<32xf32, #tpu.memory_space<vmem>>, vector<16xf32>,
    %swap3A_1269 = vector.shape_cast %swap3A_1268 : vector<16xf32> to vector<16xf32>
    %swap3A_1270 = vector.shape_cast %max3A_1266 : vector<16xf32> to vector<16xf32>
    tpu.vector_store %arg6[%swap3A_1267], %swap3A_1270 {strides = array<i32>} : memref<32xf32, #tpu.memory_space<vmem>>, vector<16xf32>,
    %get3A_1271 = arith.constant 2 : index
    %get3A_1272 = tpu.vector_load %arg6[%get3A_1271] {strides = array<i32>} : memref<32xf32, #tpu.memory_space<vmem>>, vector<16xf32>,
    %get3A_1273 = vector.shape_cast %get3A_1272 : vector<16xf32> to vector<16xf32>
    %max3A_1274 = arith.maximumf %max3A_1266, %get3A_1273 : vector<16xf32>
    %swap3A_1275 = arith.constant 0 : index
    %swap3A_1276 = tpu.vector_load %arg6[%swap3A_1275] {strides = array<i32>} : memref<32xf32, #tpu.memory_space<vmem>>, vector<16xf32>,
    %swap3A_1277 = vector.shape_cast %swap3A_1276 : vector<16xf32> to vector<16xf32>
    %swap3A_1278 = vector.shape_cast %max3A_1274 : vector<16xf32> to vector<16xf32>
    tpu.vector_store %arg6[%swap3A_1275], %swap3A_1278 {strides = array<i32>} : memref<32xf32, #tpu.memory_space<vmem>>, vector<16xf32>,
    %get3A_1279 = arith.constant 1 : index
    %get3A_1280 = tpu.vector_load %arg6[%get3A_1279] {strides = array<i32>} : memref<32xf32, #tpu.memory_space<vmem>>, vector<16xf32>,
    %get3A_1281 = vector.shape_cast %get3A_1280 : vector<16xf32> to vector<16xf32>
    %max3A_1282 = arith.maximumf %max3A_1274, %get3A_1281 : vector<16xf32>
    %slice3A_1283 = vector.extract_strided_slice %max3A_1282 {offsets = [0], sizes = [1], strides = [1]} : vector<16xf32> to vector<1xf32>
    %squeeze3A_1284 = vector.extract %slice3A_1283[0] : f32 from vector<1xf32>
    %eq3A_1285 = vector.broadcast %squeeze3A_1284 : f32 to vector<16xf32>
    %eq3A_1286 = arith.cmpf oeq, %scan3A_1249#0, %eq3A_1285 : vector<16xf32>
    %jit3A_1287 = arith.constant 512 : i32
    %broadcast_in_dim3A_1288 = vector.broadcast %jit3A_1287 : i32 to vector<16xi32>
    %select_n3A_1289 = arith.select %eq3A_1286, %scan3A_1249#1, %broadcast_in_dim3A_1288 : vector<16xi1>, vector<16xi32>
    %swap3A_1290 = arith.constant 0 : index
    %swap3A_1291 = tpu.vector_load %arg7[%swap3A_1290] {strides = array<i32>} : memref<32xi32, #tpu.memory_space<vmem>>, vector<16xi32>,
    %swap3A_1292 = vector.shape_cast %swap3A_1291 : vector<16xi32> to vector<16xi32>
    %swap3A_1293 = vector.shape_cast %select_n3A_1289 : vector<16xi32> to vector<16xi32>
    tpu.vector_store %arg7[%swap3A_1290], %swap3A_1293 {strides = array<i32>} : memref<32xi32, #tpu.memory_space<vmem>>, vector<16xi32>,
    %get3A_1294 = arith.constant 8 : index
    %get3A_1295 = tpu.vector_load %arg7[%get3A_1294] {strides = array<i32>} : memref<32xi32, #tpu.memory_space<vmem>>, vector<16xi32>,
    %get3A_1296 = vector.shape_cast %get3A_1295 : vector<16xi32> to vector<16xi32>
    %min3A_1297 = arith.minsi %select_n3A_1289, %get3A_1296 : vector<16xi32>
    %swap3A_1298 = arith.constant 0 : index
    %swap3A_1299 = tpu.vector_load %arg7[%swap3A_1298] {strides = array<i32>} : memref<32xi32, #tpu.memory_space<vmem>>, vector<16xi32>,
    %swap3A_1300 = vector.shape_cast %swap3A_1299 : vector<16xi32> to vector<16xi32>
    %swap3A_1301 = vector.shape_cast %min3A_1297 : vector<16xi32> to vector<16xi32>
    tpu.vector_store %arg7[%swap3A_1298], %swap3A_1301 {strides = array<i32>} : memref<32xi32, #tpu.memory_space<vmem>>, vector<16xi32>,
    %get3A_1302 = arith.constant 4 : index
    %get3A_1303 = tpu.vector_load %arg7[%get3A_1302] {strides = array<i32>} : memref<32xi32, #tpu.memory_space<vmem>>, vector<16xi32>,
    %get3A_1304 = vector.shape_cast %get3A_1303 : vector<16xi32> to vector<16xi32>
    %min3A_1305 = arith.minsi %min3A_1297, %get3A_1304 : vector<16xi32>
    %swap3A_1306 = arith.constant 0 : index
    %swap3A_1307 = tpu.vector_load %arg7[%swap3A_1306] {strides = array<i32>} : memref<32xi32, #tpu.memory_space<vmem>>, vector<16xi32>,
    %swap3A_1308 = vector.shape_cast %swap3A_1307 : vector<16xi32> to vector<16xi32>
    %swap3A_1309 = vector.shape_cast %min3A_1305 : vector<16xi32> to vector<16xi32>
    tpu.vector_store %arg7[%swap3A_1306], %swap3A_1309 {strides = array<i32>} : memref<32xi32, #tpu.memory_space<vmem>>, vector<16xi32>,
    %get3A_1310 = arith.constant 2 : index
    %get3A_1311 = tpu.vector_load %arg7[%get3A_1310] {strides = array<i32>} : memref<32xi32, #tpu.memory_space<vmem>>, vector<16xi32>,
    %get3A_1312 = vector.shape_cast %get3A_1311 : vector<16xi32> to vector<16xi32>
    %min3A_1313 = arith.minsi %min3A_1305, %get3A_1312 : vector<16xi32>
    %swap3A_1314 = arith.constant 0 : index
    %swap3A_1315 = tpu.vector_load %arg7[%swap3A_1314] {strides = array<i32>} : memref<32xi32, #tpu.memory_space<vmem>>, vector<16xi32>,
    %swap3A_1316 = vector.shape_cast %swap3A_1315 : vector<16xi32> to vector<16xi32>
    %swap3A_1317 = vector.shape_cast %min3A_1313 : vector<16xi32> to vector<16xi32>
    tpu.vector_store %arg7[%swap3A_1314], %swap3A_1317 {strides = array<i32>} : memref<32xi32, #tpu.memory_space<vmem>>, vector<16xi32>,
    %get3A_1318 = arith.constant 1 : index
    %get3A_1319 = tpu.vector_load %arg7[%get3A_1318] {strides = array<i32>} : memref<32xi32, #tpu.memory_space<vmem>>, vector<16xi32>,
    %get3A_1320 = vector.shape_cast %get3A_1319 : vector<16xi32> to vector<16xi32>
    %min3A_1321 = arith.minsi %min3A_1313, %get3A_1320 : vector<16xi32>
    %slice3A_1322 = vector.extract_strided_slice %min3A_1321 {offsets = [0], sizes = [1], strides = [1]} : vector<16xi32> to vector<1xi32>
    %squeeze3A_1323 = vector.extract %slice3A_1322[0] : i32 from vector<1xi32>
    %eq3A_1324 = arith.constant 14 : i32
    %eq3A_1325 = vector.broadcast %eq3A_1324 : i32 to vector<16xi32>
    %eq3A_1326 = arith.cmpi eq, %iota3A, %eq3A_1325 : vector<16xi32>
    %broadcast_in_dim3A_1327 = vector.broadcast %squeeze3A_1323 : i32 to vector<16xi32>
    %select_n3A_1328 = arith.select %eq3A_1326, %broadcast_in_dim3A_1327, %select_n3A_1239 : vector<16xi1>, vector<16xi32>
    %get3A_1329 = arith.constant 15 : i32
    %get3A_1330 = arith.index_cast %get3A_1329 : i32 to index
    %get3A_1331 = arith.constant 0 : index
    %get3A_1332 = tpu.vector_load %arg4[%get3A_1330, %get3A_1331] {strides = array<i32>} : memref<32x512xf32, #tpu.memory_space<vmem>>, vector<1x16xf32>,
    %get3A_1333 = vector.shape_cast %get3A_1332 : vector<1x16xf32> to vector<16xf32>
    %scan3A_1334 = arith.constant 1 : i32
    %scan3A_1335 = arith.constant 31 : i32
    %scan3A_1336 = arith.addi %scan3A_1334, %scan3A_1335 : i32
    %scan3A_1337 = arith.constant 1 : i32
    %scan3A_1338:2 = scf.for %scan3A_2852 = %scan3A_1334 to %scan3A_1336 step %scan3A_1337 iter_args(%scan3A_2853 = %get3A_1333, %scan3A_2854 = %iota3A) -> (vector<16xf32>, vector<16xi32>)  : i32 {
      %mul3A_2855 = arith.constant 16 : i32
      %mul3A_2856 = arith.muli %scan3A_2852, %mul3A_2855 : i32
      %get3A_2857 = arith.constant 15 : i32
      %get3A_2858 = arith.index_cast %get3A_2857 : i32 to index
      %get3A_2859 = arith.index_cast %mul3A_2856 : i32 to index
      %get3A_2860 = tpu.vector_load %arg4[%get3A_2858, %get3A_2859] {strides = array<i32>} : memref<32x512xf32, #tpu.memory_space<vmem>>, vector<1x16xf32>,
      %get3A_2861 = vector.shape_cast %get3A_2860 : vector<1x16xf32> to vector<16xf32>
      %gt3A = arith.cmpf ogt, %get3A_2861, %scan3A_2853 : vector<16xf32>
      %select_n3A_2862 = arith.select %gt3A, %get3A_2861, %scan3A_2853 : vector<16xi1>, vector<16xf32>
      %mul3A_2863 = arith.constant 16 : i32
      %mul3A_2864 = arith.muli %scan3A_2852, %mul3A_2863 : i32
      %add3A_2865 = vector.broadcast %mul3A_2864 : i32 to vector<16xi32>
      %add3A_2866 = arith.addi %iota3A, %add3A_2865 : vector<16xi32>
      %select_n3A_2867 = arith.select %gt3A, %add3A_2866, %scan3A_2854 : vector<16xi1>, vector<16xi32>
      scf.yield %select_n3A_2862, %select_n3A_2867 : vector<16xf32>, vector<16xi32>
    }
    %scan3A_1339 = arith.constant 31 : i32
    %swap3A_1340 = arith.constant 0 : index
    %swap3A_1341 = tpu.vector_load %arg6[%swap3A_1340] {strides = array<i32>} : memref<32xf32, #tpu.memory_space<vmem>>, vector<16xf32>,
    %swap3A_1342 = vector.shape_cast %swap3A_1341 : vector<16xf32> to vector<16xf32>
    %swap3A_1343 = vector.shape_cast %scan3A_1338#0 : vector<16xf32> to vector<16xf32>
    tpu.vector_store %arg6[%swap3A_1340], %swap3A_1343 {strides = array<i32>} : memref<32xf32, #tpu.memory_space<vmem>>, vector<16xf32>,
    %get3A_1344 = arith.constant 8 : index
    %get3A_1345 = tpu.vector_load %arg6[%get3A_1344] {strides = array<i32>} : memref<32xf32, #tpu.memory_space<vmem>>, vector<16xf32>,
    %get3A_1346 = vector.shape_cast %get3A_1345 : vector<16xf32> to vector<16xf32>
    %max3A_1347 = arith.maximumf %scan3A_1338#0, %get3A_1346 : vector<16xf32>
    %swap3A_1348 = arith.constant 0 : index
    %swap3A_1349 = tpu.vector_load %arg6[%swap3A_1348] {strides = array<i32>} : memref<32xf32, #tpu.memory_space<vmem>>, vector<16xf32>,
    %swap3A_1350 = vector.shape_cast %swap3A_1349 : vector<16xf32> to vector<16xf32>
    %swap3A_1351 = vector.shape_cast %max3A_1347 : vector<16xf32> to vector<16xf32>
    tpu.vector_store %arg6[%swap3A_1348], %swap3A_1351 {strides = array<i32>} : memref<32xf32, #tpu.memory_space<vmem>>, vector<16xf32>,
    %get3A_1352 = arith.constant 4 : index
    %get3A_1353 = tpu.vector_load %arg6[%get3A_1352] {strides = array<i32>} : memref<32xf32, #tpu.memory_space<vmem>>, vector<16xf32>,
    %get3A_1354 = vector.shape_cast %get3A_1353 : vector<16xf32> to vector<16xf32>
    %max3A_1355 = arith.maximumf %max3A_1347, %get3A_1354 : vector<16xf32>
    %swap3A_1356 = arith.constant 0 : index
    %swap3A_1357 = tpu.vector_load %arg6[%swap3A_1356] {strides = array<i32>} : memref<32xf32, #tpu.memory_space<vmem>>, vector<16xf32>,
    %swap3A_1358 = vector.shape_cast %swap3A_1357 : vector<16xf32> to vector<16xf32>
    %swap3A_1359 = vector.shape_cast %max3A_1355 : vector<16xf32> to vector<16xf32>
    tpu.vector_store %arg6[%swap3A_1356], %swap3A_1359 {strides = array<i32>} : memref<32xf32, #tpu.memory_space<vmem>>, vector<16xf32>,
    %get3A_1360 = arith.constant 2 : index
    %get3A_1361 = tpu.vector_load %arg6[%get3A_1360] {strides = array<i32>} : memref<32xf32, #tpu.memory_space<vmem>>, vector<16xf32>,
    %get3A_1362 = vector.shape_cast %get3A_1361 : vector<16xf32> to vector<16xf32>
    %max3A_1363 = arith.maximumf %max3A_1355, %get3A_1362 : vector<16xf32>
    %swap3A_1364 = arith.constant 0 : index
    %swap3A_1365 = tpu.vector_load %arg6[%swap3A_1364] {strides = array<i32>} : memref<32xf32, #tpu.memory_space<vmem>>, vector<16xf32>,
    %swap3A_1366 = vector.shape_cast %swap3A_1365 : vector<16xf32> to vector<16xf32>
    %swap3A_1367 = vector.shape_cast %max3A_1363 : vector<16xf32> to vector<16xf32>
    tpu.vector_store %arg6[%swap3A_1364], %swap3A_1367 {strides = array<i32>} : memref<32xf32, #tpu.memory_space<vmem>>, vector<16xf32>,
    %get3A_1368 = arith.constant 1 : index
    %get3A_1369 = tpu.vector_load %arg6[%get3A_1368] {strides = array<i32>} : memref<32xf32, #tpu.memory_space<vmem>>, vector<16xf32>,
    %get3A_1370 = vector.shape_cast %get3A_1369 : vector<16xf32> to vector<16xf32>
    %max3A_1371 = arith.maximumf %max3A_1363, %get3A_1370 : vector<16xf32>
    %slice3A_1372 = vector.extract_strided_slice %max3A_1371 {offsets = [0], sizes = [1], strides = [1]} : vector<16xf32> to vector<1xf32>
    %squeeze3A_1373 = vector.extract %slice3A_1372[0] : f32 from vector<1xf32>
    %eq3A_1374 = vector.broadcast %squeeze3A_1373 : f32 to vector<16xf32>
    %eq3A_1375 = arith.cmpf oeq, %scan3A_1338#0, %eq3A_1374 : vector<16xf32>
    %jit3A_1376 = arith.constant 512 : i32
    %broadcast_in_dim3A_1377 = vector.broadcast %jit3A_1376 : i32 to vector<16xi32>
    %select_n3A_1378 = arith.select %eq3A_1375, %scan3A_1338#1, %broadcast_in_dim3A_1377 : vector<16xi1>, vector<16xi32>
    %swap3A_1379 = arith.constant 0 : index
    %swap3A_1380 = tpu.vector_load %arg7[%swap3A_1379] {strides = array<i32>} : memref<32xi32, #tpu.memory_space<vmem>>, vector<16xi32>,
    %swap3A_1381 = vector.shape_cast %swap3A_1380 : vector<16xi32> to vector<16xi32>
    %swap3A_1382 = vector.shape_cast %select_n3A_1378 : vector<16xi32> to vector<16xi32>
    tpu.vector_store %arg7[%swap3A_1379], %swap3A_1382 {strides = array<i32>} : memref<32xi32, #tpu.memory_space<vmem>>, vector<16xi32>,
    %get3A_1383 = arith.constant 8 : index
    %get3A_1384 = tpu.vector_load %arg7[%get3A_1383] {strides = array<i32>} : memref<32xi32, #tpu.memory_space<vmem>>, vector<16xi32>,
    %get3A_1385 = vector.shape_cast %get3A_1384 : vector<16xi32> to vector<16xi32>
    %min3A_1386 = arith.minsi %select_n3A_1378, %get3A_1385 : vector<16xi32>
    %swap3A_1387 = arith.constant 0 : index
    %swap3A_1388 = tpu.vector_load %arg7[%swap3A_1387] {strides = array<i32>} : memref<32xi32, #tpu.memory_space<vmem>>, vector<16xi32>,
    %swap3A_1389 = vector.shape_cast %swap3A_1388 : vector<16xi32> to vector<16xi32>
    %swap3A_1390 = vector.shape_cast %min3A_1386 : vector<16xi32> to vector<16xi32>
    tpu.vector_store %arg7[%swap3A_1387], %swap3A_1390 {strides = array<i32>} : memref<32xi32, #tpu.memory_space<vmem>>, vector<16xi32>,
    %get3A_1391 = arith.constant 4 : index
    %get3A_1392 = tpu.vector_load %arg7[%get3A_1391] {strides = array<i32>} : memref<32xi32, #tpu.memory_space<vmem>>, vector<16xi32>,
    %get3A_1393 = vector.shape_cast %get3A_1392 : vector<16xi32> to vector<16xi32>
    %min3A_1394 = arith.minsi %min3A_1386, %get3A_1393 : vector<16xi32>
    %swap3A_1395 = arith.constant 0 : index
    %swap3A_1396 = tpu.vector_load %arg7[%swap3A_1395] {strides = array<i32>} : memref<32xi32, #tpu.memory_space<vmem>>, vector<16xi32>,
    %swap3A_1397 = vector.shape_cast %swap3A_1396 : vector<16xi32> to vector<16xi32>
    %swap3A_1398 = vector.shape_cast %min3A_1394 : vector<16xi32> to vector<16xi32>
    tpu.vector_store %arg7[%swap3A_1395], %swap3A_1398 {strides = array<i32>} : memref<32xi32, #tpu.memory_space<vmem>>, vector<16xi32>,
    %get3A_1399 = arith.constant 2 : index
    %get3A_1400 = tpu.vector_load %arg7[%get3A_1399] {strides = array<i32>} : memref<32xi32, #tpu.memory_space<vmem>>, vector<16xi32>,
    %get3A_1401 = vector.shape_cast %get3A_1400 : vector<16xi32> to vector<16xi32>
    %min3A_1402 = arith.minsi %min3A_1394, %get3A_1401 : vector<16xi32>
    %swap3A_1403 = arith.constant 0 : index
    %swap3A_1404 = tpu.vector_load %arg7[%swap3A_1403] {strides = array<i32>} : memref<32xi32, #tpu.memory_space<vmem>>, vector<16xi32>,
    %swap3A_1405 = vector.shape_cast %swap3A_1404 : vector<16xi32> to vector<16xi32>
    %swap3A_1406 = vector.shape_cast %min3A_1402 : vector<16xi32> to vector<16xi32>
    tpu.vector_store %arg7[%swap3A_1403], %swap3A_1406 {strides = array<i32>} : memref<32xi32, #tpu.memory_space<vmem>>, vector<16xi32>,
    %get3A_1407 = arith.constant 1 : index
    %get3A_1408 = tpu.vector_load %arg7[%get3A_1407] {strides = array<i32>} : memref<32xi32, #tpu.memory_space<vmem>>, vector<16xi32>,
    %get3A_1409 = vector.shape_cast %get3A_1408 : vector<16xi32> to vector<16xi32>
    %min3A_1410 = arith.minsi %min3A_1402, %get3A_1409 : vector<16xi32>
    %slice3A_1411 = vector.extract_strided_slice %min3A_1410 {offsets = [0], sizes = [1], strides = [1]} : vector<16xi32> to vector<1xi32>
    %squeeze3A_1412 = vector.extract %slice3A_1411[0] : i32 from vector<1xi32>
    %eq3A_1413 = arith.constant 15 : i32
    %eq3A_1414 = vector.broadcast %eq3A_1413 : i32 to vector<16xi32>
    %eq3A_1415 = arith.cmpi eq, %iota3A, %eq3A_1414 : vector<16xi32>
    %broadcast_in_dim3A_1416 = vector.broadcast %squeeze3A_1412 : i32 to vector<16xi32>
    %select_n3A_1417 = arith.select %eq3A_1415, %broadcast_in_dim3A_1416, %select_n3A_1328 : vector<16xi1>, vector<16xi32>
    %swap3A_1418 = arith.constant 0 : index
    %swap3A_1419 = tpu.vector_load %arg5[%swap3A_1418] {strides = array<i32>} : memref<32xi32, #tpu.memory_space<vmem>>, vector<16xi32>,
    %swap3A_1420 = vector.shape_cast %swap3A_1419 : vector<16xi32> to vector<16xi32>
    %swap3A_1421 = vector.shape_cast %select_n3A_1417 : vector<16xi32> to vector<16xi32>
    tpu.vector_store %arg5[%swap3A_1418], %swap3A_1421 {strides = array<i32>} : memref<32xi32, #tpu.memory_space<vmem>>, vector<16xi32>,
    %broadcast_in_dim3A_1422 = arith.constant 0 : i32
    %broadcast_in_dim3A_1423 = vector.broadcast %broadcast_in_dim3A_1422 : i32 to vector<16xi32>
    %get3A_1424 = arith.constant 16 : i32
    %get3A_1425 = arith.index_cast %get3A_1424 : i32 to index
    %get3A_1426 = arith.constant 0 : index
    %get3A_1427 = tpu.vector_load %arg4[%get3A_1425, %get3A_1426] {strides = array<i32>} : memref<32x512xf32, #tpu.memory_space<vmem>>, vector<1x16xf32>,
    %get3A_1428 = vector.shape_cast %get3A_1427 : vector<1x16xf32> to vector<16xf32>
    %scan3A_1429 = arith.constant 1 : i32
    %scan3A_1430 = arith.constant 31 : i32
    %scan3A_1431 = arith.addi %scan3A_1429, %scan3A_1430 : i32
    %scan3A_1432 = arith.constant 1 : i32
    %scan3A_1433:2 = scf.for %scan3A_2852 = %scan3A_1429 to %scan3A_1431 step %scan3A_1432 iter_args(%scan3A_2853 = %get3A_1428, %scan3A_2854 = %iota3A) -> (vector<16xf32>, vector<16xi32>)  : i32 {
      %mul3A_2855 = arith.constant 16 : i32
      %mul3A_2856 = arith.muli %scan3A_2852, %mul3A_2855 : i32
      %get3A_2857 = arith.constant 16 : i32
      %get3A_2858 = arith.index_cast %get3A_2857 : i32 to index
      %get3A_2859 = arith.index_cast %mul3A_2856 : i32 to index
      %get3A_2860 = tpu.vector_load %arg4[%get3A_2858, %get3A_2859] {strides = array<i32>} : memref<32x512xf32, #tpu.memory_space<vmem>>, vector<1x16xf32>,
      %get3A_2861 = vector.shape_cast %get3A_2860 : vector<1x16xf32> to vector<16xf32>
      %gt3A = arith.cmpf ogt, %get3A_2861, %scan3A_2853 : vector<16xf32>
      %select_n3A_2862 = arith.select %gt3A, %get3A_2861, %scan3A_2853 : vector<16xi1>, vector<16xf32>
      %mul3A_2863 = arith.constant 16 : i32
      %mul3A_2864 = arith.muli %scan3A_2852, %mul3A_2863 : i32
      %add3A_2865 = vector.broadcast %mul3A_2864 : i32 to vector<16xi32>
      %add3A_2866 = arith.addi %iota3A, %add3A_2865 : vector<16xi32>
      %select_n3A_2867 = arith.select %gt3A, %add3A_2866, %scan3A_2854 : vector<16xi1>, vector<16xi32>
      scf.yield %select_n3A_2862, %select_n3A_2867 : vector<16xf32>, vector<16xi32>
    }
    %scan3A_1434 = arith.constant 31 : i32
    %swap3A_1435 = arith.constant 0 : index
    %swap3A_1436 = tpu.vector_load %arg6[%swap3A_1435] {strides = array<i32>} : memref<32xf32, #tpu.memory_space<vmem>>, vector<16xf32>,
    %swap3A_1437 = vector.shape_cast %swap3A_1436 : vector<16xf32> to vector<16xf32>
    %swap3A_1438 = vector.shape_cast %scan3A_1433#0 : vector<16xf32> to vector<16xf32>
    tpu.vector_store %arg6[%swap3A_1435], %swap3A_1438 {strides = array<i32>} : memref<32xf32, #tpu.memory_space<vmem>>, vector<16xf32>,
    %get3A_1439 = arith.constant 8 : index
    %get3A_1440 = tpu.vector_load %arg6[%get3A_1439] {strides = array<i32>} : memref<32xf32, #tpu.memory_space<vmem>>, vector<16xf32>,
    %get3A_1441 = vector.shape_cast %get3A_1440 : vector<16xf32> to vector<16xf32>
    %max3A_1442 = arith.maximumf %scan3A_1433#0, %get3A_1441 : vector<16xf32>
    %swap3A_1443 = arith.constant 0 : index
    %swap3A_1444 = tpu.vector_load %arg6[%swap3A_1443] {strides = array<i32>} : memref<32xf32, #tpu.memory_space<vmem>>, vector<16xf32>,
    %swap3A_1445 = vector.shape_cast %swap3A_1444 : vector<16xf32> to vector<16xf32>
    %swap3A_1446 = vector.shape_cast %max3A_1442 : vector<16xf32> to vector<16xf32>
    tpu.vector_store %arg6[%swap3A_1443], %swap3A_1446 {strides = array<i32>} : memref<32xf32, #tpu.memory_space<vmem>>, vector<16xf32>,
    %get3A_1447 = arith.constant 4 : index
    %get3A_1448 = tpu.vector_load %arg6[%get3A_1447] {strides = array<i32>} : memref<32xf32, #tpu.memory_space<vmem>>, vector<16xf32>,
    %get3A_1449 = vector.shape_cast %get3A_1448 : vector<16xf32> to vector<16xf32>
    %max3A_1450 = arith.maximumf %max3A_1442, %get3A_1449 : vector<16xf32>
    %swap3A_1451 = arith.constant 0 : index
    %swap3A_1452 = tpu.vector_load %arg6[%swap3A_1451] {strides = array<i32>} : memref<32xf32, #tpu.memory_space<vmem>>, vector<16xf32>,
    %swap3A_1453 = vector.shape_cast %swap3A_1452 : vector<16xf32> to vector<16xf32>
    %swap3A_1454 = vector.shape_cast %max3A_1450 : vector<16xf32> to vector<16xf32>
    tpu.vector_store %arg6[%swap3A_1451], %swap3A_1454 {strides = array<i32>} : memref<32xf32, #tpu.memory_space<vmem>>, vector<16xf32>,
    %get3A_1455 = arith.constant 2 : index
    %get3A_1456 = tpu.vector_load %arg6[%get3A_1455] {strides = array<i32>} : memref<32xf32, #tpu.memory_space<vmem>>, vector<16xf32>,
    %get3A_1457 = vector.shape_cast %get3A_1456 : vector<16xf32> to vector<16xf32>
    %max3A_1458 = arith.maximumf %max3A_1450, %get3A_1457 : vector<16xf32>
    %swap3A_1459 = arith.constant 0 : index
    %swap3A_1460 = tpu.vector_load %arg6[%swap3A_1459] {strides = array<i32>} : memref<32xf32, #tpu.memory_space<vmem>>, vector<16xf32>,
    %swap3A_1461 = vector.shape_cast %swap3A_1460 : vector<16xf32> to vector<16xf32>
    %swap3A_1462 = vector.shape_cast %max3A_1458 : vector<16xf32> to vector<16xf32>
    tpu.vector_store %arg6[%swap3A_1459], %swap3A_1462 {strides = array<i32>} : memref<32xf32, #tpu.memory_space<vmem>>, vector<16xf32>,
    %get3A_1463 = arith.constant 1 : index
    %get3A_1464 = tpu.vector_load %arg6[%get3A_1463] {strides = array<i32>} : memref<32xf32, #tpu.memory_space<vmem>>, vector<16xf32>,
    %get3A_1465 = vector.shape_cast %get3A_1464 : vector<16xf32> to vector<16xf32>
    %max3A_1466 = arith.maximumf %max3A_1458, %get3A_1465 : vector<16xf32>
    %slice3A_1467 = vector.extract_strided_slice %max3A_1466 {offsets = [0], sizes = [1], strides = [1]} : vector<16xf32> to vector<1xf32>
    %squeeze3A_1468 = vector.extract %slice3A_1467[0] : f32 from vector<1xf32>
    %eq3A_1469 = vector.broadcast %squeeze3A_1468 : f32 to vector<16xf32>
    %eq3A_1470 = arith.cmpf oeq, %scan3A_1433#0, %eq3A_1469 : vector<16xf32>
    %jit3A_1471 = arith.constant 512 : i32
    %broadcast_in_dim3A_1472 = vector.broadcast %jit3A_1471 : i32 to vector<16xi32>
    %select_n3A_1473 = arith.select %eq3A_1470, %scan3A_1433#1, %broadcast_in_dim3A_1472 : vector<16xi1>, vector<16xi32>
    %swap3A_1474 = arith.constant 0 : index
    %swap3A_1475 = tpu.vector_load %arg7[%swap3A_1474] {strides = array<i32>} : memref<32xi32, #tpu.memory_space<vmem>>, vector<16xi32>,
    %swap3A_1476 = vector.shape_cast %swap3A_1475 : vector<16xi32> to vector<16xi32>
    %swap3A_1477 = vector.shape_cast %select_n3A_1473 : vector<16xi32> to vector<16xi32>
    tpu.vector_store %arg7[%swap3A_1474], %swap3A_1477 {strides = array<i32>} : memref<32xi32, #tpu.memory_space<vmem>>, vector<16xi32>,
    %get3A_1478 = arith.constant 8 : index
    %get3A_1479 = tpu.vector_load %arg7[%get3A_1478] {strides = array<i32>} : memref<32xi32, #tpu.memory_space<vmem>>, vector<16xi32>,
    %get3A_1480 = vector.shape_cast %get3A_1479 : vector<16xi32> to vector<16xi32>
    %min3A_1481 = arith.minsi %select_n3A_1473, %get3A_1480 : vector<16xi32>
    %swap3A_1482 = arith.constant 0 : index
    %swap3A_1483 = tpu.vector_load %arg7[%swap3A_1482] {strides = array<i32>} : memref<32xi32, #tpu.memory_space<vmem>>, vector<16xi32>,
    %swap3A_1484 = vector.shape_cast %swap3A_1483 : vector<16xi32> to vector<16xi32>
    %swap3A_1485 = vector.shape_cast %min3A_1481 : vector<16xi32> to vector<16xi32>
    tpu.vector_store %arg7[%swap3A_1482], %swap3A_1485 {strides = array<i32>} : memref<32xi32, #tpu.memory_space<vmem>>, vector<16xi32>,
    %get3A_1486 = arith.constant 4 : index
    %get3A_1487 = tpu.vector_load %arg7[%get3A_1486] {strides = array<i32>} : memref<32xi32, #tpu.memory_space<vmem>>, vector<16xi32>,
    %get3A_1488 = vector.shape_cast %get3A_1487 : vector<16xi32> to vector<16xi32>
    %min3A_1489 = arith.minsi %min3A_1481, %get3A_1488 : vector<16xi32>
    %swap3A_1490 = arith.constant 0 : index
    %swap3A_1491 = tpu.vector_load %arg7[%swap3A_1490] {strides = array<i32>} : memref<32xi32, #tpu.memory_space<vmem>>, vector<16xi32>,
    %swap3A_1492 = vector.shape_cast %swap3A_1491 : vector<16xi32> to vector<16xi32>
    %swap3A_1493 = vector.shape_cast %min3A_1489 : vector<16xi32> to vector<16xi32>
    tpu.vector_store %arg7[%swap3A_1490], %swap3A_1493 {strides = array<i32>} : memref<32xi32, #tpu.memory_space<vmem>>, vector<16xi32>,
    %get3A_1494 = arith.constant 2 : index
    %get3A_1495 = tpu.vector_load %arg7[%get3A_1494] {strides = array<i32>} : memref<32xi32, #tpu.memory_space<vmem>>, vector<16xi32>,
    %get3A_1496 = vector.shape_cast %get3A_1495 : vector<16xi32> to vector<16xi32>
    %min3A_1497 = arith.minsi %min3A_1489, %get3A_1496 : vector<16xi32>
    %swap3A_1498 = arith.constant 0 : index
    %swap3A_1499 = tpu.vector_load %arg7[%swap3A_1498] {strides = array<i32>} : memref<32xi32, #tpu.memory_space<vmem>>, vector<16xi32>,
    %swap3A_1500 = vector.shape_cast %swap3A_1499 : vector<16xi32> to vector<16xi32>
    %swap3A_1501 = vector.shape_cast %min3A_1497 : vector<16xi32> to vector<16xi32>
    tpu.vector_store %arg7[%swap3A_1498], %swap3A_1501 {strides = array<i32>} : memref<32xi32, #tpu.memory_space<vmem>>, vector<16xi32>,
    %get3A_1502 = arith.constant 1 : index
    %get3A_1503 = tpu.vector_load %arg7[%get3A_1502] {strides = array<i32>} : memref<32xi32, #tpu.memory_space<vmem>>, vector<16xi32>,
    %get3A_1504 = vector.shape_cast %get3A_1503 : vector<16xi32> to vector<16xi32>
    %min3A_1505 = arith.minsi %min3A_1497, %get3A_1504 : vector<16xi32>
    %slice3A_1506 = vector.extract_strided_slice %min3A_1505 {offsets = [0], sizes = [1], strides = [1]} : vector<16xi32> to vector<1xi32>
    %squeeze3A_1507 = vector.extract %slice3A_1506[0] : i32 from vector<1xi32>
    %eq3A_1508 = arith.constant 0 : i32
    %eq3A_1509 = vector.broadcast %eq3A_1508 : i32 to vector<16xi32>
    %eq3A_1510 = arith.cmpi eq, %iota3A, %eq3A_1509 : vector<16xi32>
    %broadcast_in_dim3A_1511 = vector.broadcast %squeeze3A_1507 : i32 to vector<16xi32>
    %select_n3A_1512 = arith.select %eq3A_1510, %broadcast_in_dim3A_1511, %broadcast_in_dim3A_1423 : vector<16xi1>, vector<16xi32>
    %get3A_1513 = arith.constant 17 : i32
    %get3A_1514 = arith.index_cast %get3A_1513 : i32 to index
    %get3A_1515 = arith.constant 0 : index
    %get3A_1516 = tpu.vector_load %arg4[%get3A_1514, %get3A_1515] {strides = array<i32>} : memref<32x512xf32, #tpu.memory_space<vmem>>, vector<1x16xf32>,
    %get3A_1517 = vector.shape_cast %get3A_1516 : vector<1x16xf32> to vector<16xf32>
    %scan3A_1518 = arith.constant 1 : i32
    %scan3A_1519 = arith.constant 31 : i32
    %scan3A_1520 = arith.addi %scan3A_1518, %scan3A_1519 : i32
    %scan3A_1521 = arith.constant 1 : i32
    %scan3A_1522:2 = scf.for %scan3A_2852 = %scan3A_1518 to %scan3A_1520 step %scan3A_1521 iter_args(%scan3A_2853 = %get3A_1517, %scan3A_2854 = %iota3A) -> (vector<16xf32>, vector<16xi32>)  : i32 {
      %mul3A_2855 = arith.constant 16 : i32
      %mul3A_2856 = arith.muli %scan3A_2852, %mul3A_2855 : i32
      %get3A_2857 = arith.constant 17 : i32
      %get3A_2858 = arith.index_cast %get3A_2857 : i32 to index
      %get3A_2859 = arith.index_cast %mul3A_2856 : i32 to index
      %get3A_2860 = tpu.vector_load %arg4[%get3A_2858, %get3A_2859] {strides = array<i32>} : memref<32x512xf32, #tpu.memory_space<vmem>>, vector<1x16xf32>,
      %get3A_2861 = vector.shape_cast %get3A_2860 : vector<1x16xf32> to vector<16xf32>
      %gt3A = arith.cmpf ogt, %get3A_2861, %scan3A_2853 : vector<16xf32>
      %select_n3A_2862 = arith.select %gt3A, %get3A_2861, %scan3A_2853 : vector<16xi1>, vector<16xf32>
      %mul3A_2863 = arith.constant 16 : i32
      %mul3A_2864 = arith.muli %scan3A_2852, %mul3A_2863 : i32
      %add3A_2865 = vector.broadcast %mul3A_2864 : i32 to vector<16xi32>
      %add3A_2866 = arith.addi %iota3A, %add3A_2865 : vector<16xi32>
      %select_n3A_2867 = arith.select %gt3A, %add3A_2866, %scan3A_2854 : vector<16xi1>, vector<16xi32>
      scf.yield %select_n3A_2862, %select_n3A_2867 : vector<16xf32>, vector<16xi32>
    }
    %scan3A_1523 = arith.constant 31 : i32
    %swap3A_1524 = arith.constant 0 : index
    %swap3A_1525 = tpu.vector_load %arg6[%swap3A_1524] {strides = array<i32>} : memref<32xf32, #tpu.memory_space<vmem>>, vector<16xf32>,
    %swap3A_1526 = vector.shape_cast %swap3A_1525 : vector<16xf32> to vector<16xf32>
    %swap3A_1527 = vector.shape_cast %scan3A_1522#0 : vector<16xf32> to vector<16xf32>
    tpu.vector_store %arg6[%swap3A_1524], %swap3A_1527 {strides = array<i32>} : memref<32xf32, #tpu.memory_space<vmem>>, vector<16xf32>,
    %get3A_1528 = arith.constant 8 : index
    %get3A_1529 = tpu.vector_load %arg6[%get3A_1528] {strides = array<i32>} : memref<32xf32, #tpu.memory_space<vmem>>, vector<16xf32>,
    %get3A_1530 = vector.shape_cast %get3A_1529 : vector<16xf32> to vector<16xf32>
    %max3A_1531 = arith.maximumf %scan3A_1522#0, %get3A_1530 : vector<16xf32>
    %swap3A_1532 = arith.constant 0 : index
    %swap3A_1533 = tpu.vector_load %arg6[%swap3A_1532] {strides = array<i32>} : memref<32xf32, #tpu.memory_space<vmem>>, vector<16xf32>,
    %swap3A_1534 = vector.shape_cast %swap3A_1533 : vector<16xf32> to vector<16xf32>
    %swap3A_1535 = vector.shape_cast %max3A_1531 : vector<16xf32> to vector<16xf32>
    tpu.vector_store %arg6[%swap3A_1532], %swap3A_1535 {strides = array<i32>} : memref<32xf32, #tpu.memory_space<vmem>>, vector<16xf32>,
    %get3A_1536 = arith.constant 4 : index
    %get3A_1537 = tpu.vector_load %arg6[%get3A_1536] {strides = array<i32>} : memref<32xf32, #tpu.memory_space<vmem>>, vector<16xf32>,
    %get3A_1538 = vector.shape_cast %get3A_1537 : vector<16xf32> to vector<16xf32>
    %max3A_1539 = arith.maximumf %max3A_1531, %get3A_1538 : vector<16xf32>
    %swap3A_1540 = arith.constant 0 : index
    %swap3A_1541 = tpu.vector_load %arg6[%swap3A_1540] {strides = array<i32>} : memref<32xf32, #tpu.memory_space<vmem>>, vector<16xf32>,
    %swap3A_1542 = vector.shape_cast %swap3A_1541 : vector<16xf32> to vector<16xf32>
    %swap3A_1543 = vector.shape_cast %max3A_1539 : vector<16xf32> to vector<16xf32>
    tpu.vector_store %arg6[%swap3A_1540], %swap3A_1543 {strides = array<i32>} : memref<32xf32, #tpu.memory_space<vmem>>, vector<16xf32>,
    %get3A_1544 = arith.constant 2 : index
    %get3A_1545 = tpu.vector_load %arg6[%get3A_1544] {strides = array<i32>} : memref<32xf32, #tpu.memory_space<vmem>>, vector<16xf32>,
    %get3A_1546 = vector.shape_cast %get3A_1545 : vector<16xf32> to vector<16xf32>
    %max3A_1547 = arith.maximumf %max3A_1539, %get3A_1546 : vector<16xf32>
    %swap3A_1548 = arith.constant 0 : index
    %swap3A_1549 = tpu.vector_load %arg6[%swap3A_1548] {strides = array<i32>} : memref<32xf32, #tpu.memory_space<vmem>>, vector<16xf32>,
    %swap3A_1550 = vector.shape_cast %swap3A_1549 : vector<16xf32> to vector<16xf32>
    %swap3A_1551 = vector.shape_cast %max3A_1547 : vector<16xf32> to vector<16xf32>
    tpu.vector_store %arg6[%swap3A_1548], %swap3A_1551 {strides = array<i32>} : memref<32xf32, #tpu.memory_space<vmem>>, vector<16xf32>,
    %get3A_1552 = arith.constant 1 : index
    %get3A_1553 = tpu.vector_load %arg6[%get3A_1552] {strides = array<i32>} : memref<32xf32, #tpu.memory_space<vmem>>, vector<16xf32>,
    %get3A_1554 = vector.shape_cast %get3A_1553 : vector<16xf32> to vector<16xf32>
    %max3A_1555 = arith.maximumf %max3A_1547, %get3A_1554 : vector<16xf32>
    %slice3A_1556 = vector.extract_strided_slice %max3A_1555 {offsets = [0], sizes = [1], strides = [1]} : vector<16xf32> to vector<1xf32>
    %squeeze3A_1557 = vector.extract %slice3A_1556[0] : f32 from vector<1xf32>
    %eq3A_1558 = vector.broadcast %squeeze3A_1557 : f32 to vector<16xf32>
    %eq3A_1559 = arith.cmpf oeq, %scan3A_1522#0, %eq3A_1558 : vector<16xf32>
    %jit3A_1560 = arith.constant 512 : i32
    %broadcast_in_dim3A_1561 = vector.broadcast %jit3A_1560 : i32 to vector<16xi32>
    %select_n3A_1562 = arith.select %eq3A_1559, %scan3A_1522#1, %broadcast_in_dim3A_1561 : vector<16xi1>, vector<16xi32>
    %swap3A_1563 = arith.constant 0 : index
    %swap3A_1564 = tpu.vector_load %arg7[%swap3A_1563] {strides = array<i32>} : memref<32xi32, #tpu.memory_space<vmem>>, vector<16xi32>,
    %swap3A_1565 = vector.shape_cast %swap3A_1564 : vector<16xi32> to vector<16xi32>
    %swap3A_1566 = vector.shape_cast %select_n3A_1562 : vector<16xi32> to vector<16xi32>
    tpu.vector_store %arg7[%swap3A_1563], %swap3A_1566 {strides = array<i32>} : memref<32xi32, #tpu.memory_space<vmem>>, vector<16xi32>,
    %get3A_1567 = arith.constant 8 : index
    %get3A_1568 = tpu.vector_load %arg7[%get3A_1567] {strides = array<i32>} : memref<32xi32, #tpu.memory_space<vmem>>, vector<16xi32>,
    %get3A_1569 = vector.shape_cast %get3A_1568 : vector<16xi32> to vector<16xi32>
    %min3A_1570 = arith.minsi %select_n3A_1562, %get3A_1569 : vector<16xi32>
    %swap3A_1571 = arith.constant 0 : index
    %swap3A_1572 = tpu.vector_load %arg7[%swap3A_1571] {strides = array<i32>} : memref<32xi32, #tpu.memory_space<vmem>>, vector<16xi32>,
    %swap3A_1573 = vector.shape_cast %swap3A_1572 : vector<16xi32> to vector<16xi32>
    %swap3A_1574 = vector.shape_cast %min3A_1570 : vector<16xi32> to vector<16xi32>
    tpu.vector_store %arg7[%swap3A_1571], %swap3A_1574 {strides = array<i32>} : memref<32xi32, #tpu.memory_space<vmem>>, vector<16xi32>,
    %get3A_1575 = arith.constant 4 : index
    %get3A_1576 = tpu.vector_load %arg7[%get3A_1575] {strides = array<i32>} : memref<32xi32, #tpu.memory_space<vmem>>, vector<16xi32>,
    %get3A_1577 = vector.shape_cast %get3A_1576 : vector<16xi32> to vector<16xi32>
    %min3A_1578 = arith.minsi %min3A_1570, %get3A_1577 : vector<16xi32>
    %swap3A_1579 = arith.constant 0 : index
    %swap3A_1580 = tpu.vector_load %arg7[%swap3A_1579] {strides = array<i32>} : memref<32xi32, #tpu.memory_space<vmem>>, vector<16xi32>,
    %swap3A_1581 = vector.shape_cast %swap3A_1580 : vector<16xi32> to vector<16xi32>
    %swap3A_1582 = vector.shape_cast %min3A_1578 : vector<16xi32> to vector<16xi32>
    tpu.vector_store %arg7[%swap3A_1579], %swap3A_1582 {strides = array<i32>} : memref<32xi32, #tpu.memory_space<vmem>>, vector<16xi32>,
    %get3A_1583 = arith.constant 2 : index
    %get3A_1584 = tpu.vector_load %arg7[%get3A_1583] {strides = array<i32>} : memref<32xi32, #tpu.memory_space<vmem>>, vector<16xi32>,
    %get3A_1585 = vector.shape_cast %get3A_1584 : vector<16xi32> to vector<16xi32>
    %min3A_1586 = arith.minsi %min3A_1578, %get3A_1585 : vector<16xi32>
    %swap3A_1587 = arith.constant 0 : index
    %swap3A_1588 = tpu.vector_load %arg7[%swap3A_1587] {strides = array<i32>} : memref<32xi32, #tpu.memory_space<vmem>>, vector<16xi32>,
    %swap3A_1589 = vector.shape_cast %swap3A_1588 : vector<16xi32> to vector<16xi32>
    %swap3A_1590 = vector.shape_cast %min3A_1586 : vector<16xi32> to vector<16xi32>
    tpu.vector_store %arg7[%swap3A_1587], %swap3A_1590 {strides = array<i32>} : memref<32xi32, #tpu.memory_space<vmem>>, vector<16xi32>,
    %get3A_1591 = arith.constant 1 : index
    %get3A_1592 = tpu.vector_load %arg7[%get3A_1591] {strides = array<i32>} : memref<32xi32, #tpu.memory_space<vmem>>, vector<16xi32>,
    %get3A_1593 = vector.shape_cast %get3A_1592 : vector<16xi32> to vector<16xi32>
    %min3A_1594 = arith.minsi %min3A_1586, %get3A_1593 : vector<16xi32>
    %slice3A_1595 = vector.extract_strided_slice %min3A_1594 {offsets = [0], sizes = [1], strides = [1]} : vector<16xi32> to vector<1xi32>
    %squeeze3A_1596 = vector.extract %slice3A_1595[0] : i32 from vector<1xi32>
    %eq3A_1597 = arith.constant 1 : i32
    %eq3A_1598 = vector.broadcast %eq3A_1597 : i32 to vector<16xi32>
    %eq3A_1599 = arith.cmpi eq, %iota3A, %eq3A_1598 : vector<16xi32>
    %broadcast_in_dim3A_1600 = vector.broadcast %squeeze3A_1596 : i32 to vector<16xi32>
    %select_n3A_1601 = arith.select %eq3A_1599, %broadcast_in_dim3A_1600, %select_n3A_1512 : vector<16xi1>, vector<16xi32>
    %get3A_1602 = arith.constant 18 : i32
    %get3A_1603 = arith.index_cast %get3A_1602 : i32 to index
    %get3A_1604 = arith.constant 0 : index
    %get3A_1605 = tpu.vector_load %arg4[%get3A_1603, %get3A_1604] {strides = array<i32>} : memref<32x512xf32, #tpu.memory_space<vmem>>, vector<1x16xf32>,
    %get3A_1606 = vector.shape_cast %get3A_1605 : vector<1x16xf32> to vector<16xf32>
    %scan3A_1607 = arith.constant 1 : i32
    %scan3A_1608 = arith.constant 31 : i32
    %scan3A_1609 = arith.addi %scan3A_1607, %scan3A_1608 : i32
    %scan3A_1610 = arith.constant 1 : i32
    %scan3A_1611:2 = scf.for %scan3A_2852 = %scan3A_1607 to %scan3A_1609 step %scan3A_1610 iter_args(%scan3A_2853 = %get3A_1606, %scan3A_2854 = %iota3A) -> (vector<16xf32>, vector<16xi32>)  : i32 {
      %mul3A_2855 = arith.constant 16 : i32
      %mul3A_2856 = arith.muli %scan3A_2852, %mul3A_2855 : i32
      %get3A_2857 = arith.constant 18 : i32
      %get3A_2858 = arith.index_cast %get3A_2857 : i32 to index
      %get3A_2859 = arith.index_cast %mul3A_2856 : i32 to index
      %get3A_2860 = tpu.vector_load %arg4[%get3A_2858, %get3A_2859] {strides = array<i32>} : memref<32x512xf32, #tpu.memory_space<vmem>>, vector<1x16xf32>,
      %get3A_2861 = vector.shape_cast %get3A_2860 : vector<1x16xf32> to vector<16xf32>
      %gt3A = arith.cmpf ogt, %get3A_2861, %scan3A_2853 : vector<16xf32>
      %select_n3A_2862 = arith.select %gt3A, %get3A_2861, %scan3A_2853 : vector<16xi1>, vector<16xf32>
      %mul3A_2863 = arith.constant 16 : i32
      %mul3A_2864 = arith.muli %scan3A_2852, %mul3A_2863 : i32
      %add3A_2865 = vector.broadcast %mul3A_2864 : i32 to vector<16xi32>
      %add3A_2866 = arith.addi %iota3A, %add3A_2865 : vector<16xi32>
      %select_n3A_2867 = arith.select %gt3A, %add3A_2866, %scan3A_2854 : vector<16xi1>, vector<16xi32>
      scf.yield %select_n3A_2862, %select_n3A_2867 : vector<16xf32>, vector<16xi32>
    }
    %scan3A_1612 = arith.constant 31 : i32
    %swap3A_1613 = arith.constant 0 : index
    %swap3A_1614 = tpu.vector_load %arg6[%swap3A_1613] {strides = array<i32>} : memref<32xf32, #tpu.memory_space<vmem>>, vector<16xf32>,
    %swap3A_1615 = vector.shape_cast %swap3A_1614 : vector<16xf32> to vector<16xf32>
    %swap3A_1616 = vector.shape_cast %scan3A_1611#0 : vector<16xf32> to vector<16xf32>
    tpu.vector_store %arg6[%swap3A_1613], %swap3A_1616 {strides = array<i32>} : memref<32xf32, #tpu.memory_space<vmem>>, vector<16xf32>,
    %get3A_1617 = arith.constant 8 : index
    %get3A_1618 = tpu.vector_load %arg6[%get3A_1617] {strides = array<i32>} : memref<32xf32, #tpu.memory_space<vmem>>, vector<16xf32>,
    %get3A_1619 = vector.shape_cast %get3A_1618 : vector<16xf32> to vector<16xf32>
    %max3A_1620 = arith.maximumf %scan3A_1611#0, %get3A_1619 : vector<16xf32>
    %swap3A_1621 = arith.constant 0 : index
    %swap3A_1622 = tpu.vector_load %arg6[%swap3A_1621] {strides = array<i32>} : memref<32xf32, #tpu.memory_space<vmem>>, vector<16xf32>,
    %swap3A_1623 = vector.shape_cast %swap3A_1622 : vector<16xf32> to vector<16xf32>
    %swap3A_1624 = vector.shape_cast %max3A_1620 : vector<16xf32> to vector<16xf32>
    tpu.vector_store %arg6[%swap3A_1621], %swap3A_1624 {strides = array<i32>} : memref<32xf32, #tpu.memory_space<vmem>>, vector<16xf32>,
    %get3A_1625 = arith.constant 4 : index
    %get3A_1626 = tpu.vector_load %arg6[%get3A_1625] {strides = array<i32>} : memref<32xf32, #tpu.memory_space<vmem>>, vector<16xf32>,
    %get3A_1627 = vector.shape_cast %get3A_1626 : vector<16xf32> to vector<16xf32>
    %max3A_1628 = arith.maximumf %max3A_1620, %get3A_1627 : vector<16xf32>
    %swap3A_1629 = arith.constant 0 : index
    %swap3A_1630 = tpu.vector_load %arg6[%swap3A_1629] {strides = array<i32>} : memref<32xf32, #tpu.memory_space<vmem>>, vector<16xf32>,
    %swap3A_1631 = vector.shape_cast %swap3A_1630 : vector<16xf32> to vector<16xf32>
    %swap3A_1632 = vector.shape_cast %max3A_1628 : vector<16xf32> to vector<16xf32>
    tpu.vector_store %arg6[%swap3A_1629], %swap3A_1632 {strides = array<i32>} : memref<32xf32, #tpu.memory_space<vmem>>, vector<16xf32>,
    %get3A_1633 = arith.constant 2 : index
    %get3A_1634 = tpu.vector_load %arg6[%get3A_1633] {strides = array<i32>} : memref<32xf32, #tpu.memory_space<vmem>>, vector<16xf32>,
    %get3A_1635 = vector.shape_cast %get3A_1634 : vector<16xf32> to vector<16xf32>
    %max3A_1636 = arith.maximumf %max3A_1628, %get3A_1635 : vector<16xf32>
    %swap3A_1637 = arith.constant 0 : index
    %swap3A_1638 = tpu.vector_load %arg6[%swap3A_1637] {strides = array<i32>} : memref<32xf32, #tpu.memory_space<vmem>>, vector<16xf32>,
    %swap3A_1639 = vector.shape_cast %swap3A_1638 : vector<16xf32> to vector<16xf32>
    %swap3A_1640 = vector.shape_cast %max3A_1636 : vector<16xf32> to vector<16xf32>
    tpu.vector_store %arg6[%swap3A_1637], %swap3A_1640 {strides = array<i32>} : memref<32xf32, #tpu.memory_space<vmem>>, vector<16xf32>,
    %get3A_1641 = arith.constant 1 : index
    %get3A_1642 = tpu.vector_load %arg6[%get3A_1641] {strides = array<i32>} : memref<32xf32, #tpu.memory_space<vmem>>, vector<16xf32>,
    %get3A_1643 = vector.shape_cast %get3A_1642 : vector<16xf32> to vector<16xf32>
    %max3A_1644 = arith.maximumf %max3A_1636, %get3A_1643 : vector<16xf32>
    %slice3A_1645 = vector.extract_strided_slice %max3A_1644 {offsets = [0], sizes = [1], strides = [1]} : vector<16xf32> to vector<1xf32>
    %squeeze3A_1646 = vector.extract %slice3A_1645[0] : f32 from vector<1xf32>
    %eq3A_1647 = vector.broadcast %squeeze3A_1646 : f32 to vector<16xf32>
    %eq3A_1648 = arith.cmpf oeq, %scan3A_1611#0, %eq3A_1647 : vector<16xf32>
    %jit3A_1649 = arith.constant 512 : i32
    %broadcast_in_dim3A_1650 = vector.broadcast %jit3A_1649 : i32 to vector<16xi32>
    %select_n3A_1651 = arith.select %eq3A_1648, %scan3A_1611#1, %broadcast_in_dim3A_1650 : vector<16xi1>, vector<16xi32>
    %swap3A_1652 = arith.constant 0 : index
    %swap3A_1653 = tpu.vector_load %arg7[%swap3A_1652] {strides = array<i32>} : memref<32xi32, #tpu.memory_space<vmem>>, vector<16xi32>,
    %swap3A_1654 = vector.shape_cast %swap3A_1653 : vector<16xi32> to vector<16xi32>
    %swap3A_1655 = vector.shape_cast %select_n3A_1651 : vector<16xi32> to vector<16xi32>
    tpu.vector_store %arg7[%swap3A_1652], %swap3A_1655 {strides = array<i32>} : memref<32xi32, #tpu.memory_space<vmem>>, vector<16xi32>,
    %get3A_1656 = arith.constant 8 : index
    %get3A_1657 = tpu.vector_load %arg7[%get3A_1656] {strides = array<i32>} : memref<32xi32, #tpu.memory_space<vmem>>, vector<16xi32>,
    %get3A_1658 = vector.shape_cast %get3A_1657 : vector<16xi32> to vector<16xi32>
    %min3A_1659 = arith.minsi %select_n3A_1651, %get3A_1658 : vector<16xi32>
    %swap3A_1660 = arith.constant 0 : index
    %swap3A_1661 = tpu.vector_load %arg7[%swap3A_1660] {strides = array<i32>} : memref<32xi32, #tpu.memory_space<vmem>>, vector<16xi32>,
    %swap3A_1662 = vector.shape_cast %swap3A_1661 : vector<16xi32> to vector<16xi32>
    %swap3A_1663 = vector.shape_cast %min3A_1659 : vector<16xi32> to vector<16xi32>
    tpu.vector_store %arg7[%swap3A_1660], %swap3A_1663 {strides = array<i32>} : memref<32xi32, #tpu.memory_space<vmem>>, vector<16xi32>,
    %get3A_1664 = arith.constant 4 : index
    %get3A_1665 = tpu.vector_load %arg7[%get3A_1664] {strides = array<i32>} : memref<32xi32, #tpu.memory_space<vmem>>, vector<16xi32>,
    %get3A_1666 = vector.shape_cast %get3A_1665 : vector<16xi32> to vector<16xi32>
    %min3A_1667 = arith.minsi %min3A_1659, %get3A_1666 : vector<16xi32>
    %swap3A_1668 = arith.constant 0 : index
    %swap3A_1669 = tpu.vector_load %arg7[%swap3A_1668] {strides = array<i32>} : memref<32xi32, #tpu.memory_space<vmem>>, vector<16xi32>,
    %swap3A_1670 = vector.shape_cast %swap3A_1669 : vector<16xi32> to vector<16xi32>
    %swap3A_1671 = vector.shape_cast %min3A_1667 : vector<16xi32> to vector<16xi32>
    tpu.vector_store %arg7[%swap3A_1668], %swap3A_1671 {strides = array<i32>} : memref<32xi32, #tpu.memory_space<vmem>>, vector<16xi32>,
    %get3A_1672 = arith.constant 2 : index
    %get3A_1673 = tpu.vector_load %arg7[%get3A_1672] {strides = array<i32>} : memref<32xi32, #tpu.memory_space<vmem>>, vector<16xi32>,
    %get3A_1674 = vector.shape_cast %get3A_1673 : vector<16xi32> to vector<16xi32>
    %min3A_1675 = arith.minsi %min3A_1667, %get3A_1674 : vector<16xi32>
    %swap3A_1676 = arith.constant 0 : index
    %swap3A_1677 = tpu.vector_load %arg7[%swap3A_1676] {strides = array<i32>} : memref<32xi32, #tpu.memory_space<vmem>>, vector<16xi32>,
    %swap3A_1678 = vector.shape_cast %swap3A_1677 : vector<16xi32> to vector<16xi32>
    %swap3A_1679 = vector.shape_cast %min3A_1675 : vector<16xi32> to vector<16xi32>
    tpu.vector_store %arg7[%swap3A_1676], %swap3A_1679 {strides = array<i32>} : memref<32xi32, #tpu.memory_space<vmem>>, vector<16xi32>,
    %get3A_1680 = arith.constant 1 : index
    %get3A_1681 = tpu.vector_load %arg7[%get3A_1680] {strides = array<i32>} : memref<32xi32, #tpu.memory_space<vmem>>, vector<16xi32>,
    %get3A_1682 = vector.shape_cast %get3A_1681 : vector<16xi32> to vector<16xi32>
    %min3A_1683 = arith.minsi %min3A_1675, %get3A_1682 : vector<16xi32>
    %slice3A_1684 = vector.extract_strided_slice %min3A_1683 {offsets = [0], sizes = [1], strides = [1]} : vector<16xi32> to vector<1xi32>
    %squeeze3A_1685 = vector.extract %slice3A_1684[0] : i32 from vector<1xi32>
    %eq3A_1686 = arith.constant 2 : i32
    %eq3A_1687 = vector.broadcast %eq3A_1686 : i32 to vector<16xi32>
    %eq3A_1688 = arith.cmpi eq, %iota3A, %eq3A_1687 : vector<16xi32>
    %broadcast_in_dim3A_1689 = vector.broadcast %squeeze3A_1685 : i32 to vector<16xi32>
    %select_n3A_1690 = arith.select %eq3A_1688, %broadcast_in_dim3A_1689, %select_n3A_1601 : vector<16xi1>, vector<16xi32>
    %get3A_1691 = arith.constant 19 : i32
    %get3A_1692 = arith.index_cast %get3A_1691 : i32 to index
    %get3A_1693 = arith.constant 0 : index
    %get3A_1694 = tpu.vector_load %arg4[%get3A_1692, %get3A_1693] {strides = array<i32>} : memref<32x512xf32, #tpu.memory_space<vmem>>, vector<1x16xf32>,
    %get3A_1695 = vector.shape_cast %get3A_1694 : vector<1x16xf32> to vector<16xf32>
    %scan3A_1696 = arith.constant 1 : i32
    %scan3A_1697 = arith.constant 31 : i32
    %scan3A_1698 = arith.addi %scan3A_1696, %scan3A_1697 : i32
    %scan3A_1699 = arith.constant 1 : i32
    %scan3A_1700:2 = scf.for %scan3A_2852 = %scan3A_1696 to %scan3A_1698 step %scan3A_1699 iter_args(%scan3A_2853 = %get3A_1695, %scan3A_2854 = %iota3A) -> (vector<16xf32>, vector<16xi32>)  : i32 {
      %mul3A_2855 = arith.constant 16 : i32
      %mul3A_2856 = arith.muli %scan3A_2852, %mul3A_2855 : i32
      %get3A_2857 = arith.constant 19 : i32
      %get3A_2858 = arith.index_cast %get3A_2857 : i32 to index
      %get3A_2859 = arith.index_cast %mul3A_2856 : i32 to index
      %get3A_2860 = tpu.vector_load %arg4[%get3A_2858, %get3A_2859] {strides = array<i32>} : memref<32x512xf32, #tpu.memory_space<vmem>>, vector<1x16xf32>,
      %get3A_2861 = vector.shape_cast %get3A_2860 : vector<1x16xf32> to vector<16xf32>
      %gt3A = arith.cmpf ogt, %get3A_2861, %scan3A_2853 : vector<16xf32>
      %select_n3A_2862 = arith.select %gt3A, %get3A_2861, %scan3A_2853 : vector<16xi1>, vector<16xf32>
      %mul3A_2863 = arith.constant 16 : i32
      %mul3A_2864 = arith.muli %scan3A_2852, %mul3A_2863 : i32
      %add3A_2865 = vector.broadcast %mul3A_2864 : i32 to vector<16xi32>
      %add3A_2866 = arith.addi %iota3A, %add3A_2865 : vector<16xi32>
      %select_n3A_2867 = arith.select %gt3A, %add3A_2866, %scan3A_2854 : vector<16xi1>, vector<16xi32>
      scf.yield %select_n3A_2862, %select_n3A_2867 : vector<16xf32>, vector<16xi32>
    }
    %scan3A_1701 = arith.constant 31 : i32
    %swap3A_1702 = arith.constant 0 : index
    %swap3A_1703 = tpu.vector_load %arg6[%swap3A_1702] {strides = array<i32>} : memref<32xf32, #tpu.memory_space<vmem>>, vector<16xf32>,
    %swap3A_1704 = vector.shape_cast %swap3A_1703 : vector<16xf32> to vector<16xf32>
    %swap3A_1705 = vector.shape_cast %scan3A_1700#0 : vector<16xf32> to vector<16xf32>
    tpu.vector_store %arg6[%swap3A_1702], %swap3A_1705 {strides = array<i32>} : memref<32xf32, #tpu.memory_space<vmem>>, vector<16xf32>,
    %get3A_1706 = arith.constant 8 : index
    %get3A_1707 = tpu.vector_load %arg6[%get3A_1706] {strides = array<i32>} : memref<32xf32, #tpu.memory_space<vmem>>, vector<16xf32>,
    %get3A_1708 = vector.shape_cast %get3A_1707 : vector<16xf32> to vector<16xf32>
    %max3A_1709 = arith.maximumf %scan3A_1700#0, %get3A_1708 : vector<16xf32>
    %swap3A_1710 = arith.constant 0 : index
    %swap3A_1711 = tpu.vector_load %arg6[%swap3A_1710] {strides = array<i32>} : memref<32xf32, #tpu.memory_space<vmem>>, vector<16xf32>,
    %swap3A_1712 = vector.shape_cast %swap3A_1711 : vector<16xf32> to vector<16xf32>
    %swap3A_1713 = vector.shape_cast %max3A_1709 : vector<16xf32> to vector<16xf32>
    tpu.vector_store %arg6[%swap3A_1710], %swap3A_1713 {strides = array<i32>} : memref<32xf32, #tpu.memory_space<vmem>>, vector<16xf32>,
    %get3A_1714 = arith.constant 4 : index
    %get3A_1715 = tpu.vector_load %arg6[%get3A_1714] {strides = array<i32>} : memref<32xf32, #tpu.memory_space<vmem>>, vector<16xf32>,
    %get3A_1716 = vector.shape_cast %get3A_1715 : vector<16xf32> to vector<16xf32>
    %max3A_1717 = arith.maximumf %max3A_1709, %get3A_1716 : vector<16xf32>
    %swap3A_1718 = arith.constant 0 : index
    %swap3A_1719 = tpu.vector_load %arg6[%swap3A_1718] {strides = array<i32>} : memref<32xf32, #tpu.memory_space<vmem>>, vector<16xf32>,
    %swap3A_1720 = vector.shape_cast %swap3A_1719 : vector<16xf32> to vector<16xf32>
    %swap3A_1721 = vector.shape_cast %max3A_1717 : vector<16xf32> to vector<16xf32>
    tpu.vector_store %arg6[%swap3A_1718], %swap3A_1721 {strides = array<i32>} : memref<32xf32, #tpu.memory_space<vmem>>, vector<16xf32>,
    %get3A_1722 = arith.constant 2 : index
    %get3A_1723 = tpu.vector_load %arg6[%get3A_1722] {strides = array<i32>} : memref<32xf32, #tpu.memory_space<vmem>>, vector<16xf32>,
    %get3A_1724 = vector.shape_cast %get3A_1723 : vector<16xf32> to vector<16xf32>
    %max3A_1725 = arith.maximumf %max3A_1717, %get3A_1724 : vector<16xf32>
    %swap3A_1726 = arith.constant 0 : index
    %swap3A_1727 = tpu.vector_load %arg6[%swap3A_1726] {strides = array<i32>} : memref<32xf32, #tpu.memory_space<vmem>>, vector<16xf32>,
    %swap3A_1728 = vector.shape_cast %swap3A_1727 : vector<16xf32> to vector<16xf32>
    %swap3A_1729 = vector.shape_cast %max3A_1725 : vector<16xf32> to vector<16xf32>
    tpu.vector_store %arg6[%swap3A_1726], %swap3A_1729 {strides = array<i32>} : memref<32xf32, #tpu.memory_space<vmem>>, vector<16xf32>,
    %get3A_1730 = arith.constant 1 : index
    %get3A_1731 = tpu.vector_load %arg6[%get3A_1730] {strides = array<i32>} : memref<32xf32, #tpu.memory_space<vmem>>, vector<16xf32>,
    %get3A_1732 = vector.shape_cast %get3A_1731 : vector<16xf32> to vector<16xf32>
    %max3A_1733 = arith.maximumf %max3A_1725, %get3A_1732 : vector<16xf32>
    %slice3A_1734 = vector.extract_strided_slice %max3A_1733 {offsets = [0], sizes = [1], strides = [1]} : vector<16xf32> to vector<1xf32>
    %squeeze3A_1735 = vector.extract %slice3A_1734[0] : f32 from vector<1xf32>
    %eq3A_1736 = vector.broadcast %squeeze3A_1735 : f32 to vector<16xf32>
    %eq3A_1737 = arith.cmpf oeq, %scan3A_1700#0, %eq3A_1736 : vector<16xf32>
    %jit3A_1738 = arith.constant 512 : i32
    %broadcast_in_dim3A_1739 = vector.broadcast %jit3A_1738 : i32 to vector<16xi32>
    %select_n3A_1740 = arith.select %eq3A_1737, %scan3A_1700#1, %broadcast_in_dim3A_1739 : vector<16xi1>, vector<16xi32>
    %swap3A_1741 = arith.constant 0 : index
    %swap3A_1742 = tpu.vector_load %arg7[%swap3A_1741] {strides = array<i32>} : memref<32xi32, #tpu.memory_space<vmem>>, vector<16xi32>,
    %swap3A_1743 = vector.shape_cast %swap3A_1742 : vector<16xi32> to vector<16xi32>
    %swap3A_1744 = vector.shape_cast %select_n3A_1740 : vector<16xi32> to vector<16xi32>
    tpu.vector_store %arg7[%swap3A_1741], %swap3A_1744 {strides = array<i32>} : memref<32xi32, #tpu.memory_space<vmem>>, vector<16xi32>,
    %get3A_1745 = arith.constant 8 : index
    %get3A_1746 = tpu.vector_load %arg7[%get3A_1745] {strides = array<i32>} : memref<32xi32, #tpu.memory_space<vmem>>, vector<16xi32>,
    %get3A_1747 = vector.shape_cast %get3A_1746 : vector<16xi32> to vector<16xi32>
    %min3A_1748 = arith.minsi %select_n3A_1740, %get3A_1747 : vector<16xi32>
    %swap3A_1749 = arith.constant 0 : index
    %swap3A_1750 = tpu.vector_load %arg7[%swap3A_1749] {strides = array<i32>} : memref<32xi32, #tpu.memory_space<vmem>>, vector<16xi32>,
    %swap3A_1751 = vector.shape_cast %swap3A_1750 : vector<16xi32> to vector<16xi32>
    %swap3A_1752 = vector.shape_cast %min3A_1748 : vector<16xi32> to vector<16xi32>
    tpu.vector_store %arg7[%swap3A_1749], %swap3A_1752 {strides = array<i32>} : memref<32xi32, #tpu.memory_space<vmem>>, vector<16xi32>,
    %get3A_1753 = arith.constant 4 : index
    %get3A_1754 = tpu.vector_load %arg7[%get3A_1753] {strides = array<i32>} : memref<32xi32, #tpu.memory_space<vmem>>, vector<16xi32>,
    %get3A_1755 = vector.shape_cast %get3A_1754 : vector<16xi32> to vector<16xi32>
    %min3A_1756 = arith.minsi %min3A_1748, %get3A_1755 : vector<16xi32>
    %swap3A_1757 = arith.constant 0 : index
    %swap3A_1758 = tpu.vector_load %arg7[%swap3A_1757] {strides = array<i32>} : memref<32xi32, #tpu.memory_space<vmem>>, vector<16xi32>,
    %swap3A_1759 = vector.shape_cast %swap3A_1758 : vector<16xi32> to vector<16xi32>
    %swap3A_1760 = vector.shape_cast %min3A_1756 : vector<16xi32> to vector<16xi32>
    tpu.vector_store %arg7[%swap3A_1757], %swap3A_1760 {strides = array<i32>} : memref<32xi32, #tpu.memory_space<vmem>>, vector<16xi32>,
    %get3A_1761 = arith.constant 2 : index
    %get3A_1762 = tpu.vector_load %arg7[%get3A_1761] {strides = array<i32>} : memref<32xi32, #tpu.memory_space<vmem>>, vector<16xi32>,
    %get3A_1763 = vector.shape_cast %get3A_1762 : vector<16xi32> to vector<16xi32>
    %min3A_1764 = arith.minsi %min3A_1756, %get3A_1763 : vector<16xi32>
    %swap3A_1765 = arith.constant 0 : index
    %swap3A_1766 = tpu.vector_load %arg7[%swap3A_1765] {strides = array<i32>} : memref<32xi32, #tpu.memory_space<vmem>>, vector<16xi32>,
    %swap3A_1767 = vector.shape_cast %swap3A_1766 : vector<16xi32> to vector<16xi32>
    %swap3A_1768 = vector.shape_cast %min3A_1764 : vector<16xi32> to vector<16xi32>
    tpu.vector_store %arg7[%swap3A_1765], %swap3A_1768 {strides = array<i32>} : memref<32xi32, #tpu.memory_space<vmem>>, vector<16xi32>,
    %get3A_1769 = arith.constant 1 : index
    %get3A_1770 = tpu.vector_load %arg7[%get3A_1769] {strides = array<i32>} : memref<32xi32, #tpu.memory_space<vmem>>, vector<16xi32>,
    %get3A_1771 = vector.shape_cast %get3A_1770 : vector<16xi32> to vector<16xi32>
    %min3A_1772 = arith.minsi %min3A_1764, %get3A_1771 : vector<16xi32>
    %slice3A_1773 = vector.extract_strided_slice %min3A_1772 {offsets = [0], sizes = [1], strides = [1]} : vector<16xi32> to vector<1xi32>
    %squeeze3A_1774 = vector.extract %slice3A_1773[0] : i32 from vector<1xi32>
    %eq3A_1775 = arith.constant 3 : i32
    %eq3A_1776 = vector.broadcast %eq3A_1775 : i32 to vector<16xi32>
    %eq3A_1777 = arith.cmpi eq, %iota3A, %eq3A_1776 : vector<16xi32>
    %broadcast_in_dim3A_1778 = vector.broadcast %squeeze3A_1774 : i32 to vector<16xi32>
    %select_n3A_1779 = arith.select %eq3A_1777, %broadcast_in_dim3A_1778, %select_n3A_1690 : vector<16xi1>, vector<16xi32>
    %get3A_1780 = arith.constant 20 : i32
    %get3A_1781 = arith.index_cast %get3A_1780 : i32 to index
    %get3A_1782 = arith.constant 0 : index
    %get3A_1783 = tpu.vector_load %arg4[%get3A_1781, %get3A_1782] {strides = array<i32>} : memref<32x512xf32, #tpu.memory_space<vmem>>, vector<1x16xf32>,
    %get3A_1784 = vector.shape_cast %get3A_1783 : vector<1x16xf32> to vector<16xf32>
    %scan3A_1785 = arith.constant 1 : i32
    %scan3A_1786 = arith.constant 31 : i32
    %scan3A_1787 = arith.addi %scan3A_1785, %scan3A_1786 : i32
    %scan3A_1788 = arith.constant 1 : i32
    %scan3A_1789:2 = scf.for %scan3A_2852 = %scan3A_1785 to %scan3A_1787 step %scan3A_1788 iter_args(%scan3A_2853 = %get3A_1784, %scan3A_2854 = %iota3A) -> (vector<16xf32>, vector<16xi32>)  : i32 {
      %mul3A_2855 = arith.constant 16 : i32
      %mul3A_2856 = arith.muli %scan3A_2852, %mul3A_2855 : i32
      %get3A_2857 = arith.constant 20 : i32
      %get3A_2858 = arith.index_cast %get3A_2857 : i32 to index
      %get3A_2859 = arith.index_cast %mul3A_2856 : i32 to index
      %get3A_2860 = tpu.vector_load %arg4[%get3A_2858, %get3A_2859] {strides = array<i32>} : memref<32x512xf32, #tpu.memory_space<vmem>>, vector<1x16xf32>,
      %get3A_2861 = vector.shape_cast %get3A_2860 : vector<1x16xf32> to vector<16xf32>
      %gt3A = arith.cmpf ogt, %get3A_2861, %scan3A_2853 : vector<16xf32>
      %select_n3A_2862 = arith.select %gt3A, %get3A_2861, %scan3A_2853 : vector<16xi1>, vector<16xf32>
      %mul3A_2863 = arith.constant 16 : i32
      %mul3A_2864 = arith.muli %scan3A_2852, %mul3A_2863 : i32
      %add3A_2865 = vector.broadcast %mul3A_2864 : i32 to vector<16xi32>
      %add3A_2866 = arith.addi %iota3A, %add3A_2865 : vector<16xi32>
      %select_n3A_2867 = arith.select %gt3A, %add3A_2866, %scan3A_2854 : vector<16xi1>, vector<16xi32>
      scf.yield %select_n3A_2862, %select_n3A_2867 : vector<16xf32>, vector<16xi32>
    }
    %scan3A_1790 = arith.constant 31 : i32
    %swap3A_1791 = arith.constant 0 : index
    %swap3A_1792 = tpu.vector_load %arg6[%swap3A_1791] {strides = array<i32>} : memref<32xf32, #tpu.memory_space<vmem>>, vector<16xf32>,
    %swap3A_1793 = vector.shape_cast %swap3A_1792 : vector<16xf32> to vector<16xf32>
    %swap3A_1794 = vector.shape_cast %scan3A_1789#0 : vector<16xf32> to vector<16xf32>
    tpu.vector_store %arg6[%swap3A_1791], %swap3A_1794 {strides = array<i32>} : memref<32xf32, #tpu.memory_space<vmem>>, vector<16xf32>,
    %get3A_1795 = arith.constant 8 : index
    %get3A_1796 = tpu.vector_load %arg6[%get3A_1795] {strides = array<i32>} : memref<32xf32, #tpu.memory_space<vmem>>, vector<16xf32>,
    %get3A_1797 = vector.shape_cast %get3A_1796 : vector<16xf32> to vector<16xf32>
    %max3A_1798 = arith.maximumf %scan3A_1789#0, %get3A_1797 : vector<16xf32>
    %swap3A_1799 = arith.constant 0 : index
    %swap3A_1800 = tpu.vector_load %arg6[%swap3A_1799] {strides = array<i32>} : memref<32xf32, #tpu.memory_space<vmem>>, vector<16xf32>,
    %swap3A_1801 = vector.shape_cast %swap3A_1800 : vector<16xf32> to vector<16xf32>
    %swap3A_1802 = vector.shape_cast %max3A_1798 : vector<16xf32> to vector<16xf32>
    tpu.vector_store %arg6[%swap3A_1799], %swap3A_1802 {strides = array<i32>} : memref<32xf32, #tpu.memory_space<vmem>>, vector<16xf32>,
    %get3A_1803 = arith.constant 4 : index
    %get3A_1804 = tpu.vector_load %arg6[%get3A_1803] {strides = array<i32>} : memref<32xf32, #tpu.memory_space<vmem>>, vector<16xf32>,
    %get3A_1805 = vector.shape_cast %get3A_1804 : vector<16xf32> to vector<16xf32>
    %max3A_1806 = arith.maximumf %max3A_1798, %get3A_1805 : vector<16xf32>
    %swap3A_1807 = arith.constant 0 : index
    %swap3A_1808 = tpu.vector_load %arg6[%swap3A_1807] {strides = array<i32>} : memref<32xf32, #tpu.memory_space<vmem>>, vector<16xf32>,
    %swap3A_1809 = vector.shape_cast %swap3A_1808 : vector<16xf32> to vector<16xf32>
    %swap3A_1810 = vector.shape_cast %max3A_1806 : vector<16xf32> to vector<16xf32>
    tpu.vector_store %arg6[%swap3A_1807], %swap3A_1810 {strides = array<i32>} : memref<32xf32, #tpu.memory_space<vmem>>, vector<16xf32>,
    %get3A_1811 = arith.constant 2 : index
    %get3A_1812 = tpu.vector_load %arg6[%get3A_1811] {strides = array<i32>} : memref<32xf32, #tpu.memory_space<vmem>>, vector<16xf32>,
    %get3A_1813 = vector.shape_cast %get3A_1812 : vector<16xf32> to vector<16xf32>
    %max3A_1814 = arith.maximumf %max3A_1806, %get3A_1813 : vector<16xf32>
    %swap3A_1815 = arith.constant 0 : index
    %swap3A_1816 = tpu.vector_load %arg6[%swap3A_1815] {strides = array<i32>} : memref<32xf32, #tpu.memory_space<vmem>>, vector<16xf32>,
    %swap3A_1817 = vector.shape_cast %swap3A_1816 : vector<16xf32> to vector<16xf32>
    %swap3A_1818 = vector.shape_cast %max3A_1814 : vector<16xf32> to vector<16xf32>
    tpu.vector_store %arg6[%swap3A_1815], %swap3A_1818 {strides = array<i32>} : memref<32xf32, #tpu.memory_space<vmem>>, vector<16xf32>,
    %get3A_1819 = arith.constant 1 : index
    %get3A_1820 = tpu.vector_load %arg6[%get3A_1819] {strides = array<i32>} : memref<32xf32, #tpu.memory_space<vmem>>, vector<16xf32>,
    %get3A_1821 = vector.shape_cast %get3A_1820 : vector<16xf32> to vector<16xf32>
    %max3A_1822 = arith.maximumf %max3A_1814, %get3A_1821 : vector<16xf32>
    %slice3A_1823 = vector.extract_strided_slice %max3A_1822 {offsets = [0], sizes = [1], strides = [1]} : vector<16xf32> to vector<1xf32>
    %squeeze3A_1824 = vector.extract %slice3A_1823[0] : f32 from vector<1xf32>
    %eq3A_1825 = vector.broadcast %squeeze3A_1824 : f32 to vector<16xf32>
    %eq3A_1826 = arith.cmpf oeq, %scan3A_1789#0, %eq3A_1825 : vector<16xf32>
    %jit3A_1827 = arith.constant 512 : i32
    %broadcast_in_dim3A_1828 = vector.broadcast %jit3A_1827 : i32 to vector<16xi32>
    %select_n3A_1829 = arith.select %eq3A_1826, %scan3A_1789#1, %broadcast_in_dim3A_1828 : vector<16xi1>, vector<16xi32>
    %swap3A_1830 = arith.constant 0 : index
    %swap3A_1831 = tpu.vector_load %arg7[%swap3A_1830] {strides = array<i32>} : memref<32xi32, #tpu.memory_space<vmem>>, vector<16xi32>,
    %swap3A_1832 = vector.shape_cast %swap3A_1831 : vector<16xi32> to vector<16xi32>
    %swap3A_1833 = vector.shape_cast %select_n3A_1829 : vector<16xi32> to vector<16xi32>
    tpu.vector_store %arg7[%swap3A_1830], %swap3A_1833 {strides = array<i32>} : memref<32xi32, #tpu.memory_space<vmem>>, vector<16xi32>,
    %get3A_1834 = arith.constant 8 : index
    %get3A_1835 = tpu.vector_load %arg7[%get3A_1834] {strides = array<i32>} : memref<32xi32, #tpu.memory_space<vmem>>, vector<16xi32>,
    %get3A_1836 = vector.shape_cast %get3A_1835 : vector<16xi32> to vector<16xi32>
    %min3A_1837 = arith.minsi %select_n3A_1829, %get3A_1836 : vector<16xi32>
    %swap3A_1838 = arith.constant 0 : index
    %swap3A_1839 = tpu.vector_load %arg7[%swap3A_1838] {strides = array<i32>} : memref<32xi32, #tpu.memory_space<vmem>>, vector<16xi32>,
    %swap3A_1840 = vector.shape_cast %swap3A_1839 : vector<16xi32> to vector<16xi32>
    %swap3A_1841 = vector.shape_cast %min3A_1837 : vector<16xi32> to vector<16xi32>
    tpu.vector_store %arg7[%swap3A_1838], %swap3A_1841 {strides = array<i32>} : memref<32xi32, #tpu.memory_space<vmem>>, vector<16xi32>,
    %get3A_1842 = arith.constant 4 : index
    %get3A_1843 = tpu.vector_load %arg7[%get3A_1842] {strides = array<i32>} : memref<32xi32, #tpu.memory_space<vmem>>, vector<16xi32>,
    %get3A_1844 = vector.shape_cast %get3A_1843 : vector<16xi32> to vector<16xi32>
    %min3A_1845 = arith.minsi %min3A_1837, %get3A_1844 : vector<16xi32>
    %swap3A_1846 = arith.constant 0 : index
    %swap3A_1847 = tpu.vector_load %arg7[%swap3A_1846] {strides = array<i32>} : memref<32xi32, #tpu.memory_space<vmem>>, vector<16xi32>,
    %swap3A_1848 = vector.shape_cast %swap3A_1847 : vector<16xi32> to vector<16xi32>
    %swap3A_1849 = vector.shape_cast %min3A_1845 : vector<16xi32> to vector<16xi32>
    tpu.vector_store %arg7[%swap3A_1846], %swap3A_1849 {strides = array<i32>} : memref<32xi32, #tpu.memory_space<vmem>>, vector<16xi32>,
    %get3A_1850 = arith.constant 2 : index
    %get3A_1851 = tpu.vector_load %arg7[%get3A_1850] {strides = array<i32>} : memref<32xi32, #tpu.memory_space<vmem>>, vector<16xi32>,
    %get3A_1852 = vector.shape_cast %get3A_1851 : vector<16xi32> to vector<16xi32>
    %min3A_1853 = arith.minsi %min3A_1845, %get3A_1852 : vector<16xi32>
    %swap3A_1854 = arith.constant 0 : index
    %swap3A_1855 = tpu.vector_load %arg7[%swap3A_1854] {strides = array<i32>} : memref<32xi32, #tpu.memory_space<vmem>>, vector<16xi32>,
    %swap3A_1856 = vector.shape_cast %swap3A_1855 : vector<16xi32> to vector<16xi32>
    %swap3A_1857 = vector.shape_cast %min3A_1853 : vector<16xi32> to vector<16xi32>
    tpu.vector_store %arg7[%swap3A_1854], %swap3A_1857 {strides = array<i32>} : memref<32xi32, #tpu.memory_space<vmem>>, vector<16xi32>,
    %get3A_1858 = arith.constant 1 : index
    %get3A_1859 = tpu.vector_load %arg7[%get3A_1858] {strides = array<i32>} : memref<32xi32, #tpu.memory_space<vmem>>, vector<16xi32>,
    %get3A_1860 = vector.shape_cast %get3A_1859 : vector<16xi32> to vector<16xi32>
    %min3A_1861 = arith.minsi %min3A_1853, %get3A_1860 : vector<16xi32>
    %slice3A_1862 = vector.extract_strided_slice %min3A_1861 {offsets = [0], sizes = [1], strides = [1]} : vector<16xi32> to vector<1xi32>
    %squeeze3A_1863 = vector.extract %slice3A_1862[0] : i32 from vector<1xi32>
    %eq3A_1864 = arith.constant 4 : i32
    %eq3A_1865 = vector.broadcast %eq3A_1864 : i32 to vector<16xi32>
    %eq3A_1866 = arith.cmpi eq, %iota3A, %eq3A_1865 : vector<16xi32>
    %broadcast_in_dim3A_1867 = vector.broadcast %squeeze3A_1863 : i32 to vector<16xi32>
    %select_n3A_1868 = arith.select %eq3A_1866, %broadcast_in_dim3A_1867, %select_n3A_1779 : vector<16xi1>, vector<16xi32>
    %get3A_1869 = arith.constant 21 : i32
    %get3A_1870 = arith.index_cast %get3A_1869 : i32 to index
    %get3A_1871 = arith.constant 0 : index
    %get3A_1872 = tpu.vector_load %arg4[%get3A_1870, %get3A_1871] {strides = array<i32>} : memref<32x512xf32, #tpu.memory_space<vmem>>, vector<1x16xf32>,
    %get3A_1873 = vector.shape_cast %get3A_1872 : vector<1x16xf32> to vector<16xf32>
    %scan3A_1874 = arith.constant 1 : i32
    %scan3A_1875 = arith.constant 31 : i32
    %scan3A_1876 = arith.addi %scan3A_1874, %scan3A_1875 : i32
    %scan3A_1877 = arith.constant 1 : i32
    %scan3A_1878:2 = scf.for %scan3A_2852 = %scan3A_1874 to %scan3A_1876 step %scan3A_1877 iter_args(%scan3A_2853 = %get3A_1873, %scan3A_2854 = %iota3A) -> (vector<16xf32>, vector<16xi32>)  : i32 {
      %mul3A_2855 = arith.constant 16 : i32
      %mul3A_2856 = arith.muli %scan3A_2852, %mul3A_2855 : i32
      %get3A_2857 = arith.constant 21 : i32
      %get3A_2858 = arith.index_cast %get3A_2857 : i32 to index
      %get3A_2859 = arith.index_cast %mul3A_2856 : i32 to index
      %get3A_2860 = tpu.vector_load %arg4[%get3A_2858, %get3A_2859] {strides = array<i32>} : memref<32x512xf32, #tpu.memory_space<vmem>>, vector<1x16xf32>,
      %get3A_2861 = vector.shape_cast %get3A_2860 : vector<1x16xf32> to vector<16xf32>
      %gt3A = arith.cmpf ogt, %get3A_2861, %scan3A_2853 : vector<16xf32>
      %select_n3A_2862 = arith.select %gt3A, %get3A_2861, %scan3A_2853 : vector<16xi1>, vector<16xf32>
      %mul3A_2863 = arith.constant 16 : i32
      %mul3A_2864 = arith.muli %scan3A_2852, %mul3A_2863 : i32
      %add3A_2865 = vector.broadcast %mul3A_2864 : i32 to vector<16xi32>
      %add3A_2866 = arith.addi %iota3A, %add3A_2865 : vector<16xi32>
      %select_n3A_2867 = arith.select %gt3A, %add3A_2866, %scan3A_2854 : vector<16xi1>, vector<16xi32>
      scf.yield %select_n3A_2862, %select_n3A_2867 : vector<16xf32>, vector<16xi32>
    }
    %scan3A_1879 = arith.constant 31 : i32
    %swap3A_1880 = arith.constant 0 : index
    %swap3A_1881 = tpu.vector_load %arg6[%swap3A_1880] {strides = array<i32>} : memref<32xf32, #tpu.memory_space<vmem>>, vector<16xf32>,
    %swap3A_1882 = vector.shape_cast %swap3A_1881 : vector<16xf32> to vector<16xf32>
    %swap3A_1883 = vector.shape_cast %scan3A_1878#0 : vector<16xf32> to vector<16xf32>
    tpu.vector_store %arg6[%swap3A_1880], %swap3A_1883 {strides = array<i32>} : memref<32xf32, #tpu.memory_space<vmem>>, vector<16xf32>,
    %get3A_1884 = arith.constant 8 : index
    %get3A_1885 = tpu.vector_load %arg6[%get3A_1884] {strides = array<i32>} : memref<32xf32, #tpu.memory_space<vmem>>, vector<16xf32>,
    %get3A_1886 = vector.shape_cast %get3A_1885 : vector<16xf32> to vector<16xf32>
    %max3A_1887 = arith.maximumf %scan3A_1878#0, %get3A_1886 : vector<16xf32>
    %swap3A_1888 = arith.constant 0 : index
    %swap3A_1889 = tpu.vector_load %arg6[%swap3A_1888] {strides = array<i32>} : memref<32xf32, #tpu.memory_space<vmem>>, vector<16xf32>,
    %swap3A_1890 = vector.shape_cast %swap3A_1889 : vector<16xf32> to vector<16xf32>
    %swap3A_1891 = vector.shape_cast %max3A_1887 : vector<16xf32> to vector<16xf32>
    tpu.vector_store %arg6[%swap3A_1888], %swap3A_1891 {strides = array<i32>} : memref<32xf32, #tpu.memory_space<vmem>>, vector<16xf32>,
    %get3A_1892 = arith.constant 4 : index
    %get3A_1893 = tpu.vector_load %arg6[%get3A_1892] {strides = array<i32>} : memref<32xf32, #tpu.memory_space<vmem>>, vector<16xf32>,
    %get3A_1894 = vector.shape_cast %get3A_1893 : vector<16xf32> to vector<16xf32>
    %max3A_1895 = arith.maximumf %max3A_1887, %get3A_1894 : vector<16xf32>
    %swap3A_1896 = arith.constant 0 : index
    %swap3A_1897 = tpu.vector_load %arg6[%swap3A_1896] {strides = array<i32>} : memref<32xf32, #tpu.memory_space<vmem>>, vector<16xf32>,
    %swap3A_1898 = vector.shape_cast %swap3A_1897 : vector<16xf32> to vector<16xf32>
    %swap3A_1899 = vector.shape_cast %max3A_1895 : vector<16xf32> to vector<16xf32>
    tpu.vector_store %arg6[%swap3A_1896], %swap3A_1899 {strides = array<i32>} : memref<32xf32, #tpu.memory_space<vmem>>, vector<16xf32>,
    %get3A_1900 = arith.constant 2 : index
    %get3A_1901 = tpu.vector_load %arg6[%get3A_1900] {strides = array<i32>} : memref<32xf32, #tpu.memory_space<vmem>>, vector<16xf32>,
    %get3A_1902 = vector.shape_cast %get3A_1901 : vector<16xf32> to vector<16xf32>
    %max3A_1903 = arith.maximumf %max3A_1895, %get3A_1902 : vector<16xf32>
    %swap3A_1904 = arith.constant 0 : index
    %swap3A_1905 = tpu.vector_load %arg6[%swap3A_1904] {strides = array<i32>} : memref<32xf32, #tpu.memory_space<vmem>>, vector<16xf32>,
    %swap3A_1906 = vector.shape_cast %swap3A_1905 : vector<16xf32> to vector<16xf32>
    %swap3A_1907 = vector.shape_cast %max3A_1903 : vector<16xf32> to vector<16xf32>
    tpu.vector_store %arg6[%swap3A_1904], %swap3A_1907 {strides = array<i32>} : memref<32xf32, #tpu.memory_space<vmem>>, vector<16xf32>,
    %get3A_1908 = arith.constant 1 : index
    %get3A_1909 = tpu.vector_load %arg6[%get3A_1908] {strides = array<i32>} : memref<32xf32, #tpu.memory_space<vmem>>, vector<16xf32>,
    %get3A_1910 = vector.shape_cast %get3A_1909 : vector<16xf32> to vector<16xf32>
    %max3A_1911 = arith.maximumf %max3A_1903, %get3A_1910 : vector<16xf32>
    %slice3A_1912 = vector.extract_strided_slice %max3A_1911 {offsets = [0], sizes = [1], strides = [1]} : vector<16xf32> to vector<1xf32>
    %squeeze3A_1913 = vector.extract %slice3A_1912[0] : f32 from vector<1xf32>
    %eq3A_1914 = vector.broadcast %squeeze3A_1913 : f32 to vector<16xf32>
    %eq3A_1915 = arith.cmpf oeq, %scan3A_1878#0, %eq3A_1914 : vector<16xf32>
    %jit3A_1916 = arith.constant 512 : i32
    %broadcast_in_dim3A_1917 = vector.broadcast %jit3A_1916 : i32 to vector<16xi32>
    %select_n3A_1918 = arith.select %eq3A_1915, %scan3A_1878#1, %broadcast_in_dim3A_1917 : vector<16xi1>, vector<16xi32>
    %swap3A_1919 = arith.constant 0 : index
    %swap3A_1920 = tpu.vector_load %arg7[%swap3A_1919] {strides = array<i32>} : memref<32xi32, #tpu.memory_space<vmem>>, vector<16xi32>,
    %swap3A_1921 = vector.shape_cast %swap3A_1920 : vector<16xi32> to vector<16xi32>
    %swap3A_1922 = vector.shape_cast %select_n3A_1918 : vector<16xi32> to vector<16xi32>
    tpu.vector_store %arg7[%swap3A_1919], %swap3A_1922 {strides = array<i32>} : memref<32xi32, #tpu.memory_space<vmem>>, vector<16xi32>,
    %get3A_1923 = arith.constant 8 : index
    %get3A_1924 = tpu.vector_load %arg7[%get3A_1923] {strides = array<i32>} : memref<32xi32, #tpu.memory_space<vmem>>, vector<16xi32>,
    %get3A_1925 = vector.shape_cast %get3A_1924 : vector<16xi32> to vector<16xi32>
    %min3A_1926 = arith.minsi %select_n3A_1918, %get3A_1925 : vector<16xi32>
    %swap3A_1927 = arith.constant 0 : index
    %swap3A_1928 = tpu.vector_load %arg7[%swap3A_1927] {strides = array<i32>} : memref<32xi32, #tpu.memory_space<vmem>>, vector<16xi32>,
    %swap3A_1929 = vector.shape_cast %swap3A_1928 : vector<16xi32> to vector<16xi32>
    %swap3A_1930 = vector.shape_cast %min3A_1926 : vector<16xi32> to vector<16xi32>
    tpu.vector_store %arg7[%swap3A_1927], %swap3A_1930 {strides = array<i32>} : memref<32xi32, #tpu.memory_space<vmem>>, vector<16xi32>,
    %get3A_1931 = arith.constant 4 : index
    %get3A_1932 = tpu.vector_load %arg7[%get3A_1931] {strides = array<i32>} : memref<32xi32, #tpu.memory_space<vmem>>, vector<16xi32>,
    %get3A_1933 = vector.shape_cast %get3A_1932 : vector<16xi32> to vector<16xi32>
    %min3A_1934 = arith.minsi %min3A_1926, %get3A_1933 : vector<16xi32>
    %swap3A_1935 = arith.constant 0 : index
    %swap3A_1936 = tpu.vector_load %arg7[%swap3A_1935] {strides = array<i32>} : memref<32xi32, #tpu.memory_space<vmem>>, vector<16xi32>,
    %swap3A_1937 = vector.shape_cast %swap3A_1936 : vector<16xi32> to vector<16xi32>
    %swap3A_1938 = vector.shape_cast %min3A_1934 : vector<16xi32> to vector<16xi32>
    tpu.vector_store %arg7[%swap3A_1935], %swap3A_1938 {strides = array<i32>} : memref<32xi32, #tpu.memory_space<vmem>>, vector<16xi32>,
    %get3A_1939 = arith.constant 2 : index
    %get3A_1940 = tpu.vector_load %arg7[%get3A_1939] {strides = array<i32>} : memref<32xi32, #tpu.memory_space<vmem>>, vector<16xi32>,
    %get3A_1941 = vector.shape_cast %get3A_1940 : vector<16xi32> to vector<16xi32>
    %min3A_1942 = arith.minsi %min3A_1934, %get3A_1941 : vector<16xi32>
    %swap3A_1943 = arith.constant 0 : index
    %swap3A_1944 = tpu.vector_load %arg7[%swap3A_1943] {strides = array<i32>} : memref<32xi32, #tpu.memory_space<vmem>>, vector<16xi32>,
    %swap3A_1945 = vector.shape_cast %swap3A_1944 : vector<16xi32> to vector<16xi32>
    %swap3A_1946 = vector.shape_cast %min3A_1942 : vector<16xi32> to vector<16xi32>
    tpu.vector_store %arg7[%swap3A_1943], %swap3A_1946 {strides = array<i32>} : memref<32xi32, #tpu.memory_space<vmem>>, vector<16xi32>,
    %get3A_1947 = arith.constant 1 : index
    %get3A_1948 = tpu.vector_load %arg7[%get3A_1947] {strides = array<i32>} : memref<32xi32, #tpu.memory_space<vmem>>, vector<16xi32>,
    %get3A_1949 = vector.shape_cast %get3A_1948 : vector<16xi32> to vector<16xi32>
    %min3A_1950 = arith.minsi %min3A_1942, %get3A_1949 : vector<16xi32>
    %slice3A_1951 = vector.extract_strided_slice %min3A_1950 {offsets = [0], sizes = [1], strides = [1]} : vector<16xi32> to vector<1xi32>
    %squeeze3A_1952 = vector.extract %slice3A_1951[0] : i32 from vector<1xi32>
    %eq3A_1953 = arith.constant 5 : i32
    %eq3A_1954 = vector.broadcast %eq3A_1953 : i32 to vector<16xi32>
    %eq3A_1955 = arith.cmpi eq, %iota3A, %eq3A_1954 : vector<16xi32>
    %broadcast_in_dim3A_1956 = vector.broadcast %squeeze3A_1952 : i32 to vector<16xi32>
    %select_n3A_1957 = arith.select %eq3A_1955, %broadcast_in_dim3A_1956, %select_n3A_1868 : vector<16xi1>, vector<16xi32>
    %get3A_1958 = arith.constant 22 : i32
    %get3A_1959 = arith.index_cast %get3A_1958 : i32 to index
    %get3A_1960 = arith.constant 0 : index
    %get3A_1961 = tpu.vector_load %arg4[%get3A_1959, %get3A_1960] {strides = array<i32>} : memref<32x512xf32, #tpu.memory_space<vmem>>, vector<1x16xf32>,
    %get3A_1962 = vector.shape_cast %get3A_1961 : vector<1x16xf32> to vector<16xf32>
    %scan3A_1963 = arith.constant 1 : i32
    %scan3A_1964 = arith.constant 31 : i32
    %scan3A_1965 = arith.addi %scan3A_1963, %scan3A_1964 : i32
    %scan3A_1966 = arith.constant 1 : i32
    %scan3A_1967:2 = scf.for %scan3A_2852 = %scan3A_1963 to %scan3A_1965 step %scan3A_1966 iter_args(%scan3A_2853 = %get3A_1962, %scan3A_2854 = %iota3A) -> (vector<16xf32>, vector<16xi32>)  : i32 {
      %mul3A_2855 = arith.constant 16 : i32
      %mul3A_2856 = arith.muli %scan3A_2852, %mul3A_2855 : i32
      %get3A_2857 = arith.constant 22 : i32
      %get3A_2858 = arith.index_cast %get3A_2857 : i32 to index
      %get3A_2859 = arith.index_cast %mul3A_2856 : i32 to index
      %get3A_2860 = tpu.vector_load %arg4[%get3A_2858, %get3A_2859] {strides = array<i32>} : memref<32x512xf32, #tpu.memory_space<vmem>>, vector<1x16xf32>,
      %get3A_2861 = vector.shape_cast %get3A_2860 : vector<1x16xf32> to vector<16xf32>
      %gt3A = arith.cmpf ogt, %get3A_2861, %scan3A_2853 : vector<16xf32>
      %select_n3A_2862 = arith.select %gt3A, %get3A_2861, %scan3A_2853 : vector<16xi1>, vector<16xf32>
      %mul3A_2863 = arith.constant 16 : i32
      %mul3A_2864 = arith.muli %scan3A_2852, %mul3A_2863 : i32
      %add3A_2865 = vector.broadcast %mul3A_2864 : i32 to vector<16xi32>
      %add3A_2866 = arith.addi %iota3A, %add3A_2865 : vector<16xi32>
      %select_n3A_2867 = arith.select %gt3A, %add3A_2866, %scan3A_2854 : vector<16xi1>, vector<16xi32>
      scf.yield %select_n3A_2862, %select_n3A_2867 : vector<16xf32>, vector<16xi32>
    }
    %scan3A_1968 = arith.constant 31 : i32
    %swap3A_1969 = arith.constant 0 : index
    %swap3A_1970 = tpu.vector_load %arg6[%swap3A_1969] {strides = array<i32>} : memref<32xf32, #tpu.memory_space<vmem>>, vector<16xf32>,
    %swap3A_1971 = vector.shape_cast %swap3A_1970 : vector<16xf32> to vector<16xf32>
    %swap3A_1972 = vector.shape_cast %scan3A_1967#0 : vector<16xf32> to vector<16xf32>
    tpu.vector_store %arg6[%swap3A_1969], %swap3A_1972 {strides = array<i32>} : memref<32xf32, #tpu.memory_space<vmem>>, vector<16xf32>,
    %get3A_1973 = arith.constant 8 : index
    %get3A_1974 = tpu.vector_load %arg6[%get3A_1973] {strides = array<i32>} : memref<32xf32, #tpu.memory_space<vmem>>, vector<16xf32>,
    %get3A_1975 = vector.shape_cast %get3A_1974 : vector<16xf32> to vector<16xf32>
    %max3A_1976 = arith.maximumf %scan3A_1967#0, %get3A_1975 : vector<16xf32>
    %swap3A_1977 = arith.constant 0 : index
    %swap3A_1978 = tpu.vector_load %arg6[%swap3A_1977] {strides = array<i32>} : memref<32xf32, #tpu.memory_space<vmem>>, vector<16xf32>,
    %swap3A_1979 = vector.shape_cast %swap3A_1978 : vector<16xf32> to vector<16xf32>
    %swap3A_1980 = vector.shape_cast %max3A_1976 : vector<16xf32> to vector<16xf32>
    tpu.vector_store %arg6[%swap3A_1977], %swap3A_1980 {strides = array<i32>} : memref<32xf32, #tpu.memory_space<vmem>>, vector<16xf32>,
    %get3A_1981 = arith.constant 4 : index
    %get3A_1982 = tpu.vector_load %arg6[%get3A_1981] {strides = array<i32>} : memref<32xf32, #tpu.memory_space<vmem>>, vector<16xf32>,
    %get3A_1983 = vector.shape_cast %get3A_1982 : vector<16xf32> to vector<16xf32>
    %max3A_1984 = arith.maximumf %max3A_1976, %get3A_1983 : vector<16xf32>
    %swap3A_1985 = arith.constant 0 : index
    %swap3A_1986 = tpu.vector_load %arg6[%swap3A_1985] {strides = array<i32>} : memref<32xf32, #tpu.memory_space<vmem>>, vector<16xf32>,
    %swap3A_1987 = vector.shape_cast %swap3A_1986 : vector<16xf32> to vector<16xf32>
    %swap3A_1988 = vector.shape_cast %max3A_1984 : vector<16xf32> to vector<16xf32>
    tpu.vector_store %arg6[%swap3A_1985], %swap3A_1988 {strides = array<i32>} : memref<32xf32, #tpu.memory_space<vmem>>, vector<16xf32>,
    %get3A_1989 = arith.constant 2 : index
    %get3A_1990 = tpu.vector_load %arg6[%get3A_1989] {strides = array<i32>} : memref<32xf32, #tpu.memory_space<vmem>>, vector<16xf32>,
    %get3A_1991 = vector.shape_cast %get3A_1990 : vector<16xf32> to vector<16xf32>
    %max3A_1992 = arith.maximumf %max3A_1984, %get3A_1991 : vector<16xf32>
    %swap3A_1993 = arith.constant 0 : index
    %swap3A_1994 = tpu.vector_load %arg6[%swap3A_1993] {strides = array<i32>} : memref<32xf32, #tpu.memory_space<vmem>>, vector<16xf32>,
    %swap3A_1995 = vector.shape_cast %swap3A_1994 : vector<16xf32> to vector<16xf32>
    %swap3A_1996 = vector.shape_cast %max3A_1992 : vector<16xf32> to vector<16xf32>
    tpu.vector_store %arg6[%swap3A_1993], %swap3A_1996 {strides = array<i32>} : memref<32xf32, #tpu.memory_space<vmem>>, vector<16xf32>,
    %get3A_1997 = arith.constant 1 : index
    %get3A_1998 = tpu.vector_load %arg6[%get3A_1997] {strides = array<i32>} : memref<32xf32, #tpu.memory_space<vmem>>, vector<16xf32>,
    %get3A_1999 = vector.shape_cast %get3A_1998 : vector<16xf32> to vector<16xf32>
    %max3A_2000 = arith.maximumf %max3A_1992, %get3A_1999 : vector<16xf32>
    %slice3A_2001 = vector.extract_strided_slice %max3A_2000 {offsets = [0], sizes = [1], strides = [1]} : vector<16xf32> to vector<1xf32>
    %squeeze3A_2002 = vector.extract %slice3A_2001[0] : f32 from vector<1xf32>
    %eq3A_2003 = vector.broadcast %squeeze3A_2002 : f32 to vector<16xf32>
    %eq3A_2004 = arith.cmpf oeq, %scan3A_1967#0, %eq3A_2003 : vector<16xf32>
    %jit3A_2005 = arith.constant 512 : i32
    %broadcast_in_dim3A_2006 = vector.broadcast %jit3A_2005 : i32 to vector<16xi32>
    %select_n3A_2007 = arith.select %eq3A_2004, %scan3A_1967#1, %broadcast_in_dim3A_2006 : vector<16xi1>, vector<16xi32>
    %swap3A_2008 = arith.constant 0 : index
    %swap3A_2009 = tpu.vector_load %arg7[%swap3A_2008] {strides = array<i32>} : memref<32xi32, #tpu.memory_space<vmem>>, vector<16xi32>,
    %swap3A_2010 = vector.shape_cast %swap3A_2009 : vector<16xi32> to vector<16xi32>
    %swap3A_2011 = vector.shape_cast %select_n3A_2007 : vector<16xi32> to vector<16xi32>
    tpu.vector_store %arg7[%swap3A_2008], %swap3A_2011 {strides = array<i32>} : memref<32xi32, #tpu.memory_space<vmem>>, vector<16xi32>,
    %get3A_2012 = arith.constant 8 : index
    %get3A_2013 = tpu.vector_load %arg7[%get3A_2012] {strides = array<i32>} : memref<32xi32, #tpu.memory_space<vmem>>, vector<16xi32>,
    %get3A_2014 = vector.shape_cast %get3A_2013 : vector<16xi32> to vector<16xi32>
    %min3A_2015 = arith.minsi %select_n3A_2007, %get3A_2014 : vector<16xi32>
    %swap3A_2016 = arith.constant 0 : index
    %swap3A_2017 = tpu.vector_load %arg7[%swap3A_2016] {strides = array<i32>} : memref<32xi32, #tpu.memory_space<vmem>>, vector<16xi32>,
    %swap3A_2018 = vector.shape_cast %swap3A_2017 : vector<16xi32> to vector<16xi32>
    %swap3A_2019 = vector.shape_cast %min3A_2015 : vector<16xi32> to vector<16xi32>
    tpu.vector_store %arg7[%swap3A_2016], %swap3A_2019 {strides = array<i32>} : memref<32xi32, #tpu.memory_space<vmem>>, vector<16xi32>,
    %get3A_2020 = arith.constant 4 : index
    %get3A_2021 = tpu.vector_load %arg7[%get3A_2020] {strides = array<i32>} : memref<32xi32, #tpu.memory_space<vmem>>, vector<16xi32>,
    %get3A_2022 = vector.shape_cast %get3A_2021 : vector<16xi32> to vector<16xi32>
    %min3A_2023 = arith.minsi %min3A_2015, %get3A_2022 : vector<16xi32>
    %swap3A_2024 = arith.constant 0 : index
    %swap3A_2025 = tpu.vector_load %arg7[%swap3A_2024] {strides = array<i32>} : memref<32xi32, #tpu.memory_space<vmem>>, vector<16xi32>,
    %swap3A_2026 = vector.shape_cast %swap3A_2025 : vector<16xi32> to vector<16xi32>
    %swap3A_2027 = vector.shape_cast %min3A_2023 : vector<16xi32> to vector<16xi32>
    tpu.vector_store %arg7[%swap3A_2024], %swap3A_2027 {strides = array<i32>} : memref<32xi32, #tpu.memory_space<vmem>>, vector<16xi32>,
    %get3A_2028 = arith.constant 2 : index
    %get3A_2029 = tpu.vector_load %arg7[%get3A_2028] {strides = array<i32>} : memref<32xi32, #tpu.memory_space<vmem>>, vector<16xi32>,
    %get3A_2030 = vector.shape_cast %get3A_2029 : vector<16xi32> to vector<16xi32>
    %min3A_2031 = arith.minsi %min3A_2023, %get3A_2030 : vector<16xi32>
    %swap3A_2032 = arith.constant 0 : index
    %swap3A_2033 = tpu.vector_load %arg7[%swap3A_2032] {strides = array<i32>} : memref<32xi32, #tpu.memory_space<vmem>>, vector<16xi32>,
    %swap3A_2034 = vector.shape_cast %swap3A_2033 : vector<16xi32> to vector<16xi32>
    %swap3A_2035 = vector.shape_cast %min3A_2031 : vector<16xi32> to vector<16xi32>
    tpu.vector_store %arg7[%swap3A_2032], %swap3A_2035 {strides = array<i32>} : memref<32xi32, #tpu.memory_space<vmem>>, vector<16xi32>,
    %get3A_2036 = arith.constant 1 : index
    %get3A_2037 = tpu.vector_load %arg7[%get3A_2036] {strides = array<i32>} : memref<32xi32, #tpu.memory_space<vmem>>, vector<16xi32>,
    %get3A_2038 = vector.shape_cast %get3A_2037 : vector<16xi32> to vector<16xi32>
    %min3A_2039 = arith.minsi %min3A_2031, %get3A_2038 : vector<16xi32>
    %slice3A_2040 = vector.extract_strided_slice %min3A_2039 {offsets = [0], sizes = [1], strides = [1]} : vector<16xi32> to vector<1xi32>
    %squeeze3A_2041 = vector.extract %slice3A_2040[0] : i32 from vector<1xi32>
    %eq3A_2042 = arith.constant 6 : i32
    %eq3A_2043 = vector.broadcast %eq3A_2042 : i32 to vector<16xi32>
    %eq3A_2044 = arith.cmpi eq, %iota3A, %eq3A_2043 : vector<16xi32>
    %broadcast_in_dim3A_2045 = vector.broadcast %squeeze3A_2041 : i32 to vector<16xi32>
    %select_n3A_2046 = arith.select %eq3A_2044, %broadcast_in_dim3A_2045, %select_n3A_1957 : vector<16xi1>, vector<16xi32>
    %get3A_2047 = arith.constant 23 : i32
    %get3A_2048 = arith.index_cast %get3A_2047 : i32 to index
    %get3A_2049 = arith.constant 0 : index
    %get3A_2050 = tpu.vector_load %arg4[%get3A_2048, %get3A_2049] {strides = array<i32>} : memref<32x512xf32, #tpu.memory_space<vmem>>, vector<1x16xf32>,
    %get3A_2051 = vector.shape_cast %get3A_2050 : vector<1x16xf32> to vector<16xf32>
    %scan3A_2052 = arith.constant 1 : i32
    %scan3A_2053 = arith.constant 31 : i32
    %scan3A_2054 = arith.addi %scan3A_2052, %scan3A_2053 : i32
    %scan3A_2055 = arith.constant 1 : i32
    %scan3A_2056:2 = scf.for %scan3A_2852 = %scan3A_2052 to %scan3A_2054 step %scan3A_2055 iter_args(%scan3A_2853 = %get3A_2051, %scan3A_2854 = %iota3A) -> (vector<16xf32>, vector<16xi32>)  : i32 {
      %mul3A_2855 = arith.constant 16 : i32
      %mul3A_2856 = arith.muli %scan3A_2852, %mul3A_2855 : i32
      %get3A_2857 = arith.constant 23 : i32
      %get3A_2858 = arith.index_cast %get3A_2857 : i32 to index
      %get3A_2859 = arith.index_cast %mul3A_2856 : i32 to index
      %get3A_2860 = tpu.vector_load %arg4[%get3A_2858, %get3A_2859] {strides = array<i32>} : memref<32x512xf32, #tpu.memory_space<vmem>>, vector<1x16xf32>,
      %get3A_2861 = vector.shape_cast %get3A_2860 : vector<1x16xf32> to vector<16xf32>
      %gt3A = arith.cmpf ogt, %get3A_2861, %scan3A_2853 : vector<16xf32>
      %select_n3A_2862 = arith.select %gt3A, %get3A_2861, %scan3A_2853 : vector<16xi1>, vector<16xf32>
      %mul3A_2863 = arith.constant 16 : i32
      %mul3A_2864 = arith.muli %scan3A_2852, %mul3A_2863 : i32
      %add3A_2865 = vector.broadcast %mul3A_2864 : i32 to vector<16xi32>
      %add3A_2866 = arith.addi %iota3A, %add3A_2865 : vector<16xi32>
      %select_n3A_2867 = arith.select %gt3A, %add3A_2866, %scan3A_2854 : vector<16xi1>, vector<16xi32>
      scf.yield %select_n3A_2862, %select_n3A_2867 : vector<16xf32>, vector<16xi32>
    }
    %scan3A_2057 = arith.constant 31 : i32
    %swap3A_2058 = arith.constant 0 : index
    %swap3A_2059 = tpu.vector_load %arg6[%swap3A_2058] {strides = array<i32>} : memref<32xf32, #tpu.memory_space<vmem>>, vector<16xf32>,
    %swap3A_2060 = vector.shape_cast %swap3A_2059 : vector<16xf32> to vector<16xf32>
    %swap3A_2061 = vector.shape_cast %scan3A_2056#0 : vector<16xf32> to vector<16xf32>
    tpu.vector_store %arg6[%swap3A_2058], %swap3A_2061 {strides = array<i32>} : memref<32xf32, #tpu.memory_space<vmem>>, vector<16xf32>,
    %get3A_2062 = arith.constant 8 : index
    %get3A_2063 = tpu.vector_load %arg6[%get3A_2062] {strides = array<i32>} : memref<32xf32, #tpu.memory_space<vmem>>, vector<16xf32>,
    %get3A_2064 = vector.shape_cast %get3A_2063 : vector<16xf32> to vector<16xf32>
    %max3A_2065 = arith.maximumf %scan3A_2056#0, %get3A_2064 : vector<16xf32>
    %swap3A_2066 = arith.constant 0 : index
    %swap3A_2067 = tpu.vector_load %arg6[%swap3A_2066] {strides = array<i32>} : memref<32xf32, #tpu.memory_space<vmem>>, vector<16xf32>,
    %swap3A_2068 = vector.shape_cast %swap3A_2067 : vector<16xf32> to vector<16xf32>
    %swap3A_2069 = vector.shape_cast %max3A_2065 : vector<16xf32> to vector<16xf32>
    tpu.vector_store %arg6[%swap3A_2066], %swap3A_2069 {strides = array<i32>} : memref<32xf32, #tpu.memory_space<vmem>>, vector<16xf32>,
    %get3A_2070 = arith.constant 4 : index
    %get3A_2071 = tpu.vector_load %arg6[%get3A_2070] {strides = array<i32>} : memref<32xf32, #tpu.memory_space<vmem>>, vector<16xf32>,
    %get3A_2072 = vector.shape_cast %get3A_2071 : vector<16xf32> to vector<16xf32>
    %max3A_2073 = arith.maximumf %max3A_2065, %get3A_2072 : vector<16xf32>
    %swap3A_2074 = arith.constant 0 : index
    %swap3A_2075 = tpu.vector_load %arg6[%swap3A_2074] {strides = array<i32>} : memref<32xf32, #tpu.memory_space<vmem>>, vector<16xf32>,
    %swap3A_2076 = vector.shape_cast %swap3A_2075 : vector<16xf32> to vector<16xf32>
    %swap3A_2077 = vector.shape_cast %max3A_2073 : vector<16xf32> to vector<16xf32>
    tpu.vector_store %arg6[%swap3A_2074], %swap3A_2077 {strides = array<i32>} : memref<32xf32, #tpu.memory_space<vmem>>, vector<16xf32>,
    %get3A_2078 = arith.constant 2 : index
    %get3A_2079 = tpu.vector_load %arg6[%get3A_2078] {strides = array<i32>} : memref<32xf32, #tpu.memory_space<vmem>>, vector<16xf32>,
    %get3A_2080 = vector.shape_cast %get3A_2079 : vector<16xf32> to vector<16xf32>
    %max3A_2081 = arith.maximumf %max3A_2073, %get3A_2080 : vector<16xf32>
    %swap3A_2082 = arith.constant 0 : index
    %swap3A_2083 = tpu.vector_load %arg6[%swap3A_2082] {strides = array<i32>} : memref<32xf32, #tpu.memory_space<vmem>>, vector<16xf32>,
    %swap3A_2084 = vector.shape_cast %swap3A_2083 : vector<16xf32> to vector<16xf32>
    %swap3A_2085 = vector.shape_cast %max3A_2081 : vector<16xf32> to vector<16xf32>
    tpu.vector_store %arg6[%swap3A_2082], %swap3A_2085 {strides = array<i32>} : memref<32xf32, #tpu.memory_space<vmem>>, vector<16xf32>,
    %get3A_2086 = arith.constant 1 : index
    %get3A_2087 = tpu.vector_load %arg6[%get3A_2086] {strides = array<i32>} : memref<32xf32, #tpu.memory_space<vmem>>, vector<16xf32>,
    %get3A_2088 = vector.shape_cast %get3A_2087 : vector<16xf32> to vector<16xf32>
    %max3A_2089 = arith.maximumf %max3A_2081, %get3A_2088 : vector<16xf32>
    %slice3A_2090 = vector.extract_strided_slice %max3A_2089 {offsets = [0], sizes = [1], strides = [1]} : vector<16xf32> to vector<1xf32>
    %squeeze3A_2091 = vector.extract %slice3A_2090[0] : f32 from vector<1xf32>
    %eq3A_2092 = vector.broadcast %squeeze3A_2091 : f32 to vector<16xf32>
    %eq3A_2093 = arith.cmpf oeq, %scan3A_2056#0, %eq3A_2092 : vector<16xf32>
    %jit3A_2094 = arith.constant 512 : i32
    %broadcast_in_dim3A_2095 = vector.broadcast %jit3A_2094 : i32 to vector<16xi32>
    %select_n3A_2096 = arith.select %eq3A_2093, %scan3A_2056#1, %broadcast_in_dim3A_2095 : vector<16xi1>, vector<16xi32>
    %swap3A_2097 = arith.constant 0 : index
    %swap3A_2098 = tpu.vector_load %arg7[%swap3A_2097] {strides = array<i32>} : memref<32xi32, #tpu.memory_space<vmem>>, vector<16xi32>,
    %swap3A_2099 = vector.shape_cast %swap3A_2098 : vector<16xi32> to vector<16xi32>
    %swap3A_2100 = vector.shape_cast %select_n3A_2096 : vector<16xi32> to vector<16xi32>
    tpu.vector_store %arg7[%swap3A_2097], %swap3A_2100 {strides = array<i32>} : memref<32xi32, #tpu.memory_space<vmem>>, vector<16xi32>,
    %get3A_2101 = arith.constant 8 : index
    %get3A_2102 = tpu.vector_load %arg7[%get3A_2101] {strides = array<i32>} : memref<32xi32, #tpu.memory_space<vmem>>, vector<16xi32>,
    %get3A_2103 = vector.shape_cast %get3A_2102 : vector<16xi32> to vector<16xi32>
    %min3A_2104 = arith.minsi %select_n3A_2096, %get3A_2103 : vector<16xi32>
    %swap3A_2105 = arith.constant 0 : index
    %swap3A_2106 = tpu.vector_load %arg7[%swap3A_2105] {strides = array<i32>} : memref<32xi32, #tpu.memory_space<vmem>>, vector<16xi32>,
    %swap3A_2107 = vector.shape_cast %swap3A_2106 : vector<16xi32> to vector<16xi32>
    %swap3A_2108 = vector.shape_cast %min3A_2104 : vector<16xi32> to vector<16xi32>
    tpu.vector_store %arg7[%swap3A_2105], %swap3A_2108 {strides = array<i32>} : memref<32xi32, #tpu.memory_space<vmem>>, vector<16xi32>,
    %get3A_2109 = arith.constant 4 : index
    %get3A_2110 = tpu.vector_load %arg7[%get3A_2109] {strides = array<i32>} : memref<32xi32, #tpu.memory_space<vmem>>, vector<16xi32>,
    %get3A_2111 = vector.shape_cast %get3A_2110 : vector<16xi32> to vector<16xi32>
    %min3A_2112 = arith.minsi %min3A_2104, %get3A_2111 : vector<16xi32>
    %swap3A_2113 = arith.constant 0 : index
    %swap3A_2114 = tpu.vector_load %arg7[%swap3A_2113] {strides = array<i32>} : memref<32xi32, #tpu.memory_space<vmem>>, vector<16xi32>,
    %swap3A_2115 = vector.shape_cast %swap3A_2114 : vector<16xi32> to vector<16xi32>
    %swap3A_2116 = vector.shape_cast %min3A_2112 : vector<16xi32> to vector<16xi32>
    tpu.vector_store %arg7[%swap3A_2113], %swap3A_2116 {strides = array<i32>} : memref<32xi32, #tpu.memory_space<vmem>>, vector<16xi32>,
    %get3A_2117 = arith.constant 2 : index
    %get3A_2118 = tpu.vector_load %arg7[%get3A_2117] {strides = array<i32>} : memref<32xi32, #tpu.memory_space<vmem>>, vector<16xi32>,
    %get3A_2119 = vector.shape_cast %get3A_2118 : vector<16xi32> to vector<16xi32>
    %min3A_2120 = arith.minsi %min3A_2112, %get3A_2119 : vector<16xi32>
    %swap3A_2121 = arith.constant 0 : index
    %swap3A_2122 = tpu.vector_load %arg7[%swap3A_2121] {strides = array<i32>} : memref<32xi32, #tpu.memory_space<vmem>>, vector<16xi32>,
    %swap3A_2123 = vector.shape_cast %swap3A_2122 : vector<16xi32> to vector<16xi32>
    %swap3A_2124 = vector.shape_cast %min3A_2120 : vector<16xi32> to vector<16xi32>
    tpu.vector_store %arg7[%swap3A_2121], %swap3A_2124 {strides = array<i32>} : memref<32xi32, #tpu.memory_space<vmem>>, vector<16xi32>,
    %get3A_2125 = arith.constant 1 : index
    %get3A_2126 = tpu.vector_load %arg7[%get3A_2125] {strides = array<i32>} : memref<32xi32, #tpu.memory_space<vmem>>, vector<16xi32>,
    %get3A_2127 = vector.shape_cast %get3A_2126 : vector<16xi32> to vector<16xi32>
    %min3A_2128 = arith.minsi %min3A_2120, %get3A_2127 : vector<16xi32>
    %slice3A_2129 = vector.extract_strided_slice %min3A_2128 {offsets = [0], sizes = [1], strides = [1]} : vector<16xi32> to vector<1xi32>
    %squeeze3A_2130 = vector.extract %slice3A_2129[0] : i32 from vector<1xi32>
    %eq3A_2131 = arith.constant 7 : i32
    %eq3A_2132 = vector.broadcast %eq3A_2131 : i32 to vector<16xi32>
    %eq3A_2133 = arith.cmpi eq, %iota3A, %eq3A_2132 : vector<16xi32>
    %broadcast_in_dim3A_2134 = vector.broadcast %squeeze3A_2130 : i32 to vector<16xi32>
    %select_n3A_2135 = arith.select %eq3A_2133, %broadcast_in_dim3A_2134, %select_n3A_2046 : vector<16xi1>, vector<16xi32>
    %get3A_2136 = arith.constant 24 : i32
    %get3A_2137 = arith.index_cast %get3A_2136 : i32 to index
    %get3A_2138 = arith.constant 0 : index
    %get3A_2139 = tpu.vector_load %arg4[%get3A_2137, %get3A_2138] {strides = array<i32>} : memref<32x512xf32, #tpu.memory_space<vmem>>, vector<1x16xf32>,
    %get3A_2140 = vector.shape_cast %get3A_2139 : vector<1x16xf32> to vector<16xf32>
    %scan3A_2141 = arith.constant 1 : i32
    %scan3A_2142 = arith.constant 31 : i32
    %scan3A_2143 = arith.addi %scan3A_2141, %scan3A_2142 : i32
    %scan3A_2144 = arith.constant 1 : i32
    %scan3A_2145:2 = scf.for %scan3A_2852 = %scan3A_2141 to %scan3A_2143 step %scan3A_2144 iter_args(%scan3A_2853 = %get3A_2140, %scan3A_2854 = %iota3A) -> (vector<16xf32>, vector<16xi32>)  : i32 {
      %mul3A_2855 = arith.constant 16 : i32
      %mul3A_2856 = arith.muli %scan3A_2852, %mul3A_2855 : i32
      %get3A_2857 = arith.constant 24 : i32
      %get3A_2858 = arith.index_cast %get3A_2857 : i32 to index
      %get3A_2859 = arith.index_cast %mul3A_2856 : i32 to index
      %get3A_2860 = tpu.vector_load %arg4[%get3A_2858, %get3A_2859] {strides = array<i32>} : memref<32x512xf32, #tpu.memory_space<vmem>>, vector<1x16xf32>,
      %get3A_2861 = vector.shape_cast %get3A_2860 : vector<1x16xf32> to vector<16xf32>
      %gt3A = arith.cmpf ogt, %get3A_2861, %scan3A_2853 : vector<16xf32>
      %select_n3A_2862 = arith.select %gt3A, %get3A_2861, %scan3A_2853 : vector<16xi1>, vector<16xf32>
      %mul3A_2863 = arith.constant 16 : i32
      %mul3A_2864 = arith.muli %scan3A_2852, %mul3A_2863 : i32
      %add3A_2865 = vector.broadcast %mul3A_2864 : i32 to vector<16xi32>
      %add3A_2866 = arith.addi %iota3A, %add3A_2865 : vector<16xi32>
      %select_n3A_2867 = arith.select %gt3A, %add3A_2866, %scan3A_2854 : vector<16xi1>, vector<16xi32>
      scf.yield %select_n3A_2862, %select_n3A_2867 : vector<16xf32>, vector<16xi32>
    }
    %scan3A_2146 = arith.constant 31 : i32
    %swap3A_2147 = arith.constant 0 : index
    %swap3A_2148 = tpu.vector_load %arg6[%swap3A_2147] {strides = array<i32>} : memref<32xf32, #tpu.memory_space<vmem>>, vector<16xf32>,
    %swap3A_2149 = vector.shape_cast %swap3A_2148 : vector<16xf32> to vector<16xf32>
    %swap3A_2150 = vector.shape_cast %scan3A_2145#0 : vector<16xf32> to vector<16xf32>
    tpu.vector_store %arg6[%swap3A_2147], %swap3A_2150 {strides = array<i32>} : memref<32xf32, #tpu.memory_space<vmem>>, vector<16xf32>,
    %get3A_2151 = arith.constant 8 : index
    %get3A_2152 = tpu.vector_load %arg6[%get3A_2151] {strides = array<i32>} : memref<32xf32, #tpu.memory_space<vmem>>, vector<16xf32>,
    %get3A_2153 = vector.shape_cast %get3A_2152 : vector<16xf32> to vector<16xf32>
    %max3A_2154 = arith.maximumf %scan3A_2145#0, %get3A_2153 : vector<16xf32>
    %swap3A_2155 = arith.constant 0 : index
    %swap3A_2156 = tpu.vector_load %arg6[%swap3A_2155] {strides = array<i32>} : memref<32xf32, #tpu.memory_space<vmem>>, vector<16xf32>,
    %swap3A_2157 = vector.shape_cast %swap3A_2156 : vector<16xf32> to vector<16xf32>
    %swap3A_2158 = vector.shape_cast %max3A_2154 : vector<16xf32> to vector<16xf32>
    tpu.vector_store %arg6[%swap3A_2155], %swap3A_2158 {strides = array<i32>} : memref<32xf32, #tpu.memory_space<vmem>>, vector<16xf32>,
    %get3A_2159 = arith.constant 4 : index
    %get3A_2160 = tpu.vector_load %arg6[%get3A_2159] {strides = array<i32>} : memref<32xf32, #tpu.memory_space<vmem>>, vector<16xf32>,
    %get3A_2161 = vector.shape_cast %get3A_2160 : vector<16xf32> to vector<16xf32>
    %max3A_2162 = arith.maximumf %max3A_2154, %get3A_2161 : vector<16xf32>
    %swap3A_2163 = arith.constant 0 : index
    %swap3A_2164 = tpu.vector_load %arg6[%swap3A_2163] {strides = array<i32>} : memref<32xf32, #tpu.memory_space<vmem>>, vector<16xf32>,
    %swap3A_2165 = vector.shape_cast %swap3A_2164 : vector<16xf32> to vector<16xf32>
    %swap3A_2166 = vector.shape_cast %max3A_2162 : vector<16xf32> to vector<16xf32>
    tpu.vector_store %arg6[%swap3A_2163], %swap3A_2166 {strides = array<i32>} : memref<32xf32, #tpu.memory_space<vmem>>, vector<16xf32>,
    %get3A_2167 = arith.constant 2 : index
    %get3A_2168 = tpu.vector_load %arg6[%get3A_2167] {strides = array<i32>} : memref<32xf32, #tpu.memory_space<vmem>>, vector<16xf32>,
    %get3A_2169 = vector.shape_cast %get3A_2168 : vector<16xf32> to vector<16xf32>
    %max3A_2170 = arith.maximumf %max3A_2162, %get3A_2169 : vector<16xf32>
    %swap3A_2171 = arith.constant 0 : index
    %swap3A_2172 = tpu.vector_load %arg6[%swap3A_2171] {strides = array<i32>} : memref<32xf32, #tpu.memory_space<vmem>>, vector<16xf32>,
    %swap3A_2173 = vector.shape_cast %swap3A_2172 : vector<16xf32> to vector<16xf32>
    %swap3A_2174 = vector.shape_cast %max3A_2170 : vector<16xf32> to vector<16xf32>
    tpu.vector_store %arg6[%swap3A_2171], %swap3A_2174 {strides = array<i32>} : memref<32xf32, #tpu.memory_space<vmem>>, vector<16xf32>,
    %get3A_2175 = arith.constant 1 : index
    %get3A_2176 = tpu.vector_load %arg6[%get3A_2175] {strides = array<i32>} : memref<32xf32, #tpu.memory_space<vmem>>, vector<16xf32>,
    %get3A_2177 = vector.shape_cast %get3A_2176 : vector<16xf32> to vector<16xf32>
    %max3A_2178 = arith.maximumf %max3A_2170, %get3A_2177 : vector<16xf32>
    %slice3A_2179 = vector.extract_strided_slice %max3A_2178 {offsets = [0], sizes = [1], strides = [1]} : vector<16xf32> to vector<1xf32>
    %squeeze3A_2180 = vector.extract %slice3A_2179[0] : f32 from vector<1xf32>
    %eq3A_2181 = vector.broadcast %squeeze3A_2180 : f32 to vector<16xf32>
    %eq3A_2182 = arith.cmpf oeq, %scan3A_2145#0, %eq3A_2181 : vector<16xf32>
    %jit3A_2183 = arith.constant 512 : i32
    %broadcast_in_dim3A_2184 = vector.broadcast %jit3A_2183 : i32 to vector<16xi32>
    %select_n3A_2185 = arith.select %eq3A_2182, %scan3A_2145#1, %broadcast_in_dim3A_2184 : vector<16xi1>, vector<16xi32>
    %swap3A_2186 = arith.constant 0 : index
    %swap3A_2187 = tpu.vector_load %arg7[%swap3A_2186] {strides = array<i32>} : memref<32xi32, #tpu.memory_space<vmem>>, vector<16xi32>,
    %swap3A_2188 = vector.shape_cast %swap3A_2187 : vector<16xi32> to vector<16xi32>
    %swap3A_2189 = vector.shape_cast %select_n3A_2185 : vector<16xi32> to vector<16xi32>
    tpu.vector_store %arg7[%swap3A_2186], %swap3A_2189 {strides = array<i32>} : memref<32xi32, #tpu.memory_space<vmem>>, vector<16xi32>,
    %get3A_2190 = arith.constant 8 : index
    %get3A_2191 = tpu.vector_load %arg7[%get3A_2190] {strides = array<i32>} : memref<32xi32, #tpu.memory_space<vmem>>, vector<16xi32>,
    %get3A_2192 = vector.shape_cast %get3A_2191 : vector<16xi32> to vector<16xi32>
    %min3A_2193 = arith.minsi %select_n3A_2185, %get3A_2192 : vector<16xi32>
    %swap3A_2194 = arith.constant 0 : index
    %swap3A_2195 = tpu.vector_load %arg7[%swap3A_2194] {strides = array<i32>} : memref<32xi32, #tpu.memory_space<vmem>>, vector<16xi32>,
    %swap3A_2196 = vector.shape_cast %swap3A_2195 : vector<16xi32> to vector<16xi32>
    %swap3A_2197 = vector.shape_cast %min3A_2193 : vector<16xi32> to vector<16xi32>
    tpu.vector_store %arg7[%swap3A_2194], %swap3A_2197 {strides = array<i32>} : memref<32xi32, #tpu.memory_space<vmem>>, vector<16xi32>,
    %get3A_2198 = arith.constant 4 : index
    %get3A_2199 = tpu.vector_load %arg7[%get3A_2198] {strides = array<i32>} : memref<32xi32, #tpu.memory_space<vmem>>, vector<16xi32>,
    %get3A_2200 = vector.shape_cast %get3A_2199 : vector<16xi32> to vector<16xi32>
    %min3A_2201 = arith.minsi %min3A_2193, %get3A_2200 : vector<16xi32>
    %swap3A_2202 = arith.constant 0 : index
    %swap3A_2203 = tpu.vector_load %arg7[%swap3A_2202] {strides = array<i32>} : memref<32xi32, #tpu.memory_space<vmem>>, vector<16xi32>,
    %swap3A_2204 = vector.shape_cast %swap3A_2203 : vector<16xi32> to vector<16xi32>
    %swap3A_2205 = vector.shape_cast %min3A_2201 : vector<16xi32> to vector<16xi32>
    tpu.vector_store %arg7[%swap3A_2202], %swap3A_2205 {strides = array<i32>} : memref<32xi32, #tpu.memory_space<vmem>>, vector<16xi32>,
    %get3A_2206 = arith.constant 2 : index
    %get3A_2207 = tpu.vector_load %arg7[%get3A_2206] {strides = array<i32>} : memref<32xi32, #tpu.memory_space<vmem>>, vector<16xi32>,
    %get3A_2208 = vector.shape_cast %get3A_2207 : vector<16xi32> to vector<16xi32>
    %min3A_2209 = arith.minsi %min3A_2201, %get3A_2208 : vector<16xi32>
    %swap3A_2210 = arith.constant 0 : index
    %swap3A_2211 = tpu.vector_load %arg7[%swap3A_2210] {strides = array<i32>} : memref<32xi32, #tpu.memory_space<vmem>>, vector<16xi32>,
    %swap3A_2212 = vector.shape_cast %swap3A_2211 : vector<16xi32> to vector<16xi32>
    %swap3A_2213 = vector.shape_cast %min3A_2209 : vector<16xi32> to vector<16xi32>
    tpu.vector_store %arg7[%swap3A_2210], %swap3A_2213 {strides = array<i32>} : memref<32xi32, #tpu.memory_space<vmem>>, vector<16xi32>,
    %get3A_2214 = arith.constant 1 : index
    %get3A_2215 = tpu.vector_load %arg7[%get3A_2214] {strides = array<i32>} : memref<32xi32, #tpu.memory_space<vmem>>, vector<16xi32>,
    %get3A_2216 = vector.shape_cast %get3A_2215 : vector<16xi32> to vector<16xi32>
    %min3A_2217 = arith.minsi %min3A_2209, %get3A_2216 : vector<16xi32>
    %slice3A_2218 = vector.extract_strided_slice %min3A_2217 {offsets = [0], sizes = [1], strides = [1]} : vector<16xi32> to vector<1xi32>
    %squeeze3A_2219 = vector.extract %slice3A_2218[0] : i32 from vector<1xi32>
    %eq3A_2220 = arith.constant 8 : i32
    %eq3A_2221 = vector.broadcast %eq3A_2220 : i32 to vector<16xi32>
    %eq3A_2222 = arith.cmpi eq, %iota3A, %eq3A_2221 : vector<16xi32>
    %broadcast_in_dim3A_2223 = vector.broadcast %squeeze3A_2219 : i32 to vector<16xi32>
    %select_n3A_2224 = arith.select %eq3A_2222, %broadcast_in_dim3A_2223, %select_n3A_2135 : vector<16xi1>, vector<16xi32>
    %get3A_2225 = arith.constant 25 : i32
    %get3A_2226 = arith.index_cast %get3A_2225 : i32 to index
    %get3A_2227 = arith.constant 0 : index
    %get3A_2228 = tpu.vector_load %arg4[%get3A_2226, %get3A_2227] {strides = array<i32>} : memref<32x512xf32, #tpu.memory_space<vmem>>, vector<1x16xf32>,
    %get3A_2229 = vector.shape_cast %get3A_2228 : vector<1x16xf32> to vector<16xf32>
    %scan3A_2230 = arith.constant 1 : i32
    %scan3A_2231 = arith.constant 31 : i32
    %scan3A_2232 = arith.addi %scan3A_2230, %scan3A_2231 : i32
    %scan3A_2233 = arith.constant 1 : i32
    %scan3A_2234:2 = scf.for %scan3A_2852 = %scan3A_2230 to %scan3A_2232 step %scan3A_2233 iter_args(%scan3A_2853 = %get3A_2229, %scan3A_2854 = %iota3A) -> (vector<16xf32>, vector<16xi32>)  : i32 {
      %mul3A_2855 = arith.constant 16 : i32
      %mul3A_2856 = arith.muli %scan3A_2852, %mul3A_2855 : i32
      %get3A_2857 = arith.constant 25 : i32
      %get3A_2858 = arith.index_cast %get3A_2857 : i32 to index
      %get3A_2859 = arith.index_cast %mul3A_2856 : i32 to index
      %get3A_2860 = tpu.vector_load %arg4[%get3A_2858, %get3A_2859] {strides = array<i32>} : memref<32x512xf32, #tpu.memory_space<vmem>>, vector<1x16xf32>,
      %get3A_2861 = vector.shape_cast %get3A_2860 : vector<1x16xf32> to vector<16xf32>
      %gt3A = arith.cmpf ogt, %get3A_2861, %scan3A_2853 : vector<16xf32>
      %select_n3A_2862 = arith.select %gt3A, %get3A_2861, %scan3A_2853 : vector<16xi1>, vector<16xf32>
      %mul3A_2863 = arith.constant 16 : i32
      %mul3A_2864 = arith.muli %scan3A_2852, %mul3A_2863 : i32
      %add3A_2865 = vector.broadcast %mul3A_2864 : i32 to vector<16xi32>
      %add3A_2866 = arith.addi %iota3A, %add3A_2865 : vector<16xi32>
      %select_n3A_2867 = arith.select %gt3A, %add3A_2866, %scan3A_2854 : vector<16xi1>, vector<16xi32>
      scf.yield %select_n3A_2862, %select_n3A_2867 : vector<16xf32>, vector<16xi32>
    }
    %scan3A_2235 = arith.constant 31 : i32
    %swap3A_2236 = arith.constant 0 : index
    %swap3A_2237 = tpu.vector_load %arg6[%swap3A_2236] {strides = array<i32>} : memref<32xf32, #tpu.memory_space<vmem>>, vector<16xf32>,
    %swap3A_2238 = vector.shape_cast %swap3A_2237 : vector<16xf32> to vector<16xf32>
    %swap3A_2239 = vector.shape_cast %scan3A_2234#0 : vector<16xf32> to vector<16xf32>
    tpu.vector_store %arg6[%swap3A_2236], %swap3A_2239 {strides = array<i32>} : memref<32xf32, #tpu.memory_space<vmem>>, vector<16xf32>,
    %get3A_2240 = arith.constant 8 : index
    %get3A_2241 = tpu.vector_load %arg6[%get3A_2240] {strides = array<i32>} : memref<32xf32, #tpu.memory_space<vmem>>, vector<16xf32>,
    %get3A_2242 = vector.shape_cast %get3A_2241 : vector<16xf32> to vector<16xf32>
    %max3A_2243 = arith.maximumf %scan3A_2234#0, %get3A_2242 : vector<16xf32>
    %swap3A_2244 = arith.constant 0 : index
    %swap3A_2245 = tpu.vector_load %arg6[%swap3A_2244] {strides = array<i32>} : memref<32xf32, #tpu.memory_space<vmem>>, vector<16xf32>,
    %swap3A_2246 = vector.shape_cast %swap3A_2245 : vector<16xf32> to vector<16xf32>
    %swap3A_2247 = vector.shape_cast %max3A_2243 : vector<16xf32> to vector<16xf32>
    tpu.vector_store %arg6[%swap3A_2244], %swap3A_2247 {strides = array<i32>} : memref<32xf32, #tpu.memory_space<vmem>>, vector<16xf32>,
    %get3A_2248 = arith.constant 4 : index
    %get3A_2249 = tpu.vector_load %arg6[%get3A_2248] {strides = array<i32>} : memref<32xf32, #tpu.memory_space<vmem>>, vector<16xf32>,
    %get3A_2250 = vector.shape_cast %get3A_2249 : vector<16xf32> to vector<16xf32>
    %max3A_2251 = arith.maximumf %max3A_2243, %get3A_2250 : vector<16xf32>
    %swap3A_2252 = arith.constant 0 : index
    %swap3A_2253 = tpu.vector_load %arg6[%swap3A_2252] {strides = array<i32>} : memref<32xf32, #tpu.memory_space<vmem>>, vector<16xf32>,
    %swap3A_2254 = vector.shape_cast %swap3A_2253 : vector<16xf32> to vector<16xf32>
    %swap3A_2255 = vector.shape_cast %max3A_2251 : vector<16xf32> to vector<16xf32>
    tpu.vector_store %arg6[%swap3A_2252], %swap3A_2255 {strides = array<i32>} : memref<32xf32, #tpu.memory_space<vmem>>, vector<16xf32>,
    %get3A_2256 = arith.constant 2 : index
    %get3A_2257 = tpu.vector_load %arg6[%get3A_2256] {strides = array<i32>} : memref<32xf32, #tpu.memory_space<vmem>>, vector<16xf32>,
    %get3A_2258 = vector.shape_cast %get3A_2257 : vector<16xf32> to vector<16xf32>
    %max3A_2259 = arith.maximumf %max3A_2251, %get3A_2258 : vector<16xf32>
    %swap3A_2260 = arith.constant 0 : index
    %swap3A_2261 = tpu.vector_load %arg6[%swap3A_2260] {strides = array<i32>} : memref<32xf32, #tpu.memory_space<vmem>>, vector<16xf32>,
    %swap3A_2262 = vector.shape_cast %swap3A_2261 : vector<16xf32> to vector<16xf32>
    %swap3A_2263 = vector.shape_cast %max3A_2259 : vector<16xf32> to vector<16xf32>
    tpu.vector_store %arg6[%swap3A_2260], %swap3A_2263 {strides = array<i32>} : memref<32xf32, #tpu.memory_space<vmem>>, vector<16xf32>,
    %get3A_2264 = arith.constant 1 : index
    %get3A_2265 = tpu.vector_load %arg6[%get3A_2264] {strides = array<i32>} : memref<32xf32, #tpu.memory_space<vmem>>, vector<16xf32>,
    %get3A_2266 = vector.shape_cast %get3A_2265 : vector<16xf32> to vector<16xf32>
    %max3A_2267 = arith.maximumf %max3A_2259, %get3A_2266 : vector<16xf32>
    %slice3A_2268 = vector.extract_strided_slice %max3A_2267 {offsets = [0], sizes = [1], strides = [1]} : vector<16xf32> to vector<1xf32>
    %squeeze3A_2269 = vector.extract %slice3A_2268[0] : f32 from vector<1xf32>
    %eq3A_2270 = vector.broadcast %squeeze3A_2269 : f32 to vector<16xf32>
    %eq3A_2271 = arith.cmpf oeq, %scan3A_2234#0, %eq3A_2270 : vector<16xf32>
    %jit3A_2272 = arith.constant 512 : i32
    %broadcast_in_dim3A_2273 = vector.broadcast %jit3A_2272 : i32 to vector<16xi32>
    %select_n3A_2274 = arith.select %eq3A_2271, %scan3A_2234#1, %broadcast_in_dim3A_2273 : vector<16xi1>, vector<16xi32>
    %swap3A_2275 = arith.constant 0 : index
    %swap3A_2276 = tpu.vector_load %arg7[%swap3A_2275] {strides = array<i32>} : memref<32xi32, #tpu.memory_space<vmem>>, vector<16xi32>,
    %swap3A_2277 = vector.shape_cast %swap3A_2276 : vector<16xi32> to vector<16xi32>
    %swap3A_2278 = vector.shape_cast %select_n3A_2274 : vector<16xi32> to vector<16xi32>
    tpu.vector_store %arg7[%swap3A_2275], %swap3A_2278 {strides = array<i32>} : memref<32xi32, #tpu.memory_space<vmem>>, vector<16xi32>,
    %get3A_2279 = arith.constant 8 : index
    %get3A_2280 = tpu.vector_load %arg7[%get3A_2279] {strides = array<i32>} : memref<32xi32, #tpu.memory_space<vmem>>, vector<16xi32>,
    %get3A_2281 = vector.shape_cast %get3A_2280 : vector<16xi32> to vector<16xi32>
    %min3A_2282 = arith.minsi %select_n3A_2274, %get3A_2281 : vector<16xi32>
    %swap3A_2283 = arith.constant 0 : index
    %swap3A_2284 = tpu.vector_load %arg7[%swap3A_2283] {strides = array<i32>} : memref<32xi32, #tpu.memory_space<vmem>>, vector<16xi32>,
    %swap3A_2285 = vector.shape_cast %swap3A_2284 : vector<16xi32> to vector<16xi32>
    %swap3A_2286 = vector.shape_cast %min3A_2282 : vector<16xi32> to vector<16xi32>
    tpu.vector_store %arg7[%swap3A_2283], %swap3A_2286 {strides = array<i32>} : memref<32xi32, #tpu.memory_space<vmem>>, vector<16xi32>,
    %get3A_2287 = arith.constant 4 : index
    %get3A_2288 = tpu.vector_load %arg7[%get3A_2287] {strides = array<i32>} : memref<32xi32, #tpu.memory_space<vmem>>, vector<16xi32>,
    %get3A_2289 = vector.shape_cast %get3A_2288 : vector<16xi32> to vector<16xi32>
    %min3A_2290 = arith.minsi %min3A_2282, %get3A_2289 : vector<16xi32>
    %swap3A_2291 = arith.constant 0 : index
    %swap3A_2292 = tpu.vector_load %arg7[%swap3A_2291] {strides = array<i32>} : memref<32xi32, #tpu.memory_space<vmem>>, vector<16xi32>,
    %swap3A_2293 = vector.shape_cast %swap3A_2292 : vector<16xi32> to vector<16xi32>
    %swap3A_2294 = vector.shape_cast %min3A_2290 : vector<16xi32> to vector<16xi32>
    tpu.vector_store %arg7[%swap3A_2291], %swap3A_2294 {strides = array<i32>} : memref<32xi32, #tpu.memory_space<vmem>>, vector<16xi32>,
    %get3A_2295 = arith.constant 2 : index
    %get3A_2296 = tpu.vector_load %arg7[%get3A_2295] {strides = array<i32>} : memref<32xi32, #tpu.memory_space<vmem>>, vector<16xi32>,
    %get3A_2297 = vector.shape_cast %get3A_2296 : vector<16xi32> to vector<16xi32>
    %min3A_2298 = arith.minsi %min3A_2290, %get3A_2297 : vector<16xi32>
    %swap3A_2299 = arith.constant 0 : index
    %swap3A_2300 = tpu.vector_load %arg7[%swap3A_2299] {strides = array<i32>} : memref<32xi32, #tpu.memory_space<vmem>>, vector<16xi32>,
    %swap3A_2301 = vector.shape_cast %swap3A_2300 : vector<16xi32> to vector<16xi32>
    %swap3A_2302 = vector.shape_cast %min3A_2298 : vector<16xi32> to vector<16xi32>
    tpu.vector_store %arg7[%swap3A_2299], %swap3A_2302 {strides = array<i32>} : memref<32xi32, #tpu.memory_space<vmem>>, vector<16xi32>,
    %get3A_2303 = arith.constant 1 : index
    %get3A_2304 = tpu.vector_load %arg7[%get3A_2303] {strides = array<i32>} : memref<32xi32, #tpu.memory_space<vmem>>, vector<16xi32>,
    %get3A_2305 = vector.shape_cast %get3A_2304 : vector<16xi32> to vector<16xi32>
    %min3A_2306 = arith.minsi %min3A_2298, %get3A_2305 : vector<16xi32>
    %slice3A_2307 = vector.extract_strided_slice %min3A_2306 {offsets = [0], sizes = [1], strides = [1]} : vector<16xi32> to vector<1xi32>
    %squeeze3A_2308 = vector.extract %slice3A_2307[0] : i32 from vector<1xi32>
    %eq3A_2309 = arith.constant 9 : i32
    %eq3A_2310 = vector.broadcast %eq3A_2309 : i32 to vector<16xi32>
    %eq3A_2311 = arith.cmpi eq, %iota3A, %eq3A_2310 : vector<16xi32>
    %broadcast_in_dim3A_2312 = vector.broadcast %squeeze3A_2308 : i32 to vector<16xi32>
    %select_n3A_2313 = arith.select %eq3A_2311, %broadcast_in_dim3A_2312, %select_n3A_2224 : vector<16xi1>, vector<16xi32>
    %get3A_2314 = arith.constant 26 : i32
    %get3A_2315 = arith.index_cast %get3A_2314 : i32 to index
    %get3A_2316 = arith.constant 0 : index
    %get3A_2317 = tpu.vector_load %arg4[%get3A_2315, %get3A_2316] {strides = array<i32>} : memref<32x512xf32, #tpu.memory_space<vmem>>, vector<1x16xf32>,
    %get3A_2318 = vector.shape_cast %get3A_2317 : vector<1x16xf32> to vector<16xf32>
    %scan3A_2319 = arith.constant 1 : i32
    %scan3A_2320 = arith.constant 31 : i32
    %scan3A_2321 = arith.addi %scan3A_2319, %scan3A_2320 : i32
    %scan3A_2322 = arith.constant 1 : i32
    %scan3A_2323:2 = scf.for %scan3A_2852 = %scan3A_2319 to %scan3A_2321 step %scan3A_2322 iter_args(%scan3A_2853 = %get3A_2318, %scan3A_2854 = %iota3A) -> (vector<16xf32>, vector<16xi32>)  : i32 {
      %mul3A_2855 = arith.constant 16 : i32
      %mul3A_2856 = arith.muli %scan3A_2852, %mul3A_2855 : i32
      %get3A_2857 = arith.constant 26 : i32
      %get3A_2858 = arith.index_cast %get3A_2857 : i32 to index
      %get3A_2859 = arith.index_cast %mul3A_2856 : i32 to index
      %get3A_2860 = tpu.vector_load %arg4[%get3A_2858, %get3A_2859] {strides = array<i32>} : memref<32x512xf32, #tpu.memory_space<vmem>>, vector<1x16xf32>,
      %get3A_2861 = vector.shape_cast %get3A_2860 : vector<1x16xf32> to vector<16xf32>
      %gt3A = arith.cmpf ogt, %get3A_2861, %scan3A_2853 : vector<16xf32>
      %select_n3A_2862 = arith.select %gt3A, %get3A_2861, %scan3A_2853 : vector<16xi1>, vector<16xf32>
      %mul3A_2863 = arith.constant 16 : i32
      %mul3A_2864 = arith.muli %scan3A_2852, %mul3A_2863 : i32
      %add3A_2865 = vector.broadcast %mul3A_2864 : i32 to vector<16xi32>
      %add3A_2866 = arith.addi %iota3A, %add3A_2865 : vector<16xi32>
      %select_n3A_2867 = arith.select %gt3A, %add3A_2866, %scan3A_2854 : vector<16xi1>, vector<16xi32>
      scf.yield %select_n3A_2862, %select_n3A_2867 : vector<16xf32>, vector<16xi32>
    }
    %scan3A_2324 = arith.constant 31 : i32
    %swap3A_2325 = arith.constant 0 : index
    %swap3A_2326 = tpu.vector_load %arg6[%swap3A_2325] {strides = array<i32>} : memref<32xf32, #tpu.memory_space<vmem>>, vector<16xf32>,
    %swap3A_2327 = vector.shape_cast %swap3A_2326 : vector<16xf32> to vector<16xf32>
    %swap3A_2328 = vector.shape_cast %scan3A_2323#0 : vector<16xf32> to vector<16xf32>
    tpu.vector_store %arg6[%swap3A_2325], %swap3A_2328 {strides = array<i32>} : memref<32xf32, #tpu.memory_space<vmem>>, vector<16xf32>,
    %get3A_2329 = arith.constant 8 : index
    %get3A_2330 = tpu.vector_load %arg6[%get3A_2329] {strides = array<i32>} : memref<32xf32, #tpu.memory_space<vmem>>, vector<16xf32>,
    %get3A_2331 = vector.shape_cast %get3A_2330 : vector<16xf32> to vector<16xf32>
    %max3A_2332 = arith.maximumf %scan3A_2323#0, %get3A_2331 : vector<16xf32>
    %swap3A_2333 = arith.constant 0 : index
    %swap3A_2334 = tpu.vector_load %arg6[%swap3A_2333] {strides = array<i32>} : memref<32xf32, #tpu.memory_space<vmem>>, vector<16xf32>,
    %swap3A_2335 = vector.shape_cast %swap3A_2334 : vector<16xf32> to vector<16xf32>
    %swap3A_2336 = vector.shape_cast %max3A_2332 : vector<16xf32> to vector<16xf32>
    tpu.vector_store %arg6[%swap3A_2333], %swap3A_2336 {strides = array<i32>} : memref<32xf32, #tpu.memory_space<vmem>>, vector<16xf32>,
    %get3A_2337 = arith.constant 4 : index
    %get3A_2338 = tpu.vector_load %arg6[%get3A_2337] {strides = array<i32>} : memref<32xf32, #tpu.memory_space<vmem>>, vector<16xf32>,
    %get3A_2339 = vector.shape_cast %get3A_2338 : vector<16xf32> to vector<16xf32>
    %max3A_2340 = arith.maximumf %max3A_2332, %get3A_2339 : vector<16xf32>
    %swap3A_2341 = arith.constant 0 : index
    %swap3A_2342 = tpu.vector_load %arg6[%swap3A_2341] {strides = array<i32>} : memref<32xf32, #tpu.memory_space<vmem>>, vector<16xf32>,
    %swap3A_2343 = vector.shape_cast %swap3A_2342 : vector<16xf32> to vector<16xf32>
    %swap3A_2344 = vector.shape_cast %max3A_2340 : vector<16xf32> to vector<16xf32>
    tpu.vector_store %arg6[%swap3A_2341], %swap3A_2344 {strides = array<i32>} : memref<32xf32, #tpu.memory_space<vmem>>, vector<16xf32>,
    %get3A_2345 = arith.constant 2 : index
    %get3A_2346 = tpu.vector_load %arg6[%get3A_2345] {strides = array<i32>} : memref<32xf32, #tpu.memory_space<vmem>>, vector<16xf32>,
    %get3A_2347 = vector.shape_cast %get3A_2346 : vector<16xf32> to vector<16xf32>
    %max3A_2348 = arith.maximumf %max3A_2340, %get3A_2347 : vector<16xf32>
    %swap3A_2349 = arith.constant 0 : index
    %swap3A_2350 = tpu.vector_load %arg6[%swap3A_2349] {strides = array<i32>} : memref<32xf32, #tpu.memory_space<vmem>>, vector<16xf32>,
    %swap3A_2351 = vector.shape_cast %swap3A_2350 : vector<16xf32> to vector<16xf32>
    %swap3A_2352 = vector.shape_cast %max3A_2348 : vector<16xf32> to vector<16xf32>
    tpu.vector_store %arg6[%swap3A_2349], %swap3A_2352 {strides = array<i32>} : memref<32xf32, #tpu.memory_space<vmem>>, vector<16xf32>,
    %get3A_2353 = arith.constant 1 : index
    %get3A_2354 = tpu.vector_load %arg6[%get3A_2353] {strides = array<i32>} : memref<32xf32, #tpu.memory_space<vmem>>, vector<16xf32>,
    %get3A_2355 = vector.shape_cast %get3A_2354 : vector<16xf32> to vector<16xf32>
    %max3A_2356 = arith.maximumf %max3A_2348, %get3A_2355 : vector<16xf32>
    %slice3A_2357 = vector.extract_strided_slice %max3A_2356 {offsets = [0], sizes = [1], strides = [1]} : vector<16xf32> to vector<1xf32>
    %squeeze3A_2358 = vector.extract %slice3A_2357[0] : f32 from vector<1xf32>
    %eq3A_2359 = vector.broadcast %squeeze3A_2358 : f32 to vector<16xf32>
    %eq3A_2360 = arith.cmpf oeq, %scan3A_2323#0, %eq3A_2359 : vector<16xf32>
    %jit3A_2361 = arith.constant 512 : i32
    %broadcast_in_dim3A_2362 = vector.broadcast %jit3A_2361 : i32 to vector<16xi32>
    %select_n3A_2363 = arith.select %eq3A_2360, %scan3A_2323#1, %broadcast_in_dim3A_2362 : vector<16xi1>, vector<16xi32>
    %swap3A_2364 = arith.constant 0 : index
    %swap3A_2365 = tpu.vector_load %arg7[%swap3A_2364] {strides = array<i32>} : memref<32xi32, #tpu.memory_space<vmem>>, vector<16xi32>,
    %swap3A_2366 = vector.shape_cast %swap3A_2365 : vector<16xi32> to vector<16xi32>
    %swap3A_2367 = vector.shape_cast %select_n3A_2363 : vector<16xi32> to vector<16xi32>
    tpu.vector_store %arg7[%swap3A_2364], %swap3A_2367 {strides = array<i32>} : memref<32xi32, #tpu.memory_space<vmem>>, vector<16xi32>,
    %get3A_2368 = arith.constant 8 : index
    %get3A_2369 = tpu.vector_load %arg7[%get3A_2368] {strides = array<i32>} : memref<32xi32, #tpu.memory_space<vmem>>, vector<16xi32>,
    %get3A_2370 = vector.shape_cast %get3A_2369 : vector<16xi32> to vector<16xi32>
    %min3A_2371 = arith.minsi %select_n3A_2363, %get3A_2370 : vector<16xi32>
    %swap3A_2372 = arith.constant 0 : index
    %swap3A_2373 = tpu.vector_load %arg7[%swap3A_2372] {strides = array<i32>} : memref<32xi32, #tpu.memory_space<vmem>>, vector<16xi32>,
    %swap3A_2374 = vector.shape_cast %swap3A_2373 : vector<16xi32> to vector<16xi32>
    %swap3A_2375 = vector.shape_cast %min3A_2371 : vector<16xi32> to vector<16xi32>
    tpu.vector_store %arg7[%swap3A_2372], %swap3A_2375 {strides = array<i32>} : memref<32xi32, #tpu.memory_space<vmem>>, vector<16xi32>,
    %get3A_2376 = arith.constant 4 : index
    %get3A_2377 = tpu.vector_load %arg7[%get3A_2376] {strides = array<i32>} : memref<32xi32, #tpu.memory_space<vmem>>, vector<16xi32>,
    %get3A_2378 = vector.shape_cast %get3A_2377 : vector<16xi32> to vector<16xi32>
    %min3A_2379 = arith.minsi %min3A_2371, %get3A_2378 : vector<16xi32>
    %swap3A_2380 = arith.constant 0 : index
    %swap3A_2381 = tpu.vector_load %arg7[%swap3A_2380] {strides = array<i32>} : memref<32xi32, #tpu.memory_space<vmem>>, vector<16xi32>,
    %swap3A_2382 = vector.shape_cast %swap3A_2381 : vector<16xi32> to vector<16xi32>
    %swap3A_2383 = vector.shape_cast %min3A_2379 : vector<16xi32> to vector<16xi32>
    tpu.vector_store %arg7[%swap3A_2380], %swap3A_2383 {strides = array<i32>} : memref<32xi32, #tpu.memory_space<vmem>>, vector<16xi32>,
    %get3A_2384 = arith.constant 2 : index
    %get3A_2385 = tpu.vector_load %arg7[%get3A_2384] {strides = array<i32>} : memref<32xi32, #tpu.memory_space<vmem>>, vector<16xi32>,
    %get3A_2386 = vector.shape_cast %get3A_2385 : vector<16xi32> to vector<16xi32>
    %min3A_2387 = arith.minsi %min3A_2379, %get3A_2386 : vector<16xi32>
    %swap3A_2388 = arith.constant 0 : index
    %swap3A_2389 = tpu.vector_load %arg7[%swap3A_2388] {strides = array<i32>} : memref<32xi32, #tpu.memory_space<vmem>>, vector<16xi32>,
    %swap3A_2390 = vector.shape_cast %swap3A_2389 : vector<16xi32> to vector<16xi32>
    %swap3A_2391 = vector.shape_cast %min3A_2387 : vector<16xi32> to vector<16xi32>
    tpu.vector_store %arg7[%swap3A_2388], %swap3A_2391 {strides = array<i32>} : memref<32xi32, #tpu.memory_space<vmem>>, vector<16xi32>,
    %get3A_2392 = arith.constant 1 : index
    %get3A_2393 = tpu.vector_load %arg7[%get3A_2392] {strides = array<i32>} : memref<32xi32, #tpu.memory_space<vmem>>, vector<16xi32>,
    %get3A_2394 = vector.shape_cast %get3A_2393 : vector<16xi32> to vector<16xi32>
    %min3A_2395 = arith.minsi %min3A_2387, %get3A_2394 : vector<16xi32>
    %slice3A_2396 = vector.extract_strided_slice %min3A_2395 {offsets = [0], sizes = [1], strides = [1]} : vector<16xi32> to vector<1xi32>
    %squeeze3A_2397 = vector.extract %slice3A_2396[0] : i32 from vector<1xi32>
    %eq3A_2398 = arith.constant 10 : i32
    %eq3A_2399 = vector.broadcast %eq3A_2398 : i32 to vector<16xi32>
    %eq3A_2400 = arith.cmpi eq, %iota3A, %eq3A_2399 : vector<16xi32>
    %broadcast_in_dim3A_2401 = vector.broadcast %squeeze3A_2397 : i32 to vector<16xi32>
    %select_n3A_2402 = arith.select %eq3A_2400, %broadcast_in_dim3A_2401, %select_n3A_2313 : vector<16xi1>, vector<16xi32>
    %get3A_2403 = arith.constant 27 : i32
    %get3A_2404 = arith.index_cast %get3A_2403 : i32 to index
    %get3A_2405 = arith.constant 0 : index
    %get3A_2406 = tpu.vector_load %arg4[%get3A_2404, %get3A_2405] {strides = array<i32>} : memref<32x512xf32, #tpu.memory_space<vmem>>, vector<1x16xf32>,
    %get3A_2407 = vector.shape_cast %get3A_2406 : vector<1x16xf32> to vector<16xf32>
    %scan3A_2408 = arith.constant 1 : i32
    %scan3A_2409 = arith.constant 31 : i32
    %scan3A_2410 = arith.addi %scan3A_2408, %scan3A_2409 : i32
    %scan3A_2411 = arith.constant 1 : i32
    %scan3A_2412:2 = scf.for %scan3A_2852 = %scan3A_2408 to %scan3A_2410 step %scan3A_2411 iter_args(%scan3A_2853 = %get3A_2407, %scan3A_2854 = %iota3A) -> (vector<16xf32>, vector<16xi32>)  : i32 {
      %mul3A_2855 = arith.constant 16 : i32
      %mul3A_2856 = arith.muli %scan3A_2852, %mul3A_2855 : i32
      %get3A_2857 = arith.constant 27 : i32
      %get3A_2858 = arith.index_cast %get3A_2857 : i32 to index
      %get3A_2859 = arith.index_cast %mul3A_2856 : i32 to index
      %get3A_2860 = tpu.vector_load %arg4[%get3A_2858, %get3A_2859] {strides = array<i32>} : memref<32x512xf32, #tpu.memory_space<vmem>>, vector<1x16xf32>,
      %get3A_2861 = vector.shape_cast %get3A_2860 : vector<1x16xf32> to vector<16xf32>
      %gt3A = arith.cmpf ogt, %get3A_2861, %scan3A_2853 : vector<16xf32>
      %select_n3A_2862 = arith.select %gt3A, %get3A_2861, %scan3A_2853 : vector<16xi1>, vector<16xf32>
      %mul3A_2863 = arith.constant 16 : i32
      %mul3A_2864 = arith.muli %scan3A_2852, %mul3A_2863 : i32
      %add3A_2865 = vector.broadcast %mul3A_2864 : i32 to vector<16xi32>
      %add3A_2866 = arith.addi %iota3A, %add3A_2865 : vector<16xi32>
      %select_n3A_2867 = arith.select %gt3A, %add3A_2866, %scan3A_2854 : vector<16xi1>, vector<16xi32>
      scf.yield %select_n3A_2862, %select_n3A_2867 : vector<16xf32>, vector<16xi32>
    }
    %scan3A_2413 = arith.constant 31 : i32
    %swap3A_2414 = arith.constant 0 : index
    %swap3A_2415 = tpu.vector_load %arg6[%swap3A_2414] {strides = array<i32>} : memref<32xf32, #tpu.memory_space<vmem>>, vector<16xf32>,
    %swap3A_2416 = vector.shape_cast %swap3A_2415 : vector<16xf32> to vector<16xf32>
    %swap3A_2417 = vector.shape_cast %scan3A_2412#0 : vector<16xf32> to vector<16xf32>
    tpu.vector_store %arg6[%swap3A_2414], %swap3A_2417 {strides = array<i32>} : memref<32xf32, #tpu.memory_space<vmem>>, vector<16xf32>,
    %get3A_2418 = arith.constant 8 : index
    %get3A_2419 = tpu.vector_load %arg6[%get3A_2418] {strides = array<i32>} : memref<32xf32, #tpu.memory_space<vmem>>, vector<16xf32>,
    %get3A_2420 = vector.shape_cast %get3A_2419 : vector<16xf32> to vector<16xf32>
    %max3A_2421 = arith.maximumf %scan3A_2412#0, %get3A_2420 : vector<16xf32>
    %swap3A_2422 = arith.constant 0 : index
    %swap3A_2423 = tpu.vector_load %arg6[%swap3A_2422] {strides = array<i32>} : memref<32xf32, #tpu.memory_space<vmem>>, vector<16xf32>,
    %swap3A_2424 = vector.shape_cast %swap3A_2423 : vector<16xf32> to vector<16xf32>
    %swap3A_2425 = vector.shape_cast %max3A_2421 : vector<16xf32> to vector<16xf32>
    tpu.vector_store %arg6[%swap3A_2422], %swap3A_2425 {strides = array<i32>} : memref<32xf32, #tpu.memory_space<vmem>>, vector<16xf32>,
    %get3A_2426 = arith.constant 4 : index
    %get3A_2427 = tpu.vector_load %arg6[%get3A_2426] {strides = array<i32>} : memref<32xf32, #tpu.memory_space<vmem>>, vector<16xf32>,
    %get3A_2428 = vector.shape_cast %get3A_2427 : vector<16xf32> to vector<16xf32>
    %max3A_2429 = arith.maximumf %max3A_2421, %get3A_2428 : vector<16xf32>
    %swap3A_2430 = arith.constant 0 : index
    %swap3A_2431 = tpu.vector_load %arg6[%swap3A_2430] {strides = array<i32>} : memref<32xf32, #tpu.memory_space<vmem>>, vector<16xf32>,
    %swap3A_2432 = vector.shape_cast %swap3A_2431 : vector<16xf32> to vector<16xf32>
    %swap3A_2433 = vector.shape_cast %max3A_2429 : vector<16xf32> to vector<16xf32>
    tpu.vector_store %arg6[%swap3A_2430], %swap3A_2433 {strides = array<i32>} : memref<32xf32, #tpu.memory_space<vmem>>, vector<16xf32>,
    %get3A_2434 = arith.constant 2 : index
    %get3A_2435 = tpu.vector_load %arg6[%get3A_2434] {strides = array<i32>} : memref<32xf32, #tpu.memory_space<vmem>>, vector<16xf32>,
    %get3A_2436 = vector.shape_cast %get3A_2435 : vector<16xf32> to vector<16xf32>
    %max3A_2437 = arith.maximumf %max3A_2429, %get3A_2436 : vector<16xf32>
    %swap3A_2438 = arith.constant 0 : index
    %swap3A_2439 = tpu.vector_load %arg6[%swap3A_2438] {strides = array<i32>} : memref<32xf32, #tpu.memory_space<vmem>>, vector<16xf32>,
    %swap3A_2440 = vector.shape_cast %swap3A_2439 : vector<16xf32> to vector<16xf32>
    %swap3A_2441 = vector.shape_cast %max3A_2437 : vector<16xf32> to vector<16xf32>
    tpu.vector_store %arg6[%swap3A_2438], %swap3A_2441 {strides = array<i32>} : memref<32xf32, #tpu.memory_space<vmem>>, vector<16xf32>,
    %get3A_2442 = arith.constant 1 : index
    %get3A_2443 = tpu.vector_load %arg6[%get3A_2442] {strides = array<i32>} : memref<32xf32, #tpu.memory_space<vmem>>, vector<16xf32>,
    %get3A_2444 = vector.shape_cast %get3A_2443 : vector<16xf32> to vector<16xf32>
    %max3A_2445 = arith.maximumf %max3A_2437, %get3A_2444 : vector<16xf32>
    %slice3A_2446 = vector.extract_strided_slice %max3A_2445 {offsets = [0], sizes = [1], strides = [1]} : vector<16xf32> to vector<1xf32>
    %squeeze3A_2447 = vector.extract %slice3A_2446[0] : f32 from vector<1xf32>
    %eq3A_2448 = vector.broadcast %squeeze3A_2447 : f32 to vector<16xf32>
    %eq3A_2449 = arith.cmpf oeq, %scan3A_2412#0, %eq3A_2448 : vector<16xf32>
    %jit3A_2450 = arith.constant 512 : i32
    %broadcast_in_dim3A_2451 = vector.broadcast %jit3A_2450 : i32 to vector<16xi32>
    %select_n3A_2452 = arith.select %eq3A_2449, %scan3A_2412#1, %broadcast_in_dim3A_2451 : vector<16xi1>, vector<16xi32>
    %swap3A_2453 = arith.constant 0 : index
    %swap3A_2454 = tpu.vector_load %arg7[%swap3A_2453] {strides = array<i32>} : memref<32xi32, #tpu.memory_space<vmem>>, vector<16xi32>,
    %swap3A_2455 = vector.shape_cast %swap3A_2454 : vector<16xi32> to vector<16xi32>
    %swap3A_2456 = vector.shape_cast %select_n3A_2452 : vector<16xi32> to vector<16xi32>
    tpu.vector_store %arg7[%swap3A_2453], %swap3A_2456 {strides = array<i32>} : memref<32xi32, #tpu.memory_space<vmem>>, vector<16xi32>,
    %get3A_2457 = arith.constant 8 : index
    %get3A_2458 = tpu.vector_load %arg7[%get3A_2457] {strides = array<i32>} : memref<32xi32, #tpu.memory_space<vmem>>, vector<16xi32>,
    %get3A_2459 = vector.shape_cast %get3A_2458 : vector<16xi32> to vector<16xi32>
    %min3A_2460 = arith.minsi %select_n3A_2452, %get3A_2459 : vector<16xi32>
    %swap3A_2461 = arith.constant 0 : index
    %swap3A_2462 = tpu.vector_load %arg7[%swap3A_2461] {strides = array<i32>} : memref<32xi32, #tpu.memory_space<vmem>>, vector<16xi32>,
    %swap3A_2463 = vector.shape_cast %swap3A_2462 : vector<16xi32> to vector<16xi32>
    %swap3A_2464 = vector.shape_cast %min3A_2460 : vector<16xi32> to vector<16xi32>
    tpu.vector_store %arg7[%swap3A_2461], %swap3A_2464 {strides = array<i32>} : memref<32xi32, #tpu.memory_space<vmem>>, vector<16xi32>,
    %get3A_2465 = arith.constant 4 : index
    %get3A_2466 = tpu.vector_load %arg7[%get3A_2465] {strides = array<i32>} : memref<32xi32, #tpu.memory_space<vmem>>, vector<16xi32>,
    %get3A_2467 = vector.shape_cast %get3A_2466 : vector<16xi32> to vector<16xi32>
    %min3A_2468 = arith.minsi %min3A_2460, %get3A_2467 : vector<16xi32>
    %swap3A_2469 = arith.constant 0 : index
    %swap3A_2470 = tpu.vector_load %arg7[%swap3A_2469] {strides = array<i32>} : memref<32xi32, #tpu.memory_space<vmem>>, vector<16xi32>,
    %swap3A_2471 = vector.shape_cast %swap3A_2470 : vector<16xi32> to vector<16xi32>
    %swap3A_2472 = vector.shape_cast %min3A_2468 : vector<16xi32> to vector<16xi32>
    tpu.vector_store %arg7[%swap3A_2469], %swap3A_2472 {strides = array<i32>} : memref<32xi32, #tpu.memory_space<vmem>>, vector<16xi32>,
    %get3A_2473 = arith.constant 2 : index
    %get3A_2474 = tpu.vector_load %arg7[%get3A_2473] {strides = array<i32>} : memref<32xi32, #tpu.memory_space<vmem>>, vector<16xi32>,
    %get3A_2475 = vector.shape_cast %get3A_2474 : vector<16xi32> to vector<16xi32>
    %min3A_2476 = arith.minsi %min3A_2468, %get3A_2475 : vector<16xi32>
    %swap3A_2477 = arith.constant 0 : index
    %swap3A_2478 = tpu.vector_load %arg7[%swap3A_2477] {strides = array<i32>} : memref<32xi32, #tpu.memory_space<vmem>>, vector<16xi32>,
    %swap3A_2479 = vector.shape_cast %swap3A_2478 : vector<16xi32> to vector<16xi32>
    %swap3A_2480 = vector.shape_cast %min3A_2476 : vector<16xi32> to vector<16xi32>
    tpu.vector_store %arg7[%swap3A_2477], %swap3A_2480 {strides = array<i32>} : memref<32xi32, #tpu.memory_space<vmem>>, vector<16xi32>,
    %get3A_2481 = arith.constant 1 : index
    %get3A_2482 = tpu.vector_load %arg7[%get3A_2481] {strides = array<i32>} : memref<32xi32, #tpu.memory_space<vmem>>, vector<16xi32>,
    %get3A_2483 = vector.shape_cast %get3A_2482 : vector<16xi32> to vector<16xi32>
    %min3A_2484 = arith.minsi %min3A_2476, %get3A_2483 : vector<16xi32>
    %slice3A_2485 = vector.extract_strided_slice %min3A_2484 {offsets = [0], sizes = [1], strides = [1]} : vector<16xi32> to vector<1xi32>
    %squeeze3A_2486 = vector.extract %slice3A_2485[0] : i32 from vector<1xi32>
    %eq3A_2487 = arith.constant 11 : i32
    %eq3A_2488 = vector.broadcast %eq3A_2487 : i32 to vector<16xi32>
    %eq3A_2489 = arith.cmpi eq, %iota3A, %eq3A_2488 : vector<16xi32>
    %broadcast_in_dim3A_2490 = vector.broadcast %squeeze3A_2486 : i32 to vector<16xi32>
    %select_n3A_2491 = arith.select %eq3A_2489, %broadcast_in_dim3A_2490, %select_n3A_2402 : vector<16xi1>, vector<16xi32>
    %get3A_2492 = arith.constant 28 : i32
    %get3A_2493 = arith.index_cast %get3A_2492 : i32 to index
    %get3A_2494 = arith.constant 0 : index
    %get3A_2495 = tpu.vector_load %arg4[%get3A_2493, %get3A_2494] {strides = array<i32>} : memref<32x512xf32, #tpu.memory_space<vmem>>, vector<1x16xf32>,
    %get3A_2496 = vector.shape_cast %get3A_2495 : vector<1x16xf32> to vector<16xf32>
    %scan3A_2497 = arith.constant 1 : i32
    %scan3A_2498 = arith.constant 31 : i32
    %scan3A_2499 = arith.addi %scan3A_2497, %scan3A_2498 : i32
    %scan3A_2500 = arith.constant 1 : i32
    %scan3A_2501:2 = scf.for %scan3A_2852 = %scan3A_2497 to %scan3A_2499 step %scan3A_2500 iter_args(%scan3A_2853 = %get3A_2496, %scan3A_2854 = %iota3A) -> (vector<16xf32>, vector<16xi32>)  : i32 {
      %mul3A_2855 = arith.constant 16 : i32
      %mul3A_2856 = arith.muli %scan3A_2852, %mul3A_2855 : i32
      %get3A_2857 = arith.constant 28 : i32
      %get3A_2858 = arith.index_cast %get3A_2857 : i32 to index
      %get3A_2859 = arith.index_cast %mul3A_2856 : i32 to index
      %get3A_2860 = tpu.vector_load %arg4[%get3A_2858, %get3A_2859] {strides = array<i32>} : memref<32x512xf32, #tpu.memory_space<vmem>>, vector<1x16xf32>,
      %get3A_2861 = vector.shape_cast %get3A_2860 : vector<1x16xf32> to vector<16xf32>
      %gt3A = arith.cmpf ogt, %get3A_2861, %scan3A_2853 : vector<16xf32>
      %select_n3A_2862 = arith.select %gt3A, %get3A_2861, %scan3A_2853 : vector<16xi1>, vector<16xf32>
      %mul3A_2863 = arith.constant 16 : i32
      %mul3A_2864 = arith.muli %scan3A_2852, %mul3A_2863 : i32
      %add3A_2865 = vector.broadcast %mul3A_2864 : i32 to vector<16xi32>
      %add3A_2866 = arith.addi %iota3A, %add3A_2865 : vector<16xi32>
      %select_n3A_2867 = arith.select %gt3A, %add3A_2866, %scan3A_2854 : vector<16xi1>, vector<16xi32>
      scf.yield %select_n3A_2862, %select_n3A_2867 : vector<16xf32>, vector<16xi32>
    }
    %scan3A_2502 = arith.constant 31 : i32
    %swap3A_2503 = arith.constant 0 : index
    %swap3A_2504 = tpu.vector_load %arg6[%swap3A_2503] {strides = array<i32>} : memref<32xf32, #tpu.memory_space<vmem>>, vector<16xf32>,
    %swap3A_2505 = vector.shape_cast %swap3A_2504 : vector<16xf32> to vector<16xf32>
    %swap3A_2506 = vector.shape_cast %scan3A_2501#0 : vector<16xf32> to vector<16xf32>
    tpu.vector_store %arg6[%swap3A_2503], %swap3A_2506 {strides = array<i32>} : memref<32xf32, #tpu.memory_space<vmem>>, vector<16xf32>,
    %get3A_2507 = arith.constant 8 : index
    %get3A_2508 = tpu.vector_load %arg6[%get3A_2507] {strides = array<i32>} : memref<32xf32, #tpu.memory_space<vmem>>, vector<16xf32>,
    %get3A_2509 = vector.shape_cast %get3A_2508 : vector<16xf32> to vector<16xf32>
    %max3A_2510 = arith.maximumf %scan3A_2501#0, %get3A_2509 : vector<16xf32>
    %swap3A_2511 = arith.constant 0 : index
    %swap3A_2512 = tpu.vector_load %arg6[%swap3A_2511] {strides = array<i32>} : memref<32xf32, #tpu.memory_space<vmem>>, vector<16xf32>,
    %swap3A_2513 = vector.shape_cast %swap3A_2512 : vector<16xf32> to vector<16xf32>
    %swap3A_2514 = vector.shape_cast %max3A_2510 : vector<16xf32> to vector<16xf32>
    tpu.vector_store %arg6[%swap3A_2511], %swap3A_2514 {strides = array<i32>} : memref<32xf32, #tpu.memory_space<vmem>>, vector<16xf32>,
    %get3A_2515 = arith.constant 4 : index
    %get3A_2516 = tpu.vector_load %arg6[%get3A_2515] {strides = array<i32>} : memref<32xf32, #tpu.memory_space<vmem>>, vector<16xf32>,
    %get3A_2517 = vector.shape_cast %get3A_2516 : vector<16xf32> to vector<16xf32>
    %max3A_2518 = arith.maximumf %max3A_2510, %get3A_2517 : vector<16xf32>
    %swap3A_2519 = arith.constant 0 : index
    %swap3A_2520 = tpu.vector_load %arg6[%swap3A_2519] {strides = array<i32>} : memref<32xf32, #tpu.memory_space<vmem>>, vector<16xf32>,
    %swap3A_2521 = vector.shape_cast %swap3A_2520 : vector<16xf32> to vector<16xf32>
    %swap3A_2522 = vector.shape_cast %max3A_2518 : vector<16xf32> to vector<16xf32>
    tpu.vector_store %arg6[%swap3A_2519], %swap3A_2522 {strides = array<i32>} : memref<32xf32, #tpu.memory_space<vmem>>, vector<16xf32>,
    %get3A_2523 = arith.constant 2 : index
    %get3A_2524 = tpu.vector_load %arg6[%get3A_2523] {strides = array<i32>} : memref<32xf32, #tpu.memory_space<vmem>>, vector<16xf32>,
    %get3A_2525 = vector.shape_cast %get3A_2524 : vector<16xf32> to vector<16xf32>
    %max3A_2526 = arith.maximumf %max3A_2518, %get3A_2525 : vector<16xf32>
    %swap3A_2527 = arith.constant 0 : index
    %swap3A_2528 = tpu.vector_load %arg6[%swap3A_2527] {strides = array<i32>} : memref<32xf32, #tpu.memory_space<vmem>>, vector<16xf32>,
    %swap3A_2529 = vector.shape_cast %swap3A_2528 : vector<16xf32> to vector<16xf32>
    %swap3A_2530 = vector.shape_cast %max3A_2526 : vector<16xf32> to vector<16xf32>
    tpu.vector_store %arg6[%swap3A_2527], %swap3A_2530 {strides = array<i32>} : memref<32xf32, #tpu.memory_space<vmem>>, vector<16xf32>,
    %get3A_2531 = arith.constant 1 : index
    %get3A_2532 = tpu.vector_load %arg6[%get3A_2531] {strides = array<i32>} : memref<32xf32, #tpu.memory_space<vmem>>, vector<16xf32>,
    %get3A_2533 = vector.shape_cast %get3A_2532 : vector<16xf32> to vector<16xf32>
    %max3A_2534 = arith.maximumf %max3A_2526, %get3A_2533 : vector<16xf32>
    %slice3A_2535 = vector.extract_strided_slice %max3A_2534 {offsets = [0], sizes = [1], strides = [1]} : vector<16xf32> to vector<1xf32>
    %squeeze3A_2536 = vector.extract %slice3A_2535[0] : f32 from vector<1xf32>
    %eq3A_2537 = vector.broadcast %squeeze3A_2536 : f32 to vector<16xf32>
    %eq3A_2538 = arith.cmpf oeq, %scan3A_2501#0, %eq3A_2537 : vector<16xf32>
    %jit3A_2539 = arith.constant 512 : i32
    %broadcast_in_dim3A_2540 = vector.broadcast %jit3A_2539 : i32 to vector<16xi32>
    %select_n3A_2541 = arith.select %eq3A_2538, %scan3A_2501#1, %broadcast_in_dim3A_2540 : vector<16xi1>, vector<16xi32>
    %swap3A_2542 = arith.constant 0 : index
    %swap3A_2543 = tpu.vector_load %arg7[%swap3A_2542] {strides = array<i32>} : memref<32xi32, #tpu.memory_space<vmem>>, vector<16xi32>,
    %swap3A_2544 = vector.shape_cast %swap3A_2543 : vector<16xi32> to vector<16xi32>
    %swap3A_2545 = vector.shape_cast %select_n3A_2541 : vector<16xi32> to vector<16xi32>
    tpu.vector_store %arg7[%swap3A_2542], %swap3A_2545 {strides = array<i32>} : memref<32xi32, #tpu.memory_space<vmem>>, vector<16xi32>,
    %get3A_2546 = arith.constant 8 : index
    %get3A_2547 = tpu.vector_load %arg7[%get3A_2546] {strides = array<i32>} : memref<32xi32, #tpu.memory_space<vmem>>, vector<16xi32>,
    %get3A_2548 = vector.shape_cast %get3A_2547 : vector<16xi32> to vector<16xi32>
    %min3A_2549 = arith.minsi %select_n3A_2541, %get3A_2548 : vector<16xi32>
    %swap3A_2550 = arith.constant 0 : index
    %swap3A_2551 = tpu.vector_load %arg7[%swap3A_2550] {strides = array<i32>} : memref<32xi32, #tpu.memory_space<vmem>>, vector<16xi32>,
    %swap3A_2552 = vector.shape_cast %swap3A_2551 : vector<16xi32> to vector<16xi32>
    %swap3A_2553 = vector.shape_cast %min3A_2549 : vector<16xi32> to vector<16xi32>
    tpu.vector_store %arg7[%swap3A_2550], %swap3A_2553 {strides = array<i32>} : memref<32xi32, #tpu.memory_space<vmem>>, vector<16xi32>,
    %get3A_2554 = arith.constant 4 : index
    %get3A_2555 = tpu.vector_load %arg7[%get3A_2554] {strides = array<i32>} : memref<32xi32, #tpu.memory_space<vmem>>, vector<16xi32>,
    %get3A_2556 = vector.shape_cast %get3A_2555 : vector<16xi32> to vector<16xi32>
    %min3A_2557 = arith.minsi %min3A_2549, %get3A_2556 : vector<16xi32>
    %swap3A_2558 = arith.constant 0 : index
    %swap3A_2559 = tpu.vector_load %arg7[%swap3A_2558] {strides = array<i32>} : memref<32xi32, #tpu.memory_space<vmem>>, vector<16xi32>,
    %swap3A_2560 = vector.shape_cast %swap3A_2559 : vector<16xi32> to vector<16xi32>
    %swap3A_2561 = vector.shape_cast %min3A_2557 : vector<16xi32> to vector<16xi32>
    tpu.vector_store %arg7[%swap3A_2558], %swap3A_2561 {strides = array<i32>} : memref<32xi32, #tpu.memory_space<vmem>>, vector<16xi32>,
    %get3A_2562 = arith.constant 2 : index
    %get3A_2563 = tpu.vector_load %arg7[%get3A_2562] {strides = array<i32>} : memref<32xi32, #tpu.memory_space<vmem>>, vector<16xi32>,
    %get3A_2564 = vector.shape_cast %get3A_2563 : vector<16xi32> to vector<16xi32>
    %min3A_2565 = arith.minsi %min3A_2557, %get3A_2564 : vector<16xi32>
    %swap3A_2566 = arith.constant 0 : index
    %swap3A_2567 = tpu.vector_load %arg7[%swap3A_2566] {strides = array<i32>} : memref<32xi32, #tpu.memory_space<vmem>>, vector<16xi32>,
    %swap3A_2568 = vector.shape_cast %swap3A_2567 : vector<16xi32> to vector<16xi32>
    %swap3A_2569 = vector.shape_cast %min3A_2565 : vector<16xi32> to vector<16xi32>
    tpu.vector_store %arg7[%swap3A_2566], %swap3A_2569 {strides = array<i32>} : memref<32xi32, #tpu.memory_space<vmem>>, vector<16xi32>,
    %get3A_2570 = arith.constant 1 : index
    %get3A_2571 = tpu.vector_load %arg7[%get3A_2570] {strides = array<i32>} : memref<32xi32, #tpu.memory_space<vmem>>, vector<16xi32>,
    %get3A_2572 = vector.shape_cast %get3A_2571 : vector<16xi32> to vector<16xi32>
    %min3A_2573 = arith.minsi %min3A_2565, %get3A_2572 : vector<16xi32>
    %slice3A_2574 = vector.extract_strided_slice %min3A_2573 {offsets = [0], sizes = [1], strides = [1]} : vector<16xi32> to vector<1xi32>
    %squeeze3A_2575 = vector.extract %slice3A_2574[0] : i32 from vector<1xi32>
    %eq3A_2576 = arith.constant 12 : i32
    %eq3A_2577 = vector.broadcast %eq3A_2576 : i32 to vector<16xi32>
    %eq3A_2578 = arith.cmpi eq, %iota3A, %eq3A_2577 : vector<16xi32>
    %broadcast_in_dim3A_2579 = vector.broadcast %squeeze3A_2575 : i32 to vector<16xi32>
    %select_n3A_2580 = arith.select %eq3A_2578, %broadcast_in_dim3A_2579, %select_n3A_2491 : vector<16xi1>, vector<16xi32>
    %get3A_2581 = arith.constant 29 : i32
    %get3A_2582 = arith.index_cast %get3A_2581 : i32 to index
    %get3A_2583 = arith.constant 0 : index
    %get3A_2584 = tpu.vector_load %arg4[%get3A_2582, %get3A_2583] {strides = array<i32>} : memref<32x512xf32, #tpu.memory_space<vmem>>, vector<1x16xf32>,
    %get3A_2585 = vector.shape_cast %get3A_2584 : vector<1x16xf32> to vector<16xf32>
    %scan3A_2586 = arith.constant 1 : i32
    %scan3A_2587 = arith.constant 31 : i32
    %scan3A_2588 = arith.addi %scan3A_2586, %scan3A_2587 : i32
    %scan3A_2589 = arith.constant 1 : i32
    %scan3A_2590:2 = scf.for %scan3A_2852 = %scan3A_2586 to %scan3A_2588 step %scan3A_2589 iter_args(%scan3A_2853 = %get3A_2585, %scan3A_2854 = %iota3A) -> (vector<16xf32>, vector<16xi32>)  : i32 {
      %mul3A_2855 = arith.constant 16 : i32
      %mul3A_2856 = arith.muli %scan3A_2852, %mul3A_2855 : i32
      %get3A_2857 = arith.constant 29 : i32
      %get3A_2858 = arith.index_cast %get3A_2857 : i32 to index
      %get3A_2859 = arith.index_cast %mul3A_2856 : i32 to index
      %get3A_2860 = tpu.vector_load %arg4[%get3A_2858, %get3A_2859] {strides = array<i32>} : memref<32x512xf32, #tpu.memory_space<vmem>>, vector<1x16xf32>,
      %get3A_2861 = vector.shape_cast %get3A_2860 : vector<1x16xf32> to vector<16xf32>
      %gt3A = arith.cmpf ogt, %get3A_2861, %scan3A_2853 : vector<16xf32>
      %select_n3A_2862 = arith.select %gt3A, %get3A_2861, %scan3A_2853 : vector<16xi1>, vector<16xf32>
      %mul3A_2863 = arith.constant 16 : i32
      %mul3A_2864 = arith.muli %scan3A_2852, %mul3A_2863 : i32
      %add3A_2865 = vector.broadcast %mul3A_2864 : i32 to vector<16xi32>
      %add3A_2866 = arith.addi %iota3A, %add3A_2865 : vector<16xi32>
      %select_n3A_2867 = arith.select %gt3A, %add3A_2866, %scan3A_2854 : vector<16xi1>, vector<16xi32>
      scf.yield %select_n3A_2862, %select_n3A_2867 : vector<16xf32>, vector<16xi32>
    }
    %scan3A_2591 = arith.constant 31 : i32
    %swap3A_2592 = arith.constant 0 : index
    %swap3A_2593 = tpu.vector_load %arg6[%swap3A_2592] {strides = array<i32>} : memref<32xf32, #tpu.memory_space<vmem>>, vector<16xf32>,
    %swap3A_2594 = vector.shape_cast %swap3A_2593 : vector<16xf32> to vector<16xf32>
    %swap3A_2595 = vector.shape_cast %scan3A_2590#0 : vector<16xf32> to vector<16xf32>
    tpu.vector_store %arg6[%swap3A_2592], %swap3A_2595 {strides = array<i32>} : memref<32xf32, #tpu.memory_space<vmem>>, vector<16xf32>,
    %get3A_2596 = arith.constant 8 : index
    %get3A_2597 = tpu.vector_load %arg6[%get3A_2596] {strides = array<i32>} : memref<32xf32, #tpu.memory_space<vmem>>, vector<16xf32>,
    %get3A_2598 = vector.shape_cast %get3A_2597 : vector<16xf32> to vector<16xf32>
    %max3A_2599 = arith.maximumf %scan3A_2590#0, %get3A_2598 : vector<16xf32>
    %swap3A_2600 = arith.constant 0 : index
    %swap3A_2601 = tpu.vector_load %arg6[%swap3A_2600] {strides = array<i32>} : memref<32xf32, #tpu.memory_space<vmem>>, vector<16xf32>,
    %swap3A_2602 = vector.shape_cast %swap3A_2601 : vector<16xf32> to vector<16xf32>
    %swap3A_2603 = vector.shape_cast %max3A_2599 : vector<16xf32> to vector<16xf32>
    tpu.vector_store %arg6[%swap3A_2600], %swap3A_2603 {strides = array<i32>} : memref<32xf32, #tpu.memory_space<vmem>>, vector<16xf32>,
    %get3A_2604 = arith.constant 4 : index
    %get3A_2605 = tpu.vector_load %arg6[%get3A_2604] {strides = array<i32>} : memref<32xf32, #tpu.memory_space<vmem>>, vector<16xf32>,
    %get3A_2606 = vector.shape_cast %get3A_2605 : vector<16xf32> to vector<16xf32>
    %max3A_2607 = arith.maximumf %max3A_2599, %get3A_2606 : vector<16xf32>
    %swap3A_2608 = arith.constant 0 : index
    %swap3A_2609 = tpu.vector_load %arg6[%swap3A_2608] {strides = array<i32>} : memref<32xf32, #tpu.memory_space<vmem>>, vector<16xf32>,
    %swap3A_2610 = vector.shape_cast %swap3A_2609 : vector<16xf32> to vector<16xf32>
    %swap3A_2611 = vector.shape_cast %max3A_2607 : vector<16xf32> to vector<16xf32>
    tpu.vector_store %arg6[%swap3A_2608], %swap3A_2611 {strides = array<i32>} : memref<32xf32, #tpu.memory_space<vmem>>, vector<16xf32>,
    %get3A_2612 = arith.constant 2 : index
    %get3A_2613 = tpu.vector_load %arg6[%get3A_2612] {strides = array<i32>} : memref<32xf32, #tpu.memory_space<vmem>>, vector<16xf32>,
    %get3A_2614 = vector.shape_cast %get3A_2613 : vector<16xf32> to vector<16xf32>
    %max3A_2615 = arith.maximumf %max3A_2607, %get3A_2614 : vector<16xf32>
    %swap3A_2616 = arith.constant 0 : index
    %swap3A_2617 = tpu.vector_load %arg6[%swap3A_2616] {strides = array<i32>} : memref<32xf32, #tpu.memory_space<vmem>>, vector<16xf32>,
    %swap3A_2618 = vector.shape_cast %swap3A_2617 : vector<16xf32> to vector<16xf32>
    %swap3A_2619 = vector.shape_cast %max3A_2615 : vector<16xf32> to vector<16xf32>
    tpu.vector_store %arg6[%swap3A_2616], %swap3A_2619 {strides = array<i32>} : memref<32xf32, #tpu.memory_space<vmem>>, vector<16xf32>,
    %get3A_2620 = arith.constant 1 : index
    %get3A_2621 = tpu.vector_load %arg6[%get3A_2620] {strides = array<i32>} : memref<32xf32, #tpu.memory_space<vmem>>, vector<16xf32>,
    %get3A_2622 = vector.shape_cast %get3A_2621 : vector<16xf32> to vector<16xf32>
    %max3A_2623 = arith.maximumf %max3A_2615, %get3A_2622 : vector<16xf32>
    %slice3A_2624 = vector.extract_strided_slice %max3A_2623 {offsets = [0], sizes = [1], strides = [1]} : vector<16xf32> to vector<1xf32>
    %squeeze3A_2625 = vector.extract %slice3A_2624[0] : f32 from vector<1xf32>
    %eq3A_2626 = vector.broadcast %squeeze3A_2625 : f32 to vector<16xf32>
    %eq3A_2627 = arith.cmpf oeq, %scan3A_2590#0, %eq3A_2626 : vector<16xf32>
    %jit3A_2628 = arith.constant 512 : i32
    %broadcast_in_dim3A_2629 = vector.broadcast %jit3A_2628 : i32 to vector<16xi32>
    %select_n3A_2630 = arith.select %eq3A_2627, %scan3A_2590#1, %broadcast_in_dim3A_2629 : vector<16xi1>, vector<16xi32>
    %swap3A_2631 = arith.constant 0 : index
    %swap3A_2632 = tpu.vector_load %arg7[%swap3A_2631] {strides = array<i32>} : memref<32xi32, #tpu.memory_space<vmem>>, vector<16xi32>,
    %swap3A_2633 = vector.shape_cast %swap3A_2632 : vector<16xi32> to vector<16xi32>
    %swap3A_2634 = vector.shape_cast %select_n3A_2630 : vector<16xi32> to vector<16xi32>
    tpu.vector_store %arg7[%swap3A_2631], %swap3A_2634 {strides = array<i32>} : memref<32xi32, #tpu.memory_space<vmem>>, vector<16xi32>,
    %get3A_2635 = arith.constant 8 : index
    %get3A_2636 = tpu.vector_load %arg7[%get3A_2635] {strides = array<i32>} : memref<32xi32, #tpu.memory_space<vmem>>, vector<16xi32>,
    %get3A_2637 = vector.shape_cast %get3A_2636 : vector<16xi32> to vector<16xi32>
    %min3A_2638 = arith.minsi %select_n3A_2630, %get3A_2637 : vector<16xi32>
    %swap3A_2639 = arith.constant 0 : index
    %swap3A_2640 = tpu.vector_load %arg7[%swap3A_2639] {strides = array<i32>} : memref<32xi32, #tpu.memory_space<vmem>>, vector<16xi32>,
    %swap3A_2641 = vector.shape_cast %swap3A_2640 : vector<16xi32> to vector<16xi32>
    %swap3A_2642 = vector.shape_cast %min3A_2638 : vector<16xi32> to vector<16xi32>
    tpu.vector_store %arg7[%swap3A_2639], %swap3A_2642 {strides = array<i32>} : memref<32xi32, #tpu.memory_space<vmem>>, vector<16xi32>,
    %get3A_2643 = arith.constant 4 : index
    %get3A_2644 = tpu.vector_load %arg7[%get3A_2643] {strides = array<i32>} : memref<32xi32, #tpu.memory_space<vmem>>, vector<16xi32>,
    %get3A_2645 = vector.shape_cast %get3A_2644 : vector<16xi32> to vector<16xi32>
    %min3A_2646 = arith.minsi %min3A_2638, %get3A_2645 : vector<16xi32>
    %swap3A_2647 = arith.constant 0 : index
    %swap3A_2648 = tpu.vector_load %arg7[%swap3A_2647] {strides = array<i32>} : memref<32xi32, #tpu.memory_space<vmem>>, vector<16xi32>,
    %swap3A_2649 = vector.shape_cast %swap3A_2648 : vector<16xi32> to vector<16xi32>
    %swap3A_2650 = vector.shape_cast %min3A_2646 : vector<16xi32> to vector<16xi32>
    tpu.vector_store %arg7[%swap3A_2647], %swap3A_2650 {strides = array<i32>} : memref<32xi32, #tpu.memory_space<vmem>>, vector<16xi32>,
    %get3A_2651 = arith.constant 2 : index
    %get3A_2652 = tpu.vector_load %arg7[%get3A_2651] {strides = array<i32>} : memref<32xi32, #tpu.memory_space<vmem>>, vector<16xi32>,
    %get3A_2653 = vector.shape_cast %get3A_2652 : vector<16xi32> to vector<16xi32>
    %min3A_2654 = arith.minsi %min3A_2646, %get3A_2653 : vector<16xi32>
    %swap3A_2655 = arith.constant 0 : index
    %swap3A_2656 = tpu.vector_load %arg7[%swap3A_2655] {strides = array<i32>} : memref<32xi32, #tpu.memory_space<vmem>>, vector<16xi32>,
    %swap3A_2657 = vector.shape_cast %swap3A_2656 : vector<16xi32> to vector<16xi32>
    %swap3A_2658 = vector.shape_cast %min3A_2654 : vector<16xi32> to vector<16xi32>
    tpu.vector_store %arg7[%swap3A_2655], %swap3A_2658 {strides = array<i32>} : memref<32xi32, #tpu.memory_space<vmem>>, vector<16xi32>,
    %get3A_2659 = arith.constant 1 : index
    %get3A_2660 = tpu.vector_load %arg7[%get3A_2659] {strides = array<i32>} : memref<32xi32, #tpu.memory_space<vmem>>, vector<16xi32>,
    %get3A_2661 = vector.shape_cast %get3A_2660 : vector<16xi32> to vector<16xi32>
    %min3A_2662 = arith.minsi %min3A_2654, %get3A_2661 : vector<16xi32>
    %slice3A_2663 = vector.extract_strided_slice %min3A_2662 {offsets = [0], sizes = [1], strides = [1]} : vector<16xi32> to vector<1xi32>
    %squeeze3A_2664 = vector.extract %slice3A_2663[0] : i32 from vector<1xi32>
    %eq3A_2665 = arith.constant 13 : i32
    %eq3A_2666 = vector.broadcast %eq3A_2665 : i32 to vector<16xi32>
    %eq3A_2667 = arith.cmpi eq, %iota3A, %eq3A_2666 : vector<16xi32>
    %broadcast_in_dim3A_2668 = vector.broadcast %squeeze3A_2664 : i32 to vector<16xi32>
    %select_n3A_2669 = arith.select %eq3A_2667, %broadcast_in_dim3A_2668, %select_n3A_2580 : vector<16xi1>, vector<16xi32>
    %get3A_2670 = arith.constant 30 : i32
    %get3A_2671 = arith.index_cast %get3A_2670 : i32 to index
    %get3A_2672 = arith.constant 0 : index
    %get3A_2673 = tpu.vector_load %arg4[%get3A_2671, %get3A_2672] {strides = array<i32>} : memref<32x512xf32, #tpu.memory_space<vmem>>, vector<1x16xf32>,
    %get3A_2674 = vector.shape_cast %get3A_2673 : vector<1x16xf32> to vector<16xf32>
    %scan3A_2675 = arith.constant 1 : i32
    %scan3A_2676 = arith.constant 31 : i32
    %scan3A_2677 = arith.addi %scan3A_2675, %scan3A_2676 : i32
    %scan3A_2678 = arith.constant 1 : i32
    %scan3A_2679:2 = scf.for %scan3A_2852 = %scan3A_2675 to %scan3A_2677 step %scan3A_2678 iter_args(%scan3A_2853 = %get3A_2674, %scan3A_2854 = %iota3A) -> (vector<16xf32>, vector<16xi32>)  : i32 {
      %mul3A_2855 = arith.constant 16 : i32
      %mul3A_2856 = arith.muli %scan3A_2852, %mul3A_2855 : i32
      %get3A_2857 = arith.constant 30 : i32
      %get3A_2858 = arith.index_cast %get3A_2857 : i32 to index
      %get3A_2859 = arith.index_cast %mul3A_2856 : i32 to index
      %get3A_2860 = tpu.vector_load %arg4[%get3A_2858, %get3A_2859] {strides = array<i32>} : memref<32x512xf32, #tpu.memory_space<vmem>>, vector<1x16xf32>,
      %get3A_2861 = vector.shape_cast %get3A_2860 : vector<1x16xf32> to vector<16xf32>
      %gt3A = arith.cmpf ogt, %get3A_2861, %scan3A_2853 : vector<16xf32>
      %select_n3A_2862 = arith.select %gt3A, %get3A_2861, %scan3A_2853 : vector<16xi1>, vector<16xf32>
      %mul3A_2863 = arith.constant 16 : i32
      %mul3A_2864 = arith.muli %scan3A_2852, %mul3A_2863 : i32
      %add3A_2865 = vector.broadcast %mul3A_2864 : i32 to vector<16xi32>
      %add3A_2866 = arith.addi %iota3A, %add3A_2865 : vector<16xi32>
      %select_n3A_2867 = arith.select %gt3A, %add3A_2866, %scan3A_2854 : vector<16xi1>, vector<16xi32>
      scf.yield %select_n3A_2862, %select_n3A_2867 : vector<16xf32>, vector<16xi32>
    }
    %scan3A_2680 = arith.constant 31 : i32
    %swap3A_2681 = arith.constant 0 : index
    %swap3A_2682 = tpu.vector_load %arg6[%swap3A_2681] {strides = array<i32>} : memref<32xf32, #tpu.memory_space<vmem>>, vector<16xf32>,
    %swap3A_2683 = vector.shape_cast %swap3A_2682 : vector<16xf32> to vector<16xf32>
    %swap3A_2684 = vector.shape_cast %scan3A_2679#0 : vector<16xf32> to vector<16xf32>
    tpu.vector_store %arg6[%swap3A_2681], %swap3A_2684 {strides = array<i32>} : memref<32xf32, #tpu.memory_space<vmem>>, vector<16xf32>,
    %get3A_2685 = arith.constant 8 : index
    %get3A_2686 = tpu.vector_load %arg6[%get3A_2685] {strides = array<i32>} : memref<32xf32, #tpu.memory_space<vmem>>, vector<16xf32>,
    %get3A_2687 = vector.shape_cast %get3A_2686 : vector<16xf32> to vector<16xf32>
    %max3A_2688 = arith.maximumf %scan3A_2679#0, %get3A_2687 : vector<16xf32>
    %swap3A_2689 = arith.constant 0 : index
    %swap3A_2690 = tpu.vector_load %arg6[%swap3A_2689] {strides = array<i32>} : memref<32xf32, #tpu.memory_space<vmem>>, vector<16xf32>,
    %swap3A_2691 = vector.shape_cast %swap3A_2690 : vector<16xf32> to vector<16xf32>
    %swap3A_2692 = vector.shape_cast %max3A_2688 : vector<16xf32> to vector<16xf32>
    tpu.vector_store %arg6[%swap3A_2689], %swap3A_2692 {strides = array<i32>} : memref<32xf32, #tpu.memory_space<vmem>>, vector<16xf32>,
    %get3A_2693 = arith.constant 4 : index
    %get3A_2694 = tpu.vector_load %arg6[%get3A_2693] {strides = array<i32>} : memref<32xf32, #tpu.memory_space<vmem>>, vector<16xf32>,
    %get3A_2695 = vector.shape_cast %get3A_2694 : vector<16xf32> to vector<16xf32>
    %max3A_2696 = arith.maximumf %max3A_2688, %get3A_2695 : vector<16xf32>
    %swap3A_2697 = arith.constant 0 : index
    %swap3A_2698 = tpu.vector_load %arg6[%swap3A_2697] {strides = array<i32>} : memref<32xf32, #tpu.memory_space<vmem>>, vector<16xf32>,
    %swap3A_2699 = vector.shape_cast %swap3A_2698 : vector<16xf32> to vector<16xf32>
    %swap3A_2700 = vector.shape_cast %max3A_2696 : vector<16xf32> to vector<16xf32>
    tpu.vector_store %arg6[%swap3A_2697], %swap3A_2700 {strides = array<i32>} : memref<32xf32, #tpu.memory_space<vmem>>, vector<16xf32>,
    %get3A_2701 = arith.constant 2 : index
    %get3A_2702 = tpu.vector_load %arg6[%get3A_2701] {strides = array<i32>} : memref<32xf32, #tpu.memory_space<vmem>>, vector<16xf32>,
    %get3A_2703 = vector.shape_cast %get3A_2702 : vector<16xf32> to vector<16xf32>
    %max3A_2704 = arith.maximumf %max3A_2696, %get3A_2703 : vector<16xf32>
    %swap3A_2705 = arith.constant 0 : index
    %swap3A_2706 = tpu.vector_load %arg6[%swap3A_2705] {strides = array<i32>} : memref<32xf32, #tpu.memory_space<vmem>>, vector<16xf32>,
    %swap3A_2707 = vector.shape_cast %swap3A_2706 : vector<16xf32> to vector<16xf32>
    %swap3A_2708 = vector.shape_cast %max3A_2704 : vector<16xf32> to vector<16xf32>
    tpu.vector_store %arg6[%swap3A_2705], %swap3A_2708 {strides = array<i32>} : memref<32xf32, #tpu.memory_space<vmem>>, vector<16xf32>,
    %get3A_2709 = arith.constant 1 : index
    %get3A_2710 = tpu.vector_load %arg6[%get3A_2709] {strides = array<i32>} : memref<32xf32, #tpu.memory_space<vmem>>, vector<16xf32>,
    %get3A_2711 = vector.shape_cast %get3A_2710 : vector<16xf32> to vector<16xf32>
    %max3A_2712 = arith.maximumf %max3A_2704, %get3A_2711 : vector<16xf32>
    %slice3A_2713 = vector.extract_strided_slice %max3A_2712 {offsets = [0], sizes = [1], strides = [1]} : vector<16xf32> to vector<1xf32>
    %squeeze3A_2714 = vector.extract %slice3A_2713[0] : f32 from vector<1xf32>
    %eq3A_2715 = vector.broadcast %squeeze3A_2714 : f32 to vector<16xf32>
    %eq3A_2716 = arith.cmpf oeq, %scan3A_2679#0, %eq3A_2715 : vector<16xf32>
    %jit3A_2717 = arith.constant 512 : i32
    %broadcast_in_dim3A_2718 = vector.broadcast %jit3A_2717 : i32 to vector<16xi32>
    %select_n3A_2719 = arith.select %eq3A_2716, %scan3A_2679#1, %broadcast_in_dim3A_2718 : vector<16xi1>, vector<16xi32>
    %swap3A_2720 = arith.constant 0 : index
    %swap3A_2721 = tpu.vector_load %arg7[%swap3A_2720] {strides = array<i32>} : memref<32xi32, #tpu.memory_space<vmem>>, vector<16xi32>,
    %swap3A_2722 = vector.shape_cast %swap3A_2721 : vector<16xi32> to vector<16xi32>
    %swap3A_2723 = vector.shape_cast %select_n3A_2719 : vector<16xi32> to vector<16xi32>
    tpu.vector_store %arg7[%swap3A_2720], %swap3A_2723 {strides = array<i32>} : memref<32xi32, #tpu.memory_space<vmem>>, vector<16xi32>,
    %get3A_2724 = arith.constant 8 : index
    %get3A_2725 = tpu.vector_load %arg7[%get3A_2724] {strides = array<i32>} : memref<32xi32, #tpu.memory_space<vmem>>, vector<16xi32>,
    %get3A_2726 = vector.shape_cast %get3A_2725 : vector<16xi32> to vector<16xi32>
    %min3A_2727 = arith.minsi %select_n3A_2719, %get3A_2726 : vector<16xi32>
    %swap3A_2728 = arith.constant 0 : index
    %swap3A_2729 = tpu.vector_load %arg7[%swap3A_2728] {strides = array<i32>} : memref<32xi32, #tpu.memory_space<vmem>>, vector<16xi32>,
    %swap3A_2730 = vector.shape_cast %swap3A_2729 : vector<16xi32> to vector<16xi32>
    %swap3A_2731 = vector.shape_cast %min3A_2727 : vector<16xi32> to vector<16xi32>
    tpu.vector_store %arg7[%swap3A_2728], %swap3A_2731 {strides = array<i32>} : memref<32xi32, #tpu.memory_space<vmem>>, vector<16xi32>,
    %get3A_2732 = arith.constant 4 : index
    %get3A_2733 = tpu.vector_load %arg7[%get3A_2732] {strides = array<i32>} : memref<32xi32, #tpu.memory_space<vmem>>, vector<16xi32>,
    %get3A_2734 = vector.shape_cast %get3A_2733 : vector<16xi32> to vector<16xi32>
    %min3A_2735 = arith.minsi %min3A_2727, %get3A_2734 : vector<16xi32>
    %swap3A_2736 = arith.constant 0 : index
    %swap3A_2737 = tpu.vector_load %arg7[%swap3A_2736] {strides = array<i32>} : memref<32xi32, #tpu.memory_space<vmem>>, vector<16xi32>,
    %swap3A_2738 = vector.shape_cast %swap3A_2737 : vector<16xi32> to vector<16xi32>
    %swap3A_2739 = vector.shape_cast %min3A_2735 : vector<16xi32> to vector<16xi32>
    tpu.vector_store %arg7[%swap3A_2736], %swap3A_2739 {strides = array<i32>} : memref<32xi32, #tpu.memory_space<vmem>>, vector<16xi32>,
    %get3A_2740 = arith.constant 2 : index
    %get3A_2741 = tpu.vector_load %arg7[%get3A_2740] {strides = array<i32>} : memref<32xi32, #tpu.memory_space<vmem>>, vector<16xi32>,
    %get3A_2742 = vector.shape_cast %get3A_2741 : vector<16xi32> to vector<16xi32>
    %min3A_2743 = arith.minsi %min3A_2735, %get3A_2742 : vector<16xi32>
    %swap3A_2744 = arith.constant 0 : index
    %swap3A_2745 = tpu.vector_load %arg7[%swap3A_2744] {strides = array<i32>} : memref<32xi32, #tpu.memory_space<vmem>>, vector<16xi32>,
    %swap3A_2746 = vector.shape_cast %swap3A_2745 : vector<16xi32> to vector<16xi32>
    %swap3A_2747 = vector.shape_cast %min3A_2743 : vector<16xi32> to vector<16xi32>
    tpu.vector_store %arg7[%swap3A_2744], %swap3A_2747 {strides = array<i32>} : memref<32xi32, #tpu.memory_space<vmem>>, vector<16xi32>,
    %get3A_2748 = arith.constant 1 : index
    %get3A_2749 = tpu.vector_load %arg7[%get3A_2748] {strides = array<i32>} : memref<32xi32, #tpu.memory_space<vmem>>, vector<16xi32>,
    %get3A_2750 = vector.shape_cast %get3A_2749 : vector<16xi32> to vector<16xi32>
    %min3A_2751 = arith.minsi %min3A_2743, %get3A_2750 : vector<16xi32>
    %slice3A_2752 = vector.extract_strided_slice %min3A_2751 {offsets = [0], sizes = [1], strides = [1]} : vector<16xi32> to vector<1xi32>
    %squeeze3A_2753 = vector.extract %slice3A_2752[0] : i32 from vector<1xi32>
    %eq3A_2754 = arith.constant 14 : i32
    %eq3A_2755 = vector.broadcast %eq3A_2754 : i32 to vector<16xi32>
    %eq3A_2756 = arith.cmpi eq, %iota3A, %eq3A_2755 : vector<16xi32>
    %broadcast_in_dim3A_2757 = vector.broadcast %squeeze3A_2753 : i32 to vector<16xi32>
    %select_n3A_2758 = arith.select %eq3A_2756, %broadcast_in_dim3A_2757, %select_n3A_2669 : vector<16xi1>, vector<16xi32>
    %get3A_2759 = arith.constant 31 : i32
    %get3A_2760 = arith.index_cast %get3A_2759 : i32 to index
    %get3A_2761 = arith.constant 0 : index
    %get3A_2762 = tpu.vector_load %arg4[%get3A_2760, %get3A_2761] {strides = array<i32>} : memref<32x512xf32, #tpu.memory_space<vmem>>, vector<1x16xf32>,
    %get3A_2763 = vector.shape_cast %get3A_2762 : vector<1x16xf32> to vector<16xf32>
    %scan3A_2764 = arith.constant 1 : i32
    %scan3A_2765 = arith.constant 31 : i32
    %scan3A_2766 = arith.addi %scan3A_2764, %scan3A_2765 : i32
    %scan3A_2767 = arith.constant 1 : i32
    %scan3A_2768:2 = scf.for %scan3A_2852 = %scan3A_2764 to %scan3A_2766 step %scan3A_2767 iter_args(%scan3A_2853 = %get3A_2763, %scan3A_2854 = %iota3A) -> (vector<16xf32>, vector<16xi32>)  : i32 {
      %mul3A_2855 = arith.constant 16 : i32
      %mul3A_2856 = arith.muli %scan3A_2852, %mul3A_2855 : i32
      %get3A_2857 = arith.constant 31 : i32
      %get3A_2858 = arith.index_cast %get3A_2857 : i32 to index
      %get3A_2859 = arith.index_cast %mul3A_2856 : i32 to index
      %get3A_2860 = tpu.vector_load %arg4[%get3A_2858, %get3A_2859] {strides = array<i32>} : memref<32x512xf32, #tpu.memory_space<vmem>>, vector<1x16xf32>,
      %get3A_2861 = vector.shape_cast %get3A_2860 : vector<1x16xf32> to vector<16xf32>
      %gt3A = arith.cmpf ogt, %get3A_2861, %scan3A_2853 : vector<16xf32>
      %select_n3A_2862 = arith.select %gt3A, %get3A_2861, %scan3A_2853 : vector<16xi1>, vector<16xf32>
      %mul3A_2863 = arith.constant 16 : i32
      %mul3A_2864 = arith.muli %scan3A_2852, %mul3A_2863 : i32
      %add3A_2865 = vector.broadcast %mul3A_2864 : i32 to vector<16xi32>
      %add3A_2866 = arith.addi %iota3A, %add3A_2865 : vector<16xi32>
      %select_n3A_2867 = arith.select %gt3A, %add3A_2866, %scan3A_2854 : vector<16xi1>, vector<16xi32>
      scf.yield %select_n3A_2862, %select_n3A_2867 : vector<16xf32>, vector<16xi32>
    }
    %scan3A_2769 = arith.constant 31 : i32
    %swap3A_2770 = arith.constant 0 : index
    %swap3A_2771 = tpu.vector_load %arg6[%swap3A_2770] {strides = array<i32>} : memref<32xf32, #tpu.memory_space<vmem>>, vector<16xf32>,
    %swap3A_2772 = vector.shape_cast %swap3A_2771 : vector<16xf32> to vector<16xf32>
    %swap3A_2773 = vector.shape_cast %scan3A_2768#0 : vector<16xf32> to vector<16xf32>
    tpu.vector_store %arg6[%swap3A_2770], %swap3A_2773 {strides = array<i32>} : memref<32xf32, #tpu.memory_space<vmem>>, vector<16xf32>,
    %get3A_2774 = arith.constant 8 : index
    %get3A_2775 = tpu.vector_load %arg6[%get3A_2774] {strides = array<i32>} : memref<32xf32, #tpu.memory_space<vmem>>, vector<16xf32>,
    %get3A_2776 = vector.shape_cast %get3A_2775 : vector<16xf32> to vector<16xf32>
    %max3A_2777 = arith.maximumf %scan3A_2768#0, %get3A_2776 : vector<16xf32>
    %swap3A_2778 = arith.constant 0 : index
    %swap3A_2779 = tpu.vector_load %arg6[%swap3A_2778] {strides = array<i32>} : memref<32xf32, #tpu.memory_space<vmem>>, vector<16xf32>,
    %swap3A_2780 = vector.shape_cast %swap3A_2779 : vector<16xf32> to vector<16xf32>
    %swap3A_2781 = vector.shape_cast %max3A_2777 : vector<16xf32> to vector<16xf32>
    tpu.vector_store %arg6[%swap3A_2778], %swap3A_2781 {strides = array<i32>} : memref<32xf32, #tpu.memory_space<vmem>>, vector<16xf32>,
    %get3A_2782 = arith.constant 4 : index
    %get3A_2783 = tpu.vector_load %arg6[%get3A_2782] {strides = array<i32>} : memref<32xf32, #tpu.memory_space<vmem>>, vector<16xf32>,
    %get3A_2784 = vector.shape_cast %get3A_2783 : vector<16xf32> to vector<16xf32>
    %max3A_2785 = arith.maximumf %max3A_2777, %get3A_2784 : vector<16xf32>
    %swap3A_2786 = arith.constant 0 : index
    %swap3A_2787 = tpu.vector_load %arg6[%swap3A_2786] {strides = array<i32>} : memref<32xf32, #tpu.memory_space<vmem>>, vector<16xf32>,
    %swap3A_2788 = vector.shape_cast %swap3A_2787 : vector<16xf32> to vector<16xf32>
    %swap3A_2789 = vector.shape_cast %max3A_2785 : vector<16xf32> to vector<16xf32>
    tpu.vector_store %arg6[%swap3A_2786], %swap3A_2789 {strides = array<i32>} : memref<32xf32, #tpu.memory_space<vmem>>, vector<16xf32>,
    %get3A_2790 = arith.constant 2 : index
    %get3A_2791 = tpu.vector_load %arg6[%get3A_2790] {strides = array<i32>} : memref<32xf32, #tpu.memory_space<vmem>>, vector<16xf32>,
    %get3A_2792 = vector.shape_cast %get3A_2791 : vector<16xf32> to vector<16xf32>
    %max3A_2793 = arith.maximumf %max3A_2785, %get3A_2792 : vector<16xf32>
    %swap3A_2794 = arith.constant 0 : index
    %swap3A_2795 = tpu.vector_load %arg6[%swap3A_2794] {strides = array<i32>} : memref<32xf32, #tpu.memory_space<vmem>>, vector<16xf32>,
    %swap3A_2796 = vector.shape_cast %swap3A_2795 : vector<16xf32> to vector<16xf32>
    %swap3A_2797 = vector.shape_cast %max3A_2793 : vector<16xf32> to vector<16xf32>
    tpu.vector_store %arg6[%swap3A_2794], %swap3A_2797 {strides = array<i32>} : memref<32xf32, #tpu.memory_space<vmem>>, vector<16xf32>,
    %get3A_2798 = arith.constant 1 : index
    %get3A_2799 = tpu.vector_load %arg6[%get3A_2798] {strides = array<i32>} : memref<32xf32, #tpu.memory_space<vmem>>, vector<16xf32>,
    %get3A_2800 = vector.shape_cast %get3A_2799 : vector<16xf32> to vector<16xf32>
    %max3A_2801 = arith.maximumf %max3A_2793, %get3A_2800 : vector<16xf32>
    %slice3A_2802 = vector.extract_strided_slice %max3A_2801 {offsets = [0], sizes = [1], strides = [1]} : vector<16xf32> to vector<1xf32>
    %squeeze3A_2803 = vector.extract %slice3A_2802[0] : f32 from vector<1xf32>
    %eq3A_2804 = vector.broadcast %squeeze3A_2803 : f32 to vector<16xf32>
    %eq3A_2805 = arith.cmpf oeq, %scan3A_2768#0, %eq3A_2804 : vector<16xf32>
    %jit3A_2806 = arith.constant 512 : i32
    %broadcast_in_dim3A_2807 = vector.broadcast %jit3A_2806 : i32 to vector<16xi32>
    %select_n3A_2808 = arith.select %eq3A_2805, %scan3A_2768#1, %broadcast_in_dim3A_2807 : vector<16xi1>, vector<16xi32>
    %swap3A_2809 = arith.constant 0 : index
    %swap3A_2810 = tpu.vector_load %arg7[%swap3A_2809] {strides = array<i32>} : memref<32xi32, #tpu.memory_space<vmem>>, vector<16xi32>,
    %swap3A_2811 = vector.shape_cast %swap3A_2810 : vector<16xi32> to vector<16xi32>
    %swap3A_2812 = vector.shape_cast %select_n3A_2808 : vector<16xi32> to vector<16xi32>
    tpu.vector_store %arg7[%swap3A_2809], %swap3A_2812 {strides = array<i32>} : memref<32xi32, #tpu.memory_space<vmem>>, vector<16xi32>,
    %get3A_2813 = arith.constant 8 : index
    %get3A_2814 = tpu.vector_load %arg7[%get3A_2813] {strides = array<i32>} : memref<32xi32, #tpu.memory_space<vmem>>, vector<16xi32>,
    %get3A_2815 = vector.shape_cast %get3A_2814 : vector<16xi32> to vector<16xi32>
    %min3A_2816 = arith.minsi %select_n3A_2808, %get3A_2815 : vector<16xi32>
    %swap3A_2817 = arith.constant 0 : index
    %swap3A_2818 = tpu.vector_load %arg7[%swap3A_2817] {strides = array<i32>} : memref<32xi32, #tpu.memory_space<vmem>>, vector<16xi32>,
    %swap3A_2819 = vector.shape_cast %swap3A_2818 : vector<16xi32> to vector<16xi32>
    %swap3A_2820 = vector.shape_cast %min3A_2816 : vector<16xi32> to vector<16xi32>
    tpu.vector_store %arg7[%swap3A_2817], %swap3A_2820 {strides = array<i32>} : memref<32xi32, #tpu.memory_space<vmem>>, vector<16xi32>,
    %get3A_2821 = arith.constant 4 : index
    %get3A_2822 = tpu.vector_load %arg7[%get3A_2821] {strides = array<i32>} : memref<32xi32, #tpu.memory_space<vmem>>, vector<16xi32>,
    %get3A_2823 = vector.shape_cast %get3A_2822 : vector<16xi32> to vector<16xi32>
    %min3A_2824 = arith.minsi %min3A_2816, %get3A_2823 : vector<16xi32>
    %swap3A_2825 = arith.constant 0 : index
    %swap3A_2826 = tpu.vector_load %arg7[%swap3A_2825] {strides = array<i32>} : memref<32xi32, #tpu.memory_space<vmem>>, vector<16xi32>,
    %swap3A_2827 = vector.shape_cast %swap3A_2826 : vector<16xi32> to vector<16xi32>
    %swap3A_2828 = vector.shape_cast %min3A_2824 : vector<16xi32> to vector<16xi32>
    tpu.vector_store %arg7[%swap3A_2825], %swap3A_2828 {strides = array<i32>} : memref<32xi32, #tpu.memory_space<vmem>>, vector<16xi32>,
    %get3A_2829 = arith.constant 2 : index
    %get3A_2830 = tpu.vector_load %arg7[%get3A_2829] {strides = array<i32>} : memref<32xi32, #tpu.memory_space<vmem>>, vector<16xi32>,
    %get3A_2831 = vector.shape_cast %get3A_2830 : vector<16xi32> to vector<16xi32>
    %min3A_2832 = arith.minsi %min3A_2824, %get3A_2831 : vector<16xi32>
    %swap3A_2833 = arith.constant 0 : index
    %swap3A_2834 = tpu.vector_load %arg7[%swap3A_2833] {strides = array<i32>} : memref<32xi32, #tpu.memory_space<vmem>>, vector<16xi32>,
    %swap3A_2835 = vector.shape_cast %swap3A_2834 : vector<16xi32> to vector<16xi32>
    %swap3A_2836 = vector.shape_cast %min3A_2832 : vector<16xi32> to vector<16xi32>
    tpu.vector_store %arg7[%swap3A_2833], %swap3A_2836 {strides = array<i32>} : memref<32xi32, #tpu.memory_space<vmem>>, vector<16xi32>,
    %get3A_2837 = arith.constant 1 : index
    %get3A_2838 = tpu.vector_load %arg7[%get3A_2837] {strides = array<i32>} : memref<32xi32, #tpu.memory_space<vmem>>, vector<16xi32>,
    %get3A_2839 = vector.shape_cast %get3A_2838 : vector<16xi32> to vector<16xi32>
    %min3A_2840 = arith.minsi %min3A_2832, %get3A_2839 : vector<16xi32>
    %slice3A_2841 = vector.extract_strided_slice %min3A_2840 {offsets = [0], sizes = [1], strides = [1]} : vector<16xi32> to vector<1xi32>
    %squeeze3A_2842 = vector.extract %slice3A_2841[0] : i32 from vector<1xi32>
    %eq3A_2843 = arith.constant 15 : i32
    %eq3A_2844 = vector.broadcast %eq3A_2843 : i32 to vector<16xi32>
    %eq3A_2845 = arith.cmpi eq, %iota3A, %eq3A_2844 : vector<16xi32>
    %broadcast_in_dim3A_2846 = vector.broadcast %squeeze3A_2842 : i32 to vector<16xi32>
    %select_n3A_2847 = arith.select %eq3A_2845, %broadcast_in_dim3A_2846, %select_n3A_2758 : vector<16xi1>, vector<16xi32>
    %swap3A_2848 = arith.constant 16 : index
    %swap3A_2849 = tpu.vector_load %arg5[%swap3A_2848] {strides = array<i32>} : memref<32xi32, #tpu.memory_space<vmem>>, vector<16xi32>,
    %swap3A_2850 = vector.shape_cast %swap3A_2849 : vector<16xi32> to vector<16xi32>
    %swap3A_2851 = vector.shape_cast %select_n3A_2847 : vector<16xi32> to vector<16xi32>
    tpu.vector_store %arg5[%swap3A_2848], %swap3A_2851 {strides = array<i32>} : memref<32xi32, #tpu.memory_space<vmem>>, vector<16xi32>,
    "tpu.region"() ({
      %run_scoped3A = tpu.sem_alloc : memref<!tpu.dma_semaphore, #tpu.memory_space<semaphore_mem>>
      %dma_start3A = arith.constant 0 : i32
      %dma_start3A_2852 = tpu.memref_slice %arg3[%add3A, %dma_start3A] : memref<32x32xi32, #tpu.memory_space<hbm>> -> memref<1x32xi32, #tpu.memory_space<hbm>>
      %dma_start3A_2853 = tpu.memref_squeeze %dma_start3A_2852 : memref<1x32xi32, #tpu.memory_space<hbm>> -> memref<32xi32, #tpu.memory_space<hbm>>
      %dma_start3A_2854 = arith.constant 0 : i32
      %dma_start3A_2855 = tpu.memref_slice %arg3[%add3A, %dma_start3A_2854] : memref<32x32xi32, #tpu.memory_space<hbm>> -> memref<1x32xi32, #tpu.memory_space<hbm>>
      %dma_start3A_2856 = tpu.memref_squeeze %dma_start3A_2855 : memref<1x32xi32, #tpu.memory_space<hbm>> -> memref<32xi32, #tpu.memory_space<hbm>>
      tpu.enqueue_dma source(%arg5 : memref<32xi32, #tpu.memory_space<vmem>>) target(%dma_start3A_2856 : memref<32xi32, #tpu.memory_space<hbm>>) target_semaphore(%run_scoped3A : memref<!tpu.dma_semaphore, #tpu.memory_space<semaphore_mem>>)
      %dma_wait3A = arith.constant 0 : i32
      %dma_wait3A_2857 = tpu.memref_slice %arg3[%add3A, %dma_wait3A] : memref<32x32xi32, #tpu.memory_space<hbm>> -> memref<1x32xi32, #tpu.memory_space<hbm>>
      %dma_wait3A_2858 = tpu.memref_squeeze %dma_wait3A_2857 : memref<1x32xi32, #tpu.memory_space<hbm>> -> memref<32xi32, #tpu.memory_space<hbm>>
      %dma_wait3A_2859 = arith.constant 0 : i32
      %dma_wait3A_2860 = tpu.memref_slice %arg3[%add3A, %dma_wait3A_2859] : memref<32x32xi32, #tpu.memory_space<hbm>> -> memref<1x32xi32, #tpu.memory_space<hbm>>
      %dma_wait3A_2861 = tpu.memref_squeeze %dma_wait3A_2860 : memref<1x32xi32, #tpu.memory_space<hbm>> -> memref<32xi32, #tpu.memory_space<hbm>>
      tpu.wait_dma2 semaphore(%run_scoped3A : memref<!tpu.dma_semaphore, #tpu.memory_space<semaphore_mem>>) src(%arg5 : memref<32xi32, #tpu.memory_space<vmem>>) dst(%dma_wait3A_2861 : memref<32xi32, #tpu.memory_space<hbm>>)
      tpu.yield
    }) : () -> ()
    return
  }
}

module attributes {stable_mosaic.version = 14 : i64} {
  func.func @_tc_body(%arg0: i32, %arg1: memref<32x1024xf32, #tpu.memory_space<vmem>>, %arg2: memref<32x259xf32, #tpu.memory_space<vmem>>, %arg3: memref<32x512xf32, #tpu.memory_space<vmem>>, %arg4: memref<32x256x256xf32, #tpu.memory_space<vmem>>, %arg5: memref<32x256x256xf32, #tpu.memory_space<vmem>>, %arg6: memref<256x32xf32, #tpu.memory_space<vmem>>, %arg7: memref<1x32xf32, #tpu.memory_space<vmem>>, %arg8: memref<259x256xf32, #tpu.memory_space<vmem>>, %arg9: memref<1x256xf32, #tpu.memory_space<vmem>>, %arg10: memref<1024x256xf32, #tpu.memory_space<vmem>>, %arg11: memref<1x256xf32, #tpu.memory_space<vmem>>, %arg12: memref<256x32xf32, #tpu.memory_space<vmem>>, %arg13: memref<1x32xf32, #tpu.memory_space<vmem>>, %arg14: memref<32x512xf32, #tpu.memory_space<vmem>>) attributes {dimension_semantics = [#tpu.dimension_semantics<arbitrary>], iteration_bounds = array<i64: 32>, scalar_prefetch = 0 : i64, scratch_operands = 0 : i64, tpu.core_type = #tpu.core_type<tc>, window_params = [{transform_indices = @transform_0, window_bounds = array<i64: 32, 1024>}, {transform_indices = @transform_1, window_bounds = array<i64: 32, 259>}, {transform_indices = @transform_2, window_bounds = array<i64: 32, 512>}, {transform_indices = @transform_3, window_bounds = array<i64: 32, 256, 256>}, {transform_indices = @transform_4, window_bounds = array<i64: 32, 256, 256>}, {pipeline_mode = #tpu.pipeline_mode<synchronous>, transform_indices = @transform_5, window_bounds = array<i64: 256, 32>}, {pipeline_mode = #tpu.pipeline_mode<synchronous>, transform_indices = @transform_6, window_bounds = array<i64: 1, 32>}, {pipeline_mode = #tpu.pipeline_mode<synchronous>, transform_indices = @transform_7, window_bounds = array<i64: 259, 256>}, {pipeline_mode = #tpu.pipeline_mode<synchronous>, transform_indices = @transform_8, window_bounds = array<i64: 1, 256>}, {pipeline_mode = #tpu.pipeline_mode<synchronous>, transform_indices = @transform_9, window_bounds = array<i64: 1024, 256>}, {pipeline_mode = #tpu.pipeline_mode<synchronous>, transform_indices = @transform_10, window_bounds = array<i64: 1, 256>}, {pipeline_mode = #tpu.pipeline_mode<synchronous>, transform_indices = @transform_11, window_bounds = array<i64: 256, 32>}, {pipeline_mode = #tpu.pipeline_mode<synchronous>, transform_indices = @transform_12, window_bounds = array<i64: 1, 32>}, {transform_indices = @transform_13, window_bounds = array<i64: 32, 512>}]} {
    %get3A = arith.constant 0 : index
    %get3A_0 = arith.constant 0 : index
    %get3A_1 = vector.load %arg1[%get3A, %get3A_0] : memref<32x1024xf32, #tpu.memory_space<vmem>>, vector<32x1024xf32>
    %get3A_2 = arith.constant 0 : index
    %get3A_3 = arith.constant 0 : index
    %get3A_4 = vector.load %arg10[%get3A_2, %get3A_3] : memref<1024x256xf32, #tpu.memory_space<vmem>>, vector<1024x256xf32>
    %dot_general3A = arith.constant dense<0.000000e+00> : vector<32x256xf32>
    %dot_general3A_5 = tpu.matmul %get3A_1, %get3A_4, %dot_general3A {dimension_numbers = #tpu.dot_dimension_numbers<[1], [0], [0], [1], [0, 0, 1, 1], [], []>, transpose_lhs_hint = false} : vector<32x1024xf32>, vector<1024x256xf32>, vector<32x256xf32> -> vector<32x256xf32>
    %get3A_6 = arith.constant 0 : index
    %get3A_7 = arith.constant 0 : index
    %get3A_8 = vector.load %arg11[%get3A_6, %get3A_7] : memref<1x256xf32, #tpu.memory_space<vmem>>, vector<1x256xf32>
    %add3A = vector.broadcast %get3A_8 : vector<1x256xf32> to vector<32x256xf32>
    %add3A_9 = arith.addf %dot_general3A_5, %add3A : vector<32x256xf32>
    %max3A = arith.constant 0.000000e+00 : f32
    %max3A_10 = vector.broadcast %max3A : f32 to vector<32x256xf32>
    %max3A_11 = arith.maximumf %add3A_9, %max3A_10 : vector<32x256xf32>
    %get3A_12 = arith.constant 0 : index
    %get3A_13 = arith.constant 0 : index
    %get3A_14 = vector.load %arg2[%get3A_12, %get3A_13] : memref<32x259xf32, #tpu.memory_space<vmem>>, vector<32x259xf32>
    %get3A_15 = arith.constant 0 : index
    %get3A_16 = arith.constant 0 : index
    %get3A_17 = vector.load %arg8[%get3A_15, %get3A_16] : memref<259x256xf32, #tpu.memory_space<vmem>>, vector<259x256xf32>
    %dot_general3A_18 = arith.constant dense<0.000000e+00> : vector<32x256xf32>
    %dot_general3A_19 = tpu.matmul %get3A_14, %get3A_17, %dot_general3A_18 {dimension_numbers = #tpu.dot_dimension_numbers<[1], [0], [0], [1], [0, 0, 1, 1], [], []>, transpose_lhs_hint = false} : vector<32x259xf32>, vector<259x256xf32>, vector<32x256xf32> -> vector<32x256xf32>
    %get3A_20 = arith.constant 0 : index
    %get3A_21 = arith.constant 0 : index
    %get3A_22 = vector.load %arg9[%get3A_20, %get3A_21] : memref<1x256xf32, #tpu.memory_space<vmem>>, vector<1x256xf32>
    %add3A_23 = vector.broadcast %get3A_22 : vector<1x256xf32> to vector<32x256xf32>
    %add3A_24 = arith.addf %dot_general3A_19, %add3A_23 : vector<32x256xf32>
    %max3A_25 = arith.constant 0.000000e+00 : f32
    %max3A_26 = vector.broadcast %max3A_25 : f32 to vector<32x256xf32>
    %max3A_27 = arith.maximumf %add3A_24, %max3A_26 : vector<32x256xf32>
    %add3A_28 = arith.addf %max3A_11, %max3A_27 : vector<32x256xf32>
    %get3A_29 = arith.constant 0 : index
    %get3A_30 = arith.constant 0 : index
    %get3A_31 = vector.load %arg12[%get3A_29, %get3A_30] : memref<256x32xf32, #tpu.memory_space<vmem>>, vector<256x32xf32>
    %dot_general3A_32 = arith.constant dense<0.000000e+00> : vector<32x32xf32>
    %dot_general3A_33 = tpu.matmul %add3A_28, %get3A_31, %dot_general3A_32 {dimension_numbers = #tpu.dot_dimension_numbers<[1], [0], [0], [1], [0, 0, 1, 1], [], []>, transpose_lhs_hint = false} : vector<32x256xf32>, vector<256x32xf32>, vector<32x32xf32> -> vector<32x32xf32>
    %get3A_34 = arith.constant 0 : index
    %get3A_35 = arith.constant 0 : index
    %get3A_36 = vector.load %arg13[%get3A_34, %get3A_35] : memref<1x32xf32, #tpu.memory_space<vmem>>, vector<1x32xf32>
    %add3A_37 = vector.broadcast %get3A_36 : vector<1x32xf32> to vector<32x32xf32>
    %add3A_38 = arith.addf %dot_general3A_33, %add3A_37 : vector<32x32xf32>
    %max3A_39 = arith.constant 0.000000e+00 : f32
    %max3A_40 = vector.broadcast %max3A_39 : f32 to vector<32x32xf32>
    %max3A_41 = arith.maximumf %add3A_38, %max3A_40 : vector<32x32xf32>
    %get3A_42 = arith.constant 0 : index
    %get3A_43 = arith.constant 0 : index
    %get3A_44 = vector.load %arg6[%get3A_42, %get3A_43] : memref<256x32xf32, #tpu.memory_space<vmem>>, vector<256x32xf32>
    %transpose3A = tpu.transpose %get3A_44, [1, 0] : vector<256x32xf32> -> vector<32x256xf32>
    %get3A_45 = arith.constant 0 : index
    %get3A_46 = arith.constant 0 : index
    %get3A_47 = vector.load %arg7[%get3A_45, %get3A_46] : memref<1x32xf32, #tpu.memory_space<vmem>>, vector<1x32xf32>
    %transpose3A_48 = tpu.transpose %get3A_47, [1, 0] : vector<1x32xf32> -> vector<32x1xf32>
    %transpose3A_49 = tpu.transpose %max3A_41, [1, 0] : vector<32x32xf32> -> vector<32x32xf32>
    %get3A_50 = arith.constant 0 : index
    %get3A_51 = arith.constant 0 : index
    %get3A_52 = arith.constant 0 : index
    %get3A_53 = vector.load %arg4[%get3A_50, %get3A_51, %get3A_52] : memref<32x256x256xf32, #tpu.memory_space<vmem>>, vector<32x256x256xf32>
    %reshape3A = vector.shape_cast %get3A_53 : vector<32x256x256xf32> to vector<8192x256xf32>
    %dot_general3A_54 = arith.constant dense<0.000000e+00> : vector<32x8192xf32>
    %dot_general3A_55 = tpu.matmul %transpose3A, %reshape3A, %dot_general3A_54 {dimension_numbers = #tpu.dot_dimension_numbers<[1], [1], [0], [0], [0, 0, 1, 0], [], []>, transpose_lhs_hint = false} : vector<32x256xf32>, vector<8192x256xf32>, vector<32x8192xf32> -> vector<32x8192xf32>
    %add3A_56 = vector.broadcast %transpose3A_48 : vector<32x1xf32> to vector<32x8192xf32>
    %add3A_57 = arith.addf %dot_general3A_55, %add3A_56 : vector<32x8192xf32>
    %reshape3A_58 = vector.shape_cast %add3A_57 : vector<32x8192xf32> to vector<32x32x256xf32>
    %broadcast_in_dim3A = vector.shape_cast %transpose3A_49 : vector<32x32xf32> to vector<32x32x1xf32>
    %mul3A = vector.broadcast %broadcast_in_dim3A : vector<32x32x1xf32> to vector<32x32x256xf32>
    %mul3A_59 = arith.mulf %reshape3A_58, %mul3A : vector<32x32x256xf32>
    %reduce_sum3A = arith.constant dense<0.000000e+00> : vector<32x256xf32>
    %reduce_sum3A_60 = vector.multi_reduction <add>, %mul3A_59, %reduce_sum3A [0] : vector<32x32x256xf32> to vector<32x256xf32>
    %div3A = arith.constant 3.200000e+01 : f32
    %div3A_61 = vector.broadcast %div3A : f32 to vector<32x256xf32>
    %div3A_62 = arith.divf %reduce_sum3A_60, %div3A_61 : vector<32x256xf32>
    %get3A_63 = arith.constant 0 : index
    %get3A_64 = arith.constant 0 : index
    %get3A_65 = arith.constant 0 : index
    %get3A_66 = vector.load %arg5[%get3A_63, %get3A_64, %get3A_65] : memref<32x256x256xf32, #tpu.memory_space<vmem>>, vector<32x256x256xf32>
    %reshape3A_67 = vector.shape_cast %get3A_66 : vector<32x256x256xf32> to vector<8192x256xf32>
    %dot_general3A_68 = arith.constant dense<0.000000e+00> : vector<32x8192xf32>
    %dot_general3A_69 = tpu.matmul %transpose3A, %reshape3A_67, %dot_general3A_68 {dimension_numbers = #tpu.dot_dimension_numbers<[1], [1], [0], [0], [0, 0, 1, 0], [], []>, transpose_lhs_hint = false} : vector<32x256xf32>, vector<8192x256xf32>, vector<32x8192xf32> -> vector<32x8192xf32>
    %add3A_70 = vector.broadcast %transpose3A_48 : vector<32x1xf32> to vector<32x8192xf32>
    %add3A_71 = arith.addf %dot_general3A_69, %add3A_70 : vector<32x8192xf32>
    %reshape3A_72 = vector.shape_cast %add3A_71 : vector<32x8192xf32> to vector<32x32x256xf32>
    %broadcast_in_dim3A_73 = vector.shape_cast %transpose3A_49 : vector<32x32xf32> to vector<32x32x1xf32>
    %mul3A_74 = vector.broadcast %broadcast_in_dim3A_73 : vector<32x32x1xf32> to vector<32x32x256xf32>
    %mul3A_75 = arith.mulf %reshape3A_72, %mul3A_74 : vector<32x32x256xf32>
    %reduce_sum3A_76 = arith.constant dense<0.000000e+00> : vector<32x256xf32>
    %reduce_sum3A_77 = vector.multi_reduction <add>, %mul3A_75, %reduce_sum3A_76 [0] : vector<32x32x256xf32> to vector<32x256xf32>
    %div3A_78 = arith.constant 3.200000e+01 : f32
    %div3A_79 = vector.broadcast %div3A_78 : f32 to vector<32x256xf32>
    %div3A_80 = arith.divf %reduce_sum3A_77, %div3A_79 : vector<32x256xf32>
    %concatenate3A = tpu.concatenate %div3A_62, %div3A_80 in 1 : vector<32x256xf32>, vector<32x256xf32> -> vector<32x512xf32>
    %get3A_81 = arith.constant 0 : index
    %get3A_82 = arith.constant 0 : index
    %get3A_83 = vector.load %arg3[%get3A_81, %get3A_82] : memref<32x512xf32, #tpu.memory_space<vmem>>, vector<32x512xf32>
    %sub3A = arith.constant 1.000000e+00 : f32
    %sub3A_84 = vector.broadcast %sub3A : f32 to vector<32x512xf32>
    %sub3A_85 = arith.subf %sub3A_84, %get3A_83 : vector<32x512xf32>
    %mul3A_86 = arith.constant 1.000000e+09 : f32
    %mul3A_87 = vector.broadcast %mul3A_86 : f32 to vector<32x512xf32>
    %mul3A_88 = arith.mulf %sub3A_85, %mul3A_87 : vector<32x512xf32>
    %sub3A_89 = arith.subf %concatenate3A, %mul3A_88 : vector<32x512xf32>
    %swap3A = arith.constant 0 : index
    %swap3A_90 = arith.constant 0 : index
    %swap3A_91 = vector.load %arg14[%swap3A, %swap3A_90] : memref<32x512xf32, #tpu.memory_space<vmem>>, vector<32x512xf32>
    tpu.vector_store %arg14[%swap3A, %swap3A_90], %sub3A_89 {strides = array<i32>} : memref<32x512xf32, #tpu.memory_space<vmem>>, vector<32x512xf32>,
    return
  }
  func.func @transform_0(%arg0: i32) -> (i32, i32) {
    %c0_i32 = arith.constant 0 : i32
    %c0_i32_0 = arith.constant 0 : i32
    return %arg0, %c0_i32 : i32, i32
  }
  func.func @transform_1(%arg0: i32) -> (i32, i32) {
    %c0_i32 = arith.constant 0 : i32
    %c0_i32_0 = arith.constant 0 : i32
    return %arg0, %c0_i32 : i32, i32
  }
  func.func @transform_2(%arg0: i32) -> (i32, i32) {
    %c0_i32 = arith.constant 0 : i32
    %c0_i32_0 = arith.constant 0 : i32
    return %arg0, %c0_i32 : i32, i32
  }
  func.func @transform_3(%arg0: i32) -> (i32, i32, i32) {
    %c0_i32 = arith.constant 0 : i32
    %c0_i32_0 = arith.constant 0 : i32
    %c0_i32_1 = arith.constant 0 : i32
    return %arg0, %c0_i32, %c0_i32_0 : i32, i32, i32
  }
  func.func @transform_4(%arg0: i32) -> (i32, i32, i32) {
    %c1_i32 = arith.constant 1 : i32
    %c0_i32 = arith.constant 0 : i32
    %c0_i32_0 = arith.constant 0 : i32
    return %arg0, %c1_i32, %c0_i32 : i32, i32, i32
  }
  func.func @transform_5(%arg0: i32) -> (i32, i32) {
    %c0_i32 = arith.constant 0 : i32
    %c0_i32_0 = arith.constant 0 : i32
    %c0_i32_1 = arith.constant 0 : i32
    return %c0_i32, %c0_i32_0 : i32, i32
  }
  func.func @transform_6(%arg0: i32) -> (i32, i32) {
    %c0_i32 = arith.constant 0 : i32
    %c0_i32_0 = arith.constant 0 : i32
    %c0_i32_1 = arith.constant 0 : i32
    return %c0_i32, %c0_i32_0 : i32, i32
  }
  func.func @transform_7(%arg0: i32) -> (i32, i32) {
    %c0_i32 = arith.constant 0 : i32
    %c0_i32_0 = arith.constant 0 : i32
    %c0_i32_1 = arith.constant 0 : i32
    return %c0_i32, %c0_i32_0 : i32, i32
  }
  func.func @transform_8(%arg0: i32) -> (i32, i32) {
    %c0_i32 = arith.constant 0 : i32
    %c0_i32_0 = arith.constant 0 : i32
    %c0_i32_1 = arith.constant 0 : i32
    return %c0_i32, %c0_i32_0 : i32, i32
  }
  func.func @transform_9(%arg0: i32) -> (i32, i32) {
    %c0_i32 = arith.constant 0 : i32
    %c0_i32_0 = arith.constant 0 : i32
    %c0_i32_1 = arith.constant 0 : i32
    return %c0_i32, %c0_i32_0 : i32, i32
  }
  func.func @transform_10(%arg0: i32) -> (i32, i32) {
    %c0_i32 = arith.constant 0 : i32
    %c0_i32_0 = arith.constant 0 : i32
    %c0_i32_1 = arith.constant 0 : i32
    return %c0_i32, %c0_i32_0 : i32, i32
  }
  func.func @transform_11(%arg0: i32) -> (i32, i32) {
    %c0_i32 = arith.constant 0 : i32
    %c0_i32_0 = arith.constant 0 : i32
    %c0_i32_1 = arith.constant 0 : i32
    return %c0_i32, %c0_i32_0 : i32, i32
  }
  func.func @transform_12(%arg0: i32) -> (i32, i32) {
    %c0_i32 = arith.constant 0 : i32
    %c0_i32_0 = arith.constant 0 : i32
    %c0_i32_1 = arith.constant 0 : i32
    return %c0_i32, %c0_i32_0 : i32, i32
  }
  func.func @transform_13(%arg0: i32) -> (i32, i32) {
    %c0_i32 = arith.constant 0 : i32
    %c0_i32_0 = arith.constant 0 : i32
    return %arg0, %c0_i32 : i32, i32
  }
}

</mosaic_0001>

<sc_bundles>
// kernel: kernel.4.cloned.1.call-start
scs
__scs_entry_jumppad:
0x0: {  	(pc) =	sbr.rel $0x88, $3  }
0x1: {  	(tag) =	ssettag $0x0;
	lr =	simm.s32 $0x1  }
0x2: {  	[smem:$0x3F95] =	sst lr;
	_ =	strace $0xD0000000  }
0x3: {  	_ = 	snop  }
0x4: {  	_ = 	snop  }
0x5: {  	_ = 	snop  }
0x6: {  	_ = 	snop  }
0x7: {  	_ = 	snop  }
__scs_overlays_trampoline_lowered:
0x8: {  	[smem:$0x3FA4] =	sst s0  }
0x9: {  	[smem:$0x3FA5] =	sst s1  }
0xa: {  	[smem:$0x3FA6] =	sst s2  }
0xb: {  	[smem:$0x3FA7] =	sst s3  }
0xc: {  	[smem:$0x3FA8] =	sst s4  }
0xd: {  	[smem:$0x3FA9] =	sst s5  }
0xe: {  	[smem:$0x3FAA] =	sst s6  }
0xf: {  	[smem:$0x3FAB] =	sst s7  }
0x10: {  	[smem:$0x3FAC] =	sst s8  }
0x11: {  	[smem:$0x3FAD] =	sst s9;
	s0 =	simm.s32 @!p0 $0x0  }
0x12: {  	s1 =	sld [smem:$0x3F93];
	s0 =	simm.s32 @p0 $0x1  }
0x13: {  	[smem:$0x3FAE] =	sst s0;
	s0 =	simm.s32 @!p1 $0x0  }
0x14: {  	s2 =	sld [smem:$0x3F92];
	s0 =	simm.s32 @p1 $0x1  }
0x15: {  	[smem:$0x3FAF] =	sst s0;
	s0 =	simm.s32 @!p2 $0x0  }
0x16: {  	s3 =	sld [smem:$0x3FDB];
	s0 =	simm.s32 @p2 $0x1  }
0x17: {  	s4 =	simm.s32 $0x1BF5;
	[smem:$0x3FB1] =	sst s0  }
0x18: {  	s0 =	sld [smem:$0x3F94];
	_ =	swait.ge [sflag:s4], $0x0  }
0x19: {  	s7 =	sld [smem:$0x3F95]  }
0x1a: {  	s8 =	sadd.s32 $0xFFFFE003, lr  }
0x1b: {  	s9 =	sadd.s32 $0xFFFFFEF7, lr;
	s5 =	simm.s32 $0xFFFFFFFF;
	p2 =	slt.u32 s8, $0xFFFFF086  }
0x1c: {  	p1 =	slt.u32 s9, $0xF7A;
	s5 =	simm.s32 @!p2 $0x0  }
0x1d: {  	s5 =	simm.s32 @p1 $0x1;
	p0 =	seq.s32 s7, s2  }
0x1e: {  	s7 =	smul.u32 @!p0 $0xF7A, s2;
	p2 =	seq.s32 @!p0 s5, $0x0  }
0x1f: {  	s9 =	smul.u32 $0xF7A, s1;
	s8 =	simm.s32 @!p0 $0x1BF5;
	p2 =	por !p2, p0  }
0x20: {  	[sflag:s8] =	ssyncset.s32 @!p0 $0xFFFFF086;
	s6 =	sadd.s32 @!p0 s3, s7;
	s7 =	simm.s32 @!p0 $0x108  }
0x21: {  	s3 =	sadd.s32 s3, s9;
	s6 =	sadd.s32 @!p0 $0x88, s6;
	s7 =	simm.s32 @p2 $0x1082  }
0x22: {  	[simem:s7], [sflag:s8] =	dma.local @!p0 [hbm:s6], $0xF7A  }
0x23: {  	s9 =	sor.u32 $0xD0000000, s2;
	s6 =	simm.s32 $0x108;
	_ =	swait.ge @!p0 [sflag:s8], $0x0  }
0x24: {  	s3 =	sadd.s32 $0x88, s3;
	s6 =	simm.s32 @!p1 $0x1082;
	[sflag:s4] =	ssyncset.s32 $0xFFFFF086  }
0x25: {  	[simem:s6], [sflag:s4] =	dma.local [hbm:s3], $0xF7A  }
0x26: {  	[smem:$0x3F95] =	sst s1;
	(tag) =	ssettag s2;
	_ =	strace s9  }
0x27: {  	s1 =	sld [smem:$0x3FA5]  }
0x28: {  	s2 =	sld [smem:$0x3FA6]  }
0x29: {  	s4 =	sld [smem:$0x3FA8]  }
0x2a: {  	p0 =	seq.s32 s5, $0x0;
	s5 =	sld [smem:$0x3FA9]  }
0x2b: {  	s6 =	sld [smem:$0x3FAA]  }
0x2c: {  	s7 =	sld [smem:$0x3FAB]  }
0x2d: {  	s3 =	simm.s32 $0x108;
	s8 =	sld [smem:$0x3FAC]  }
0x2e: {  	s3 =	simm.s32 @!p0 $0x1082;
	s9 =	sld [smem:$0x3FAD]  }
0x2f: {  	lr =	sadd.s32 s0, s3;
	s0 =	sld [smem:$0x3FA4]  }
0x30: {  	s3 =	sld [smem:$0x3FA7]  }
0x31: {  	[smem:$0x3FB0] =	sst s10  }
0x32: {  	s10 =	sld [smem:$0x3FAE];
	_ =	sdelay $0x3  }
0x33: {  	p0 =	seq.s32 s10, $0x1;
	s10 =	sld [smem:$0x3FB0];
	_ =	sdelay $0x3  }
0x34: {  	[smem:$0x3FB0] =	sst s10  }
0x35: {  	s10 =	sld [smem:$0x3FAF];
	_ =	sdelay $0x3  }
0x36: {  	p1 =	seq.s32 s10, $0x1;
	s10 =	sld [smem:$0x3FB0];
	_ =	sdelay $0x3  }
0x37: {  	[smem:$0x3FB0] =	sst s10  }
0x38: {  	s10 =	sld [smem:$0x3FB1]  }
0x39: {  	_ = 	snop;
	(pc) =	sbr.ind lr, $3  }
0x3a: {  	_ = 	snop  }
0x3b: {  	_ = 	snop  }
0x3c: {  	p2 =	seq.s32 s10, $0x1;
	s10 =	sld [smem:$0x3FB0]  }
0x3d: {  	_ =	shalt  }
0x3e: {  	_ =	shalt  }
0x3f: {  	_ =	shalt  }
0x40: {  	_ =	shalt  }
0x41: {  	_ =	shalt  }
0x42: {  	_ =	shalt  }
0x43: {  	_ =	shalt  }
0x44: {  	_ =	shalt  }
0x45: {  	_ =	shalt  }
0x46: {  	_ =	shalt  }
0x47: {  	_ =	shalt  }
0x48: {  	_ =	shalt  }
0x49: {  	_ =	shalt  }
0x4a: {  	_ =	shalt  }
0x4b: {  	_ =	shalt  }
0x4c: {  	_ =	shalt  }
0x4d: {  	_ =	shalt  }
0x4e: {  	_ =	shalt  }
0x4f: {  	_ =	shalt  }
0x50: {  	_ =	shalt  }
0x51: {  	_ =	shalt  }
0x52: {  	_ =	shalt  }
0x53: {  	_ =	shalt  }
0x54: {  	_ =	shalt  }
0x55: {  	_ =	shalt  }
0x56: {  	_ =	shalt  }
0x57: {  	_ =	shalt  }
0x58: {  	_ =	shalt  }
0x59: {  	_ =	shalt  }
0x5a: {  	_ =	shalt  }
0x5b: {  	_ =	shalt  }
0x5c: {  	_ =	shalt  }
0x5d: {  	_ =	shalt  }
0x5e: {  	_ =	shalt  }
0x5f: {  	_ =	shalt  }
0x60: {  	_ =	shalt  }
0x61: {  	_ =	shalt  }
0x62: {  	_ =	shalt  }
0x63: {  	_ =	shalt  }
0x64: {  	_ =	shalt  }
0x65: {  	_ =	shalt  }
0x66: {  	_ =	shalt  }
0x67: {  	_ =	shalt  }
0x68: {  	_ =	shalt  }
0x69: {  	_ =	shalt  }
0x6a: {  	_ =	shalt  }
0x6b: {  	_ =	shalt  }
0x6c: {  	_ =	shalt  }
0x6d: {  	_ =	shalt  }
0x6e: {  	_ =	shalt  }
0x6f: {  	_ =	shalt  }
0x70: {  	_ =	shalt  }
0x71: {  	_ =	shalt  }
0x72: {  	_ =	shalt  }
0x73: {  	_ =	shalt  }
0x74: {  	_ =	shalt  }
0x75: {  	_ =	shalt  }
0x76: {  	_ =	shalt  }
0x77: {  	_ =	shalt  }
0x78: {  	_ =	shalt  }
0x79: {  	_ =	shalt  }
0x7a: {  	_ =	shalt  }
0x7b: {  	_ =	shalt  }
0x7c: {  	_ =	shalt  }
0x7d: {  	_ =	shalt  }
0x7e: {  	_ =	shalt  }
0x7f: {  	_ =	shalt  }
0x80: {  	_ =	shalt  }
0x81: {  	_ =	shalt  }
0x82: {  	_ =	shalt  }
0x83: {  	_ =	shalt  }
0x84: {  	_ =	shalt  }
0x85: {  	_ =	shalt  }
0x86: {  	_ =	shalt  }
0x87: {  	_ =	shalt  }
.Lfunc_end0:
.L_simem_size_0:
called_computation_lowered:
.L_overlay_start_0:
0x88: {  	s2 =	sld [smem:$0x3FD9]  }
0x89: {  	s3 =	sld [smem:$0x3FFE];
	_ =	sdelay $0x1  }
0x8a: {  	s1 =	srdreg.scid  }
0x8b: {  	s0 =	sand.u32 $0x1, s1  }
0x8c: {  	s14 =	sshll.u32 s0, $0xA;
	s2 =	sadd.s32 s3, s2  }
0x8d: {  	s2 =	sadd.s32 s2, s14  }
0x8e: {  	[smem:$0x3FBC] =	sst s2  }
0x8f: {  	_ = 	snop  }
0x90: {  	s2 =	sld [smem:$0x3FD0];
	_ =	sdelay $0x2  }
0x91: {  	s15 =	simm.s32 $0xA;
	s4 =	simm.s32 $0x10  }
0x92: {  	[smem:s4], [sflag:s15] =	dma.local [hbm:s2], $0x1  }
0x93: {  	_ =	swait.eq [sflag:s15], $0x1  }
0x94: {  	[sflag:s15] =	ssyncset.done $0x0  }
0x95: {  	[sflag:s15] =	ssyncadd.s32 $0xFFFFFFFF  }
0x96: {  	s16 =	sld [smem:$0x10];
	(tm) =	ssettm $0x1  }
0x97: {  	s17 =	sld [smem:$0x3FFB];
	_ =	sdelay $0x3  }
0x98: {  	_ =	strace s17  }
0x99: {  	s3 =	sld [smem:$0x3FFC];
	_ =	sdelay $0x3  }
0x9a: {  	_ =	strace s3  }
0x9b: {  	s3 =	sld [smem:$0x3FFD];
	_ =	sdelay $0x3  }
0x9c: {  	_ =	strace s3  }
0x9d: {  	_ =	strace $0x8FFFFFFF  }
0x9e: {  	s18 =	sld [smem:$0x3FDB];
	_ =	sdelay $0x1  }
0x9f: {  	s19 =	simm.s32 $_scs_section_size  }
0xa0: {  	s5 =	simm.s32 $_size__tile_overlayer_lowered;
	s6 =	simm.s32 $_tile_overlayer_lowered  }
0xa1: {  	s22 =	simm.s32 $0x1BFF;
	s21 =	sshll.u32 s6, $0x1;
	s3 =	sadd.s32 s19, s18  }
0xa2: {  	s7 =	simm.s32 $0x0;
	s20 =	sshll.u32 s5, $0x1;
	s5 =	sadd.s32 s21, s3  }
0xa3: {  	[timem:s7], [sflag:s22] =	dma.local [hbm:s5], s20  }
0xa4: {  	_ =	swait.ge [sflag:s22], s20  }
0xa5: {  	s4 =	ssub.s32 $0x0, s20;
	[sflag:s22] =	ssyncset.done $0x0  }
0xa6: {  	[sflag:s22] =	ssyncadd.s32 s4;
	_ =	sdelay $0x1  }
0xa7: {  	s23 =	simm.s32 $0x1B8B  }
0xa8: {  	_ =	swait.ge [sflag:s23], $0x1  }
0xa9: {  	[sflag:s23] =	ssyncset.done $0x0  }
0xaa: {  	s25 =	simm.s32 $0x1B8E;
	s24 =	sld [smem:$0x3FFE];
	[sflag:s23] =	ssyncadd.s32 $0xFFFFFFFF  }
0xab: {  	s26 =	simm.s32 $execute0_lowered;
	[smem:$0x3FD2] =	sst s25  }
0xac: {  	s5 =	sshll.u32 s26, $0x1;
	_ =	strace $0x80000046;
	[dreg:$0x1] =	wrdreg $0xFFFFFFFF  }
0xad: {  	s28 =	simm.s32 $_size_execute0_lowered;
	s3 =	sadd.s32 s3, s5;
	[dreg:$0x0] =	wrdreg $0x0  }
0xae: {  	s5 =	sshll.u32 s28, $0x1;
	[dreg:$0x2] =	wrdreg s3  }
0xaf: {  	[dreg:$0x3] =	wrdreg s5  }
0xb0: {  	[dreg:$0x4] =	wrdreg $0xC0  }
0xb1: {  	_ =	task [dreg:s7], $0x5FFFF  }
0xb2: {  	[dreg:$0x1] =	wrdreg $0xFFFFFFFF  }
0xb3: {  	[dreg:$0x0] =	wrdreg $0x60  }
0xb4: {  	[dreg:$0x2] =	wrdreg s16  }
0xb5: {  	[dreg:$0x3] =	wrdreg s24  }
0xb6: {  	[dreg:$0x4] =	wrdreg $0x9  }
0xb7: {  	_ =	task.clear_ibuf [dreg:s7], $0x5FFFF;
	_ =	strace $0x90000046  }
0xb8: {  	s29 =	simm.s32 $0x9;
	_ =	strace $0x80000048  }
0xb9: {  	_ =	swait.ge [sflag:s29], $0x1  }
0xba: {  	[sflag:s29] =	ssyncadd.s32 $0xFFFFFFFF  }
0xbb: {  	_ =	strace $0x90000048  }
0xbc: {  	_ =	sfence  }
0xbd: {  	s30 =	sld [smem:$0x0];
	_ =	sdelay $0x2  }
0xbe: {  	s31 =	sshll.u32 s1, $0xD;
	s1 =	sshrl.u32 s1, $0x2  }
0xbf: {  	s3 =	sand.u32 $0x4000, s31;
	s1 =	sadd.s32 s1, s30  }
0xc0: {  	s0 =	sor.u32 s3, s0;
	s1 =	sshll.u32 s1, $0x11  }
0xc1: {  	s0 =	sor.u32 s1, s0  }
0xc2: {  	s0 =	sadd.s32 $0x8F2B, s0  }
0xc3: {  	[sflag:s0] =	ssyncadd.remote.s32 $0x1  }
0xc4: {  	_ =	sfence.sel $0xFFFF  }
0xc5: {  	[dreg:$0x0] =	wrdreg $0xFFFFFFFF;
	(pc) =	sbr.abs _section_cstart, $3  }
0xc6: {  	[dreg:$0x1] =	wrdreg $0xFFFFFFFF  }
0xc7: {  	_ =	task.clear_ibuf [dreg:s7], $0x2FFFF;
	_ =	strace $0x9FFFFFFF  }
0xc8: {  	(tm) =	ssettm $0x7FFFFFFF  }
0xc9: {  	_ =	shalt  }
tec
execute0_lowered:
.L_overlay_start_1:
0x0: {  	(tag) =	ssettag $0x1  }
0x1: {  	s3 =	rddreg [dreg:$0x0]  }
0x2: {  	s4 =	rddreg [dreg:$0x1]  }
0x3: {  	s0 =	rddreg [dreg:$0x2]  }
0x4: {  	s5 =	srdreg.scid;
	s1 =	stileid.u32  }
0x5: {  	s2 =	simm.s32 $0x0;
	s5 =	sand.u32 $0x1, s5;
	s6 =	sshll.u32 s1, $0x1  }
0x6: {  	[smem:$0x7FF] =	sst s2;
	s6 =	sor.u32 s5, s6;
	s5 =	ssub.s32 $0x2, s5  }
0x7: {  	_ =	strace $0x80000047;
	s7 =	sshll.u32 s6, $0x4;
	s8 =	sshrl.u32 s5, $0x1  }
0x8: {  	v0 =	vlaneseq.u32;
	s6 =	sshll.u32 s6, $0xB;
	s4 =	sadd.s32 s7, s4;
	s5 =	ssub.s32 s5, s8  }
0x9: {  	vm15 =	vcmask $0x704;
	vm6 =	vmmov $0x7;
	vm7 =	vmmov $0x3f;
	s3 =	sadd.s32 s3, s6;
	s6 =	simm.s32 $0x1;
	s7 =	simm.s32 $0x4000  }
0xa: {  	vm9 =	vmmov $0x7f;
	vm12 =	vmmov $0x7ff;
	vm14 =	vmmov $0x7fff;
	s8 =	simm.s32 $0x0;
	s4 =	sadd.s32 $0x400, s4;
	s5 =	smax.u32 s5, $0x1  }
.LBB2_1:
0xb: {  	[tilespmem:s2], [sflag:$0x1] =	stream.linear.gather [hbm4b:s3+s2], $0x4000, $0x38;
	[tilespmem:$0x4180] =	vst v63  }
0xc: {  	_ =	swait.ge [sflag:s6], $0x4000  }
0xd: {  	s9 =	simm.s32 $0x10;
	s10 =	simm.s32 $0x80;
	[sflag:s6] =	ssyncset.done $0x0  }
0xe: {  	s11 =	sand.u32 $0x70, s9;
	s12 =	sand.u32 $0xC00, s10;
	[sflag:s6] =	ssyncadd.s32 $0xFFFFC000  }
0xf: {  	s12 =	sor.u32 s11, s12;
	v2 =	vld [tilespmem:$0x0]  }
0x10: {  	v1 =	vlaneseq.u32;
	s11 =	simm.s32 $0x20;
	v3 =	vld [tilespmem:s12+$0x0]  }
.LBB2_2:
0x11: {  	p0 =	sne.s32 s11, $0x1F0  }
.Ltmp0:
0x12: {  	_ = 	snop;
	(pc) =	sbr.rel @p0 .LBB2_2-.Ltmp0, $4  }
0x13: {  	s10 =	sadd.s32 $0x80, s10  }
0x14: {  	s12 =	sand.u32 $0x70, s11;
	s14 =	sand.u32 $0xC00, s10  }
0x15: {  	s13 =	smov.u32 s11;
	v4 =	vor.u32 s9, v0;
	s12 =	sor.u32 s12, s14;
	vm1 =	vgt.f32 v3, v2  }
0x16: {  	s11 =	sadd.s32 $0x10, s11;
	s9 =	smov.u32 s13;
	v2 =	vsel vm1, v3, v2;
	v3 =	vld [tilespmem:s12+$0x0];
	v1 =	vsel vm1, v4, v1  }
0x17: {  	_ =	sdelay $0x3  }
0x18: {  	vm1 =	vgt.f32 v3, v2  }
0x19: {  	v2 =	vsel vm1, v3, v2  }
0x1a: {  	[tilespmem:$0x4080] =	vst v2  }
0x1b: {  	v3 =	vld [tilespmem:$0x4088];
	_ =	sdelay $0x4  }
0x1c: {  	v3 =	vmax.f32 v2, v3  }
0x1d: {  	[tilespmem:$0x4080] =	vst v3  }
0x1e: {  	v4 =	vld [tilespmem:$0x4084];
	_ =	sdelay $0x4  }
0x1f: {  	v3 =	vmax.f32 v3, v4  }
0x20: {  	[tilespmem:$0x4080] =	vst v3  }
0x21: {  	v4 =	vld [tilespmem:$0x4082];
	_ =	sdelay $0x4  }
0x22: {  	v3 =	vmax.f32 v3, v4  }
0x23: {  	[tilespmem:$0x4080] =	vst v3  }
0x24: {  	v4 =	vld [tilespmem:$0x4081];
	_ =	sdelay $0x4  }
0x25: {  	v3 =	vmax.f32 v3, v4  }
0x26: {  	v3 =	vbroadcast v3, $0x0  }
0x27: {  	v4 =	vor.u32 s9, v0  }
0x28: {  	v1 =	vsel vm1, v4, v1;
	vm1 =	veq.f32 v2, v3  }
0x29: {  	v1 =	vnsel vm1, $0x200, v1  }
0x2a: {  	[tilespmem:$0x4100] =	vst v1  }
0x2b: {  	v2 =	vld [tilespmem:$0x4108];
	_ =	sdelay $0x4  }
0x2c: {  	vm1 =	vlt.s32 v1, v2  }
0x2d: {  	v1 =	vsel vm1, v1, v2  }
0x2e: {  	[tilespmem:$0x4100] =	vst v1  }
0x2f: {  	v2 =	vld [tilespmem:$0x4104];
	_ =	sdelay $0x4  }
0x30: {  	vm1 =	vlt.s32 v1, v2  }
0x31: {  	v1 =	vsel vm1, v1, v2  }
0x32: {  	[tilespmem:$0x4100] =	vst v1  }
0x33: {  	v2 =	vld [tilespmem:$0x4102];
	_ =	sdelay $0x4  }
0x34: {  	vm1 =	vlt.s32 v1, v2  }
0x35: {  	s10 =	simm.s32 $0x80;
	s9 =	simm.s32 $0x10;
	v1 =	vsel vm1, v1, v2  }
0x36: {  	s12 =	sand.u32 $0xC00, s10;
	s11 =	sand.u32 $0x70, s9;
	v4 =	vld [tilespmem:$0x80];
	[tilespmem:$0x4100] =	vst v1  }
0x37: {  	s12 =	sor.u32 s11, s12;
	v2 =	vld [tilespmem:$0x4101]  }
0x38: {  	s11 =	simm.s32 $0x20;
	v3 =	vlaneseq.u32;
	v5 =	vld [tilespmem:s12+$0x80]  }
.LBB2_4:
0x39: {  	p0 =	sne.s32 s11, $0x1F0  }
.Ltmp1:
0x3a: {  	_ = 	snop;
	(pc) =	sbr.rel @p0 .LBB2_4-.Ltmp1, $4  }
0x3b: {  	s10 =	sadd.s32 $0x80, s10  }
0x3c: {  	s12 =	sand.u32 $0x70, s11;
	s14 =	sand.u32 $0xC00, s10  }
0x3d: {  	s13 =	smov.u32 s11;
	v6 =	vor.u32 s9, v0;
	s12 =	sor.u32 s12, s14;
	vm1 =	vgt.f32 v5, v4  }
0x3e: {  	s11 =	sadd.s32 $0x10, s11;
	s9 =	smov.u32 s13;
	v4 =	vsel vm1, v5, v4;
	v5 =	vld [tilespmem:s12+$0x80];
	v3 =	vsel vm1, v6, v3  }
0x3f: {  	_ =	sdelay $0x3  }
0x40: {  	vm1 =	vgt.f32 v5, v4  }
0x41: {  	v4 =	vsel vm1, v5, v4  }
0x42: {  	[tilespmem:$0x4080] =	vst v4  }
0x43: {  	v5 =	vld [tilespmem:$0x4088];
	_ =	sdelay $0x4  }
0x44: {  	v5 =	vmax.f32 v4, v5  }
0x45: {  	[tilespmem:$0x4080] =	vst v5  }
0x46: {  	v6 =	vld [tilespmem:$0x4084];
	_ =	sdelay $0x4  }
0x47: {  	v5 =	vmax.f32 v5, v6  }
0x48: {  	[tilespmem:$0x4080] =	vst v5  }
0x49: {  	v6 =	vld [tilespmem:$0x4082];
	_ =	sdelay $0x4  }
0x4a: {  	v5 =	vmax.f32 v5, v6  }
0x4b: {  	[tilespmem:$0x4080] =	vst v5  }
0x4c: {  	v6 =	vld [tilespmem:$0x4081];
	_ =	sdelay $0x4  }
0x4d: {  	v5 =	vmax.f32 v5, v6  }
0x4e: {  	v5 =	vbroadcast v5, $0x0  }
0x4f: {  	v6 =	vor.u32 s9, v0  }
0x50: {  	v3 =	vsel vm1, v6, v3;
	vm1 =	veq.f32 v4, v5  }
0x51: {  	v3 =	vnsel vm1, $0x200, v3  }
0x52: {  	[tilespmem:$0x4100] =	vst v3  }
0x53: {  	v4 =	vld [tilespmem:$0x4108];
	_ =	sdelay $0x4  }
0x54: {  	vm1 =	vlt.s32 v3, v4  }
0x55: {  	v3 =	vsel vm1, v3, v4  }
0x56: {  	[tilespmem:$0x4100] =	vst v3  }
0x57: {  	v4 =	vld [tilespmem:$0x4104];
	_ =	sdelay $0x4  }
0x58: {  	vm1 =	vlt.s32 v3, v4  }
0x59: {  	v3 =	vsel vm1, v3, v4  }
0x5a: {  	[tilespmem:$0x4100] =	vst v3  }
0x5b: {  	v4 =	vld [tilespmem:$0x4102];
	_ =	sdelay $0x4  }
0x5c: {  	vm1 =	vlt.s32 v3, v4  }
0x5d: {  	s10 =	simm.s32 $0x80;
	s9 =	simm.s32 $0x10;
	v3 =	vsel vm1, v3, v4  }
0x5e: {  	s12 =	sand.u32 $0xC00, s10;
	s11 =	sand.u32 $0x70, s9;
	v6 =	vld [tilespmem:$0x100];
	[tilespmem:$0x4100] =	vst v3  }
0x5f: {  	s12 =	sor.u32 s11, s12;
	v4 =	vld [tilespmem:$0x4101]  }
0x60: {  	s11 =	simm.s32 $0x20;
	v5 =	vlaneseq.u32;
	v7 =	vld [tilespmem:s12+$0x100]  }
.LBB2_6:
0x61: {  	p0 =	sne.s32 s11, $0x1F0  }
.Ltmp2:
0x62: {  	_ = 	snop;
	(pc) =	sbr.rel @p0 .LBB2_6-.Ltmp2, $4  }
0x63: {  	s10 =	sadd.s32 $0x80, s10  }
0x64: {  	s12 =	sand.u32 $0x70, s11;
	s14 =	sand.u32 $0xC00, s10  }
0x65: {  	s13 =	smov.u32 s11;
	v8 =	vor.u32 s9, v0;
	s12 =	sor.u32 s12, s14;
	vm1 =	vgt.f32 v7, v6  }
0x66: {  	s11 =	sadd.s32 $0x10, s11;
	s9 =	smov.u32 s13;
	v6 =	vsel vm1, v7, v6;
	v7 =	vld [tilespmem:s12+$0x100];
	v5 =	vsel vm1, v8, v5  }
0x67: {  	_ =	sdelay $0x3  }
0x68: {  	vm1 =	vgt.f32 v7, v6  }
0x69: {  	v6 =	vsel vm1, v7, v6  }
0x6a: {  	[tilespmem:$0x4080] =	vst v6  }
0x6b: {  	v7 =	vld [tilespmem:$0x4088];
	_ =	sdelay $0x4  }
0x6c: {  	v7 =	vmax.f32 v6, v7  }
0x6d: {  	[tilespmem:$0x4080] =	vst v7  }
0x6e: {  	v8 =	vld [tilespmem:$0x4084];
	_ =	sdelay $0x4  }
0x6f: {  	v7 =	vmax.f32 v7, v8  }
0x70: {  	[tilespmem:$0x4080] =	vst v7  }
0x71: {  	v8 =	vld [tilespmem:$0x4082];
	_ =	sdelay $0x4  }
0x72: {  	v7 =	vmax.f32 v7, v8  }
0x73: {  	[tilespmem:$0x4080] =	vst v7  }
0x74: {  	v8 =	vld [tilespmem:$0x4081];
	_ =	sdelay $0x4  }
0x75: {  	v7 =	vmax.f32 v7, v8  }
0x76: {  	v7 =	vbroadcast v7, $0x0  }
0x77: {  	v8 =	vor.u32 s9, v0  }
0x78: {  	v5 =	vsel vm1, v8, v5;
	vm1 =	veq.f32 v6, v7  }
0x79: {  	v5 =	vnsel vm1, $0x200, v5  }
0x7a: {  	[tilespmem:$0x4100] =	vst v5  }
0x7b: {  	v6 =	vld [tilespmem:$0x4108];
	_ =	sdelay $0x4  }
0x7c: {  	vm1 =	vlt.s32 v5, v6  }
0x7d: {  	v5 =	vsel vm1, v5, v6  }
0x7e: {  	[tilespmem:$0x4100] =	vst v5  }
0x7f: {  	v6 =	vld [tilespmem:$0x4104];
	_ =	sdelay $0x4  }
0x80: {  	vm1 =	vlt.s32 v5, v6  }
0x81: {  	v5 =	vsel vm1, v5, v6  }
0x82: {  	[tilespmem:$0x4100] =	vst v5  }
0x83: {  	v6 =	vld [tilespmem:$0x4102];
	_ =	sdelay $0x4  }
0x84: {  	vm1 =	vlt.s32 v5, v6  }
0x85: {  	s10 =	simm.s32 $0x80;
	s9 =	simm.s32 $0x10;
	v5 =	vsel vm1, v5, v6  }
0x86: {  	s12 =	sand.u32 $0xC00, s10;
	s11 =	sand.u32 $0x70, s9;
	v8 =	vld [tilespmem:$0x180];
	[tilespmem:$0x4100] =	vst v5  }
0x87: {  	s12 =	sor.u32 s11, s12;
	v6 =	vld [tilespmem:$0x4101]  }
0x88: {  	s11 =	simm.s32 $0x20;
	v7 =	vlaneseq.u32;
	v9 =	vld [tilespmem:s12+$0x180]  }
.LBB2_8:
0x89: {  	p0 =	sne.s32 s11, $0x1F0  }
.Ltmp3:
0x8a: {  	_ = 	snop;
	(pc) =	sbr.rel @p0 .LBB2_8-.Ltmp3, $4  }
0x8b: {  	s10 =	sadd.s32 $0x80, s10  }
0x8c: {  	s12 =	sand.u32 $0x70, s11;
	s14 =	sand.u32 $0xC00, s10  }
0x8d: {  	s13 =	smov.u32 s11;
	v10 =	vor.u32 s9, v0;
	s12 =	sor.u32 s12, s14;
	vm1 =	vgt.f32 v9, v8  }
0x8e: {  	s11 =	sadd.s32 $0x10, s11;
	s9 =	smov.u32 s13;
	v8 =	vsel vm1, v9, v8;
	v9 =	vld [tilespmem:s12+$0x180];
	v7 =	vsel vm1, v10, v7  }
0x8f: {  	_ =	sdelay $0x3  }
0x90: {  	vm1 =	vgt.f32 v9, v8  }
0x91: {  	v8 =	vsel vm1, v9, v8  }
0x92: {  	[tilespmem:$0x4080] =	vst v8  }
0x93: {  	v9 =	vld [tilespmem:$0x4088];
	_ =	sdelay $0x4  }
0x94: {  	v9 =	vmax.f32 v8, v9  }
0x95: {  	[tilespmem:$0x4080] =	vst v9  }
0x96: {  	v10 =	vld [tilespmem:$0x4084];
	_ =	sdelay $0x4  }
0x97: {  	v9 =	vmax.f32 v9, v10  }
0x98: {  	[tilespmem:$0x4080] =	vst v9  }
0x99: {  	v10 =	vld [tilespmem:$0x4082];
	_ =	sdelay $0x4  }
0x9a: {  	v9 =	vmax.f32 v9, v10  }
0x9b: {  	[tilespmem:$0x4080] =	vst v9  }
0x9c: {  	v10 =	vld [tilespmem:$0x4081];
	_ =	sdelay $0x4  }
0x9d: {  	v9 =	vmax.f32 v9, v10  }
0x9e: {  	v9 =	vbroadcast v9, $0x0  }
0x9f: {  	v10 =	vor.u32 s9, v0  }
0xa0: {  	v7 =	vsel vm1, v10, v7;
	vm1 =	veq.f32 v8, v9  }
0xa1: {  	v7 =	vnsel vm1, $0x200, v7  }
0xa2: {  	[tilespmem:$0x4100] =	vst v7  }
0xa3: {  	v8 =	vld [tilespmem:$0x4108];
	_ =	sdelay $0x4  }
0xa4: {  	vm1 =	vlt.s32 v7, v8  }
0xa5: {  	v7 =	vsel vm1, v7, v8  }
0xa6: {  	[tilespmem:$0x4100] =	vst v7  }
0xa7: {  	v8 =	vld [tilespmem:$0x4104];
	_ =	sdelay $0x4  }
0xa8: {  	vm1 =	vlt.s32 v7, v8  }
0xa9: {  	v7 =	vsel vm1, v7, v8  }
0xaa: {  	[tilespmem:$0x4100] =	vst v7  }
0xab: {  	v8 =	vld [tilespmem:$0x4102];
	_ =	sdelay $0x4  }
0xac: {  	vm1 =	vlt.s32 v7, v8  }
0xad: {  	s10 =	simm.s32 $0x80;
	s9 =	simm.s32 $0x10;
	v7 =	vsel vm1, v7, v8  }
0xae: {  	s12 =	sand.u32 $0xC00, s10;
	s11 =	sand.u32 $0x70, s9;
	v10 =	vld [tilespmem:$0x200];
	[tilespmem:$0x4100] =	vst v7  }
0xaf: {  	s12 =	sor.u32 s11, s12;
	v8 =	vld [tilespmem:$0x4101]  }
0xb0: {  	s11 =	simm.s32 $0x20;
	v9 =	vlaneseq.u32;
	v11 =	vld [tilespmem:s12+$0x200]  }
.LBB2_10:
0xb1: {  	p0 =	sne.s32 s11, $0x1F0  }
.Ltmp4:
0xb2: {  	_ = 	snop;
	(pc) =	sbr.rel @p0 .LBB2_10-.Ltmp4, $4  }
0xb3: {  	s10 =	sadd.s32 $0x80, s10  }
0xb4: {  	s12 =	sand.u32 $0x70, s11;
	s14 =	sand.u32 $0xC00, s10  }
0xb5: {  	s13 =	smov.u32 s11;
	v12 =	vor.u32 s9, v0;
	s12 =	sor.u32 s12, s14;
	vm1 =	vgt.f32 v11, v10  }
0xb6: {  	s11 =	sadd.s32 $0x10, s11;
	s9 =	smov.u32 s13;
	v10 =	vsel vm1, v11, v10;
	v11 =	vld [tilespmem:s12+$0x200];
	v9 =	vsel vm1, v12, v9  }
0xb7: {  	_ =	sdelay $0x3  }
0xb8: {  	vm1 =	vgt.f32 v11, v10  }
0xb9: {  	v10 =	vsel vm1, v11, v10  }
0xba: {  	[tilespmem:$0x4080] =	vst v10  }
0xbb: {  	v11 =	vld [tilespmem:$0x4088];
	_ =	sdelay $0x4  }
0xbc: {  	v11 =	vmax.f32 v10, v11  }
0xbd: {  	[tilespmem:$0x4080] =	vst v11  }
0xbe: {  	v12 =	vld [tilespmem:$0x4084];
	_ =	sdelay $0x4  }
0xbf: {  	v11 =	vmax.f32 v11, v12  }
0xc0: {  	[tilespmem:$0x4080] =	vst v11  }
0xc1: {  	v12 =	vld [tilespmem:$0x4082];
	_ =	sdelay $0x4  }
0xc2: {  	v11 =	vmax.f32 v11, v12  }
0xc3: {  	[tilespmem:$0x4080] =	vst v11  }
0xc4: {  	v12 =	vld [tilespmem:$0x4081];
	_ =	sdelay $0x4  }
0xc5: {  	v11 =	vmax.f32 v11, v12  }
0xc6: {  	v11 =	vbroadcast v11, $0x0  }
0xc7: {  	v12 =	vor.u32 s9, v0  }
0xc8: {  	v9 =	vsel vm1, v12, v9;
	vm1 =	veq.f32 v10, v11  }
0xc9: {  	v9 =	vnsel vm1, $0x200, v9  }
0xca: {  	[tilespmem:$0x4100] =	vst v9  }
0xcb: {  	v10 =	vld [tilespmem:$0x4108];
	_ =	sdelay $0x4  }
0xcc: {  	vm1 =	vlt.s32 v9, v10  }
0xcd: {  	v9 =	vsel vm1, v9, v10  }
0xce: {  	[tilespmem:$0x4100] =	vst v9  }
0xcf: {  	v10 =	vld [tilespmem:$0x4104];
	_ =	sdelay $0x4  }
0xd0: {  	vm1 =	vlt.s32 v9, v10  }
0xd1: {  	v9 =	vsel vm1, v9, v10  }
0xd2: {  	[tilespmem:$0x4100] =	vst v9  }
0xd3: {  	v10 =	vld [tilespmem:$0x4102];
	_ =	sdelay $0x4  }
0xd4: {  	vm1 =	vlt.s32 v9, v10  }
0xd5: {  	s10 =	simm.s32 $0x80;
	s9 =	simm.s32 $0x10;
	v9 =	vsel vm1, v9, v10  }
0xd6: {  	s12 =	sand.u32 $0xC00, s10;
	s11 =	sand.u32 $0x70, s9;
	v12 =	vld [tilespmem:$0x280];
	[tilespmem:$0x4100] =	vst v9  }
0xd7: {  	s12 =	sor.u32 s11, s12;
	v10 =	vld [tilespmem:$0x4101]  }
0xd8: {  	s11 =	simm.s32 $0x20;
	v11 =	vlaneseq.u32;
	v13 =	vld [tilespmem:s12+$0x280]  }
.LBB2_12:
0xd9: {  	p0 =	sne.s32 s11, $0x1F0  }
.Ltmp5:
0xda: {  	_ = 	snop;
	(pc) =	sbr.rel @p0 .LBB2_12-.Ltmp5, $4  }
0xdb: {  	s10 =	sadd.s32 $0x80, s10  }
0xdc: {  	s12 =	sand.u32 $0x70, s11;
	s14 =	sand.u32 $0xC00, s10  }
0xdd: {  	s13 =	smov.u32 s11;
	v14 =	vor.u32 s9, v0;
	s12 =	sor.u32 s12, s14;
	vm1 =	vgt.f32 v13, v12  }
0xde: {  	s11 =	sadd.s32 $0x10, s11;
	s9 =	smov.u32 s13;
	v12 =	vsel vm1, v13, v12;
	v13 =	vld [tilespmem:s12+$0x280];
	v11 =	vsel vm1, v14, v11  }
0xdf: {  	_ =	sdelay $0x3  }
0xe0: {  	vm1 =	vgt.f32 v13, v12  }
0xe1: {  	v12 =	vsel vm1, v13, v12  }
0xe2: {  	[tilespmem:$0x4080] =	vst v12  }
0xe3: {  	v13 =	vld [tilespmem:$0x4088];
	_ =	sdelay $0x4  }
0xe4: {  	v13 =	vmax.f32 v12, v13  }
0xe5: {  	[tilespmem:$0x4080] =	vst v13  }
0xe6: {  	v14 =	vld [tilespmem:$0x4084];
	_ =	sdelay $0x4  }
0xe7: {  	v13 =	vmax.f32 v13, v14  }
0xe8: {  	[tilespmem:$0x4080] =	vst v13  }
0xe9: {  	v14 =	vld [tilespmem:$0x4082];
	_ =	sdelay $0x4  }
0xea: {  	v13 =	vmax.f32 v13, v14  }
0xeb: {  	[tilespmem:$0x4080] =	vst v13  }
0xec: {  	v14 =	vld [tilespmem:$0x4081];
	_ =	sdelay $0x4  }
0xed: {  	v13 =	vmax.f32 v13, v14  }
0xee: {  	v13 =	vbroadcast v13, $0x0  }
0xef: {  	v14 =	vor.u32 s9, v0  }
0xf0: {  	v11 =	vsel vm1, v14, v11;
	vm1 =	veq.f32 v12, v13  }
0xf1: {  	v11 =	vnsel vm1, $0x200, v11  }
0xf2: {  	[tilespmem:$0x4100] =	vst v11  }
0xf3: {  	v12 =	vld [tilespmem:$0x4108];
	_ =	sdelay $0x4  }
0xf4: {  	vm1 =	vlt.s32 v11, v12  }
0xf5: {  	v11 =	vsel vm1, v11, v12  }
0xf6: {  	[tilespmem:$0x4100] =	vst v11  }
0xf7: {  	v12 =	vld [tilespmem:$0x4104];
	_ =	sdelay $0x4  }
0xf8: {  	vm1 =	vlt.s32 v11, v12  }
0xf9: {  	v11 =	vsel vm1, v11, v12  }
0xfa: {  	[tilespmem:$0x4100] =	vst v11  }
0xfb: {  	v12 =	vld [tilespmem:$0x4102];
	_ =	sdelay $0x4  }
0xfc: {  	vm1 =	vlt.s32 v11, v12  }
0xfd: {  	s10 =	simm.s32 $0x80;
	s9 =	simm.s32 $0x10;
	v11 =	vsel vm1, v11, v12  }
0xfe: {  	s12 =	sand.u32 $0xC00, s10;
	s11 =	sand.u32 $0x70, s9;
	v14 =	vld [tilespmem:$0x300];
	[tilespmem:$0x4100] =	vst v11  }
0xff: {  	s12 =	sor.u32 s11, s12;
	v12 =	vld [tilespmem:$0x4101]  }
0x100: {  	s11 =	simm.s32 $0x20;
	v13 =	vlaneseq.u32;
	v15 =	vld [tilespmem:s12+$0x300]  }
.LBB2_14:
0x101: {  	p0 =	sne.s32 s11, $0x1F0  }
.Ltmp6:
0x102: {  	_ = 	snop;
	(pc) =	sbr.rel @p0 .LBB2_14-.Ltmp6, $4  }
0x103: {  	s10 =	sadd.s32 $0x80, s10  }
0x104: {  	s12 =	sand.u32 $0x70, s11;
	s14 =	sand.u32 $0xC00, s10  }
0x105: {  	s13 =	smov.u32 s11;
	v16 =	vor.u32 s9, v0;
	s12 =	sor.u32 s12, s14;
	vm1 =	vgt.f32 v15, v14  }
0x106: {  	s11 =	sadd.s32 $0x10, s11;
	s9 =	smov.u32 s13;
	v14 =	vsel vm1, v15, v14;
	v15 =	vld [tilespmem:s12+$0x300];
	v13 =	vsel vm1, v16, v13  }
0x107: {  	_ =	sdelay $0x3  }
0x108: {  	vm1 =	vgt.f32 v15, v14  }
0x109: {  	v14 =	vsel vm1, v15, v14  }
0x10a: {  	[tilespmem:$0x4080] =	vst v14  }
0x10b: {  	v15 =	vld [tilespmem:$0x4088];
	_ =	sdelay $0x4  }
0x10c: {  	v15 =	vmax.f32 v14, v15  }
0x10d: {  	[tilespmem:$0x4080] =	vst v15  }
0x10e: {  	v16 =	vld [tilespmem:$0x4084];
	_ =	sdelay $0x4  }
0x10f: {  	v15 =	vmax.f32 v15, v16  }
0x110: {  	[tilespmem:$0x4080] =	vst v15  }
0x111: {  	v16 =	vld [tilespmem:$0x4082];
	_ =	sdelay $0x4  }
0x112: {  	v15 =	vmax.f32 v15, v16  }
0x113: {  	[tilespmem:$0x4080] =	vst v15  }
0x114: {  	v16 =	vld [tilespmem:$0x4081];
	_ =	sdelay $0x4  }
0x115: {  	v15 =	vmax.f32 v15, v16  }
0x116: {  	v15 =	vbroadcast v15, $0x0  }
0x117: {  	v16 =	vor.u32 s9, v0  }
0x118: {  	v13 =	vsel vm1, v16, v13;
	vm1 =	veq.f32 v14, v15  }
0x119: {  	v13 =	vnsel vm1, $0x200, v13  }
0x11a: {  	[tilespmem:$0x4100] =	vst v13  }
0x11b: {  	v14 =	vld [tilespmem:$0x4108];
	_ =	sdelay $0x4  }
0x11c: {  	vm1 =	vlt.s32 v13, v14  }
0x11d: {  	v13 =	vsel vm1, v13, v14  }
0x11e: {  	[tilespmem:$0x4100] =	vst v13  }
0x11f: {  	v14 =	vld [tilespmem:$0x4104];
	_ =	sdelay $0x4  }
0x120: {  	vm1 =	vlt.s32 v13, v14  }
0x121: {  	v13 =	vsel vm1, v13, v14  }
0x122: {  	[tilespmem:$0x4100] =	vst v13  }
0x123: {  	v14 =	vld [tilespmem:$0x4102];
	_ =	sdelay $0x4  }
0x124: {  	s10 =	simm.s32 $0x80;
	s9 =	simm.s32 $0x10;
	vm1 =	vlt.s32 v13, v14  }
0x125: {  	s10 =	sor.u32 s10, s9;
	v13 =	vsel vm1, v13, v14  }
0x126: {  	v16 =	vld [tilespmem:$0x380];
	s11 =	sor.u32 $0x380, s10;
	[tilespmem:$0x4100] =	vst v13  }
0x127: {  	v17 =	vld [tilespmem:s11+$0x0];
	_ =	sdelay $0x1  }
0x128: {  	s10 =	simm.s32 $0x20;
	v15 =	vlaneseq.u32;
	v14 =	vld [tilespmem:$0x4101];
	s11 =	simm.s32 $0x100  }
.LBB2_16:
0x129: {  	s12 =	sor.u32 s11, s10  }
0x12a: {  	p0 =	sne.s32 s10, $0x1F0;
	s13 =	smov.u32 s10;
	s10 =	sadd.s32 $0x10, s10  }
.Ltmp7:
0x12b: {  	v18 =	vor.u32 s9, v0;
	s12 =	sor.u32 $0x380, s12;
	vm1 =	vgt.f32 v17, v16;
	s9 =	smov.u32 s13;
	(pc) =	sbr.rel @p0 .LBB2_16-.Ltmp7, $2  }
0x12c: {  	v16 =	vsel vm1, v17, v16;
	v17 =	vld [tilespmem:s12+$0x0];
	v15 =	vsel vm1, v18, v15;
	_ =	sdelay $0x2  }
0x12d: {  	s11 =	sadd.s32 $0x80, s11  }
0x12e: {  	_ = 	snop  }
0x12f: {  	vm1 =	vgt.f32 v17, v16  }
0x130: {  	v16 =	vsel vm1, v17, v16  }
0x131: {  	[tilespmem:$0x4080] =	vst v16  }
0x132: {  	v17 =	vld [tilespmem:$0x4088];
	_ =	sdelay $0x4  }
0x133: {  	v17 =	vmax.f32 v16, v17  }
0x134: {  	[tilespmem:$0x4080] =	vst v17  }
0x135: {  	v18 =	vld [tilespmem:$0x4084];
	_ =	sdelay $0x4  }
0x136: {  	v17 =	vmax.f32 v17, v18  }
0x137: {  	[tilespmem:$0x4080] =	vst v17  }
0x138: {  	v18 =	vld [tilespmem:$0x4082];
	_ =	sdelay $0x4  }
0x139: {  	v17 =	vmax.f32 v17, v18  }
0x13a: {  	[tilespmem:$0x4080] =	vst v17  }
0x13b: {  	v18 =	vld [tilespmem:$0x4081];
	_ =	sdelay $0x4  }
0x13c: {  	v17 =	vmax.f32 v17, v18  }
0x13d: {  	v17 =	vbroadcast v17, $0x0  }
0x13e: {  	v18 =	vor.u32 s9, v0  }
0x13f: {  	v15 =	vsel vm1, v18, v15;
	vm1 =	veq.f32 v16, v17  }
0x140: {  	v15 =	vnsel vm1, $0x200, v15  }
0x141: {  	[tilespmem:$0x4100] =	vst v15  }
0x142: {  	v16 =	vld [tilespmem:$0x4108];
	_ =	sdelay $0x4  }
0x143: {  	vm1 =	vlt.s32 v15, v16  }
0x144: {  	v15 =	vsel vm1, v15, v16  }
0x145: {  	[tilespmem:$0x4100] =	vst v15  }
0x146: {  	v16 =	vld [tilespmem:$0x4104];
	_ =	sdelay $0x4  }
0x147: {  	vm1 =	vlt.s32 v15, v16  }
0x148: {  	v15 =	vsel vm1, v15, v16  }
0x149: {  	[tilespmem:$0x4100] =	vst v15  }
0x14a: {  	v16 =	vld [tilespmem:$0x4102];
	_ =	sdelay $0x4  }
0x14b: {  	vm1 =	vlt.s32 v15, v16  }
0x14c: {  	s10 =	simm.s32 $0x80;
	s9 =	simm.s32 $0x10;
	v15 =	vsel vm1, v15, v16  }
0x14d: {  	s12 =	sand.u32 $0xC00, s10;
	s11 =	sand.u32 $0x70, s9;
	v18 =	vld [tilespmem:$0x1000];
	[tilespmem:$0x4100] =	vst v15  }
0x14e: {  	s12 =	sor.u32 s11, s12;
	v16 =	vld [tilespmem:$0x4101]  }
0x14f: {  	s11 =	simm.s32 $0x20;
	v17 =	vlaneseq.u32;
	v19 =	vld [tilespmem:s12+$0x1000]  }
.LBB2_18:
0x150: {  	p0 =	sne.s32 s11, $0x1F0  }
.Ltmp8:
0x151: {  	_ = 	snop;
	(pc) =	sbr.rel @p0 .LBB2_18-.Ltmp8, $4  }
0x152: {  	s10 =	sadd.s32 $0x80, s10  }
0x153: {  	s12 =	sand.u32 $0x70, s11;
	s14 =	sand.u32 $0xC00, s10  }
0x154: {  	s13 =	smov.u32 s11;
	v20 =	vor.u32 s9, v0;
	s12 =	sor.u32 s12, s14;
	vm1 =	vgt.f32 v19, v18  }
0x155: {  	s11 =	sadd.s32 $0x10, s11;
	s9 =	smov.u32 s13;
	v18 =	vsel vm1, v19, v18;
	v19 =	vld [tilespmem:s12+$0x1000];
	v17 =	vsel vm1, v20, v17  }
0x156: {  	_ =	sdelay $0x3  }
0x157: {  	vm1 =	vgt.f32 v19, v18  }
0x158: {  	v18 =	vsel vm1, v19, v18  }
0x159: {  	[tilespmem:$0x4080] =	vst v18  }
0x15a: {  	v19 =	vld [tilespmem:$0x4088];
	_ =	sdelay $0x4  }
0x15b: {  	v19 =	vmax.f32 v18, v19  }
0x15c: {  	[tilespmem:$0x4080] =	vst v19  }
0x15d: {  	v20 =	vld [tilespmem:$0x4084];
	_ =	sdelay $0x4  }
0x15e: {  	v19 =	vmax.f32 v19, v20  }
0x15f: {  	[tilespmem:$0x4080] =	vst v19  }
0x160: {  	v20 =	vld [tilespmem:$0x4082];
	_ =	sdelay $0x4  }
0x161: {  	v19 =	vmax.f32 v19, v20  }
0x162: {  	[tilespmem:$0x4080] =	vst v19  }
0x163: {  	v20 =	vld [tilespmem:$0x4081];
	_ =	sdelay $0x4  }
0x164: {  	v19 =	vmax.f32 v19, v20  }
0x165: {  	v19 =	vbroadcast v19, $0x0  }
0x166: {  	v20 =	vor.u32 s9, v0  }
0x167: {  	v17 =	vsel vm1, v20, v17;
	vm1 =	veq.f32 v18, v19  }
0x168: {  	v17 =	vnsel vm1, $0x200, v17  }
0x169: {  	[tilespmem:$0x4100] =	vst v17  }
0x16a: {  	v18 =	vld [tilespmem:$0x4108];
	_ =	sdelay $0x4  }
0x16b: {  	vm1 =	vlt.s32 v17, v18  }
0x16c: {  	v17 =	vsel vm1, v17, v18  }
0x16d: {  	[tilespmem:$0x4100] =	vst v17  }
0x16e: {  	v18 =	vld [tilespmem:$0x4104];
	_ =	sdelay $0x4  }
0x16f: {  	vm1 =	vlt.s32 v17, v18  }
0x170: {  	v17 =	vsel vm1, v17, v18  }
0x171: {  	[tilespmem:$0x4100] =	vst v17  }
0x172: {  	v18 =	vld [tilespmem:$0x4102];
	_ =	sdelay $0x4  }
0x173: {  	vm1 =	vlt.s32 v17, v18  }
0x174: {  	s10 =	simm.s32 $0x80;
	s9 =	simm.s32 $0x10;
	v17 =	vsel vm1, v17, v18  }
0x175: {  	s12 =	sand.u32 $0xC00, s10;
	s11 =	sand.u32 $0x70, s9;
	v20 =	vld [tilespmem:$0x1080];
	[tilespmem:$0x4100] =	vst v17  }
0x176: {  	s12 =	sor.u32 s11, s12;
	v18 =	vld [tilespmem:$0x4101]  }
0x177: {  	s11 =	simm.s32 $0x20;
	v19 =	vlaneseq.u32;
	v21 =	vld [tilespmem:s12+$0x1080]  }
.LBB2_20:
0x178: {  	p0 =	sne.s32 s11, $0x1F0  }
.Ltmp9:
0x179: {  	_ = 	snop;
	(pc) =	sbr.rel @p0 .LBB2_20-.Ltmp9, $4  }
0x17a: {  	s10 =	sadd.s32 $0x80, s10  }
0x17b: {  	s12 =	sand.u32 $0x70, s11;
	s14 =	sand.u32 $0xC00, s10  }
0x17c: {  	s13 =	smov.u32 s11;
	v22 =	vor.u32 s9, v0;
	s12 =	sor.u32 s12, s14;
	vm1 =	vgt.f32 v21, v20  }
0x17d: {  	s11 =	sadd.s32 $0x10, s11;
	s9 =	smov.u32 s13;
	v20 =	vsel vm1, v21, v20;
	v21 =	vld [tilespmem:s12+$0x1080];
	v19 =	vsel vm1, v22, v19  }
0x17e: {  	_ =	sdelay $0x3  }
0x17f: {  	vm1 =	vgt.f32 v21, v20  }
0x180: {  	v20 =	vsel vm1, v21, v20  }
0x181: {  	[tilespmem:$0x4080] =	vst v20  }
0x182: {  	v21 =	vld [tilespmem:$0x4088];
	_ =	sdelay $0x4  }
0x183: {  	v21 =	vmax.f32 v20, v21  }
0x184: {  	[tilespmem:$0x4080] =	vst v21  }
0x185: {  	v22 =	vld [tilespmem:$0x4084];
	_ =	sdelay $0x4  }
0x186: {  	v21 =	vmax.f32 v21, v22  }
0x187: {  	[tilespmem:$0x4080] =	vst v21  }
0x188: {  	v22 =	vld [tilespmem:$0x4082];
	_ =	sdelay $0x4  }
0x189: {  	v21 =	vmax.f32 v21, v22  }
0x18a: {  	[tilespmem:$0x4080] =	vst v21  }
0x18b: {  	v22 =	vld [tilespmem:$0x4081];
	_ =	sdelay $0x4  }
0x18c: {  	v21 =	vmax.f32 v21, v22  }
0x18d: {  	v21 =	vbroadcast v21, $0x0  }
0x18e: {  	v22 =	vor.u32 s9, v0  }
0x18f: {  	v19 =	vsel vm1, v22, v19;
	vm1 =	veq.f32 v20, v21  }
0x190: {  	v19 =	vnsel vm1, $0x200, v19  }
0x191: {  	[tilespmem:$0x4100] =	vst v19  }
0x192: {  	v20 =	vld [tilespmem:$0x4108];
	_ =	sdelay $0x4  }
0x193: {  	vm1 =	vlt.s32 v19, v20  }
0x194: {  	v19 =	vsel vm1, v19, v20  }
0x195: {  	[tilespmem:$0x4100] =	vst v19  }
0x196: {  	v20 =	vld [tilespmem:$0x4104];
	_ =	sdelay $0x4  }
0x197: {  	vm1 =	vlt.s32 v19, v20  }
0x198: {  	v19 =	vsel vm1, v19, v20  }
0x199: {  	[tilespmem:$0x4100] =	vst v19  }
0x19a: {  	v20 =	vld [tilespmem:$0x4102];
	_ =	sdelay $0x4  }
0x19b: {  	vm1 =	vlt.s32 v19, v20  }
0x19c: {  	s10 =	simm.s32 $0x80;
	s9 =	simm.s32 $0x10;
	v19 =	vsel vm1, v19, v20  }
0x19d: {  	s12 =	sand.u32 $0xC00, s10;
	s11 =	sand.u32 $0x70, s9;
	v22 =	vld [tilespmem:$0x1100];
	[tilespmem:$0x4100] =	vst v19  }
0x19e: {  	s12 =	sor.u32 s11, s12;
	v20 =	vld [tilespmem:$0x4101]  }
0x19f: {  	s11 =	simm.s32 $0x20;
	v21 =	vlaneseq.u32;
	v23 =	vld [tilespmem:s12+$0x1100]  }
.LBB2_22:
0x1a0: {  	p0 =	sne.s32 s11, $0x1F0  }
.Ltmp10:
0x1a1: {  	_ = 	snop;
	(pc) =	sbr.rel @p0 .LBB2_22-.Ltmp10, $4  }
0x1a2: {  	s10 =	sadd.s32 $0x80, s10  }
0x1a3: {  	s12 =	sand.u32 $0x70, s11;
	s14 =	sand.u32 $0xC00, s10  }
0x1a4: {  	s13 =	smov.u32 s11;
	v24 =	vor.u32 s9, v0;
	s12 =	sor.u32 s12, s14;
	vm1 =	vgt.f32 v23, v22  }
0x1a5: {  	s11 =	sadd.s32 $0x10, s11;
	s9 =	smov.u32 s13;
	v22 =	vsel vm1, v23, v22;
	v23 =	vld [tilespmem:s12+$0x1100];
	v21 =	vsel vm1, v24, v21  }
0x1a6: {  	_ =	sdelay $0x3  }
0x1a7: {  	vm1 =	vgt.f32 v23, v22  }
0x1a8: {  	v22 =	vsel vm1, v23, v22  }
0x1a9: {  	[tilespmem:$0x4080] =	vst v22  }
0x1aa: {  	v23 =	vld [tilespmem:$0x4088];
	_ =	sdelay $0x4  }
0x1ab: {  	v23 =	vmax.f32 v22, v23  }
0x1ac: {  	[tilespmem:$0x4080] =	vst v23  }
0x1ad: {  	v24 =	vld [tilespmem:$0x4084];
	_ =	sdelay $0x4  }
0x1ae: {  	v23 =	vmax.f32 v23, v24  }
0x1af: {  	[tilespmem:$0x4080] =	vst v23  }
0x1b0: {  	v24 =	vld [tilespmem:$0x4082];
	_ =	sdelay $0x4  }
0x1b1: {  	v23 =	vmax.f32 v23, v24  }
0x1b2: {  	[tilespmem:$0x4080] =	vst v23  }
0x1b3: {  	v24 =	vld [tilespmem:$0x4081];
	_ =	sdelay $0x4  }
0x1b4: {  	v23 =	vmax.f32 v23, v24  }
0x1b5: {  	v23 =	vbroadcast v23, $0x0  }
0x1b6: {  	v24 =	vor.u32 s9, v0  }
0x1b7: {  	v21 =	vsel vm1, v24, v21;
	vm1 =	veq.f32 v22, v23  }
0x1b8: {  	v21 =	vnsel vm1, $0x200, v21  }
0x1b9: {  	[tilespmem:$0x4100] =	vst v21  }
0x1ba: {  	v22 =	vld [tilespmem:$0x4108];
	_ =	sdelay $0x4  }
0x1bb: {  	vm1 =	vlt.s32 v21, v22  }
0x1bc: {  	v21 =	vsel vm1, v21, v22  }
0x1bd: {  	[tilespmem:$0x4100] =	vst v21  }
0x1be: {  	v22 =	vld [tilespmem:$0x4104];
	_ =	sdelay $0x4  }
0x1bf: {  	vm1 =	vlt.s32 v21, v22  }
0x1c0: {  	v21 =	vsel vm1, v21, v22  }
0x1c1: {  	[tilespmem:$0x4100] =	vst v21  }
0x1c2: {  	v22 =	vld [tilespmem:$0x4102];
	_ =	sdelay $0x4  }
0x1c3: {  	vm1 =	vlt.s32 v21, v22  }
0x1c4: {  	s10 =	simm.s32 $0x80;
	s9 =	simm.s32 $0x10;
	v21 =	vsel vm1, v21, v22  }
0x1c5: {  	s12 =	sand.u32 $0xC00, s10;
	s11 =	sand.u32 $0x70, s9;
	v24 =	vld [tilespmem:$0x1180];
	[tilespmem:$0x4100] =	vst v21  }
0x1c6: {  	s12 =	sor.u32 s11, s12;
	v22 =	vld [tilespmem:$0x4101]  }
0x1c7: {  	s11 =	simm.s32 $0x20;
	v23 =	vlaneseq.u32;
	v25 =	vld [tilespmem:s12+$0x1180]  }
.LBB2_24:
0x1c8: {  	p0 =	sne.s32 s11, $0x1F0  }
.Ltmp11:
0x1c9: {  	_ = 	snop;
	(pc) =	sbr.rel @p0 .LBB2_24-.Ltmp11, $4  }
0x1ca: {  	s10 =	sadd.s32 $0x80, s10  }
0x1cb: {  	s12 =	sand.u32 $0x70, s11;
	s14 =	sand.u32 $0xC00, s10  }
0x1cc: {  	s13 =	smov.u32 s11;
	v26 =	vor.u32 s9, v0;
	s12 =	sor.u32 s12, s14;
	vm1 =	vgt.f32 v25, v24  }
0x1cd: {  	s11 =	sadd.s32 $0x10, s11;
	s9 =	smov.u32 s13;
	v24 =	vsel vm1, v25, v24;
	v25 =	vld [tilespmem:s12+$0x1180];
	v23 =	vsel vm1, v26, v23  }
0x1ce: {  	_ =	sdelay $0x3  }
0x1cf: {  	vm1 =	vgt.f32 v25, v24  }
0x1d0: {  	v24 =	vsel vm1, v25, v24  }
0x1d1: {  	[tilespmem:$0x4080] =	vst v24  }
0x1d2: {  	v25 =	vld [tilespmem:$0x4088];
	_ =	sdelay $0x4  }
0x1d3: {  	v25 =	vmax.f32 v24, v25  }
0x1d4: {  	[tilespmem:$0x4080] =	vst v25  }
0x1d5: {  	v26 =	vld [tilespmem:$0x4084];
	_ =	sdelay $0x4  }
0x1d6: {  	v25 =	vmax.f32 v25, v26  }
0x1d7: {  	[tilespmem:$0x4080] =	vst v25  }
0x1d8: {  	v26 =	vld [tilespmem:$0x4082];
	_ =	sdelay $0x4  }
0x1d9: {  	v25 =	vmax.f32 v25, v26  }
0x1da: {  	[tilespmem:$0x4080] =	vst v25  }
0x1db: {  	v26 =	vld [tilespmem:$0x4081];
	_ =	sdelay $0x4  }
0x1dc: {  	v25 =	vmax.f32 v25, v26  }
0x1dd: {  	v25 =	vbroadcast v25, $0x0  }
0x1de: {  	v26 =	vor.u32 s9, v0  }
0x1df: {  	v23 =	vsel vm1, v26, v23;
	vm1 =	veq.f32 v24, v25  }
0x1e0: {  	v23 =	vnsel vm1, $0x200, v23  }
0x1e1: {  	[tilespmem:$0x4100] =	vst v23  }
0x1e2: {  	v24 =	vld [tilespmem:$0x4108];
	_ =	sdelay $0x4  }
0x1e3: {  	vm1 =	vlt.s32 v23, v24  }
0x1e4: {  	v23 =	vsel vm1, v23, v24  }
0x1e5: {  	[tilespmem:$0x4100] =	vst v23  }
0x1e6: {  	v24 =	vld [tilespmem:$0x4104];
	_ =	sdelay $0x4  }
0x1e7: {  	vm1 =	vlt.s32 v23, v24  }
0x1e8: {  	v23 =	vsel vm1, v23, v24  }
0x1e9: {  	[tilespmem:$0x4100] =	vst v23  }
0x1ea: {  	v24 =	vld [tilespmem:$0x4102];
	_ =	sdelay $0x4  }
0x1eb: {  	vm1 =	vlt.s32 v23, v24  }
0x1ec: {  	s10 =	simm.s32 $0x80;
	s9 =	simm.s32 $0x10;
	v23 =	vsel vm1, v23, v24  }
0x1ed: {  	s12 =	sand.u32 $0xC00, s10;
	s11 =	sand.u32 $0x70, s9;
	v26 =	vld [tilespmem:$0x1200];
	[tilespmem:$0x4100] =	vst v23  }
0x1ee: {  	s12 =	sor.u32 s11, s12;
	v24 =	vld [tilespmem:$0x4101]  }
0x1ef: {  	s11 =	simm.s32 $0x20;
	v25 =	vlaneseq.u32;
	v27 =	vld [tilespmem:s12+$0x1200]  }
.LBB2_26:
0x1f0: {  	p0 =	sne.s32 s11, $0x1F0  }
.Ltmp12:
0x1f1: {  	_ = 	snop;
	(pc) =	sbr.rel @p0 .LBB2_26-.Ltmp12, $4  }
0x1f2: {  	s10 =	sadd.s32 $0x80, s10  }
0x1f3: {  	s12 =	sand.u32 $0x70, s11;
	s14 =	sand.u32 $0xC00, s10  }
0x1f4: {  	s13 =	smov.u32 s11;
	v28 =	vor.u32 s9, v0;
	s12 =	sor.u32 s12, s14;
	vm1 =	vgt.f32 v27, v26  }
0x1f5: {  	s11 =	sadd.s32 $0x10, s11;
	s9 =	smov.u32 s13;
	v26 =	vsel vm1, v27, v26;
	v27 =	vld [tilespmem:s12+$0x1200];
	v25 =	vsel vm1, v28, v25  }
0x1f6: {  	_ =	sdelay $0x3  }
0x1f7: {  	vm1 =	vgt.f32 v27, v26  }
0x1f8: {  	v26 =	vsel vm1, v27, v26  }
0x1f9: {  	[tilespmem:$0x4080] =	vst v26  }
0x1fa: {  	v27 =	vld [tilespmem:$0x4088];
	_ =	sdelay $0x4  }
0x1fb: {  	v27 =	vmax.f32 v26, v27  }
0x1fc: {  	[tilespmem:$0x4080] =	vst v27  }
0x1fd: {  	v28 =	vld [tilespmem:$0x4084];
	_ =	sdelay $0x4  }
0x1fe: {  	v27 =	vmax.f32 v27, v28  }
0x1ff: {  	[tilespmem:$0x4080] =	vst v27  }
0x200: {  	v28 =	vld [tilespmem:$0x4082];
	_ =	sdelay $0x4  }
0x201: {  	v27 =	vmax.f32 v27, v28  }
0x202: {  	[tilespmem:$0x4080] =	vst v27  }
0x203: {  	v28 =	vld [tilespmem:$0x4081];
	_ =	sdelay $0x4  }
0x204: {  	v27 =	vmax.f32 v27, v28  }
0x205: {  	v27 =	vbroadcast v27, $0x0  }
0x206: {  	v28 =	vor.u32 s9, v0  }
0x207: {  	v25 =	vsel vm1, v28, v25;
	vm1 =	veq.f32 v26, v27  }
0x208: {  	v25 =	vnsel vm1, $0x200, v25  }
0x209: {  	[tilespmem:$0x4100] =	vst v25  }
0x20a: {  	v26 =	vld [tilespmem:$0x4108];
	_ =	sdelay $0x4  }
0x20b: {  	vm1 =	vlt.s32 v25, v26  }
0x20c: {  	v25 =	vsel vm1, v25, v26  }
0x20d: {  	[tilespmem:$0x4100] =	vst v25  }
0x20e: {  	v26 =	vld [tilespmem:$0x4104];
	_ =	sdelay $0x4  }
0x20f: {  	vm1 =	vlt.s32 v25, v26  }
0x210: {  	v25 =	vsel vm1, v25, v26  }
0x211: {  	[tilespmem:$0x4100] =	vst v25  }
0x212: {  	v26 =	vld [tilespmem:$0x4102];
	_ =	sdelay $0x4  }
0x213: {  	vm1 =	vlt.s32 v25, v26  }
0x214: {  	s10 =	simm.s32 $0x80;
	s9 =	simm.s32 $0x10;
	v25 =	vsel vm1, v25, v26  }
0x215: {  	s12 =	sand.u32 $0xC00, s10;
	s11 =	sand.u32 $0x70, s9;
	v28 =	vld [tilespmem:$0x1280];
	[tilespmem:$0x4100] =	vst v25  }
0x216: {  	s12 =	sor.u32 s11, s12;
	v26 =	vld [tilespmem:$0x4101]  }
0x217: {  	s11 =	simm.s32 $0x20;
	v27 =	vlaneseq.u32;
	v29 =	vld [tilespmem:s12+$0x1280]  }
.LBB2_28:
0x218: {  	p0 =	sne.s32 s11, $0x1F0  }
.Ltmp13:
0x219: {  	_ = 	snop;
	(pc) =	sbr.rel @p0 .LBB2_28-.Ltmp13, $4  }
0x21a: {  	s10 =	sadd.s32 $0x80, s10  }
0x21b: {  	s12 =	sand.u32 $0x70, s11;
	s14 =	sand.u32 $0xC00, s10  }
0x21c: {  	s13 =	smov.u32 s11;
	v30 =	vor.u32 s9, v0;
	s12 =	sor.u32 s12, s14;
	vm1 =	vgt.f32 v29, v28  }
0x21d: {  	s11 =	sadd.s32 $0x10, s11;
	s9 =	smov.u32 s13;
	v28 =	vsel vm1, v29, v28;
	v29 =	vld [tilespmem:s12+$0x1280];
	v27 =	vsel vm1, v30, v27  }
0x21e: {  	_ =	sdelay $0x3  }
0x21f: {  	vm1 =	vgt.f32 v29, v28  }
0x220: {  	v28 =	vsel vm1, v29, v28  }
0x221: {  	[tilespmem:$0x4080] =	vst v28  }
0x222: {  	v29 =	vld [tilespmem:$0x4088];
	_ =	sdelay $0x4  }
0x223: {  	v29 =	vmax.f32 v28, v29  }
0x224: {  	[tilespmem:$0x4080] =	vst v29  }
0x225: {  	v30 =	vld [tilespmem:$0x4084];
	_ =	sdelay $0x4  }
0x226: {  	v29 =	vmax.f32 v29, v30  }
0x227: {  	[tilespmem:$0x4080] =	vst v29  }
0x228: {  	v30 =	vld [tilespmem:$0x4082];
	_ =	sdelay $0x4  }
0x229: {  	v29 =	vmax.f32 v29, v30  }
0x22a: {  	[tilespmem:$0x4080] =	vst v29  }
0x22b: {  	v30 =	vld [tilespmem:$0x4081];
	_ =	sdelay $0x4  }
0x22c: {  	v29 =	vmax.f32 v29, v30  }
0x22d: {  	v29 =	vbroadcast v29, $0x0  }
0x22e: {  	v30 =	vor.u32 s9, v0  }
0x22f: {  	v27 =	vsel vm1, v30, v27;
	vm1 =	veq.f32 v28, v29  }
0x230: {  	v27 =	vnsel vm1, $0x200, v27  }
0x231: {  	[tilespmem:$0x4100] =	vst v27  }
0x232: {  	v28 =	vld [tilespmem:$0x4108];
	_ =	sdelay $0x4  }
0x233: {  	vm1 =	vlt.s32 v27, v28  }
0x234: {  	v27 =	vsel vm1, v27, v28  }
0x235: {  	[tilespmem:$0x4100] =	vst v27  }
0x236: {  	v28 =	vld [tilespmem:$0x4104];
	_ =	sdelay $0x4  }
0x237: {  	vm1 =	vlt.s32 v27, v28  }
0x238: {  	v27 =	vsel vm1, v27, v28  }
0x239: {  	[tilespmem:$0x4100] =	vst v27  }
0x23a: {  	v28 =	vld [tilespmem:$0x4102];
	_ =	sdelay $0x4  }
0x23b: {  	vm1 =	vlt.s32 v27, v28  }
0x23c: {  	s10 =	simm.s32 $0x80;
	s9 =	simm.s32 $0x10;
	v27 =	vsel vm1, v27, v28  }
0x23d: {  	s12 =	sand.u32 $0xC00, s10;
	s11 =	sand.u32 $0x70, s9;
	v30 =	vld [tilespmem:$0x1300];
	[tilespmem:$0x4100] =	vst v27  }
0x23e: {  	s12 =	sor.u32 s11, s12;
	v28 =	vld [tilespmem:$0x4101]  }
0x23f: {  	s11 =	simm.s32 $0x20;
	v29 =	vlaneseq.u32;
	v31 =	vld [tilespmem:s12+$0x1300]  }
.LBB2_30:
0x240: {  	p0 =	sne.s32 s11, $0x1F0  }
.Ltmp14:
0x241: {  	_ = 	snop;
	(pc) =	sbr.rel @p0 .LBB2_30-.Ltmp14, $4  }
0x242: {  	s10 =	sadd.s32 $0x80, s10  }
0x243: {  	s12 =	sand.u32 $0x70, s11;
	s14 =	sand.u32 $0xC00, s10  }
0x244: {  	s13 =	smov.u32 s11;
	v32 =	vor.u32 s9, v0;
	s12 =	sor.u32 s12, s14;
	vm1 =	vgt.f32 v31, v30  }
0x245: {  	s11 =	sadd.s32 $0x10, s11;
	s9 =	smov.u32 s13;
	v30 =	vsel vm1, v31, v30;
	v31 =	vld [tilespmem:s12+$0x1300];
	v29 =	vsel vm1, v32, v29  }
0x246: {  	_ =	sdelay $0x3  }
0x247: {  	vm1 =	vgt.f32 v31, v30  }
0x248: {  	v30 =	vsel vm1, v31, v30  }
0x249: {  	[tilespmem:$0x4080] =	vst v30  }
0x24a: {  	v31 =	vld [tilespmem:$0x4088];
	_ =	sdelay $0x4  }
0x24b: {  	v31 =	vmax.f32 v30, v31  }
0x24c: {  	[tilespmem:$0x4080] =	vst v31  }
0x24d: {  	v32 =	vld [tilespmem:$0x4084];
	_ =	sdelay $0x4  }
0x24e: {  	v31 =	vmax.f32 v31, v32  }
0x24f: {  	[tilespmem:$0x4080] =	vst v31  }
0x250: {  	v61 =	vld [tilespmem:$0x4082];
	_ =	sdelay $0x4  }
0x251: {  	v31 =	vmax.f32 v31, v61  }
0x252: {  	[tilespmem:$0x4080] =	vst v31  }
0x253: {  	v62 =	vld [tilespmem:$0x4081];
	_ =	sdelay $0x4  }
0x254: {  	v31 =	vmax.f32 v31, v62  }
0x255: {  	v31 =	vbroadcast v31, $0x0  }
0x256: {  	v63 =	vor.u32 s9, v0  }
0x257: {  	v29 =	vsel vm1, v63, v29;
	vm1 =	veq.f32 v30, v31  }
0x258: {  	v29 =	vnsel vm1, $0x200, v29  }
0x259: {  	[tilespmem:$0x4100] =	vst v29  }
0x25a: {  	v30 =	vld [tilespmem:$0x4108];
	_ =	sdelay $0x4  }
0x25b: {  	vm1 =	vlt.s32 v29, v30  }
0x25c: {  	v29 =	vsel vm1, v29, v30  }
0x25d: {  	[tilespmem:$0x4100] =	vst v29  }
0x25e: {  	v30 =	vld [tilespmem:$0x4104];
	_ =	sdelay $0x4  }
0x25f: {  	vm1 =	vlt.s32 v29, v30  }
0x260: {  	v29 =	vsel vm1, v29, v30  }
0x261: {  	[tilespmem:$0x4100] =	vst v29  }
0x262: {  	v30 =	vld [tilespmem:$0x4102];
	_ =	sdelay $0x4  }
0x263: {  	vm1 =	vlt.s32 v29, v30  }
0x264: {  	s9 =	simm.s32 $0x10;
	s10 =	simm.s32 $0x80;
	v29 =	vsel vm1, v29, v30  }
0x265: {  	s11 =	sand.u32 $0x70, s9;
	s12 =	sand.u32 $0xC00, s10;
	v32 =	vld [tilespmem:$0x1380];
	[tilespmem:$0x4100] =	vst v29  }
0x266: {  	s12 =	sor.u32 s11, s12;
	v30 =	vld [tilespmem:$0x4101]  }
0x267: {  	s11 =	simm.s32 $0x20;
	v31 =	vlaneseq.u32;
	v33 =	vld [tilespmem:s12+$0x1380]  }
.LBB2_32:
0x268: {  	p0 =	sne.s32 s11, $0x1F0  }
.Ltmp15:
0x269: {  	_ = 	snop;
	(pc) =	sbr.rel @p0 .LBB2_32-.Ltmp15, $4  }
0x26a: {  	s10 =	sadd.s32 $0x80, s10  }
0x26b: {  	s12 =	sand.u32 $0x70, s11;
	s14 =	sand.u32 $0xC00, s10  }
0x26c: {  	s13 =	smov.u32 s11;
	v34 =	vor.u32 s9, v0;
	s12 =	sor.u32 s12, s14;
	vm1 =	vgt.f32 v33, v32  }
0x26d: {  	s11 =	sadd.s32 $0x10, s11;
	s9 =	smov.u32 s13;
	v32 =	vsel vm1, v33, v32;
	v33 =	vld [tilespmem:s12+$0x1380];
	v31 =	vsel vm1, v34, v31  }
0x26e: {  	_ =	sdelay $0x3  }
0x26f: {  	vm1 =	vgt.f32 v33, v32  }
0x270: {  	v32 =	vsel vm1, v33, v32  }
0x271: {  	[tilespmem:$0x4080] =	vst v32  }
0x272: {  	v58 =	vld [tilespmem:$0x4088];
	_ =	sdelay $0x4  }
0x273: {  	v33 =	vmax.f32 v32, v58  }
0x274: {  	[tilespmem:$0x4080] =	vst v33  }
0x275: {  	v34 =	vld [tilespmem:$0x4084];
	_ =	sdelay $0x4  }
0x276: {  	v33 =	vmax.f32 v33, v34  }
0x277: {  	[tilespmem:$0x4080] =	vst v33  }
0x278: {  	v59 =	vld [tilespmem:$0x4082];
	_ =	sdelay $0x4  }
0x279: {  	v33 =	vmax.f32 v33, v59  }
0x27a: {  	[tilespmem:$0x4080] =	vst v33  }
0x27b: {  	v60 =	vld [tilespmem:$0x4081];
	_ =	sdelay $0x4  }
0x27c: {  	v33 =	vmax.f32 v33, v60  }
0x27d: {  	v33 =	vbroadcast v33, $0x0  }
0x27e: {  	v61 =	vor.u32 s9, v0  }
0x27f: {  	v31 =	vsel vm1, v61, v31;
	vm1 =	veq.f32 v32, v33  }
0x280: {  	v31 =	vnsel vm1, $0x200, v31  }
0x281: {  	[tilespmem:$0x4100] =	vst v31  }
0x282: {  	v62 =	vld [tilespmem:$0x4108];
	_ =	sdelay $0x4  }
0x283: {  	vm1 =	vlt.s32 v3, v4;
	vm2 =	vlt.s32 v31, v62  }
0x284: {  	v3 =	vsel vm1, v3, v4;
	v4 =	vsel vm2, v31, v62  }
0x285: {  	vm1 =	vlt.s32 v1, v2;
	v3 =	vbroadcast v3, $0x0;
	vm2 =	vlt.s32 v5, v6;
	[tilespmem:$0x4100] =	vst v4  }
0x286: {  	v1 =	vsel vm1, v1, v2;
	vm1 =	vlt.s32 v7, v8;
	v2 =	vsel vm2, v5, v6;
	v5 =	vld [tilespmem:$0x4104]  }
0x287: {  	v1 =	vsel vm15, v3, v1;
	v3 =	vsel vm1, v7, v8;
	v2 =	vbroadcast v2, $0x0  }
0x288: {  	vm4 =	vmmov $0x3;
	v3 =	vbroadcast v3, $0x0  }
0x289: {  	vm3 =	vlt.s32 v13, v14;
	vm1 =	vlt.s32 v9, v10;
	v1 =	vsel vm4, v1, v2  }
0x28a: {  	vm2 =	vlt.s32 v11, v12;
	v2 =	vsel vm1, v9, v10;
	v1 =	vsel vm6, v1, v3  }
0x28b: {  	v2 =	vbroadcast v2, $0x0;
	v3 =	vsel vm2, v11, v12;
	vm2 =	vlt.s32 v4, v5  }
0x28c: {  	vm1 =	vmmov $0xf;
	v3 =	vbroadcast v3, $0x0;
	v4 =	vsel vm2, v4, v5  }
0x28d: {  	v1 =	vsel vm1, v1, v2;
	v2 =	vsel vm3, v13, v14;
	vm2 =	vmmov $0x1f;
	[tilespmem:$0x4100] =	vst v4  }
0x28e: {  	vm3 =	vlt.s32 v15, v16;
	v2 =	vbroadcast v2, $0x0;
	v1 =	vsel vm2, v1, v3;
	v3 =	vld [tilespmem:$0x4102]  }
0x28f: {  	v5 =	vsel vm3, v15, v16  }
0x290: {  	vm3 =	vlt.s32 v17, v18;
	v1 =	vsel vm7, v1, v2;
	v2 =	vbroadcast v5, $0x0  }
0x291: {  	vm5 =	vlt.s32 v19, v20;
	vm10 =	vlt.s32 v21, v22;
	v5 =	vsel vm3, v17, v18  }
0x292: {  	v5 =	vbroadcast v5, $0x0;
	v1 =	vsel vm9, v1, v2;
	v2 =	vsel vm5, v19, v20  }
0x293: {  	vm3 =	vmmov $0xff;
	v2 =	vbroadcast v2, $0x0;
	vm8 =	vlt.s32 v4, v3  }
0x294: {  	vm5 =	vmmov $0x1ff;
	v1 =	vsel vm3, v1, v5;
	v3 =	vsel vm8, v4, v3  }
0x295: {  	v1 =	vsel vm5, v1, v2;
	v2 =	vsel vm10, v21, v22;
	vm8 =	vlt.s32 v23, v24;
	[tilespmem:$0x4100] =	vst v3  }
0x296: {  	v2 =	vbroadcast v2, $0x0;
	v4 =	vsel vm8, v23, v24;
	vm8 =	vlt.s32 v25, v26;
	v5 =	vld [tilespmem:$0x4101]  }
0x297: {  	vm10 =	vmmov $0x3ff;
	v4 =	vbroadcast v4, $0x0;
	v63 =	vsel vm8, v25, v26  }
0x298: {  	v1 =	vsel vm10, v1, v2;
	v2 =	vbroadcast v63, $0x0  }
0x299: {  	vm11 =	vlt.s32 v27, v28;
	vm8 =	vmmov $0xfff;
	v1 =	vsel vm12, v1, v4  }
0x29a: {  	v1 =	vsel vm8, v1, v2;
	v2 =	vsel vm11, v27, v28;
	vm11 =	vlt.s32 v29, v30  }
0x29b: {  	v2 =	vbroadcast v2, $0x0;
	v4 =	vsel vm11, v29, v30;
	vm13 =	vlt.s32 v3, v5  }
0x29c: {  	vm11 =	vmmov $0x1fff;
	v4 =	vbroadcast v4, $0x0;
	v3 =	vsel vm13, v3, v5  }
0x29d: {  	v1 =	vsel vm11, v1, v2;
	vm13 =	vmmov $0x3fff;
	v2 =	vbroadcast v3, $0x0  }
0x29e: {  	s9 =	simm.s32 $0x10;
	s10 =	simm.s32 $0x80;
	v1 =	vsel vm13, v1, v4  }
0x29f: {  	s11 =	sand.u32 $0x70, s9;
	s12 =	sand.u32 $0xC00, s10;
	v1 =	vsel vm14, v1, v2  }
0x2a0: {  	s12 =	sor.u32 s11, s12;
	v2 =	vld [tilespmem:$0x2000];
	[tilespmem:$0x4000] =	vst v1  }
0x2a1: {  	s11 =	simm.s32 $0x20;
	v1 =	vlaneseq.u32;
	v3 =	vld [tilespmem:s12+$0x2000]  }
.LBB2_34:
0x2a2: {  	p0 =	sne.s32 s11, $0x1F0  }
.Ltmp16:
0x2a3: {  	_ = 	snop;
	(pc) =	sbr.rel @p0 .LBB2_34-.Ltmp16, $4  }
0x2a4: {  	s10 =	sadd.s32 $0x80, s10  }
0x2a5: {  	s12 =	sand.u32 $0x70, s11;
	s14 =	sand.u32 $0xC00, s10  }
0x2a6: {  	s13 =	smov.u32 s11;
	v4 =	vor.u32 s9, v0;
	s12 =	sor.u32 s12, s14;
	vm15 =	vgt.f32 v3, v2  }
0x2a7: {  	s11 =	sadd.s32 $0x10, s11;
	s9 =	smov.u32 s13;
	v2 =	vsel vm15, v3, v2;
	v3 =	vld [tilespmem:s12+$0x2000];
	v1 =	vsel vm15, v4, v1  }
0x2a8: {  	_ =	sdelay $0x3  }
0x2a9: {  	vm15 =	vgt.f32 v3, v2  }
0x2aa: {  	v2 =	vsel vm15, v3, v2  }
0x2ab: {  	[tilespmem:$0x4080] =	vst v2  }
0x2ac: {  	v3 =	vld [tilespmem:$0x4088];
	_ =	sdelay $0x4  }
0x2ad: {  	v3 =	vmax.f32 v2, v3  }
0x2ae: {  	[tilespmem:$0x4080] =	vst v3  }
0x2af: {  	v4 =	vld [tilespmem:$0x4084];
	_ =	sdelay $0x4  }
0x2b0: {  	v3 =	vmax.f32 v3, v4  }
0x2b1: {  	[tilespmem:$0x4080] =	vst v3  }
0x2b2: {  	v4 =	vld [tilespmem:$0x4082];
	_ =	sdelay $0x4  }
0x2b3: {  	v3 =	vmax.f32 v3, v4  }
0x2b4: {  	[tilespmem:$0x4080] =	vst v3  }
0x2b5: {  	v4 =	vld [tilespmem:$0x4081];
	_ =	sdelay $0x4  }
0x2b6: {  	v3 =	vmax.f32 v3, v4  }
0x2b7: {  	v3 =	vbroadcast v3, $0x0  }
0x2b8: {  	v4 =	vor.u32 s9, v0  }
0x2b9: {  	v1 =	vsel vm15, v4, v1;
	vm15 =	veq.f32 v2, v3  }
0x2ba: {  	v1 =	vnsel vm15, $0x200, v1  }
0x2bb: {  	[tilespmem:$0x4100] =	vst v1  }
0x2bc: {  	v2 =	vld [tilespmem:$0x4108];
	_ =	sdelay $0x4  }
0x2bd: {  	vm15 =	vlt.s32 v1, v2  }
0x2be: {  	v1 =	vsel vm15, v1, v2  }
0x2bf: {  	[tilespmem:$0x4100] =	vst v1  }
0x2c0: {  	v2 =	vld [tilespmem:$0x4104];
	_ =	sdelay $0x4  }
0x2c1: {  	vm15 =	vlt.s32 v1, v2  }
0x2c2: {  	v1 =	vsel vm15, v1, v2  }
0x2c3: {  	[tilespmem:$0x4100] =	vst v1  }
0x2c4: {  	v2 =	vld [tilespmem:$0x4102];
	_ =	sdelay $0x4  }
0x2c5: {  	vm15 =	vlt.s32 v1, v2  }
0x2c6: {  	s10 =	simm.s32 $0x80;
	s9 =	simm.s32 $0x10;
	v1 =	vsel vm15, v1, v2  }
0x2c7: {  	s12 =	sand.u32 $0xC00, s10;
	s11 =	sand.u32 $0x70, s9;
	v4 =	vld [tilespmem:$0x2080];
	[tilespmem:$0x4100] =	vst v1  }
0x2c8: {  	s12 =	sor.u32 s11, s12;
	v2 =	vld [tilespmem:$0x4101]  }
0x2c9: {  	s11 =	simm.s32 $0x20;
	v3 =	vlaneseq.u32;
	v5 =	vld [tilespmem:s12+$0x2080]  }
.LBB2_36:
0x2ca: {  	p0 =	sne.s32 s11, $0x1F0  }
.Ltmp17:
0x2cb: {  	_ = 	snop;
	(pc) =	sbr.rel @p0 .LBB2_36-.Ltmp17, $4  }
0x2cc: {  	s10 =	sadd.s32 $0x80, s10  }
0x2cd: {  	s12 =	sand.u32 $0x70, s11;
	s14 =	sand.u32 $0xC00, s10  }
0x2ce: {  	s13 =	smov.u32 s11;
	v6 =	vor.u32 s9, v0;
	s12 =	sor.u32 s12, s14;
	vm15 =	vgt.f32 v5, v4  }
0x2cf: {  	s11 =	sadd.s32 $0x10, s11;
	s9 =	smov.u32 s13;
	v4 =	vsel vm15, v5, v4;
	v5 =	vld [tilespmem:s12+$0x2080];
	v3 =	vsel vm15, v6, v3  }
0x2d0: {  	_ =	sdelay $0x3  }
0x2d1: {  	vm15 =	vgt.f32 v5, v4  }
0x2d2: {  	v4 =	vsel vm15, v5, v4  }
0x2d3: {  	[tilespmem:$0x4080] =	vst v4  }
0x2d4: {  	v5 =	vld [tilespmem:$0x4088];
	_ =	sdelay $0x4  }
0x2d5: {  	v5 =	vmax.f32 v4, v5  }
0x2d6: {  	[tilespmem:$0x4080] =	vst v5  }
0x2d7: {  	v6 =	vld [tilespmem:$0x4084];
	_ =	sdelay $0x4  }
0x2d8: {  	v5 =	vmax.f32 v5, v6  }
0x2d9: {  	[tilespmem:$0x4080] =	vst v5  }
0x2da: {  	v6 =	vld [tilespmem:$0x4082];
	_ =	sdelay $0x4  }
0x2db: {  	v5 =	vmax.f32 v5, v6  }
0x2dc: {  	[tilespmem:$0x4080] =	vst v5  }
0x2dd: {  	v6 =	vld [tilespmem:$0x4081];
	_ =	sdelay $0x4  }
0x2de: {  	v5 =	vmax.f32 v5, v6  }
0x2df: {  	v5 =	vbroadcast v5, $0x0  }
0x2e0: {  	v6 =	vor.u32 s9, v0  }
0x2e1: {  	v3 =	vsel vm15, v6, v3;
	vm15 =	veq.f32 v4, v5  }
0x2e2: {  	v3 =	vnsel vm15, $0x200, v3  }
0x2e3: {  	[tilespmem:$0x4100] =	vst v3  }
0x2e4: {  	v4 =	vld [tilespmem:$0x4108];
	_ =	sdelay $0x4  }
0x2e5: {  	vm15 =	vlt.s32 v3, v4  }
0x2e6: {  	v3 =	vsel vm15, v3, v4  }
0x2e7: {  	[tilespmem:$0x4100] =	vst v3  }
0x2e8: {  	v4 =	vld [tilespmem:$0x4104];
	_ =	sdelay $0x4  }
0x2e9: {  	vm15 =	vlt.s32 v3, v4  }
0x2ea: {  	v3 =	vsel vm15, v3, v4  }
0x2eb: {  	[tilespmem:$0x4100] =	vst v3  }
0x2ec: {  	v4 =	vld [tilespmem:$0x4102];
	_ =	sdelay $0x4  }
0x2ed: {  	vm15 =	vlt.s32 v3, v4  }
0x2ee: {  	s10 =	simm.s32 $0x80;
	s9 =	simm.s32 $0x10;
	v3 =	vsel vm15, v3, v4  }
0x2ef: {  	s12 =	sand.u32 $0xC00, s10;
	s11 =	sand.u32 $0x70, s9;
	v6 =	vld [tilespmem:$0x2100];
	[tilespmem:$0x4100] =	vst v3  }
0x2f0: {  	s12 =	sor.u32 s11, s12;
	v4 =	vld [tilespmem:$0x4101]  }
0x2f1: {  	s11 =	simm.s32 $0x20;
	v5 =	vlaneseq.u32;
	v7 =	vld [tilespmem:s12+$0x2100]  }
.LBB2_38:
0x2f2: {  	p0 =	sne.s32 s11, $0x1F0  }
.Ltmp18:
0x2f3: {  	_ = 	snop;
	(pc) =	sbr.rel @p0 .LBB2_38-.Ltmp18, $4  }
0x2f4: {  	s10 =	sadd.s32 $0x80, s10  }
0x2f5: {  	s12 =	sand.u32 $0x70, s11;
	s14 =	sand.u32 $0xC00, s10  }
0x2f6: {  	s13 =	smov.u32 s11;
	v8 =	vor.u32 s9, v0;
	s12 =	sor.u32 s12, s14;
	vm15 =	vgt.f32 v7, v6  }
0x2f7: {  	s11 =	sadd.s32 $0x10, s11;
	s9 =	smov.u32 s13;
	v6 =	vsel vm15, v7, v6;
	v7 =	vld [tilespmem:s12+$0x2100];
	v5 =	vsel vm15, v8, v5  }
0x2f8: {  	_ =	sdelay $0x3  }
0x2f9: {  	vm15 =	vgt.f32 v7, v6  }
0x2fa: {  	v6 =	vsel vm15, v7, v6  }
0x2fb: {  	[tilespmem:$0x4080] =	vst v6  }
0x2fc: {  	v7 =	vld [tilespmem:$0x4088];
	_ =	sdelay $0x4  }
0x2fd: {  	v7 =	vmax.f32 v6, v7  }
0x2fe: {  	[tilespmem:$0x4080] =	vst v7  }
0x2ff: {  	v8 =	vld [tilespmem:$0x4084];
	_ =	sdelay $0x4  }
0x300: {  	v7 =	vmax.f32 v7, v8  }
0x301: {  	[tilespmem:$0x4080] =	vst v7  }
0x302: {  	v8 =	vld [tilespmem:$0x4082];
	_ =	sdelay $0x4  }
0x303: {  	v7 =	vmax.f32 v7, v8  }
0x304: {  	[tilespmem:$0x4080] =	vst v7  }
0x305: {  	v8 =	vld [tilespmem:$0x4081];
	_ =	sdelay $0x4  }
0x306: {  	v7 =	vmax.f32 v7, v8  }
0x307: {  	v7 =	vbroadcast v7, $0x0  }
0x308: {  	v8 =	vor.u32 s9, v0  }
0x309: {  	v5 =	vsel vm15, v8, v5;
	vm15 =	veq.f32 v6, v7  }
0x30a: {  	v5 =	vnsel vm15, $0x200, v5  }
0x30b: {  	[tilespmem:$0x4100] =	vst v5  }
0x30c: {  	v6 =	vld [tilespmem:$0x4108];
	_ =	sdelay $0x4  }
0x30d: {  	vm15 =	vlt.s32 v5, v6  }
0x30e: {  	v5 =	vsel vm15, v5, v6  }
0x30f: {  	[tilespmem:$0x4100] =	vst v5  }
0x310: {  	v6 =	vld [tilespmem:$0x4104];
	_ =	sdelay $0x4  }
0x311: {  	vm15 =	vlt.s32 v5, v6  }
0x312: {  	v5 =	vsel vm15, v5, v6  }
0x313: {  	[tilespmem:$0x4100] =	vst v5  }
0x314: {  	v6 =	vld [tilespmem:$0x4102];
	_ =	sdelay $0x4  }
0x315: {  	vm15 =	vlt.s32 v5, v6  }
0x316: {  	s10 =	simm.s32 $0x80;
	s9 =	simm.s32 $0x10;
	v5 =	vsel vm15, v5, v6  }
0x317: {  	s12 =	sand.u32 $0xC00, s10;
	s11 =	sand.u32 $0x70, s9;
	v8 =	vld [tilespmem:$0x2180];
	[tilespmem:$0x4100] =	vst v5  }
0x318: {  	s12 =	sor.u32 s11, s12;
	v6 =	vld [tilespmem:$0x4101]  }
0x319: {  	s11 =	simm.s32 $0x20;
	v7 =	vlaneseq.u32;
	v9 =	vld [tilespmem:s12+$0x2180]  }
.LBB2_40:
0x31a: {  	p0 =	sne.s32 s11, $0x1F0  }
.Ltmp19:
0x31b: {  	_ = 	snop;
	(pc) =	sbr.rel @p0 .LBB2_40-.Ltmp19, $4  }
0x31c: {  	s10 =	sadd.s32 $0x80, s10  }
0x31d: {  	s12 =	sand.u32 $0x70, s11;
	s14 =	sand.u32 $0xC00, s10  }
0x31e: {  	s13 =	smov.u32 s11;
	v10 =	vor.u32 s9, v0;
	s12 =	sor.u32 s12, s14;
	vm15 =	vgt.f32 v9, v8  }
0x31f: {  	s11 =	sadd.s32 $0x10, s11;
	s9 =	smov.u32 s13;
	v8 =	vsel vm15, v9, v8;
	v9 =	vld [tilespmem:s12+$0x2180];
	v7 =	vsel vm15, v10, v7  }
0x320: {  	_ =	sdelay $0x3  }
0x321: {  	vm15 =	vgt.f32 v9, v8  }
0x322: {  	v8 =	vsel vm15, v9, v8  }
0x323: {  	[tilespmem:$0x4080] =	vst v8  }
0x324: {  	v9 =	vld [tilespmem:$0x4088];
	_ =	sdelay $0x4  }
0x325: {  	v9 =	vmax.f32 v8, v9  }
0x326: {  	[tilespmem:$0x4080] =	vst v9  }
0x327: {  	v10 =	vld [tilespmem:$0x4084];
	_ =	sdelay $0x4  }
0x328: {  	v9 =	vmax.f32 v9, v10  }
0x329: {  	[tilespmem:$0x4080] =	vst v9  }
0x32a: {  	v10 =	vld [tilespmem:$0x4082];
	_ =	sdelay $0x4  }
0x32b: {  	v9 =	vmax.f32 v9, v10  }
0x32c: {  	[tilespmem:$0x4080] =	vst v9  }
0x32d: {  	v10 =	vld [tilespmem:$0x4081];
	_ =	sdelay $0x4  }
0x32e: {  	v9 =	vmax.f32 v9, v10  }
0x32f: {  	v9 =	vbroadcast v9, $0x0  }
0x330: {  	v10 =	vor.u32 s9, v0  }
0x331: {  	v7 =	vsel vm15, v10, v7;
	vm15 =	veq.f32 v8, v9  }
0x332: {  	v7 =	vnsel vm15, $0x200, v7  }
0x333: {  	[tilespmem:$0x4100] =	vst v7  }
0x334: {  	v8 =	vld [tilespmem:$0x4108];
	_ =	sdelay $0x4  }
0x335: {  	vm15 =	vlt.s32 v7, v8  }
0x336: {  	v7 =	vsel vm15, v7, v8  }
0x337: {  	[tilespmem:$0x4100] =	vst v7  }
0x338: {  	v8 =	vld [tilespmem:$0x4104];
	_ =	sdelay $0x4  }
0x339: {  	vm15 =	vlt.s32 v7, v8  }
0x33a: {  	v7 =	vsel vm15, v7, v8  }
0x33b: {  	[tilespmem:$0x4100] =	vst v7  }
0x33c: {  	v8 =	vld [tilespmem:$0x4102];
	_ =	sdelay $0x4  }
0x33d: {  	vm15 =	vlt.s32 v7, v8  }
0x33e: {  	s10 =	simm.s32 $0x80;
	s9 =	simm.s32 $0x10;
	v7 =	vsel vm15, v7, v8  }
0x33f: {  	s12 =	sand.u32 $0xC00, s10;
	s11 =	sand.u32 $0x70, s9;
	v10 =	vld [tilespmem:$0x2200];
	[tilespmem:$0x4100] =	vst v7  }
0x340: {  	s12 =	sor.u32 s11, s12;
	v8 =	vld [tilespmem:$0x4101]  }
0x341: {  	s11 =	simm.s32 $0x20;
	v9 =	vlaneseq.u32;
	v11 =	vld [tilespmem:s12+$0x2200]  }
.LBB2_42:
0x342: {  	p0 =	sne.s32 s11, $0x1F0  }
.Ltmp20:
0x343: {  	_ = 	snop;
	(pc) =	sbr.rel @p0 .LBB2_42-.Ltmp20, $4  }
0x344: {  	s10 =	sadd.s32 $0x80, s10  }
0x345: {  	s12 =	sand.u32 $0x70, s11;
	s14 =	sand.u32 $0xC00, s10  }
0x346: {  	s13 =	smov.u32 s11;
	v12 =	vor.u32 s9, v0;
	s12 =	sor.u32 s12, s14;
	vm15 =	vgt.f32 v11, v10  }
0x347: {  	s11 =	sadd.s32 $0x10, s11;
	s9 =	smov.u32 s13;
	v10 =	vsel vm15, v11, v10;
	v11 =	vld [tilespmem:s12+$0x2200];
	v9 =	vsel vm15, v12, v9  }
0x348: {  	_ =	sdelay $0x3  }
0x349: {  	vm15 =	vgt.f32 v11, v10  }
0x34a: {  	v10 =	vsel vm15, v11, v10  }
0x34b: {  	[tilespmem:$0x4080] =	vst v10  }
0x34c: {  	v11 =	vld [tilespmem:$0x4088];
	_ =	sdelay $0x4  }
0x34d: {  	v11 =	vmax.f32 v10, v11  }
0x34e: {  	[tilespmem:$0x4080] =	vst v11  }
0x34f: {  	v12 =	vld [tilespmem:$0x4084];
	_ =	sdelay $0x4  }
0x350: {  	v11 =	vmax.f32 v11, v12  }
0x351: {  	[tilespmem:$0x4080] =	vst v11  }
0x352: {  	v12 =	vld [tilespmem:$0x4082];
	_ =	sdelay $0x4  }
0x353: {  	v11 =	vmax.f32 v11, v12  }
0x354: {  	[tilespmem:$0x4080] =	vst v11  }
0x355: {  	v12 =	vld [tilespmem:$0x4081];
	_ =	sdelay $0x4  }
0x356: {  	v11 =	vmax.f32 v11, v12  }
0x357: {  	v11 =	vbroadcast v11, $0x0  }
0x358: {  	v12 =	vor.u32 s9, v0  }
0x359: {  	v9 =	vsel vm15, v12, v9;
	vm15 =	veq.f32 v10, v11  }
0x35a: {  	v9 =	vnsel vm15, $0x200, v9  }
0x35b: {  	[tilespmem:$0x4100] =	vst v9  }
0x35c: {  	v10 =	vld [tilespmem:$0x4108];
	_ =	sdelay $0x4  }
0x35d: {  	vm15 =	vlt.s32 v9, v10  }
0x35e: {  	v9 =	vsel vm15, v9, v10  }
0x35f: {  	[tilespmem:$0x4100] =	vst v9  }
0x360: {  	v10 =	vld [tilespmem:$0x4104];
	_ =	sdelay $0x4  }
0x361: {  	vm15 =	vlt.s32 v9, v10  }
0x362: {  	v9 =	vsel vm15, v9, v10  }
0x363: {  	[tilespmem:$0x4100] =	vst v9  }
0x364: {  	v10 =	vld [tilespmem:$0x4102];
	_ =	sdelay $0x4  }
0x365: {  	vm15 =	vlt.s32 v9, v10  }
0x366: {  	s10 =	simm.s32 $0x80;
	s9 =	simm.s32 $0x10;
	v9 =	vsel vm15, v9, v10  }
0x367: {  	s12 =	sand.u32 $0xC00, s10;
	s11 =	sand.u32 $0x70, s9;
	v12 =	vld [tilespmem:$0x2280];
	[tilespmem:$0x4100] =	vst v9  }
0x368: {  	s12 =	sor.u32 s11, s12;
	v10 =	vld [tilespmem:$0x4101]  }
0x369: {  	s11 =	simm.s32 $0x20;
	v11 =	vlaneseq.u32;
	v13 =	vld [tilespmem:s12+$0x2280]  }
.LBB2_44:
0x36a: {  	p0 =	sne.s32 s11, $0x1F0  }
.Ltmp21:
0x36b: {  	_ = 	snop;
	(pc) =	sbr.rel @p0 .LBB2_44-.Ltmp21, $4  }
0x36c: {  	s10 =	sadd.s32 $0x80, s10  }
0x36d: {  	s12 =	sand.u32 $0x70, s11;
	s14 =	sand.u32 $0xC00, s10  }
0x36e: {  	s13 =	smov.u32 s11;
	v14 =	vor.u32 s9, v0;
	s12 =	sor.u32 s12, s14;
	vm15 =	vgt.f32 v13, v12  }
0x36f: {  	s11 =	sadd.s32 $0x10, s11;
	s9 =	smov.u32 s13;
	v12 =	vsel vm15, v13, v12;
	v13 =	vld [tilespmem:s12+$0x2280];
	v11 =	vsel vm15, v14, v11  }
0x370: {  	_ =	sdelay $0x3  }
0x371: {  	vm15 =	vgt.f32 v13, v12  }
0x372: {  	v12 =	vsel vm15, v13, v12  }
0x373: {  	[tilespmem:$0x4080] =	vst v12  }
0x374: {  	v13 =	vld [tilespmem:$0x4088];
	_ =	sdelay $0x4  }
0x375: {  	v13 =	vmax.f32 v12, v13  }
0x376: {  	[tilespmem:$0x4080] =	vst v13  }
0x377: {  	v14 =	vld [tilespmem:$0x4084];
	_ =	sdelay $0x4  }
0x378: {  	v13 =	vmax.f32 v13, v14  }
0x379: {  	[tilespmem:$0x4080] =	vst v13  }
0x37a: {  	v14 =	vld [tilespmem:$0x4082];
	_ =	sdelay $0x4  }
0x37b: {  	v13 =	vmax.f32 v13, v14  }
0x37c: {  	[tilespmem:$0x4080] =	vst v13  }
0x37d: {  	v14 =	vld [tilespmem:$0x4081];
	_ =	sdelay $0x4  }
0x37e: {  	v13 =	vmax.f32 v13, v14  }
0x37f: {  	v13 =	vbroadcast v13, $0x0  }
0x380: {  	v14 =	vor.u32 s9, v0  }
0x381: {  	v11 =	vsel vm15, v14, v11;
	vm15 =	veq.f32 v12, v13  }
0x382: {  	v11 =	vnsel vm15, $0x200, v11  }
0x383: {  	[tilespmem:$0x4100] =	vst v11  }
0x384: {  	v12 =	vld [tilespmem:$0x4108];
	_ =	sdelay $0x4  }
0x385: {  	vm15 =	vlt.s32 v11, v12  }
0x386: {  	v11 =	vsel vm15, v11, v12  }
0x387: {  	[tilespmem:$0x4100] =	vst v11  }
0x388: {  	v12 =	vld [tilespmem:$0x4104];
	_ =	sdelay $0x4  }
0x389: {  	vm15 =	vlt.s32 v11, v12  }
0x38a: {  	v11 =	vsel vm15, v11, v12  }
0x38b: {  	[tilespmem:$0x4100] =	vst v11  }
0x38c: {  	v12 =	vld [tilespmem:$0x4102];
	_ =	sdelay $0x4  }
0x38d: {  	vm15 =	vlt.s32 v11, v12  }
0x38e: {  	s10 =	simm.s32 $0x80;
	s9 =	simm.s32 $0x10;
	v11 =	vsel vm15, v11, v12  }
0x38f: {  	s12 =	sand.u32 $0xC00, s10;
	s11 =	sand.u32 $0x70, s9;
	v14 =	vld [tilespmem:$0x2300];
	[tilespmem:$0x4100] =	vst v11  }
0x390: {  	s12 =	sor.u32 s11, s12;
	v12 =	vld [tilespmem:$0x4101]  }
0x391: {  	s11 =	simm.s32 $0x20;
	v13 =	vlaneseq.u32;
	v15 =	vld [tilespmem:s12+$0x2300]  }
.LBB2_46:
0x392: {  	p0 =	sne.s32 s11, $0x1F0  }
.Ltmp22:
0x393: {  	_ = 	snop;
	(pc) =	sbr.rel @p0 .LBB2_46-.Ltmp22, $4  }
0x394: {  	s10 =	sadd.s32 $0x80, s10  }
0x395: {  	s12 =	sand.u32 $0x70, s11;
	s14 =	sand.u32 $0xC00, s10  }
0x396: {  	s13 =	smov.u32 s11;
	v16 =	vor.u32 s9, v0;
	s12 =	sor.u32 s12, s14;
	vm15 =	vgt.f32 v15, v14  }
0x397: {  	s11 =	sadd.s32 $0x10, s11;
	s9 =	smov.u32 s13;
	v14 =	vsel vm15, v15, v14;
	v15 =	vld [tilespmem:s12+$0x2300];
	v13 =	vsel vm15, v16, v13  }
0x398: {  	_ =	sdelay $0x3  }
0x399: {  	vm15 =	vgt.f32 v15, v14  }
0x39a: {  	v14 =	vsel vm15, v15, v14  }
0x39b: {  	[tilespmem:$0x4080] =	vst v14  }
0x39c: {  	v15 =	vld [tilespmem:$0x4088];
	_ =	sdelay $0x4  }
0x39d: {  	v15 =	vmax.f32 v14, v15  }
0x39e: {  	[tilespmem:$0x4080] =	vst v15  }
0x39f: {  	v16 =	vld [tilespmem:$0x4084];
	_ =	sdelay $0x4  }
0x3a0: {  	v15 =	vmax.f32 v15, v16  }
0x3a1: {  	[tilespmem:$0x4080] =	vst v15  }
0x3a2: {  	v16 =	vld [tilespmem:$0x4082];
	_ =	sdelay $0x4  }
0x3a3: {  	v15 =	vmax.f32 v15, v16  }
0x3a4: {  	[tilespmem:$0x4080] =	vst v15  }
0x3a5: {  	v16 =	vld [tilespmem:$0x4081];
	_ =	sdelay $0x4  }
0x3a6: {  	v15 =	vmax.f32 v15, v16  }
0x3a7: {  	v15 =	vbroadcast v15, $0x0  }
0x3a8: {  	v16 =	vor.u32 s9, v0  }
0x3a9: {  	v13 =	vsel vm15, v16, v13;
	vm15 =	veq.f32 v14, v15  }
0x3aa: {  	v13 =	vnsel vm15, $0x200, v13  }
0x3ab: {  	[tilespmem:$0x4100] =	vst v13  }
0x3ac: {  	v14 =	vld [tilespmem:$0x4108];
	_ =	sdelay $0x4  }
0x3ad: {  	vm15 =	vlt.s32 v13, v14  }
0x3ae: {  	v13 =	vsel vm15, v13, v14  }
0x3af: {  	[tilespmem:$0x4100] =	vst v13  }
0x3b0: {  	v14 =	vld [tilespmem:$0x4104];
	_ =	sdelay $0x4  }
0x3b1: {  	vm15 =	vlt.s32 v13, v14  }
0x3b2: {  	v13 =	vsel vm15, v13, v14  }
0x3b3: {  	[tilespmem:$0x4100] =	vst v13  }
0x3b4: {  	v14 =	vld [tilespmem:$0x4102];
	_ =	sdelay $0x4  }
0x3b5: {  	vm15 =	vlt.s32 v13, v14  }
0x3b6: {  	s10 =	simm.s32 $0x80;
	s9 =	simm.s32 $0x10;
	v13 =	vsel vm15, v13, v14  }
0x3b7: {  	s12 =	sand.u32 $0xC00, s10;
	s11 =	sand.u32 $0x70, s9;
	v16 =	vld [tilespmem:$0x2380];
	[tilespmem:$0x4100] =	vst v13  }
0x3b8: {  	s12 =	sor.u32 s11, s12;
	v14 =	vld [tilespmem:$0x4101]  }
0x3b9: {  	s11 =	simm.s32 $0x20;
	v15 =	vlaneseq.u32;
	v17 =	vld [tilespmem:s12+$0x2380]  }
.LBB2_48:
0x3ba: {  	p0 =	sne.s32 s11, $0x1F0  }
.Ltmp23:
0x3bb: {  	_ = 	snop;
	(pc) =	sbr.rel @p0 .LBB2_48-.Ltmp23, $4  }
0x3bc: {  	s10 =	sadd.s32 $0x80, s10  }
0x3bd: {  	s12 =	sand.u32 $0x70, s11;
	s14 =	sand.u32 $0xC00, s10  }
0x3be: {  	s13 =	smov.u32 s11;
	v18 =	vor.u32 s9, v0;
	s12 =	sor.u32 s12, s14;
	vm15 =	vgt.f32 v17, v16  }
0x3bf: {  	s11 =	sadd.s32 $0x10, s11;
	s9 =	smov.u32 s13;
	v16 =	vsel vm15, v17, v16;
	v17 =	vld [tilespmem:s12+$0x2380];
	v15 =	vsel vm15, v18, v15  }
0x3c0: {  	_ =	sdelay $0x3  }
0x3c1: {  	vm15 =	vgt.f32 v17, v16  }
0x3c2: {  	v16 =	vsel vm15, v17, v16  }
0x3c3: {  	[tilespmem:$0x4080] =	vst v16  }
0x3c4: {  	v17 =	vld [tilespmem:$0x4088];
	_ =	sdelay $0x4  }
0x3c5: {  	v17 =	vmax.f32 v16, v17  }
0x3c6: {  	[tilespmem:$0x4080] =	vst v17  }
0x3c7: {  	v18 =	vld [tilespmem:$0x4084];
	_ =	sdelay $0x4  }
0x3c8: {  	v17 =	vmax.f32 v17, v18  }
0x3c9: {  	[tilespmem:$0x4080] =	vst v17  }
0x3ca: {  	v18 =	vld [tilespmem:$0x4082];
	_ =	sdelay $0x4  }
0x3cb: {  	v17 =	vmax.f32 v17, v18  }
0x3cc: {  	[tilespmem:$0x4080] =	vst v17  }
0x3cd: {  	v18 =	vld [tilespmem:$0x4081];
	_ =	sdelay $0x4  }
0x3ce: {  	v17 =	vmax.f32 v17, v18  }
0x3cf: {  	v17 =	vbroadcast v17, $0x0  }
0x3d0: {  	v18 =	vor.u32 s9, v0  }
0x3d1: {  	v15 =	vsel vm15, v18, v15;
	vm15 =	veq.f32 v16, v17  }
0x3d2: {  	v15 =	vnsel vm15, $0x200, v15  }
0x3d3: {  	[tilespmem:$0x4100] =	vst v15  }
0x3d4: {  	v16 =	vld [tilespmem:$0x4108];
	_ =	sdelay $0x4  }
0x3d5: {  	vm15 =	vlt.s32 v15, v16  }
0x3d6: {  	v15 =	vsel vm15, v15, v16  }
0x3d7: {  	[tilespmem:$0x4100] =	vst v15  }
0x3d8: {  	v16 =	vld [tilespmem:$0x4104];
	_ =	sdelay $0x4  }
0x3d9: {  	vm15 =	vlt.s32 v15, v16  }
0x3da: {  	v15 =	vsel vm15, v15, v16  }
0x3db: {  	[tilespmem:$0x4100] =	vst v15  }
0x3dc: {  	v16 =	vld [tilespmem:$0x4102];
	_ =	sdelay $0x4  }
0x3dd: {  	vm15 =	vlt.s32 v15, v16  }
0x3de: {  	s10 =	simm.s32 $0x80;
	s9 =	simm.s32 $0x10;
	v15 =	vsel vm15, v15, v16  }
0x3df: {  	s12 =	sand.u32 $0xC00, s10;
	s11 =	sand.u32 $0x70, s9;
	v18 =	vld [tilespmem:$0x3000];
	[tilespmem:$0x4100] =	vst v15  }
0x3e0: {  	s12 =	sor.u32 s11, s12;
	v16 =	vld [tilespmem:$0x4101]  }
0x3e1: {  	s11 =	simm.s32 $0x20;
	v17 =	vlaneseq.u32;
	v19 =	vld [tilespmem:s12+$0x3000]  }
.LBB2_50:
0x3e2: {  	p0 =	sne.s32 s11, $0x1F0  }
.Ltmp24:
0x3e3: {  	_ = 	snop;
	(pc) =	sbr.rel @p0 .LBB2_50-.Ltmp24, $4  }
0x3e4: {  	s10 =	sadd.s32 $0x80, s10  }
0x3e5: {  	s12 =	sand.u32 $0x70, s11;
	s14 =	sand.u32 $0xC00, s10  }
0x3e6: {  	s13 =	smov.u32 s11;
	v20 =	vor.u32 s9, v0;
	s12 =	sor.u32 s12, s14;
	vm15 =	vgt.f32 v19, v18  }
0x3e7: {  	s11 =	sadd.s32 $0x10, s11;
	s9 =	smov.u32 s13;
	v18 =	vsel vm15, v19, v18;
	v19 =	vld [tilespmem:s12+$0x3000];
	v17 =	vsel vm15, v20, v17  }
0x3e8: {  	_ =	sdelay $0x3  }
0x3e9: {  	vm15 =	vgt.f32 v19, v18  }
0x3ea: {  	v18 =	vsel vm15, v19, v18  }
0x3eb: {  	[tilespmem:$0x4080] =	vst v18  }
0x3ec: {  	v19 =	vld [tilespmem:$0x4088];
	_ =	sdelay $0x4  }
0x3ed: {  	v19 =	vmax.f32 v18, v19  }
0x3ee: {  	[tilespmem:$0x4080] =	vst v19  }
0x3ef: {  	v20 =	vld [tilespmem:$0x4084];
	_ =	sdelay $0x4  }
0x3f0: {  	v19 =	vmax.f32 v19, v20  }
0x3f1: {  	[tilespmem:$0x4080] =	vst v19  }
0x3f2: {  	v20 =	vld [tilespmem:$0x4082];
	_ =	sdelay $0x4  }
0x3f3: {  	v19 =	vmax.f32 v19, v20  }
0x3f4: {  	[tilespmem:$0x4080] =	vst v19  }
0x3f5: {  	v20 =	vld [tilespmem:$0x4081];
	_ =	sdelay $0x4  }
0x3f6: {  	v19 =	vmax.f32 v19, v20  }
0x3f7: {  	v19 =	vbroadcast v19, $0x0  }
0x3f8: {  	v20 =	vor.u32 s9, v0  }
0x3f9: {  	v17 =	vsel vm15, v20, v17;
	vm15 =	veq.f32 v18, v19  }
0x3fa: {  	v17 =	vnsel vm15, $0x200, v17  }
0x3fb: {  	[tilespmem:$0x4100] =	vst v17  }
0x3fc: {  	v18 =	vld [tilespmem:$0x4108];
	_ =	sdelay $0x4  }
0x3fd: {  	vm15 =	vlt.s32 v17, v18  }
0x3fe: {  	v17 =	vsel vm15, v17, v18  }
0x3ff: {  	[tilespmem:$0x4100] =	vst v17  }
0x400: {  	v18 =	vld [tilespmem:$0x4104];
	_ =	sdelay $0x4  }
0x401: {  	vm15 =	vlt.s32 v17, v18  }
0x402: {  	v17 =	vsel vm15, v17, v18  }
0x403: {  	[tilespmem:$0x4100] =	vst v17  }
0x404: {  	v18 =	vld [tilespmem:$0x4102];
	_ =	sdelay $0x4  }
0x405: {  	vm15 =	vlt.s32 v17, v18  }
0x406: {  	s10 =	simm.s32 $0x80;
	s9 =	simm.s32 $0x10;
	v17 =	vsel vm15, v17, v18  }
0x407: {  	s12 =	sand.u32 $0xC00, s10;
	s11 =	sand.u32 $0x70, s9;
	v20 =	vld [tilespmem:$0x3080];
	[tilespmem:$0x4100] =	vst v17  }
0x408: {  	s12 =	sor.u32 s11, s12;
	v18 =	vld [tilespmem:$0x4101]  }
0x409: {  	s11 =	simm.s32 $0x20;
	v19 =	vlaneseq.u32;
	v21 =	vld [tilespmem:s12+$0x3080]  }
.LBB2_52:
0x40a: {  	p0 =	sne.s32 s11, $0x1F0  }
.Ltmp25:
0x40b: {  	_ = 	snop;
	(pc) =	sbr.rel @p0 .LBB2_52-.Ltmp25, $4  }
0x40c: {  	s10 =	sadd.s32 $0x80, s10  }
0x40d: {  	s12 =	sand.u32 $0x70, s11;
	s14 =	sand.u32 $0xC00, s10  }
0x40e: {  	s13 =	smov.u32 s11;
	v22 =	vor.u32 s9, v0;
	s12 =	sor.u32 s12, s14;
	vm15 =	vgt.f32 v21, v20  }
0x40f: {  	s11 =	sadd.s32 $0x10, s11;
	s9 =	smov.u32 s13;
	v20 =	vsel vm15, v21, v20;
	v21 =	vld [tilespmem:s12+$0x3080];
	v19 =	vsel vm15, v22, v19  }
0x410: {  	_ =	sdelay $0x3  }
0x411: {  	vm15 =	vgt.f32 v21, v20  }
0x412: {  	v20 =	vsel vm15, v21, v20  }
0x413: {  	[tilespmem:$0x4080] =	vst v20  }
0x414: {  	v21 =	vld [tilespmem:$0x4088];
	_ =	sdelay $0x4  }
0x415: {  	v21 =	vmax.f32 v20, v21  }
0x416: {  	[tilespmem:$0x4080] =	vst v21  }
0x417: {  	v22 =	vld [tilespmem:$0x4084];
	_ =	sdelay $0x4  }
0x418: {  	v21 =	vmax.f32 v21, v22  }
0x419: {  	[tilespmem:$0x4080] =	vst v21  }
0x41a: {  	v22 =	vld [tilespmem:$0x4082];
	_ =	sdelay $0x4  }
0x41b: {  	v21 =	vmax.f32 v21, v22  }
0x41c: {  	[tilespmem:$0x4080] =	vst v21  }
0x41d: {  	v22 =	vld [tilespmem:$0x4081];
	_ =	sdelay $0x4  }
0x41e: {  	v21 =	vmax.f32 v21, v22  }
0x41f: {  	v21 =	vbroadcast v21, $0x0  }
0x420: {  	v22 =	vor.u32 s9, v0  }
0x421: {  	v19 =	vsel vm15, v22, v19;
	vm15 =	veq.f32 v20, v21  }
0x422: {  	v19 =	vnsel vm15, $0x200, v19  }
0x423: {  	[tilespmem:$0x4100] =	vst v19  }
0x424: {  	v20 =	vld [tilespmem:$0x4108];
	_ =	sdelay $0x4  }
0x425: {  	vm15 =	vlt.s32 v19, v20  }
0x426: {  	v19 =	vsel vm15, v19, v20  }
0x427: {  	[tilespmem:$0x4100] =	vst v19  }
0x428: {  	v20 =	vld [tilespmem:$0x4104];
	_ =	sdelay $0x4  }
0x429: {  	vm15 =	vlt.s32 v19, v20  }
0x42a: {  	v19 =	vsel vm15, v19, v20  }
0x42b: {  	[tilespmem:$0x4100] =	vst v19  }
0x42c: {  	v20 =	vld [tilespmem:$0x4102];
	_ =	sdelay $0x4  }
0x42d: {  	vm15 =	vlt.s32 v19, v20  }
0x42e: {  	s10 =	simm.s32 $0x80;
	s9 =	simm.s32 $0x10;
	v19 =	vsel vm15, v19, v20  }
0x42f: {  	s12 =	sand.u32 $0xC00, s10;
	s11 =	sand.u32 $0x70, s9;
	v22 =	vld [tilespmem:$0x3100];
	[tilespmem:$0x4100] =	vst v19  }
0x430: {  	s12 =	sor.u32 s11, s12;
	v20 =	vld [tilespmem:$0x4101]  }
0x431: {  	s11 =	simm.s32 $0x20;
	v21 =	vlaneseq.u32;
	v23 =	vld [tilespmem:s12+$0x3100]  }
.LBB2_54:
0x432: {  	p0 =	sne.s32 s11, $0x1F0  }
.Ltmp26:
0x433: {  	_ = 	snop;
	(pc) =	sbr.rel @p0 .LBB2_54-.Ltmp26, $4  }
0x434: {  	s10 =	sadd.s32 $0x80, s10  }
0x435: {  	s12 =	sand.u32 $0x70, s11;
	s14 =	sand.u32 $0xC00, s10  }
0x436: {  	s13 =	smov.u32 s11;
	v24 =	vor.u32 s9, v0;
	s12 =	sor.u32 s12, s14;
	vm15 =	vgt.f32 v23, v22  }
0x437: {  	s11 =	sadd.s32 $0x10, s11;
	s9 =	smov.u32 s13;
	v22 =	vsel vm15, v23, v22;
	v23 =	vld [tilespmem:s12+$0x3100];
	v21 =	vsel vm15, v24, v21  }
0x438: {  	_ =	sdelay $0x3  }
0x439: {  	vm15 =	vgt.f32 v23, v22  }
0x43a: {  	v22 =	vsel vm15, v23, v22  }
0x43b: {  	[tilespmem:$0x4080] =	vst v22  }
0x43c: {  	v23 =	vld [tilespmem:$0x4088];
	_ =	sdelay $0x4  }
0x43d: {  	v23 =	vmax.f32 v22, v23  }
0x43e: {  	[tilespmem:$0x4080] =	vst v23  }
0x43f: {  	v24 =	vld [tilespmem:$0x4084];
	_ =	sdelay $0x4  }
0x440: {  	v23 =	vmax.f32 v23, v24  }
0x441: {  	[tilespmem:$0x4080] =	vst v23  }
0x442: {  	v24 =	vld [tilespmem:$0x4082];
	_ =	sdelay $0x4  }
0x443: {  	v23 =	vmax.f32 v23, v24  }
0x444: {  	[tilespmem:$0x4080] =	vst v23  }
0x445: {  	v24 =	vld [tilespmem:$0x4081];
	_ =	sdelay $0x4  }
0x446: {  	v23 =	vmax.f32 v23, v24  }
0x447: {  	v23 =	vbroadcast v23, $0x0  }
0x448: {  	v24 =	vor.u32 s9, v0  }
0x449: {  	v21 =	vsel vm15, v24, v21;
	vm15 =	veq.f32 v22, v23  }
0x44a: {  	v21 =	vnsel vm15, $0x200, v21  }
0x44b: {  	[tilespmem:$0x4100] =	vst v21  }
0x44c: {  	v22 =	vld [tilespmem:$0x4108];
	_ =	sdelay $0x4  }
0x44d: {  	vm15 =	vlt.s32 v21, v22  }
0x44e: {  	v21 =	vsel vm15, v21, v22  }
0x44f: {  	[tilespmem:$0x4100] =	vst v21  }
0x450: {  	v22 =	vld [tilespmem:$0x4104];
	_ =	sdelay $0x4  }
0x451: {  	vm15 =	vlt.s32 v21, v22  }
0x452: {  	v21 =	vsel vm15, v21, v22  }
0x453: {  	[tilespmem:$0x4100] =	vst v21  }
0x454: {  	v22 =	vld [tilespmem:$0x4102];
	_ =	sdelay $0x4  }
0x455: {  	vm15 =	vlt.s32 v21, v22  }
0x456: {  	s10 =	simm.s32 $0x80;
	s9 =	simm.s32 $0x10;
	v21 =	vsel vm15, v21, v22  }
0x457: {  	s12 =	sand.u32 $0xC00, s10;
	s11 =	sand.u32 $0x70, s9;
	v24 =	vld [tilespmem:$0x3180];
	[tilespmem:$0x4100] =	vst v21  }
0x458: {  	s12 =	sor.u32 s11, s12;
	v22 =	vld [tilespmem:$0x4101]  }
0x459: {  	s11 =	simm.s32 $0x20;
	v23 =	vlaneseq.u32;
	v25 =	vld [tilespmem:s12+$0x3180]  }
.LBB2_56:
0x45a: {  	p0 =	sne.s32 s11, $0x1F0  }
.Ltmp27:
0x45b: {  	_ = 	snop;
	(pc) =	sbr.rel @p0 .LBB2_56-.Ltmp27, $4  }
0x45c: {  	s10 =	sadd.s32 $0x80, s10  }
0x45d: {  	s12 =	sand.u32 $0x70, s11;
	s14 =	sand.u32 $0xC00, s10  }
0x45e: {  	s13 =	smov.u32 s11;
	v26 =	vor.u32 s9, v0;
	s12 =	sor.u32 s12, s14;
	vm15 =	vgt.f32 v25, v24  }
0x45f: {  	s11 =	sadd.s32 $0x10, s11;
	s9 =	smov.u32 s13;
	v24 =	vsel vm15, v25, v24;
	v25 =	vld [tilespmem:s12+$0x3180];
	v23 =	vsel vm15, v26, v23  }
0x460: {  	_ =	sdelay $0x3  }
0x461: {  	vm15 =	vgt.f32 v25, v24  }
0x462: {  	v24 =	vsel vm15, v25, v24  }
0x463: {  	[tilespmem:$0x4080] =	vst v24  }
0x464: {  	v25 =	vld [tilespmem:$0x4088];
	_ =	sdelay $0x4  }
0x465: {  	v25 =	vmax.f32 v24, v25  }
0x466: {  	[tilespmem:$0x4080] =	vst v25  }
0x467: {  	v26 =	vld [tilespmem:$0x4084];
	_ =	sdelay $0x4  }
0x468: {  	v25 =	vmax.f32 v25, v26  }
0x469: {  	[tilespmem:$0x4080] =	vst v25  }
0x46a: {  	v26 =	vld [tilespmem:$0x4082];
	_ =	sdelay $0x4  }
0x46b: {  	v25 =	vmax.f32 v25, v26  }
0x46c: {  	[tilespmem:$0x4080] =	vst v25  }
0x46d: {  	v26 =	vld [tilespmem:$0x4081];
	_ =	sdelay $0x4  }
0x46e: {  	v25 =	vmax.f32 v25, v26  }
0x46f: {  	v25 =	vbroadcast v25, $0x0  }
0x470: {  	v26 =	vor.u32 s9, v0  }
0x471: {  	v23 =	vsel vm15, v26, v23;
	vm15 =	veq.f32 v24, v25  }
0x472: {  	v23 =	vnsel vm15, $0x200, v23  }
0x473: {  	[tilespmem:$0x4100] =	vst v23  }
0x474: {  	v24 =	vld [tilespmem:$0x4108];
	_ =	sdelay $0x4  }
0x475: {  	vm15 =	vlt.s32 v23, v24  }
0x476: {  	v23 =	vsel vm15, v23, v24  }
0x477: {  	[tilespmem:$0x4100] =	vst v23  }
0x478: {  	v24 =	vld [tilespmem:$0x4104];
	_ =	sdelay $0x4  }
0x479: {  	vm15 =	vlt.s32 v23, v24  }
0x47a: {  	v23 =	vsel vm15, v23, v24  }
0x47b: {  	[tilespmem:$0x4100] =	vst v23  }
0x47c: {  	v24 =	vld [tilespmem:$0x4102];
	_ =	sdelay $0x4  }
0x47d: {  	vm15 =	vlt.s32 v23, v24  }
0x47e: {  	s10 =	simm.s32 $0x80;
	s9 =	simm.s32 $0x10;
	v23 =	vsel vm15, v23, v24  }
0x47f: {  	s12 =	sand.u32 $0xC00, s10;
	s11 =	sand.u32 $0x70, s9;
	v26 =	vld [tilespmem:$0x3200];
	[tilespmem:$0x4100] =	vst v23  }
0x480: {  	s12 =	sor.u32 s11, s12;
	v24 =	vld [tilespmem:$0x4101]  }
0x481: {  	s11 =	simm.s32 $0x20;
	v25 =	vlaneseq.u32;
	v27 =	vld [tilespmem:s12+$0x3200]  }
.LBB2_58:
0x482: {  	p0 =	sne.s32 s11, $0x1F0  }
.Ltmp28:
0x483: {  	_ = 	snop;
	(pc) =	sbr.rel @p0 .LBB2_58-.Ltmp28, $4  }
0x484: {  	s10 =	sadd.s32 $0x80, s10  }
0x485: {  	s12 =	sand.u32 $0x70, s11;
	s14 =	sand.u32 $0xC00, s10  }
0x486: {  	s13 =	smov.u32 s11;
	v28 =	vor.u32 s9, v0;
	s12 =	sor.u32 s12, s14;
	vm15 =	vgt.f32 v27, v26  }
0x487: {  	s11 =	sadd.s32 $0x10, s11;
	s9 =	smov.u32 s13;
	v26 =	vsel vm15, v27, v26;
	v27 =	vld [tilespmem:s12+$0x3200];
	v25 =	vsel vm15, v28, v25  }
0x488: {  	_ =	sdelay $0x3  }
0x489: {  	vm15 =	vgt.f32 v27, v26  }
0x48a: {  	v26 =	vsel vm15, v27, v26  }
0x48b: {  	[tilespmem:$0x4080] =	vst v26  }
0x48c: {  	v27 =	vld [tilespmem:$0x4088];
	_ =	sdelay $0x4  }
0x48d: {  	v27 =	vmax.f32 v26, v27  }
0x48e: {  	[tilespmem:$0x4080] =	vst v27  }
0x48f: {  	v28 =	vld [tilespmem:$0x4084];
	_ =	sdelay $0x4  }
0x490: {  	v27 =	vmax.f32 v27, v28  }
0x491: {  	[tilespmem:$0x4080] =	vst v27  }
0x492: {  	v28 =	vld [tilespmem:$0x4082];
	_ =	sdelay $0x4  }
0x493: {  	v27 =	vmax.f32 v27, v28  }
0x494: {  	[tilespmem:$0x4080] =	vst v27  }
0x495: {  	v28 =	vld [tilespmem:$0x4081];
	_ =	sdelay $0x4  }
0x496: {  	v27 =	vmax.f32 v27, v28  }
0x497: {  	v27 =	vbroadcast v27, $0x0  }
0x498: {  	v28 =	vor.u32 s9, v0  }
0x499: {  	v25 =	vsel vm15, v28, v25;
	vm15 =	veq.f32 v26, v27  }
0x49a: {  	v25 =	vnsel vm15, $0x200, v25  }
0x49b: {  	[tilespmem:$0x4100] =	vst v25  }
0x49c: {  	v26 =	vld [tilespmem:$0x4108];
	_ =	sdelay $0x4  }
0x49d: {  	vm15 =	vlt.s32 v25, v26  }
0x49e: {  	v25 =	vsel vm15, v25, v26  }
0x49f: {  	[tilespmem:$0x4100] =	vst v25  }
0x4a0: {  	v26 =	vld [tilespmem:$0x4104];
	_ =	sdelay $0x4  }
0x4a1: {  	vm15 =	vlt.s32 v25, v26  }
0x4a2: {  	v25 =	vsel vm15, v25, v26  }
0x4a3: {  	[tilespmem:$0x4100] =	vst v25  }
0x4a4: {  	v26 =	vld [tilespmem:$0x4102];
	_ =	sdelay $0x4  }
0x4a5: {  	vm15 =	vlt.s32 v25, v26  }
0x4a6: {  	s10 =	simm.s32 $0x80;
	s9 =	simm.s32 $0x10;
	v25 =	vsel vm15, v25, v26  }
0x4a7: {  	s12 =	sand.u32 $0xC00, s10;
	s11 =	sand.u32 $0x70, s9;
	v28 =	vld [tilespmem:$0x3280];
	[tilespmem:$0x4100] =	vst v25  }
0x4a8: {  	s12 =	sor.u32 s11, s12;
	v26 =	vld [tilespmem:$0x4101]  }
0x4a9: {  	s11 =	simm.s32 $0x20;
	v27 =	vlaneseq.u32;
	v29 =	vld [tilespmem:s12+$0x3280]  }
.LBB2_60:
0x4aa: {  	p0 =	sne.s32 s11, $0x1F0  }
.Ltmp29:
0x4ab: {  	_ = 	snop;
	(pc) =	sbr.rel @p0 .LBB2_60-.Ltmp29, $4  }
0x4ac: {  	s10 =	sadd.s32 $0x80, s10  }
0x4ad: {  	s12 =	sand.u32 $0x70, s11;
	s14 =	sand.u32 $0xC00, s10  }
0x4ae: {  	s13 =	smov.u32 s11;
	v30 =	vor.u32 s9, v0;
	s12 =	sor.u32 s12, s14;
	vm15 =	vgt.f32 v29, v28  }
0x4af: {  	s11 =	sadd.s32 $0x10, s11;
	s9 =	smov.u32 s13;
	v28 =	vsel vm15, v29, v28;
	v29 =	vld [tilespmem:s12+$0x3280];
	v27 =	vsel vm15, v30, v27  }
0x4b0: {  	_ =	sdelay $0x3  }
0x4b1: {  	vm15 =	vgt.f32 v29, v28  }
0x4b2: {  	v28 =	vsel vm15, v29, v28  }
0x4b3: {  	[tilespmem:$0x4080] =	vst v28  }
0x4b4: {  	v29 =	vld [tilespmem:$0x4088];
	_ =	sdelay $0x4  }
0x4b5: {  	v29 =	vmax.f32 v28, v29  }
0x4b6: {  	[tilespmem:$0x4080] =	vst v29  }
0x4b7: {  	v30 =	vld [tilespmem:$0x4084];
	_ =	sdelay $0x4  }
0x4b8: {  	v29 =	vmax.f32 v29, v30  }
0x4b9: {  	[tilespmem:$0x4080] =	vst v29  }
0x4ba: {  	v30 =	vld [tilespmem:$0x4082];
	_ =	sdelay $0x4  }
0x4bb: {  	v29 =	vmax.f32 v29, v30  }
0x4bc: {  	[tilespmem:$0x4080] =	vst v29  }
0x4bd: {  	v30 =	vld [tilespmem:$0x4081];
	_ =	sdelay $0x4  }
0x4be: {  	v29 =	vmax.f32 v29, v30  }
0x4bf: {  	v29 =	vbroadcast v29, $0x0  }
0x4c0: {  	v30 =	vor.u32 s9, v0  }
0x4c1: {  	v27 =	vsel vm15, v30, v27;
	vm15 =	veq.f32 v28, v29  }
0x4c2: {  	v27 =	vnsel vm15, $0x200, v27  }
0x4c3: {  	[tilespmem:$0x4100] =	vst v27  }
0x4c4: {  	v28 =	vld [tilespmem:$0x4108];
	_ =	sdelay $0x4  }
0x4c5: {  	vm15 =	vlt.s32 v27, v28  }
0x4c6: {  	v27 =	vsel vm15, v27, v28  }
0x4c7: {  	[tilespmem:$0x4100] =	vst v27  }
0x4c8: {  	v28 =	vld [tilespmem:$0x4104];
	_ =	sdelay $0x4  }
0x4c9: {  	vm15 =	vlt.s32 v27, v28  }
0x4ca: {  	v27 =	vsel vm15, v27, v28  }
0x4cb: {  	[tilespmem:$0x4100] =	vst v27  }
0x4cc: {  	v28 =	vld [tilespmem:$0x4102];
	_ =	sdelay $0x4  }
0x4cd: {  	vm15 =	vlt.s32 v27, v28  }
0x4ce: {  	s10 =	simm.s32 $0x80;
	s9 =	simm.s32 $0x10;
	v27 =	vsel vm15, v27, v28  }
0x4cf: {  	s12 =	sand.u32 $0xC00, s10;
	s11 =	sand.u32 $0x70, s9;
	v30 =	vld [tilespmem:$0x3300];
	[tilespmem:$0x4100] =	vst v27  }
0x4d0: {  	s12 =	sor.u32 s11, s12;
	v28 =	vld [tilespmem:$0x4101]  }
0x4d1: {  	s11 =	simm.s32 $0x20;
	v29 =	vlaneseq.u32;
	v31 =	vld [tilespmem:s12+$0x3300]  }
.LBB2_62:
0x4d2: {  	p0 =	sne.s32 s11, $0x1F0  }
.Ltmp30:
0x4d3: {  	_ = 	snop;
	(pc) =	sbr.rel @p0 .LBB2_62-.Ltmp30, $4  }
0x4d4: {  	s10 =	sadd.s32 $0x80, s10  }
0x4d5: {  	s12 =	sand.u32 $0x70, s11;
	s14 =	sand.u32 $0xC00, s10  }
0x4d6: {  	s13 =	smov.u32 s11;
	v32 =	vor.u32 s9, v0;
	s12 =	sor.u32 s12, s14;
	vm15 =	vgt.f32 v31, v30  }
0x4d7: {  	s11 =	sadd.s32 $0x10, s11;
	s9 =	smov.u32 s13;
	v30 =	vsel vm15, v31, v30;
	v31 =	vld [tilespmem:s12+$0x3300];
	v29 =	vsel vm15, v32, v29  }
0x4d8: {  	_ =	sdelay $0x3  }
0x4d9: {  	vm15 =	vgt.f32 v31, v30  }
0x4da: {  	v30 =	vsel vm15, v31, v30  }
0x4db: {  	[tilespmem:$0x4080] =	vst v30  }
0x4dc: {  	v31 =	vld [tilespmem:$0x4088];
	_ =	sdelay $0x4  }
0x4dd: {  	v31 =	vmax.f32 v30, v31  }
0x4de: {  	[tilespmem:$0x4080] =	vst v31  }
0x4df: {  	v32 =	vld [tilespmem:$0x4084];
	_ =	sdelay $0x4  }
0x4e0: {  	v31 =	vmax.f32 v31, v32  }
0x4e1: {  	[tilespmem:$0x4080] =	vst v31  }
0x4e2: {  	v61 =	vld [tilespmem:$0x4082];
	_ =	sdelay $0x4  }
0x4e3: {  	v31 =	vmax.f32 v31, v61  }
0x4e4: {  	[tilespmem:$0x4080] =	vst v31  }
0x4e5: {  	v62 =	vld [tilespmem:$0x4081];
	_ =	sdelay $0x4  }
0x4e6: {  	v31 =	vmax.f32 v31, v62  }
0x4e7: {  	v31 =	vbroadcast v31, $0x0  }
0x4e8: {  	v63 =	vor.u32 s9, v0  }
0x4e9: {  	v29 =	vsel vm15, v63, v29;
	vm15 =	veq.f32 v30, v31  }
0x4ea: {  	v29 =	vnsel vm15, $0x200, v29  }
0x4eb: {  	[tilespmem:$0x4100] =	vst v29  }
0x4ec: {  	v30 =	vld [tilespmem:$0x4108];
	_ =	sdelay $0x4  }
0x4ed: {  	vm15 =	vlt.s32 v29, v30  }
0x4ee: {  	v29 =	vsel vm15, v29, v30  }
0x4ef: {  	[tilespmem:$0x4100] =	vst v29  }
0x4f0: {  	v30 =	vld [tilespmem:$0x4104];
	_ =	sdelay $0x4  }
0x4f1: {  	vm15 =	vlt.s32 v29, v30  }
0x4f2: {  	v29 =	vsel vm15, v29, v30  }
0x4f3: {  	[tilespmem:$0x4100] =	vst v29  }
0x4f4: {  	v30 =	vld [tilespmem:$0x4102];
	_ =	sdelay $0x4  }
0x4f5: {  	vm15 =	vlt.s32 v29, v30  }
0x4f6: {  	s9 =	simm.s32 $0x10;
	s10 =	simm.s32 $0x80;
	v29 =	vsel vm15, v29, v30  }
0x4f7: {  	s11 =	sand.u32 $0x70, s9;
	s12 =	sand.u32 $0xC00, s10;
	v32 =	vld [tilespmem:$0x3380];
	[tilespmem:$0x4100] =	vst v29  }
0x4f8: {  	s12 =	sor.u32 s11, s12;
	v30 =	vld [tilespmem:$0x4101]  }
0x4f9: {  	s11 =	simm.s32 $0x20;
	v31 =	vlaneseq.u32;
	v33 =	vld [tilespmem:s12+$0x3380]  }
.LBB2_64:
0x4fa: {  	p0 =	sne.s32 s11, $0x1F0  }
.Ltmp31:
0x4fb: {  	_ = 	snop;
	(pc) =	sbr.rel @p0 .LBB2_64-.Ltmp31, $4  }
0x4fc: {  	s10 =	sadd.s32 $0x80, s10  }
0x4fd: {  	s12 =	sand.u32 $0x70, s11;
	s14 =	sand.u32 $0xC00, s10  }
0x4fe: {  	s13 =	smov.u32 s11;
	v34 =	vor.u32 s9, v0;
	s12 =	sor.u32 s12, s14;
	vm15 =	vgt.f32 v33, v32  }
0x4ff: {  	s11 =	sadd.s32 $0x10, s11;
	s9 =	smov.u32 s13;
	v32 =	vsel vm15, v33, v32;
	v33 =	vld [tilespmem:s12+$0x3380];
	v31 =	vsel vm15, v34, v31  }
0x500: {  	_ =	sdelay $0x3  }
0x501: {  	vm15 =	vgt.f32 v33, v32  }
0x502: {  	v32 =	vsel vm15, v33, v32  }
0x503: {  	[tilespmem:$0x4080] =	vst v32  }
0x504: {  	v45 =	vld [tilespmem:$0x4088];
	_ =	sdelay $0x4  }
0x505: {  	v33 =	vmax.f32 v32, v45  }
0x506: {  	[tilespmem:$0x4080] =	vst v33  }
0x507: {  	v34 =	vld [tilespmem:$0x4084];
	_ =	sdelay $0x4  }
0x508: {  	v33 =	vmax.f32 v33, v34  }
0x509: {  	[tilespmem:$0x4080] =	vst v33  }
0x50a: {  	v46 =	vld [tilespmem:$0x4082];
	_ =	sdelay $0x4  }
0x50b: {  	v33 =	vmax.f32 v33, v46  }
0x50c: {  	[tilespmem:$0x4080] =	vst v33  }
0x50d: {  	v47 =	vld [tilespmem:$0x4081];
	_ =	sdelay $0x4  }
0x50e: {  	v33 =	vmax.f32 v33, v47  }
0x50f: {  	v33 =	vbroadcast v33, $0x0  }
0x510: {  	v48 =	vor.u32 s9, v0  }
0x511: {  	v31 =	vsel vm15, v48, v31;
	vm15 =	veq.f32 v32, v33  }
0x512: {  	v31 =	vnsel vm15, $0x200, v31  }
0x513: {  	[tilespmem:$0x4100] =	vst v31  }
0x514: {  	v49 =	vld [tilespmem:$0x4108];
	_ =	sdelay $0x4  }
0x515: {  	vm15 =	vlt.s32 v31, v49  }
0x516: {  	v31 =	vsel vm15, v31, v49  }
0x517: {  	[tilespmem:$0x4100] =	vst v31  }
0x518: {  	vm0 =	vlt.s32 v1, v2;
	vm15 =	vlt.s32 v3, v4;
	v50 =	vld [tilespmem:$0x4104]  }
0x519: {  	v1 =	vsel vm0, v1, v2;
	v3 =	vsel vm15, v3, v4;
	vm15 =	vlt.s32 v5, v6  }
0x51a: {  	v3 =	vbroadcast v3, $0x0;
	v5 =	vsel vm15, v5, v6;
	vm15 =	vlt.s32 v7, v8  }
0x51b: {  	v2 =	vbroadcast v5, $0x0;
	v51 =	vsel vm15, v7, v8;
	vm15 =	vcmask $0x704  }
0x51c: {  	v1 =	vsel vm15, v3, v1;
	v3 =	vbroadcast v51, $0x0  }
0x51d: {  	v1 =	vsel vm4, v1, v2;
	vm4 =	vlt.s32 v31, v50  }
0x51e: {  	vm0 =	vlt.s32 v9, v10;
	v1 =	vsel vm6, v1, v3;
	v3 =	vsel vm4, v31, v50  }
0x51f: {  	v2 =	vsel vm0, v9, v10;
	vm0 =	vlt.s32 v11, v12;
	[tilespmem:$0x4100] =	vst v3  }
0x520: {  	v2 =	vbroadcast v2, $0x0;
	v52 =	vsel vm0, v11, v12;
	vm0 =	vlt.s32 v13, v14;
	v54 =	vld [tilespmem:$0x4102]  }
0x521: {  	v4 =	vbroadcast v52, $0x0;
	v53 =	vsel vm0, v13, v14;
	vm0 =	vlt.s32 v15, v16  }
0x522: {  	v1 =	vsel vm1, v1, v2;
	v2 =	vbroadcast v53, $0x0;
	v55 =	vsel vm0, v15, v16  }
0x523: {  	vm0 =	vlt.s32 v17, v18;
	v1 =	vsel vm2, v1, v4;
	v56 =	vbroadcast v55, $0x0  }
0x524: {  	v1 =	vsel vm7, v1, v2;
	v2 =	vsel vm0, v17, v18;
	vm0 =	vlt.s32 v19, v20  }
0x525: {  	v1 =	vsel vm9, v1, v56;
	v2 =	vbroadcast v2, $0x0;
	vm1 =	vlt.s32 v3, v54  }
0x526: {  	v57 =	vsel vm0, v19, v20;
	vm0 =	vlt.s32 v21, v22;
	v3 =	vsel vm1, v3, v54  }
0x527: {  	v4 =	vbroadcast v57, $0x0;
	v58 =	vsel vm0, v21, v22;
	vm0 =	vlt.s32 v23, v24;
	[tilespmem:$0x4100] =	vst v3  }
0x528: {  	v1 =	vsel vm3, v1, v2;
	v2 =	vbroadcast v58, $0x0;
	v59 =	vsel vm0, v23, v24;
	v60 =	vld [tilespmem:$0x4101]  }
0x529: {  	v1 =	vsel vm5, v1, v4;
	v61 =	vbroadcast v59, $0x0  }
0x52a: {  	vm0 =	vlt.s32 v25, v26;
	v1 =	vsel vm10, v1, v2  }
0x52b: {  	v2 =	vsel vm0, v25, v26;
	vm0 =	vlt.s32 v27, v28;
	v1 =	vsel vm12, v1, v61  }
0x52c: {  	v2 =	vbroadcast v2, $0x0;
	v62 =	vsel vm0, v27, v28;
	vm0 =	vlt.s32 v29, v30  }
0x52d: {  	v4 =	vbroadcast v62, $0x0;
	v63 =	vsel vm0, v29, v30;
	vm0 =	vlt.s32 v3, v60  }
0x52e: {  	v1 =	vsel vm8, v1, v2;
	v2 =	vbroadcast v63, $0x0;
	v3 =	vsel vm0, v3, v60  }
0x52f: {  	v1 =	vsel vm11, v1, v4;
	v3 =	vbroadcast v3, $0x0  }
0x530: {  	s8 =	sadd.s32 $0x1, s8;
	v1 =	vsel vm13, v1, v2  }
0x531: {  	p0 =	sne.s32 s8, s5;
	v1 =	vsel vm14, v1, v3  }
.Ltmp32:
0x532: {  	[tilespmem:$0x4010] =	vst v1;
	(pc) =	sbr.rel @p0 .LBB2_1-.Ltmp32, $4  }
0x533: {  	[hbm4b:s4+s2] =	stream.linear.scatter [tilespmem:s7], [sflag:$0x1], $0x80, $0x38;
	[tilespmem:$0x4180] =	vst v63  }
0x534: {  	_ =	swait.ge [sflag:s6], $0x80  }
0x535: {  	[sflag:s6] =	ssyncset.done $0x0  }
0x536: {  	[sflag:s6] =	ssyncadd.s32 $0xFFFFFF80  }
0x537: {  	_ =	sfence.sel $0x180000  }
0x538: {  	[bflag:$0x0] =	sbarrier.arrive $0xFFFF  }
0x539: {  	p0 =	sne.s32 s1, $0x0;
	_ =	strace $0x90000047  }
0x53a: {  	s0 =	sadd.s32 @!p0 $0x100000, s0;
	[bflag:$0x2] =	sbarrier.arrive $0xFFFF  }
0x53b: {  	[sflag:s0] =	ssyncadd.tile.s32 @!p0 $0x1;
	_ =	shalt  }
.Lfunc_end2:
_tile_overlayer_lowered:
.L_overlay_start_2:
0x53c: {  	(tag) =	ssettag $0x2  }
0x53d: {  	s0 =	rddreg [dreg:$0x0];
	s2 =	stileid.u32  }
0x53e: {  	s1 =	rddreg [dreg:$0x1];
	p0 =	sne.s32 s2, $0x0  }
0x53f: {  	s3 =	rddreg [dreg:$0x2];
	[bflag:$0x3] =	sbarrier.arrive $0xFFFF;
	s2 =	simm.s32 @!p0 $0x1C01  }
0x540: {  	[timem:s3], [sflag:s2] =	dma.local @!p0 [hbm:s0], s1  }
0x541: {  	s0 =	simm.s32 @!p0 $0x1  }
0x542: {  	_ =	swait.ge @!p0 [sflag:s0], s1  }
0x543: {  	s1 =	ssub.s32 @!p0 $0x0, s1;
	[sflag:s0] =	ssyncset.done @!p0 $0x0  }
0x544: {  	[sflag:s0] =	ssyncadd.s32 @!p0 s1  }
0x545: {  	[bflag:$0x3] =	sbarrier.arrive $0xFFFF  }
0x546: {  	_ =	shalt  }

</sc_bundles>
